<compile_context>
chip_gen: v7x
topology: tpu7x:2x2x1
jax: 0.10.2.dev20260603
libtpu: 0.0.44.dev20260713+nightly
codegen_flags: <defaults>
</compile_context>

<pallas_src>
import functools

import jax
import jax.numpy as jnp
from jax import lax
from jax.experimental import pallas as pl
from jax.experimental.pallas import tpu as pltpu
from jax.experimental.pallas import tpu_sc as plsc

N = 10000
G = 16
NSUB = 16
ROWS = 632
NPAD = NSUB * ROWS
ECH = 160
EPC = ECH * 128
SCW = 2
SCH = ECH // SCW
SROWS = SCW * 128
EPAD = NSUB * EPC
F32 = jnp.float32

_mesh = plsc.VectorSubcoreMesh(
    core_axis_name="c", subcore_axis_name="s", num_cores=1)
_sc_params = pltpu.CompilerParams(
    use_tc_tiling_on_sc=False, needs_layout_passes=False)



@functools.partial(
    pl.kernel,
    out_type=[jax.ShapeDtypeStruct((NPAD, G), F32)] * 4,
    mesh=_mesh,
    compiler_params=_sc_params,
    scratch_types=[
        pltpu.VMEM_SHARED((NPAD, G), F32),
        pltpu.VMEM_SHARED((NPAD, G), F32),
        pltpu.VMEM((SCH, SROWS), jnp.int32),
        pltpu.VMEM((SCH, SROWS), jnp.int32),
        pltpu.VMEM((SROWS, G), F32),
        pltpu.VMEM((SROWS, G), F32),
        pltpu.VMEM((ROWS, G), F32),
        pltpu.VMEM((ROWS, G), F32),
        pltpu.VMEM((ROWS, G), F32),
        pltpu.VMEM((ROWS, G), F32),
        pltpu.VMEM((ROWS + 8, ), jnp.int32),
        pltpu.SemaphoreType.DMA,
        pltpu.SemaphoreType.DMA,
        pltpu.SemaphoreType.DMA,
    ],
)
def _prop_kernel(batch_hbm, dst_hbm, src_hbm, u2_hbm, u4_hbm, u6_hbm, deg_hbm,
                 u_s, acc_s, dst_v, src_v, rows_a, rows_b, a_v, u_v, d_v,
                 zz_v, b_v, ga, gb, sn):
    def dsl(j):
        return dst_v.at[j]

    def ssl(j):
        return src_v.at[j]

    w = lax.axis_index("s")
    sl = pl.ds(w * ROWS, ROWS)
    pltpu.sync_copy(dst_hbm.at[w], dst_v)
    pltpu.sync_copy(src_hbm.at[w], src_v)
    zero = jnp.zeros((G,), F32)
    one = jnp.ones((G,), F32)

    @pl.loop(0, ROWS)
    def _(i):
        zz_v[i] = zero

    @pl.loop(0, SROWS)
    def _(i):
        rows_a[i] = one

    pltpu.sync_copy(zz_v, acc_s.at[sl])
    plsc.subcore_barrier()

    @pl.loop(0, SCH)
    def _(j):
        pltpu.async_copy(rows_a, acc_s.at[dsl(j)], ga, add=True)

    @pl.loop(0, SCH)
    def _(j):
        pltpu.make_async_copy(rows_a, acc_s.at[dsl(j)], ga).wait()

    plsc.subcore_barrier()
    pltpu.sync_copy(acc_s.at[sl], a_v)
    pltpu.sync_copy(a_v, deg_hbm.at[sl])
    pltpu.sync_copy(zz_v, acc_s.at[sl])
    pltpu.sync_copy(batch_hbm.at[pl.ds(w * ROWS, ROWS + 8)], b_v)

    @pl.loop(0, ROWS)
    def _(i):
        u_v[i] = zero

    iota16 = lax.iota(jnp.int32, G)
    glim = jnp.full((G,), G, jnp.int32)

    for g in range(ROWS // G + 1):
        b16 = b_v[pl.ds(g * G, G)]
        raw = iota16 + jnp.full((G,), g * G, jnp.int32)
        row16 = jnp.minimum(raw, jnp.full((G,), ROWS - 1, jnp.int32))
        ok = (b16 < glim) & (raw < jnp.full((G,), ROWS, jnp.int32))
        plsc.store_scatter(u_v, [row16, b16], one, mask=ok)

    magic = jnp.full((G,), 0x5F3759DF, jnp.int32)
    shift1 = jnp.full((G,), 1, jnp.int32)
    c15 = jnp.full((G,), 1.5, F32)
    ch = jnp.full((G,), 0.5, F32)

    @pl.loop(0, ROWS)
    def _(i):
        degv = a_v[i] + one
        d_v[i] = one / degv
        y = plsc.bitcast(
            magic - lax.shift_right_logical(plsc.bitcast(degv, jnp.int32),
                                            shift1), F32)
        hx = ch * degv
        y = y * (c15 - hx * y * y)
        y = y * (c15 - hx * y * y)
        y = y * (c15 - hx * y * y)
        u_v[i] = u_v[i] * y

    pltpu.sync_copy(u_v, u_s.at[sl])
    plsc.subcore_barrier()

    for r in range(6):
        pltpu.async_copy(u_s.at[dsl(0)], rows_a, ga)

        @pl.loop(0, SCH - 3, step=2)
        def _(j):
            pltpu.async_copy(u_s.at[dsl(j + 1)], rows_b, gb)
            pltpu.make_async_copy(u_s.at[dsl(j)], rows_a, ga).wait()
            pltpu.sync_copy(rows_a, acc_s.at[ssl(j)], add=True)
            pltpu.async_copy(u_s.at[dsl(j + 2)], rows_a, ga)
            pltpu.make_async_copy(u_s.at[dsl(j + 1)], rows_b, gb).wait()
            pltpu.sync_copy(rows_b, acc_s.at[ssl(j + 1)], add=True)

        pltpu.async_copy(u_s.at[dsl(SCH - 1)], rows_b, gb)
        pltpu.make_async_copy(u_s.at[dsl(SCH - 2)], rows_a, ga).wait()
        pltpu.sync_copy(rows_a, acc_s.at[ssl(SCH - 2)], add=True)
        pltpu.make_async_copy(u_s.at[dsl(SCH - 1)], rows_b, gb).wait()
        pltpu.sync_copy(rows_b, acc_s.at[ssl(SCH - 1)], add=True)

        plsc.subcore_barrier()
        pltpu.sync_copy(acc_s.at[sl], a_v)
        if r == 2:
            pltpu.make_async_copy(u_v, u2_hbm.at[sl], sn).wait()
        elif r == 4:
            pltpu.make_async_copy(u_v, u4_hbm.at[sl], sn).wait()

        @pl.loop(0, ROWS, step=4)
        def _(i):
            for t in range(4):
                u_v[i + t] = d_v[i + t] * (a_v[i + t] + u_v[i + t])

        pltpu.sync_copy(u_v, u_s.at[sl])
        if r == 1:
            pltpu.async_copy(u_v, u2_hbm.at[sl], sn)
        elif r == 3:
            pltpu.async_copy(u_v, u4_hbm.at[sl], sn)
        elif r == 5:
            pltpu.sync_copy(u_v, u6_hbm.at[sl])
        if r < 5:
            pltpu.sync_copy(zz_v, acc_s.at[sl])
        plsc.subcore_barrier()



def _epi_body(u2_ref, u4_ref, u6_ref, degm1_ref, x_ref, batch_ref,
              W1_ref, b1_ref, W2_ref, b2_ref, W3_ref, b3_ref,
              fcW_ref, fcb_ref, out_ref):
    f32 = dict(preferred_element_type=F32)
    sqd = jnp.sqrt(degm1_ref[...] + 1.0)
    s2 = jnp.sum(sqd * u2_ref[...], axis=0, keepdims=True)
    s4 = jnp.sum(sqd * u4_ref[...], axis=0, keepdims=True)
    q6 = (sqd * u6_ref[...])[:N, :]
    q6x = lax.dot_general(q6, x_ref[...], (((0,), (0,)), ((), ())), **f32)
    gid = lax.broadcasted_iota(jnp.int32, (1, G), 1)
    onehot = (batch_ref[...] == gid).astype(F32)
    counts_col = lax.dot_general(
        onehot, jnp.ones((NPAD, 1), F32), (((0,), (0,)), ((), ())), **f32)
    cmax_col = jnp.maximum(counts_col, 1.0)
    W3 = W3_ref[...]
    W32 = jnp.dot(W3, W2_ref[...], **f32)
    Wc = jnp.dot(W32, W1_ref[...], **f32)
    w21 = lax.dot_general(b1_ref[...], W32, (((1,), (1,)), ((), ())), **f32)
    wb2 = lax.dot_general(b2_ref[...], W3, (((1,), (1,)), ((), ())), **f32)
    outer = (((0,), (0,)), ((), ()))
    pooled = (lax.dot_general(q6x, Wc, (((1,), (1,)), ((), ())), **f32)
              + lax.dot_general(s4, w21, outer, **f32)
              + lax.dot_general(s2, wb2, outer, **f32)
              + counts_col * b3_ref[...]) / cmax_col
    logits = lax.dot_general(pooled, fcW_ref[...],
                             (((1,), (1,)), ((), ())), **f32) + fcb_ref[...]
    m = jnp.max(logits, axis=1, keepdims=True)
    lse = jnp.log(jnp.sum(jnp.exp(logits - m), axis=1, keepdims=True)) + m
    out_ref[...] = logits - lse


_epi_call = pl.pallas_call(
    _epi_body,
    out_shape=jax.ShapeDtypeStruct((G, 10), F32),
)


def kernel(x, edge_index, batch, W1, b1, W2, b2, W3, b3, fcW, fcb):
    src = edge_index[0]
    dst = edge_index[1]
    pad = N + jnp.arange(EPAD - src.shape[0], dtype=jnp.int32) % (NPAD - N)
    srcg = jnp.concatenate([src, pad]).reshape(NSUB, SCH, SROWS)
    dstg = jnp.concatenate([dst, pad]).reshape(NSUB, SCH, SROWS)
    batchp = jnp.concatenate(
        [batch, jnp.full((NPAD + 128 - N,), G, jnp.int32)])

    u2, u4, u6, degm1 = _prop_kernel(batchp, dstg, srcg)
    return _epi_call(u2, u4, u6, degm1, x, batchp[:NPAD].reshape(NPAD, 1),
                     W1, b1.reshape(1, -1), W2, b2.reshape(1, -1),
                     W3, b3.reshape(1, -1), fcW, fcb.reshape(1, -1))

# --- scband reference (transcript-rebuilt; emitter-appended) ---
"""Pipeline reference for scband-sgconv-net-51754355916838 (READ-ONLY COPY).

The authoritative reference and input builder live on the scoring server;
editing this copy changes nothing except your own understanding.
"""

import jax, jax.numpy as jnp
import numpy as np

N_NODES = 10000
N_EDGES = 320000
D_IN = 128
D_HID = 128
N_GRAPHS = 16
OUT_DIM = 10
K_HOPS = 2


def setup_inputs(seed: int = 0) -> dict:
    key = jax.random.key(seed)
    ks = jax.random.split(key, 12)
    x = jax.random.normal(ks[0], (N_NODES, D_IN), dtype=jnp.float32)
    edge_index = jax.random.randint(ks[1], (2, N_EDGES), 0, N_NODES, dtype=jnp.int32)
    batch = jnp.sort(jax.random.randint(ks[2], (N_NODES,), 0, N_GRAPHS, dtype=jnp.int32))
    s1 = 1.0 / np.sqrt(D_IN)
    s2 = 1.0 / np.sqrt(D_HID)
    W1 = jax.random.normal(ks[3], (D_HID, D_IN), dtype=jnp.float32) * s1
    b1 = jnp.zeros((D_HID,), dtype=jnp.float32)
    W2 = jax.random.normal(ks[4], (D_HID, D_HID), dtype=jnp.float32) * s2
    b2 = jnp.zeros((D_HID,), dtype=jnp.float32)
    W3 = jax.random.normal(ks[5], (D_HID, D_HID), dtype=jnp.float32) * s2
    b3 = jnp.zeros((D_HID,), dtype=jnp.float32)
    fcW = jax.random.normal(ks[6], (OUT_DIM, D_HID), dtype=jnp.float32) * s2
    fcb = jnp.zeros((OUT_DIM,), dtype=jnp.float32)
    return {"x": x, "edge_index": edge_index, "batch": batch,
            "W1": W1, "b1": b1, "W2": W2, "b2": b2, "W3": W3, "b3": b3,
            "fcW": fcW, "fcb": fcb}


def _gcn_norm(edge_index, n):
    # add self-loops, symmetric GCN normalization (as in PyG SGConv/gcn_norm)
    loop = jnp.arange(n, dtype=edge_index.dtype)
    src = jnp.concatenate([edge_index[0], loop])
    dst = jnp.concatenate([edge_index[1], loop])
    deg = jnp.zeros((n,), jnp.float32).at[dst].add(1.0)
    dinv = jnp.where(deg > 0, deg ** -0.5, 0.0)
    norm = dinv[src] * dinv[dst]
    return src, dst, norm


def _propagate(x, src, dst, norm, k):
    for _ in range(k):
        x = jnp.zeros_like(x).at[dst].add(norm[:, None] * x[src])
    return x


def reference(x, edge_index, batch, W1, b1, W2, b2, W3, b3, fcW, fcb):
    n = x.shape[0]
    src, dst, norm = _gcn_norm(edge_index, n)
    # SGConv: propagate K times, then linear (no nonlinearity between layers, faithful to module)
    h = _propagate(x, src, dst, norm, K_HOPS) @ W1.T + b1
    h = _propagate(h, src, dst, norm, K_HOPS) @ W2.T + b2
    h = _propagate(h, src, dst, norm, K_HOPS) @ W3.T + b3
    # global_mean_pool over batch assignment
    counts = jax.ops.segment_sum(jnp.ones((n,), jnp.float32), batch, num_segments=N_GRAPHS)
    sums = jax.ops.segment_sum(h, batch, num_segments=N_GRAPHS)
    pooled = sums / jnp.maximum(counts, 1.0)[:, None]
    logits = pooled @ fcW.T + fcb
    return jax.nn.log_softmax(logits, axis=1)

if __name__ == "__main__":
    import jax
    _d = setup_inputs()
    print(jax.jit(kernel)(*tuple(_d.values())))

</pallas_src>

<mosaic_0001>
#map = affine_map<(d0, d1) -> (0)>
#map1 = affine_map<(d0, d1) -> (0, 0, 0)>
#map2 = affine_map<(d0, d1) -> (0, 0)>
module attributes {stable_mosaic.version = 14 : i64} {
  func.func @_prop_kernel(%arg0: i32, %arg1: i32, %arg2: memref<10240xi32, #tpu.memory_space<hbm>>, %arg3: memref<16x80x256xi32, #tpu.memory_space<hbm>>, %arg4: memref<16x80x256xi32, #tpu.memory_space<hbm>>, %arg5: memref<10112x16xf32, #tpu.memory_space<hbm>>, %arg6: memref<10112x16xf32, #tpu.memory_space<hbm>>, %arg7: memref<10112x16xf32, #tpu.memory_space<hbm>>, %arg8: memref<10112x16xf32, #tpu.memory_space<hbm>>, %arg9: memref<10112x16xf32, #tpu.memory_space<vmem_shared>>, %arg10: memref<10112x16xf32, #tpu.memory_space<vmem_shared>>, %arg11: memref<80x256xi32, #tpu.memory_space<vmem>>, %arg12: memref<80x256xi32, #tpu.memory_space<vmem>>, %arg13: memref<256x16xf32, #tpu.memory_space<vmem>>, %arg14: memref<256x16xf32, #tpu.memory_space<vmem>>, %arg15: memref<632x16xf32, #tpu.memory_space<vmem>>, %arg16: memref<632x16xf32, #tpu.memory_space<vmem>>, %arg17: memref<632x16xf32, #tpu.memory_space<vmem>>, %arg18: memref<632x16xf32, #tpu.memory_space<vmem>>, %arg19: memref<640xi32, #tpu.memory_space<vmem>>, %arg20: memref<!tpu.dma_semaphore, #tpu.memory_space<semaphore_mem>>, %arg21: memref<!tpu.dma_semaphore, #tpu.memory_space<semaphore_mem>>, %arg22: memref<!tpu.dma_semaphore, #tpu.memory_space<semaphore_mem>>) attributes {dimension_semantics = [#tpu.dimension_semantics<core_parallel>, #tpu.dimension_semantics<subcore_parallel>], iteration_bounds = array<i64: 1, 16>, scalar_prefetch = 0 : i64, scratch_operands = 14 : i64, tpu.core_type = #tpu.core_type<sc_vector_subcore>, window_params = [{transform_indices = #map}, {transform_indices = #map1}, {transform_indices = #map1}, {transform_indices = #map2}, {transform_indices = #map2}, {transform_indices = #map2}, {transform_indices = #map2}]} {
    %mul3A = arith.constant 632 : i32
    %mul3A_0 = arith.muli %arg1, %mul3A : i32
    "tpu.region"() ({
      %run_scoped3A_827 = tpu.sem_alloc : memref<!tpu.dma_semaphore, #tpu.memory_space<semaphore_mem>>
      %dma_start3A_828 = arith.constant 0 : i32
      %dma_start3A_829 = arith.constant 0 : i32
      %dma_start3A_830 = tpu.memref_slice %arg3[%arg1, %dma_start3A_828, %dma_start3A_829] : memref<16x80x256xi32, #tpu.memory_space<hbm>> -> memref<1x80x256xi32, #tpu.memory_space<hbm>>
      %dma_start3A_831 = tpu.memref_squeeze %dma_start3A_830 : memref<1x80x256xi32, #tpu.memory_space<hbm>> -> memref<80x256xi32, #tpu.memory_space<hbm>>
      %dma_start3A_832 = arith.constant 0 : i32
      %dma_start3A_833 = arith.constant 0 : i32
      %dma_start3A_834 = tpu.memref_slice %arg3[%arg1, %dma_start3A_832, %dma_start3A_833] : memref<16x80x256xi32, #tpu.memory_space<hbm>> -> memref<1x80x256xi32, #tpu.memory_space<hbm>>
      %dma_start3A_835 = tpu.memref_squeeze %dma_start3A_834 : memref<1x80x256xi32, #tpu.memory_space<hbm>> -> memref<80x256xi32, #tpu.memory_space<hbm>>
      tpu.enqueue_dma source(%dma_start3A_835 : memref<80x256xi32, #tpu.memory_space<hbm>>) target(%arg11 : memref<80x256xi32, #tpu.memory_space<vmem>>) target_semaphore(%run_scoped3A_827 : memref<!tpu.dma_semaphore, #tpu.memory_space<semaphore_mem>>)
      %dma_wait3A_836 = arith.constant 0 : i32
      %dma_wait3A_837 = arith.constant 0 : i32
      %dma_wait3A_838 = tpu.memref_slice %arg3[%arg1, %dma_wait3A_836, %dma_wait3A_837] : memref<16x80x256xi32, #tpu.memory_space<hbm>> -> memref<1x80x256xi32, #tpu.memory_space<hbm>>
      %dma_wait3A_839 = tpu.memref_squeeze %dma_wait3A_838 : memref<1x80x256xi32, #tpu.memory_space<hbm>> -> memref<80x256xi32, #tpu.memory_space<hbm>>
      %dma_wait3A_840 = arith.constant 0 : i32
      %dma_wait3A_841 = arith.constant 0 : i32
      %dma_wait3A_842 = tpu.memref_slice %arg3[%arg1, %dma_wait3A_840, %dma_wait3A_841] : memref<16x80x256xi32, #tpu.memory_space<hbm>> -> memref<1x80x256xi32, #tpu.memory_space<hbm>>
      %dma_wait3A_843 = tpu.memref_squeeze %dma_wait3A_842 : memref<1x80x256xi32, #tpu.memory_space<hbm>> -> memref<80x256xi32, #tpu.memory_space<hbm>>
      tpu.wait_dma2 semaphore(%run_scoped3A_827 : memref<!tpu.dma_semaphore, #tpu.memory_space<semaphore_mem>>) src(%dma_wait3A_843 : memref<80x256xi32, #tpu.memory_space<hbm>>) dst(%arg11 : memref<80x256xi32, #tpu.memory_space<vmem>>)
      tpu.yield
    }) : () -> ()
    "tpu.region"() ({
      %run_scoped3A_827 = tpu.sem_alloc : memref<!tpu.dma_semaphore, #tpu.memory_space<semaphore_mem>>
      %dma_start3A_828 = arith.constant 0 : i32
      %dma_start3A_829 = arith.constant 0 : i32
      %dma_start3A_830 = tpu.memref_slice %arg4[%arg1, %dma_start3A_828, %dma_start3A_829] : memref<16x80x256xi32, #tpu.memory_space<hbm>> -> memref<1x80x256xi32, #tpu.memory_space<hbm>>
      %dma_start3A_831 = tpu.memref_squeeze %dma_start3A_830 : memref<1x80x256xi32, #tpu.memory_space<hbm>> -> memref<80x256xi32, #tpu.memory_space<hbm>>
      %dma_start3A_832 = arith.constant 0 : i32
      %dma_start3A_833 = arith.constant 0 : i32
      %dma_start3A_834 = tpu.memref_slice %arg4[%arg1, %dma_start3A_832, %dma_start3A_833] : memref<16x80x256xi32, #tpu.memory_space<hbm>> -> memref<1x80x256xi32, #tpu.memory_space<hbm>>
      %dma_start3A_835 = tpu.memref_squeeze %dma_start3A_834 : memref<1x80x256xi32, #tpu.memory_space<hbm>> -> memref<80x256xi32, #tpu.memory_space<hbm>>
      tpu.enqueue_dma source(%dma_start3A_835 : memref<80x256xi32, #tpu.memory_space<hbm>>) target(%arg12 : memref<80x256xi32, #tpu.memory_space<vmem>>) target_semaphore(%run_scoped3A_827 : memref<!tpu.dma_semaphore, #tpu.memory_space<semaphore_mem>>)
      %dma_wait3A_836 = arith.constant 0 : i32
      %dma_wait3A_837 = arith.constant 0 : i32
      %dma_wait3A_838 = tpu.memref_slice %arg4[%arg1, %dma_wait3A_836, %dma_wait3A_837] : memref<16x80x256xi32, #tpu.memory_space<hbm>> -> memref<1x80x256xi32, #tpu.memory_space<hbm>>
      %dma_wait3A_839 = tpu.memref_squeeze %dma_wait3A_838 : memref<1x80x256xi32, #tpu.memory_space<hbm>> -> memref<80x256xi32, #tpu.memory_space<hbm>>
      %dma_wait3A_840 = arith.constant 0 : i32
      %dma_wait3A_841 = arith.constant 0 : i32
      %dma_wait3A_842 = tpu.memref_slice %arg4[%arg1, %dma_wait3A_840, %dma_wait3A_841] : memref<16x80x256xi32, #tpu.memory_space<hbm>> -> memref<1x80x256xi32, #tpu.memory_space<hbm>>
      %dma_wait3A_843 = tpu.memref_squeeze %dma_wait3A_842 : memref<1x80x256xi32, #tpu.memory_space<hbm>> -> memref<80x256xi32, #tpu.memory_space<hbm>>
      tpu.wait_dma2 semaphore(%run_scoped3A_827 : memref<!tpu.dma_semaphore, #tpu.memory_space<semaphore_mem>>) src(%dma_wait3A_843 : memref<80x256xi32, #tpu.memory_space<hbm>>) dst(%arg12 : memref<80x256xi32, #tpu.memory_space<vmem>>)
      tpu.yield
    }) : () -> ()
    %broadcast_in_dim3A = arith.constant 0.000000e+00 : f32
    %broadcast_in_dim3A_1 = vector.broadcast %broadcast_in_dim3A : f32 to vector<16xf32>
    %broadcast_in_dim3A_2 = arith.constant 1.000000e+00 : f32
    %broadcast_in_dim3A_3 = vector.broadcast %broadcast_in_dim3A_2 : f32 to vector<16xf32>
    %scan3A = arith.constant 0 : i32
    %scan3A_4 = arith.constant 632 : i32
    %scan3A_5 = arith.addi %scan3A, %scan3A_4 : i32
    %scan3A_6 = arith.constant 1 : i32
    scf.for %scan3A_827 = %scan3A to %scan3A_5 step %scan3A_6  : i32 {
      %mul3A_828 = arith.constant 1 : i32
      %mul3A_829 = arith.muli %scan3A_827, %mul3A_828 : i32
      %add3A_830 = arith.constant 0 : i32
      %add3A_831 = arith.addi %add3A_830, %mul3A_829 : i32
      %swap3A = arith.index_cast %add3A_831 : i32 to index
      %swap3A_832 = arith.constant 0 : index
      %swap3A_833 = tpu.vector_load %arg18[%swap3A, %swap3A_832] {strides = array<i32>} : memref<632x16xf32, #tpu.memory_space<vmem>>, vector<16xf32>,
      tpu.vector_store %arg18[%swap3A, %swap3A_832], %broadcast_in_dim3A_1 {strides = array<i32>} : memref<632x16xf32, #tpu.memory_space<vmem>>, vector<16xf32>,
    }
    %scan3A_7 = arith.constant 632 : i32
    %scan3A_8 = arith.constant 0 : i32
    %scan3A_9 = arith.constant 256 : i32
    %scan3A_10 = arith.addi %scan3A_8, %scan3A_9 : i32
    %scan3A_11 = arith.constant 1 : i32
    scf.for %scan3A_827 = %scan3A_8 to %scan3A_10 step %scan3A_11  : i32 {
      %mul3A_828 = arith.constant 1 : i32
      %mul3A_829 = arith.muli %scan3A_827, %mul3A_828 : i32
      %add3A_830 = arith.constant 0 : i32
      %add3A_831 = arith.addi %add3A_830, %mul3A_829 : i32
      %swap3A = arith.index_cast %add3A_831 : i32 to index
      %swap3A_832 = arith.constant 0 : index
      %swap3A_833 = tpu.vector_load %arg13[%swap3A, %swap3A_832] {strides = array<i32>} : memref<256x16xf32, #tpu.memory_space<vmem>>, vector<16xf32>,
      tpu.vector_store %arg13[%swap3A, %swap3A_832], %broadcast_in_dim3A_3 {strides = array<i32>} : memref<256x16xf32, #tpu.memory_space<vmem>>, vector<16xf32>,
    }
    %scan3A_12 = arith.constant 256 : i32
    "tpu.region"() ({
      %run_scoped3A_827 = tpu.sem_alloc : memref<!tpu.dma_semaphore, #tpu.memory_space<semaphore_mem>>
      %dma_start3A_828 = arith.constant 0 : i32
      %dma_start3A_829 = tpu.memref_slice %arg10[%mul3A_0, %dma_start3A_828] : memref<10112x16xf32, #tpu.memory_space<vmem_shared>> -> memref<632x16xf32, #tpu.memory_space<vmem_shared>>
      %dma_start3A_830 = arith.constant 0 : i32
      %dma_start3A_831 = tpu.memref_slice %arg10[%mul3A_0, %dma_start3A_830] : memref<10112x16xf32, #tpu.memory_space<vmem_shared>> -> memref<632x16xf32, #tpu.memory_space<vmem_shared>>
      tpu.enqueue_dma source(%arg18 : memref<632x16xf32, #tpu.memory_space<vmem>>) target(%dma_start3A_831 : memref<632x16xf32, #tpu.memory_space<vmem_shared>>) target_semaphore(%run_scoped3A_827 : memref<!tpu.dma_semaphore, #tpu.memory_space<semaphore_mem>>)
      %dma_wait3A_832 = arith.constant 0 : i32
      %dma_wait3A_833 = tpu.memref_slice %arg10[%mul3A_0, %dma_wait3A_832] : memref<10112x16xf32, #tpu.memory_space<vmem_shared>> -> memref<632x16xf32, #tpu.memory_space<vmem_shared>>
      %dma_wait3A_834 = arith.constant 0 : i32
      %dma_wait3A_835 = tpu.memref_slice %arg10[%mul3A_0, %dma_wait3A_834] : memref<10112x16xf32, #tpu.memory_space<vmem_shared>> -> memref<632x16xf32, #tpu.memory_space<vmem_shared>>
      tpu.wait_dma2 semaphore(%run_scoped3A_827 : memref<!tpu.dma_semaphore, #tpu.memory_space<semaphore_mem>>) src(%arg18 : memref<632x16xf32, #tpu.memory_space<vmem>>) dst(%dma_wait3A_835 : memref<632x16xf32, #tpu.memory_space<vmem_shared>>)
      tpu.yield
    }) : () -> ()
    %barrier3A = arith.constant 0 : index
    tpu.barrier barrier_id(%barrier3A)
    %scan3A_13 = arith.constant 0 : i32
    %scan3A_14 = arith.constant 80 : i32
    %scan3A_15 = arith.addi %scan3A_13, %scan3A_14 : i32
    %scan3A_16 = arith.constant 1 : i32
    scf.for %scan3A_827 = %scan3A_13 to %scan3A_15 step %scan3A_16  : i32 {
      %mul3A_828 = arith.constant 1 : i32
      %mul3A_829 = arith.muli %scan3A_827, %mul3A_828 : i32
      %add3A_830 = arith.constant 0 : i32
      %add3A_831 = arith.addi %add3A_830, %mul3A_829 : i32
      %dma_start3A_832 = arith.constant 0 : i32
      %dma_start3A_833 = tpu.memref_slice %arg11[%add3A_831, %dma_start3A_832] : memref<80x256xi32, #tpu.memory_space<vmem>> -> memref<1x256xi32, #tpu.memory_space<vmem>>
      %dma_start3A_834 = tpu.memref_squeeze %dma_start3A_833 : memref<1x256xi32, #tpu.memory_space<vmem>> -> memref<256xi32, #tpu.memory_space<vmem>>
      %dma_start3A_835 = arith.constant 0 : i32
      %dma_start3A_836 = arith.constant 0 : i32
      %dma_start3A_837 = tpu.memref_slice %arg10[%dma_start3A_835, %dma_start3A_836] : memref<10112x16xf32, #tpu.memory_space<vmem_shared>> -> memref<10112x16xf32, #tpu.memory_space<vmem_shared>>
      tpu.enqueue_indirect_dma source(%arg13 : memref<256x16xf32, #tpu.memory_space<vmem>>) target(%dma_start3A_837 : memref<10112x16xf32, #tpu.memory_space<vmem_shared>>) offsets(%dma_start3A_834 : memref<256xi32, #tpu.memory_space<vmem>>) semaphore(%arg20 : memref<!tpu.dma_semaphore, #tpu.memory_space<semaphore_mem>>) {add = true}
    }
    %scan3A_17 = arith.constant 80 : i32
    %scan3A_18 = arith.constant 0 : i32
    %scan3A_19 = arith.constant 80 : i32
    %scan3A_20 = arith.addi %scan3A_18, %scan3A_19 : i32
    %scan3A_21 = arith.constant 1 : i32
    scf.for %scan3A_827 = %scan3A_18 to %scan3A_20 step %scan3A_21  : i32 {
      %mul3A_828 = arith.constant 1 : i32
      %mul3A_829 = arith.muli %scan3A_827, %mul3A_828 : i32
      %add3A_830 = arith.constant 0 : i32
      %add3A_831 = arith.addi %add3A_830, %mul3A_829 : i32
      %dma_wait3A_832 = arith.constant 0 : i32
      %dma_wait3A_833 = tpu.memref_slice %arg11[%add3A_831, %dma_wait3A_832] : memref<80x256xi32, #tpu.memory_space<vmem>> -> memref<1x256xi32, #tpu.memory_space<vmem>>
      %dma_wait3A_834 = tpu.memref_squeeze %dma_wait3A_833 : memref<1x256xi32, #tpu.memory_space<vmem>> -> memref<256xi32, #tpu.memory_space<vmem>>
      %dma_wait3A_835 = arith.constant 0 : i32
      %dma_wait3A_836 = arith.constant 0 : i32
      %dma_wait3A_837 = tpu.memref_slice %arg10[%dma_wait3A_835, %dma_wait3A_836] : memref<10112x16xf32, #tpu.memory_space<vmem_shared>> -> memref<10112x16xf32, #tpu.memory_space<vmem_shared>>
      tpu.wait_indirect_dma semaphore(%arg20 : memref<!tpu.dma_semaphore, #tpu.memory_space<semaphore_mem>>) src(%arg13 : memref<256x16xf32, #tpu.memory_space<vmem>>) dst(%dma_wait3A_837 : memref<10112x16xf32, #tpu.memory_space<vmem_shared>>)
    }
    %scan3A_22 = arith.constant 80 : i32
    %barrier3A_23 = arith.constant 0 : index
    tpu.barrier barrier_id(%barrier3A_23)
    "tpu.region"() ({
      %run_scoped3A_827 = tpu.sem_alloc : memref<!tpu.dma_semaphore, #tpu.memory_space<semaphore_mem>>
      %dma_start3A_828 = arith.constant 0 : i32
      %dma_start3A_829 = tpu.memref_slice %arg10[%mul3A_0, %dma_start3A_828] : memref<10112x16xf32, #tpu.memory_space<vmem_shared>> -> memref<632x16xf32, #tpu.memory_space<vmem_shared>>
      %dma_start3A_830 = arith.constant 0 : i32
      %dma_start3A_831 = tpu.memref_slice %arg10[%mul3A_0, %dma_start3A_830] : memref<10112x16xf32, #tpu.memory_space<vmem_shared>> -> memref<632x16xf32, #tpu.memory_space<vmem_shared>>
      tpu.enqueue_dma source(%dma_start3A_831 : memref<632x16xf32, #tpu.memory_space<vmem_shared>>) target(%arg15 : memref<632x16xf32, #tpu.memory_space<vmem>>) target_semaphore(%run_scoped3A_827 : memref<!tpu.dma_semaphore, #tpu.memory_space<semaphore_mem>>)
      %dma_wait3A_832 = arith.constant 0 : i32
      %dma_wait3A_833 = tpu.memref_slice %arg10[%mul3A_0, %dma_wait3A_832] : memref<10112x16xf32, #tpu.memory_space<vmem_shared>> -> memref<632x16xf32, #tpu.memory_space<vmem_shared>>
      %dma_wait3A_834 = arith.constant 0 : i32
      %dma_wait3A_835 = tpu.memref_slice %arg10[%mul3A_0, %dma_wait3A_834] : memref<10112x16xf32, #tpu.memory_space<vmem_shared>> -> memref<632x16xf32, #tpu.memory_space<vmem_shared>>
      tpu.wait_dma2 semaphore(%run_scoped3A_827 : memref<!tpu.dma_semaphore, #tpu.memory_space<semaphore_mem>>) src(%dma_wait3A_835 : memref<632x16xf32, #tpu.memory_space<vmem_shared>>) dst(%arg15 : memref<632x16xf32, #tpu.memory_space<vmem>>)
      tpu.yield
    }) : () -> ()
    "tpu.region"() ({
      %run_scoped3A_827 = tpu.sem_alloc : memref<!tpu.dma_semaphore, #tpu.memory_space<semaphore_mem>>
      %dma_start3A_828 = arith.constant 0 : i32
      %dma_start3A_829 = tpu.memref_slice %arg8[%mul3A_0, %dma_start3A_828] : memref<10112x16xf32, #tpu.memory_space<hbm>> -> memref<632x16xf32, #tpu.memory_space<hbm>>
      %dma_start3A_830 = arith.constant 0 : i32
      %dma_start3A_831 = tpu.memref_slice %arg8[%mul3A_0, %dma_start3A_830] : memref<10112x16xf32, #tpu.memory_space<hbm>> -> memref<632x16xf32, #tpu.memory_space<hbm>>
      tpu.enqueue_dma source(%arg15 : memref<632x16xf32, #tpu.memory_space<vmem>>) target(%dma_start3A_831 : memref<632x16xf32, #tpu.memory_space<hbm>>) target_semaphore(%run_scoped3A_827 : memref<!tpu.dma_semaphore, #tpu.memory_space<semaphore_mem>>)
      %dma_wait3A_832 = arith.constant 0 : i32
      %dma_wait3A_833 = tpu.memref_slice %arg8[%mul3A_0, %dma_wait3A_832] : memref<10112x16xf32, #tpu.memory_space<hbm>> -> memref<632x16xf32, #tpu.memory_space<hbm>>
      %dma_wait3A_834 = arith.constant 0 : i32
      %dma_wait3A_835 = tpu.memref_slice %arg8[%mul3A_0, %dma_wait3A_834] : memref<10112x16xf32, #tpu.memory_space<hbm>> -> memref<632x16xf32, #tpu.memory_space<hbm>>
      tpu.wait_dma2 semaphore(%run_scoped3A_827 : memref<!tpu.dma_semaphore, #tpu.memory_space<semaphore_mem>>) src(%arg15 : memref<632x16xf32, #tpu.memory_space<vmem>>) dst(%dma_wait3A_835 : memref<632x16xf32, #tpu.memory_space<hbm>>)
      tpu.yield
    }) : () -> ()
    "tpu.region"() ({
      %run_scoped3A_827 = tpu.sem_alloc : memref<!tpu.dma_semaphore, #tpu.memory_space<semaphore_mem>>
      %dma_start3A_828 = arith.constant 0 : i32
      %dma_start3A_829 = tpu.memref_slice %arg10[%mul3A_0, %dma_start3A_828] : memref<10112x16xf32, #tpu.memory_space<vmem_shared>> -> memref<632x16xf32, #tpu.memory_space<vmem_shared>>
      %dma_start3A_830 = arith.constant 0 : i32
      %dma_start3A_831 = tpu.memref_slice %arg10[%mul3A_0, %dma_start3A_830] : memref<10112x16xf32, #tpu.memory_space<vmem_shared>> -> memref<632x16xf32, #tpu.memory_space<vmem_shared>>
      tpu.enqueue_dma source(%arg18 : memref<632x16xf32, #tpu.memory_space<vmem>>) target(%dma_start3A_831 : memref<632x16xf32, #tpu.memory_space<vmem_shared>>) target_semaphore(%run_scoped3A_827 : memref<!tpu.dma_semaphore, #tpu.memory_space<semaphore_mem>>)
      %dma_wait3A_832 = arith.constant 0 : i32
      %dma_wait3A_833 = tpu.memref_slice %arg10[%mul3A_0, %dma_wait3A_832] : memref<10112x16xf32, #tpu.memory_space<vmem_shared>> -> memref<632x16xf32, #tpu.memory_space<vmem_shared>>
      %dma_wait3A_834 = arith.constant 0 : i32
      %dma_wait3A_835 = tpu.memref_slice %arg10[%mul3A_0, %dma_wait3A_834] : memref<10112x16xf32, #tpu.memory_space<vmem_shared>> -> memref<632x16xf32, #tpu.memory_space<vmem_shared>>
      tpu.wait_dma2 semaphore(%run_scoped3A_827 : memref<!tpu.dma_semaphore, #tpu.memory_space<semaphore_mem>>) src(%arg18 : memref<632x16xf32, #tpu.memory_space<vmem>>) dst(%dma_wait3A_835 : memref<632x16xf32, #tpu.memory_space<vmem_shared>>)
      tpu.yield
    }) : () -> ()
    %mul3A_24 = arith.constant 632 : i32
    %mul3A_25 = arith.muli %arg1, %mul3A_24 : i32
    "tpu.region"() ({
      %run_scoped3A_827 = tpu.sem_alloc : memref<!tpu.dma_semaphore, #tpu.memory_space<semaphore_mem>>
      %dma_start3A_828 = tpu.memref_slice %arg2[%mul3A_25] : memref<10240xi32, #tpu.memory_space<hbm>> -> memref<640xi32, #tpu.memory_space<hbm>>
      %dma_start3A_829 = tpu.memref_slice %arg2[%mul3A_25] : memref<10240xi32, #tpu.memory_space<hbm>> -> memref<640xi32, #tpu.memory_space<hbm>>
      tpu.enqueue_dma source(%dma_start3A_829 : memref<640xi32, #tpu.memory_space<hbm>>) target(%arg19 : memref<640xi32, #tpu.memory_space<vmem>>) target_semaphore(%run_scoped3A_827 : memref<!tpu.dma_semaphore, #tpu.memory_space<semaphore_mem>>)
      %dma_wait3A_830 = tpu.memref_slice %arg2[%mul3A_25] : memref<10240xi32, #tpu.memory_space<hbm>> -> memref<640xi32, #tpu.memory_space<hbm>>
      %dma_wait3A_831 = tpu.memref_slice %arg2[%mul3A_25] : memref<10240xi32, #tpu.memory_space<hbm>> -> memref<640xi32, #tpu.memory_space<hbm>>
      tpu.wait_dma2 semaphore(%run_scoped3A_827 : memref<!tpu.dma_semaphore, #tpu.memory_space<semaphore_mem>>) src(%dma_wait3A_831 : memref<640xi32, #tpu.memory_space<hbm>>) dst(%arg19 : memref<640xi32, #tpu.memory_space<vmem>>)
      tpu.yield
    }) : () -> ()
    %scan3A_26 = arith.constant 0 : i32
    %scan3A_27 = arith.constant 632 : i32
    %scan3A_28 = arith.addi %scan3A_26, %scan3A_27 : i32
    %scan3A_29 = arith.constant 1 : i32
    scf.for %scan3A_827 = %scan3A_26 to %scan3A_28 step %scan3A_29  : i32 {
      %mul3A_828 = arith.constant 1 : i32
      %mul3A_829 = arith.muli %scan3A_827, %mul3A_828 : i32
      %add3A_830 = arith.constant 0 : i32
      %add3A_831 = arith.addi %add3A_830, %mul3A_829 : i32
      %swap3A = arith.index_cast %add3A_831 : i32 to index
      %swap3A_832 = arith.constant 0 : index
      %swap3A_833 = tpu.vector_load %arg16[%swap3A, %swap3A_832] {strides = array<i32>} : memref<632x16xf32, #tpu.memory_space<vmem>>, vector<16xf32>,
      tpu.vector_store %arg16[%swap3A, %swap3A_832], %broadcast_in_dim3A_1 {strides = array<i32>} : memref<632x16xf32, #tpu.memory_space<vmem>>, vector<16xf32>,
    }
    %scan3A_30 = arith.constant 632 : i32
    %iota3A = tpu.iota {dimensions = array<i32: 0>} : vector<16xi32>
    %broadcast_in_dim3A_31 = arith.constant 16 : i32
    %broadcast_in_dim3A_32 = vector.broadcast %broadcast_in_dim3A_31 : i32 to vector<16xi32>
    %get3A = arith.constant 0 : index
    %get3A_33 = tpu.vector_load %arg19[%get3A] {strides = array<i32>} : memref<640xi32, #tpu.memory_space<vmem>>, vector<16xi32>,
    %broadcast_in_dim3A_34 = arith.constant 0 : i32
    %broadcast_in_dim3A_35 = vector.broadcast %broadcast_in_dim3A_34 : i32 to vector<16xi32>
    %add3A = arith.addi %iota3A, %broadcast_in_dim3A_35 : vector<16xi32>
    %broadcast_in_dim3A_36 = arith.constant 631 : i32
    %broadcast_in_dim3A_37 = vector.broadcast %broadcast_in_dim3A_36 : i32 to vector<16xi32>
    %min3A = arith.minsi %add3A, %broadcast_in_dim3A_37 : vector<16xi32>
    %lt3A = arith.cmpi slt, %get3A_33, %broadcast_in_dim3A_32 : vector<16xi32>
    %broadcast_in_dim3A_38 = arith.constant 632 : i32
    %broadcast_in_dim3A_39 = vector.broadcast %broadcast_in_dim3A_38 : i32 to vector<16xi32>
    %lt3A_40 = arith.cmpi slt, %add3A, %broadcast_in_dim3A_39 : vector<16xi32>
    %and3A = arith.andi %lt3A, %lt3A_40 : vector<16xi1>
    tpu.vector_store_idx %arg16[%min3A, %get3A_33], %broadcast_in_dim3A_3 masked %and3A : memref<632x16xf32, #tpu.memory_space<vmem>>[vector<16xi32>, vector<16xi32>], vector<16xf32>, vector<16xi1>
    %get3A_41 = arith.constant 16 : index
    %get3A_42 = tpu.vector_load %arg19[%get3A_41] {strides = array<i32>} : memref<640xi32, #tpu.memory_space<vmem>>, vector<16xi32>,
    %broadcast_in_dim3A_43 = arith.constant 16 : i32
    %broadcast_in_dim3A_44 = vector.broadcast %broadcast_in_dim3A_43 : i32 to vector<16xi32>
    %add3A_45 = arith.addi %iota3A, %broadcast_in_dim3A_44 : vector<16xi32>
    %broadcast_in_dim3A_46 = arith.constant 631 : i32
    %broadcast_in_dim3A_47 = vector.broadcast %broadcast_in_dim3A_46 : i32 to vector<16xi32>
    %min3A_48 = arith.minsi %add3A_45, %broadcast_in_dim3A_47 : vector<16xi32>
    %lt3A_49 = arith.cmpi slt, %get3A_42, %broadcast_in_dim3A_32 : vector<16xi32>
    %broadcast_in_dim3A_50 = arith.constant 632 : i32
    %broadcast_in_dim3A_51 = vector.broadcast %broadcast_in_dim3A_50 : i32 to vector<16xi32>
    %lt3A_52 = arith.cmpi slt, %add3A_45, %broadcast_in_dim3A_51 : vector<16xi32>
    %and3A_53 = arith.andi %lt3A_49, %lt3A_52 : vector<16xi1>
    tpu.vector_store_idx %arg16[%min3A_48, %get3A_42], %broadcast_in_dim3A_3 masked %and3A_53 : memref<632x16xf32, #tpu.memory_space<vmem>>[vector<16xi32>, vector<16xi32>], vector<16xf32>, vector<16xi1>
    %get3A_54 = arith.constant 32 : index
    %get3A_55 = tpu.vector_load %arg19[%get3A_54] {strides = array<i32>} : memref<640xi32, #tpu.memory_space<vmem>>, vector<16xi32>,
    %broadcast_in_dim3A_56 = arith.constant 32 : i32
    %broadcast_in_dim3A_57 = vector.broadcast %broadcast_in_dim3A_56 : i32 to vector<16xi32>
    %add3A_58 = arith.addi %iota3A, %broadcast_in_dim3A_57 : vector<16xi32>
    %broadcast_in_dim3A_59 = arith.constant 631 : i32
    %broadcast_in_dim3A_60 = vector.broadcast %broadcast_in_dim3A_59 : i32 to vector<16xi32>
    %min3A_61 = arith.minsi %add3A_58, %broadcast_in_dim3A_60 : vector<16xi32>
    %lt3A_62 = arith.cmpi slt, %get3A_55, %broadcast_in_dim3A_32 : vector<16xi32>
    %broadcast_in_dim3A_63 = arith.constant 632 : i32
    %broadcast_in_dim3A_64 = vector.broadcast %broadcast_in_dim3A_63 : i32 to vector<16xi32>
    %lt3A_65 = arith.cmpi slt, %add3A_58, %broadcast_in_dim3A_64 : vector<16xi32>
    %and3A_66 = arith.andi %lt3A_62, %lt3A_65 : vector<16xi1>
    tpu.vector_store_idx %arg16[%min3A_61, %get3A_55], %broadcast_in_dim3A_3 masked %and3A_66 : memref<632x16xf32, #tpu.memory_space<vmem>>[vector<16xi32>, vector<16xi32>], vector<16xf32>, vector<16xi1>
    %get3A_67 = arith.constant 48 : index
    %get3A_68 = tpu.vector_load %arg19[%get3A_67] {strides = array<i32>} : memref<640xi32, #tpu.memory_space<vmem>>, vector<16xi32>,
    %broadcast_in_dim3A_69 = arith.constant 48 : i32
    %broadcast_in_dim3A_70 = vector.broadcast %broadcast_in_dim3A_69 : i32 to vector<16xi32>
    %add3A_71 = arith.addi %iota3A, %broadcast_in_dim3A_70 : vector<16xi32>
    %broadcast_in_dim3A_72 = arith.constant 631 : i32
    %broadcast_in_dim3A_73 = vector.broadcast %broadcast_in_dim3A_72 : i32 to vector<16xi32>
    %min3A_74 = arith.minsi %add3A_71, %broadcast_in_dim3A_73 : vector<16xi32>
    %lt3A_75 = arith.cmpi slt, %get3A_68, %broadcast_in_dim3A_32 : vector<16xi32>
    %broadcast_in_dim3A_76 = arith.constant 632 : i32
    %broadcast_in_dim3A_77 = vector.broadcast %broadcast_in_dim3A_76 : i32 to vector<16xi32>
    %lt3A_78 = arith.cmpi slt, %add3A_71, %broadcast_in_dim3A_77 : vector<16xi32>
    %and3A_79 = arith.andi %lt3A_75, %lt3A_78 : vector<16xi1>
    tpu.vector_store_idx %arg16[%min3A_74, %get3A_68], %broadcast_in_dim3A_3 masked %and3A_79 : memref<632x16xf32, #tpu.memory_space<vmem>>[vector<16xi32>, vector<16xi32>], vector<16xf32>, vector<16xi1>
    %get3A_80 = arith.constant 64 : index
    %get3A_81 = tpu.vector_load %arg19[%get3A_80] {strides = array<i32>} : memref<640xi32, #tpu.memory_space<vmem>>, vector<16xi32>,
    %broadcast_in_dim3A_82 = arith.constant 64 : i32
    %broadcast_in_dim3A_83 = vector.broadcast %broadcast_in_dim3A_82 : i32 to vector<16xi32>
    %add3A_84 = arith.addi %iota3A, %broadcast_in_dim3A_83 : vector<16xi32>
    %broadcast_in_dim3A_85 = arith.constant 631 : i32
    %broadcast_in_dim3A_86 = vector.broadcast %broadcast_in_dim3A_85 : i32 to vector<16xi32>
    %min3A_87 = arith.minsi %add3A_84, %broadcast_in_dim3A_86 : vector<16xi32>
    %lt3A_88 = arith.cmpi slt, %get3A_81, %broadcast_in_dim3A_32 : vector<16xi32>
    %broadcast_in_dim3A_89 = arith.constant 632 : i32
    %broadcast_in_dim3A_90 = vector.broadcast %broadcast_in_dim3A_89 : i32 to vector<16xi32>
    %lt3A_91 = arith.cmpi slt, %add3A_84, %broadcast_in_dim3A_90 : vector<16xi32>
    %and3A_92 = arith.andi %lt3A_88, %lt3A_91 : vector<16xi1>
    tpu.vector_store_idx %arg16[%min3A_87, %get3A_81], %broadcast_in_dim3A_3 masked %and3A_92 : memref<632x16xf32, #tpu.memory_space<vmem>>[vector<16xi32>, vector<16xi32>], vector<16xf32>, vector<16xi1>
    %get3A_93 = arith.constant 80 : index
    %get3A_94 = tpu.vector_load %arg19[%get3A_93] {strides = array<i32>} : memref<640xi32, #tpu.memory_space<vmem>>, vector<16xi32>,
    %broadcast_in_dim3A_95 = arith.constant 80 : i32
    %broadcast_in_dim3A_96 = vector.broadcast %broadcast_in_dim3A_95 : i32 to vector<16xi32>
    %add3A_97 = arith.addi %iota3A, %broadcast_in_dim3A_96 : vector<16xi32>
    %broadcast_in_dim3A_98 = arith.constant 631 : i32
    %broadcast_in_dim3A_99 = vector.broadcast %broadcast_in_dim3A_98 : i32 to vector<16xi32>
    %min3A_100 = arith.minsi %add3A_97, %broadcast_in_dim3A_99 : vector<16xi32>
    %lt3A_101 = arith.cmpi slt, %get3A_94, %broadcast_in_dim3A_32 : vector<16xi32>
    %broadcast_in_dim3A_102 = arith.constant 632 : i32
    %broadcast_in_dim3A_103 = vector.broadcast %broadcast_in_dim3A_102 : i32 to vector<16xi32>
    %lt3A_104 = arith.cmpi slt, %add3A_97, %broadcast_in_dim3A_103 : vector<16xi32>
    %and3A_105 = arith.andi %lt3A_101, %lt3A_104 : vector<16xi1>
    tpu.vector_store_idx %arg16[%min3A_100, %get3A_94], %broadcast_in_dim3A_3 masked %and3A_105 : memref<632x16xf32, #tpu.memory_space<vmem>>[vector<16xi32>, vector<16xi32>], vector<16xf32>, vector<16xi1>
    %get3A_106 = arith.constant 96 : index
    %get3A_107 = tpu.vector_load %arg19[%get3A_106] {strides = array<i32>} : memref<640xi32, #tpu.memory_space<vmem>>, vector<16xi32>,
    %broadcast_in_dim3A_108 = arith.constant 96 : i32
    %broadcast_in_dim3A_109 = vector.broadcast %broadcast_in_dim3A_108 : i32 to vector<16xi32>
    %add3A_110 = arith.addi %iota3A, %broadcast_in_dim3A_109 : vector<16xi32>
    %broadcast_in_dim3A_111 = arith.constant 631 : i32
    %broadcast_in_dim3A_112 = vector.broadcast %broadcast_in_dim3A_111 : i32 to vector<16xi32>
    %min3A_113 = arith.minsi %add3A_110, %broadcast_in_dim3A_112 : vector<16xi32>
    %lt3A_114 = arith.cmpi slt, %get3A_107, %broadcast_in_dim3A_32 : vector<16xi32>
    %broadcast_in_dim3A_115 = arith.constant 632 : i32
    %broadcast_in_dim3A_116 = vector.broadcast %broadcast_in_dim3A_115 : i32 to vector<16xi32>
    %lt3A_117 = arith.cmpi slt, %add3A_110, %broadcast_in_dim3A_116 : vector<16xi32>
    %and3A_118 = arith.andi %lt3A_114, %lt3A_117 : vector<16xi1>
    tpu.vector_store_idx %arg16[%min3A_113, %get3A_107], %broadcast_in_dim3A_3 masked %and3A_118 : memref<632x16xf32, #tpu.memory_space<vmem>>[vector<16xi32>, vector<16xi32>], vector<16xf32>, vector<16xi1>
    %get3A_119 = arith.constant 112 : index
    %get3A_120 = tpu.vector_load %arg19[%get3A_119] {strides = array<i32>} : memref<640xi32, #tpu.memory_space<vmem>>, vector<16xi32>,
    %broadcast_in_dim3A_121 = arith.constant 112 : i32
    %broadcast_in_dim3A_122 = vector.broadcast %broadcast_in_dim3A_121 : i32 to vector<16xi32>
    %add3A_123 = arith.addi %iota3A, %broadcast_in_dim3A_122 : vector<16xi32>
    %broadcast_in_dim3A_124 = arith.constant 631 : i32
    %broadcast_in_dim3A_125 = vector.broadcast %broadcast_in_dim3A_124 : i32 to vector<16xi32>
    %min3A_126 = arith.minsi %add3A_123, %broadcast_in_dim3A_125 : vector<16xi32>
    %lt3A_127 = arith.cmpi slt, %get3A_120, %broadcast_in_dim3A_32 : vector<16xi32>
    %broadcast_in_dim3A_128 = arith.constant 632 : i32
    %broadcast_in_dim3A_129 = vector.broadcast %broadcast_in_dim3A_128 : i32 to vector<16xi32>
    %lt3A_130 = arith.cmpi slt, %add3A_123, %broadcast_in_dim3A_129 : vector<16xi32>
    %and3A_131 = arith.andi %lt3A_127, %lt3A_130 : vector<16xi1>
    tpu.vector_store_idx %arg16[%min3A_126, %get3A_120], %broadcast_in_dim3A_3 masked %and3A_131 : memref<632x16xf32, #tpu.memory_space<vmem>>[vector<16xi32>, vector<16xi32>], vector<16xf32>, vector<16xi1>
    %get3A_132 = arith.constant 128 : index
    %get3A_133 = tpu.vector_load %arg19[%get3A_132] {strides = array<i32>} : memref<640xi32, #tpu.memory_space<vmem>>, vector<16xi32>,
    %broadcast_in_dim3A_134 = arith.constant 128 : i32
    %broadcast_in_dim3A_135 = vector.broadcast %broadcast_in_dim3A_134 : i32 to vector<16xi32>
    %add3A_136 = arith.addi %iota3A, %broadcast_in_dim3A_135 : vector<16xi32>
    %broadcast_in_dim3A_137 = arith.constant 631 : i32
    %broadcast_in_dim3A_138 = vector.broadcast %broadcast_in_dim3A_137 : i32 to vector<16xi32>
    %min3A_139 = arith.minsi %add3A_136, %broadcast_in_dim3A_138 : vector<16xi32>
    %lt3A_140 = arith.cmpi slt, %get3A_133, %broadcast_in_dim3A_32 : vector<16xi32>
    %broadcast_in_dim3A_141 = arith.constant 632 : i32
    %broadcast_in_dim3A_142 = vector.broadcast %broadcast_in_dim3A_141 : i32 to vector<16xi32>
    %lt3A_143 = arith.cmpi slt, %add3A_136, %broadcast_in_dim3A_142 : vector<16xi32>
    %and3A_144 = arith.andi %lt3A_140, %lt3A_143 : vector<16xi1>
    tpu.vector_store_idx %arg16[%min3A_139, %get3A_133], %broadcast_in_dim3A_3 masked %and3A_144 : memref<632x16xf32, #tpu.memory_space<vmem>>[vector<16xi32>, vector<16xi32>], vector<16xf32>, vector<16xi1>
    %get3A_145 = arith.constant 144 : index
    %get3A_146 = tpu.vector_load %arg19[%get3A_145] {strides = array<i32>} : memref<640xi32, #tpu.memory_space<vmem>>, vector<16xi32>,
    %broadcast_in_dim3A_147 = arith.constant 144 : i32
    %broadcast_in_dim3A_148 = vector.broadcast %broadcast_in_dim3A_147 : i32 to vector<16xi32>
    %add3A_149 = arith.addi %iota3A, %broadcast_in_dim3A_148 : vector<16xi32>
    %broadcast_in_dim3A_150 = arith.constant 631 : i32
    %broadcast_in_dim3A_151 = vector.broadcast %broadcast_in_dim3A_150 : i32 to vector<16xi32>
    %min3A_152 = arith.minsi %add3A_149, %broadcast_in_dim3A_151 : vector<16xi32>
    %lt3A_153 = arith.cmpi slt, %get3A_146, %broadcast_in_dim3A_32 : vector<16xi32>
    %broadcast_in_dim3A_154 = arith.constant 632 : i32
    %broadcast_in_dim3A_155 = vector.broadcast %broadcast_in_dim3A_154 : i32 to vector<16xi32>
    %lt3A_156 = arith.cmpi slt, %add3A_149, %broadcast_in_dim3A_155 : vector<16xi32>
    %and3A_157 = arith.andi %lt3A_153, %lt3A_156 : vector<16xi1>
    tpu.vector_store_idx %arg16[%min3A_152, %get3A_146], %broadcast_in_dim3A_3 masked %and3A_157 : memref<632x16xf32, #tpu.memory_space<vmem>>[vector<16xi32>, vector<16xi32>], vector<16xf32>, vector<16xi1>
    %get3A_158 = arith.constant 160 : index
    %get3A_159 = tpu.vector_load %arg19[%get3A_158] {strides = array<i32>} : memref<640xi32, #tpu.memory_space<vmem>>, vector<16xi32>,
    %broadcast_in_dim3A_160 = arith.constant 160 : i32
    %broadcast_in_dim3A_161 = vector.broadcast %broadcast_in_dim3A_160 : i32 to vector<16xi32>
    %add3A_162 = arith.addi %iota3A, %broadcast_in_dim3A_161 : vector<16xi32>
    %broadcast_in_dim3A_163 = arith.constant 631 : i32
    %broadcast_in_dim3A_164 = vector.broadcast %broadcast_in_dim3A_163 : i32 to vector<16xi32>
    %min3A_165 = arith.minsi %add3A_162, %broadcast_in_dim3A_164 : vector<16xi32>
    %lt3A_166 = arith.cmpi slt, %get3A_159, %broadcast_in_dim3A_32 : vector<16xi32>
    %broadcast_in_dim3A_167 = arith.constant 632 : i32
    %broadcast_in_dim3A_168 = vector.broadcast %broadcast_in_dim3A_167 : i32 to vector<16xi32>
    %lt3A_169 = arith.cmpi slt, %add3A_162, %broadcast_in_dim3A_168 : vector<16xi32>
    %and3A_170 = arith.andi %lt3A_166, %lt3A_169 : vector<16xi1>
    tpu.vector_store_idx %arg16[%min3A_165, %get3A_159], %broadcast_in_dim3A_3 masked %and3A_170 : memref<632x16xf32, #tpu.memory_space<vmem>>[vector<16xi32>, vector<16xi32>], vector<16xf32>, vector<16xi1>
    %get3A_171 = arith.constant 176 : index
    %get3A_172 = tpu.vector_load %arg19[%get3A_171] {strides = array<i32>} : memref<640xi32, #tpu.memory_space<vmem>>, vector<16xi32>,
    %broadcast_in_dim3A_173 = arith.constant 176 : i32
    %broadcast_in_dim3A_174 = vector.broadcast %broadcast_in_dim3A_173 : i32 to vector<16xi32>
    %add3A_175 = arith.addi %iota3A, %broadcast_in_dim3A_174 : vector<16xi32>
    %broadcast_in_dim3A_176 = arith.constant 631 : i32
    %broadcast_in_dim3A_177 = vector.broadcast %broadcast_in_dim3A_176 : i32 to vector<16xi32>
    %min3A_178 = arith.minsi %add3A_175, %broadcast_in_dim3A_177 : vector<16xi32>
    %lt3A_179 = arith.cmpi slt, %get3A_172, %broadcast_in_dim3A_32 : vector<16xi32>
    %broadcast_in_dim3A_180 = arith.constant 632 : i32
    %broadcast_in_dim3A_181 = vector.broadcast %broadcast_in_dim3A_180 : i32 to vector<16xi32>
    %lt3A_182 = arith.cmpi slt, %add3A_175, %broadcast_in_dim3A_181 : vector<16xi32>
    %and3A_183 = arith.andi %lt3A_179, %lt3A_182 : vector<16xi1>
    tpu.vector_store_idx %arg16[%min3A_178, %get3A_172], %broadcast_in_dim3A_3 masked %and3A_183 : memref<632x16xf32, #tpu.memory_space<vmem>>[vector<16xi32>, vector<16xi32>], vector<16xf32>, vector<16xi1>
    %get3A_184 = arith.constant 192 : index
    %get3A_185 = tpu.vector_load %arg19[%get3A_184] {strides = array<i32>} : memref<640xi32, #tpu.memory_space<vmem>>, vector<16xi32>,
    %broadcast_in_dim3A_186 = arith.constant 192 : i32
    %broadcast_in_dim3A_187 = vector.broadcast %broadcast_in_dim3A_186 : i32 to vector<16xi32>
    %add3A_188 = arith.addi %iota3A, %broadcast_in_dim3A_187 : vector<16xi32>
    %broadcast_in_dim3A_189 = arith.constant 631 : i32
    %broadcast_in_dim3A_190 = vector.broadcast %broadcast_in_dim3A_189 : i32 to vector<16xi32>
    %min3A_191 = arith.minsi %add3A_188, %broadcast_in_dim3A_190 : vector<16xi32>
    %lt3A_192 = arith.cmpi slt, %get3A_185, %broadcast_in_dim3A_32 : vector<16xi32>
    %broadcast_in_dim3A_193 = arith.constant 632 : i32
    %broadcast_in_dim3A_194 = vector.broadcast %broadcast_in_dim3A_193 : i32 to vector<16xi32>
    %lt3A_195 = arith.cmpi slt, %add3A_188, %broadcast_in_dim3A_194 : vector<16xi32>
    %and3A_196 = arith.andi %lt3A_192, %lt3A_195 : vector<16xi1>
    tpu.vector_store_idx %arg16[%min3A_191, %get3A_185], %broadcast_in_dim3A_3 masked %and3A_196 : memref<632x16xf32, #tpu.memory_space<vmem>>[vector<16xi32>, vector<16xi32>], vector<16xf32>, vector<16xi1>
    %get3A_197 = arith.constant 208 : index
    %get3A_198 = tpu.vector_load %arg19[%get3A_197] {strides = array<i32>} : memref<640xi32, #tpu.memory_space<vmem>>, vector<16xi32>,
    %broadcast_in_dim3A_199 = arith.constant 208 : i32
    %broadcast_in_dim3A_200 = vector.broadcast %broadcast_in_dim3A_199 : i32 to vector<16xi32>
    %add3A_201 = arith.addi %iota3A, %broadcast_in_dim3A_200 : vector<16xi32>
    %broadcast_in_dim3A_202 = arith.constant 631 : i32
    %broadcast_in_dim3A_203 = vector.broadcast %broadcast_in_dim3A_202 : i32 to vector<16xi32>
    %min3A_204 = arith.minsi %add3A_201, %broadcast_in_dim3A_203 : vector<16xi32>
    %lt3A_205 = arith.cmpi slt, %get3A_198, %broadcast_in_dim3A_32 : vector<16xi32>
    %broadcast_in_dim3A_206 = arith.constant 632 : i32
    %broadcast_in_dim3A_207 = vector.broadcast %broadcast_in_dim3A_206 : i32 to vector<16xi32>
    %lt3A_208 = arith.cmpi slt, %add3A_201, %broadcast_in_dim3A_207 : vector<16xi32>
    %and3A_209 = arith.andi %lt3A_205, %lt3A_208 : vector<16xi1>
    tpu.vector_store_idx %arg16[%min3A_204, %get3A_198], %broadcast_in_dim3A_3 masked %and3A_209 : memref<632x16xf32, #tpu.memory_space<vmem>>[vector<16xi32>, vector<16xi32>], vector<16xf32>, vector<16xi1>
    %get3A_210 = arith.constant 224 : index
    %get3A_211 = tpu.vector_load %arg19[%get3A_210] {strides = array<i32>} : memref<640xi32, #tpu.memory_space<vmem>>, vector<16xi32>,
    %broadcast_in_dim3A_212 = arith.constant 224 : i32
    %broadcast_in_dim3A_213 = vector.broadcast %broadcast_in_dim3A_212 : i32 to vector<16xi32>
    %add3A_214 = arith.addi %iota3A, %broadcast_in_dim3A_213 : vector<16xi32>
    %broadcast_in_dim3A_215 = arith.constant 631 : i32
    %broadcast_in_dim3A_216 = vector.broadcast %broadcast_in_dim3A_215 : i32 to vector<16xi32>
    %min3A_217 = arith.minsi %add3A_214, %broadcast_in_dim3A_216 : vector<16xi32>
    %lt3A_218 = arith.cmpi slt, %get3A_211, %broadcast_in_dim3A_32 : vector<16xi32>
    %broadcast_in_dim3A_219 = arith.constant 632 : i32
    %broadcast_in_dim3A_220 = vector.broadcast %broadcast_in_dim3A_219 : i32 to vector<16xi32>
    %lt3A_221 = arith.cmpi slt, %add3A_214, %broadcast_in_dim3A_220 : vector<16xi32>
    %and3A_222 = arith.andi %lt3A_218, %lt3A_221 : vector<16xi1>
    tpu.vector_store_idx %arg16[%min3A_217, %get3A_211], %broadcast_in_dim3A_3 masked %and3A_222 : memref<632x16xf32, #tpu.memory_space<vmem>>[vector<16xi32>, vector<16xi32>], vector<16xf32>, vector<16xi1>
    %get3A_223 = arith.constant 240 : index
    %get3A_224 = tpu.vector_load %arg19[%get3A_223] {strides = array<i32>} : memref<640xi32, #tpu.memory_space<vmem>>, vector<16xi32>,
    %broadcast_in_dim3A_225 = arith.constant 240 : i32
    %broadcast_in_dim3A_226 = vector.broadcast %broadcast_in_dim3A_225 : i32 to vector<16xi32>
    %add3A_227 = arith.addi %iota3A, %broadcast_in_dim3A_226 : vector<16xi32>
    %broadcast_in_dim3A_228 = arith.constant 631 : i32
    %broadcast_in_dim3A_229 = vector.broadcast %broadcast_in_dim3A_228 : i32 to vector<16xi32>
    %min3A_230 = arith.minsi %add3A_227, %broadcast_in_dim3A_229 : vector<16xi32>
    %lt3A_231 = arith.cmpi slt, %get3A_224, %broadcast_in_dim3A_32 : vector<16xi32>
    %broadcast_in_dim3A_232 = arith.constant 632 : i32
    %broadcast_in_dim3A_233 = vector.broadcast %broadcast_in_dim3A_232 : i32 to vector<16xi32>
    %lt3A_234 = arith.cmpi slt, %add3A_227, %broadcast_in_dim3A_233 : vector<16xi32>
    %and3A_235 = arith.andi %lt3A_231, %lt3A_234 : vector<16xi1>
    tpu.vector_store_idx %arg16[%min3A_230, %get3A_224], %broadcast_in_dim3A_3 masked %and3A_235 : memref<632x16xf32, #tpu.memory_space<vmem>>[vector<16xi32>, vector<16xi32>], vector<16xf32>, vector<16xi1>
    %get3A_236 = arith.constant 256 : index
    %get3A_237 = tpu.vector_load %arg19[%get3A_236] {strides = array<i32>} : memref<640xi32, #tpu.memory_space<vmem>>, vector<16xi32>,
    %broadcast_in_dim3A_238 = arith.constant 256 : i32
    %broadcast_in_dim3A_239 = vector.broadcast %broadcast_in_dim3A_238 : i32 to vector<16xi32>
    %add3A_240 = arith.addi %iota3A, %broadcast_in_dim3A_239 : vector<16xi32>
    %broadcast_in_dim3A_241 = arith.constant 631 : i32
    %broadcast_in_dim3A_242 = vector.broadcast %broadcast_in_dim3A_241 : i32 to vector<16xi32>
    %min3A_243 = arith.minsi %add3A_240, %broadcast_in_dim3A_242 : vector<16xi32>
    %lt3A_244 = arith.cmpi slt, %get3A_237, %broadcast_in_dim3A_32 : vector<16xi32>
    %broadcast_in_dim3A_245 = arith.constant 632 : i32
    %broadcast_in_dim3A_246 = vector.broadcast %broadcast_in_dim3A_245 : i32 to vector<16xi32>
    %lt3A_247 = arith.cmpi slt, %add3A_240, %broadcast_in_dim3A_246 : vector<16xi32>
    %and3A_248 = arith.andi %lt3A_244, %lt3A_247 : vector<16xi1>
    tpu.vector_store_idx %arg16[%min3A_243, %get3A_237], %broadcast_in_dim3A_3 masked %and3A_248 : memref<632x16xf32, #tpu.memory_space<vmem>>[vector<16xi32>, vector<16xi32>], vector<16xf32>, vector<16xi1>
    %get3A_249 = arith.constant 272 : index
    %get3A_250 = tpu.vector_load %arg19[%get3A_249] {strides = array<i32>} : memref<640xi32, #tpu.memory_space<vmem>>, vector<16xi32>,
    %broadcast_in_dim3A_251 = arith.constant 272 : i32
    %broadcast_in_dim3A_252 = vector.broadcast %broadcast_in_dim3A_251 : i32 to vector<16xi32>
    %add3A_253 = arith.addi %iota3A, %broadcast_in_dim3A_252 : vector<16xi32>
    %broadcast_in_dim3A_254 = arith.constant 631 : i32
    %broadcast_in_dim3A_255 = vector.broadcast %broadcast_in_dim3A_254 : i32 to vector<16xi32>
    %min3A_256 = arith.minsi %add3A_253, %broadcast_in_dim3A_255 : vector<16xi32>
    %lt3A_257 = arith.cmpi slt, %get3A_250, %broadcast_in_dim3A_32 : vector<16xi32>
    %broadcast_in_dim3A_258 = arith.constant 632 : i32
    %broadcast_in_dim3A_259 = vector.broadcast %broadcast_in_dim3A_258 : i32 to vector<16xi32>
    %lt3A_260 = arith.cmpi slt, %add3A_253, %broadcast_in_dim3A_259 : vector<16xi32>
    %and3A_261 = arith.andi %lt3A_257, %lt3A_260 : vector<16xi1>
    tpu.vector_store_idx %arg16[%min3A_256, %get3A_250], %broadcast_in_dim3A_3 masked %and3A_261 : memref<632x16xf32, #tpu.memory_space<vmem>>[vector<16xi32>, vector<16xi32>], vector<16xf32>, vector<16xi1>
    %get3A_262 = arith.constant 288 : index
    %get3A_263 = tpu.vector_load %arg19[%get3A_262] {strides = array<i32>} : memref<640xi32, #tpu.memory_space<vmem>>, vector<16xi32>,
    %broadcast_in_dim3A_264 = arith.constant 288 : i32
    %broadcast_in_dim3A_265 = vector.broadcast %broadcast_in_dim3A_264 : i32 to vector<16xi32>
    %add3A_266 = arith.addi %iota3A, %broadcast_in_dim3A_265 : vector<16xi32>
    %broadcast_in_dim3A_267 = arith.constant 631 : i32
    %broadcast_in_dim3A_268 = vector.broadcast %broadcast_in_dim3A_267 : i32 to vector<16xi32>
    %min3A_269 = arith.minsi %add3A_266, %broadcast_in_dim3A_268 : vector<16xi32>
    %lt3A_270 = arith.cmpi slt, %get3A_263, %broadcast_in_dim3A_32 : vector<16xi32>
    %broadcast_in_dim3A_271 = arith.constant 632 : i32
    %broadcast_in_dim3A_272 = vector.broadcast %broadcast_in_dim3A_271 : i32 to vector<16xi32>
    %lt3A_273 = arith.cmpi slt, %add3A_266, %broadcast_in_dim3A_272 : vector<16xi32>
    %and3A_274 = arith.andi %lt3A_270, %lt3A_273 : vector<16xi1>
    tpu.vector_store_idx %arg16[%min3A_269, %get3A_263], %broadcast_in_dim3A_3 masked %and3A_274 : memref<632x16xf32, #tpu.memory_space<vmem>>[vector<16xi32>, vector<16xi32>], vector<16xf32>, vector<16xi1>
    %get3A_275 = arith.constant 304 : index
    %get3A_276 = tpu.vector_load %arg19[%get3A_275] {strides = array<i32>} : memref<640xi32, #tpu.memory_space<vmem>>, vector<16xi32>,
    %broadcast_in_dim3A_277 = arith.constant 304 : i32
    %broadcast_in_dim3A_278 = vector.broadcast %broadcast_in_dim3A_277 : i32 to vector<16xi32>
    %add3A_279 = arith.addi %iota3A, %broadcast_in_dim3A_278 : vector<16xi32>
    %broadcast_in_dim3A_280 = arith.constant 631 : i32
    %broadcast_in_dim3A_281 = vector.broadcast %broadcast_in_dim3A_280 : i32 to vector<16xi32>
    %min3A_282 = arith.minsi %add3A_279, %broadcast_in_dim3A_281 : vector<16xi32>
    %lt3A_283 = arith.cmpi slt, %get3A_276, %broadcast_in_dim3A_32 : vector<16xi32>
    %broadcast_in_dim3A_284 = arith.constant 632 : i32
    %broadcast_in_dim3A_285 = vector.broadcast %broadcast_in_dim3A_284 : i32 to vector<16xi32>
    %lt3A_286 = arith.cmpi slt, %add3A_279, %broadcast_in_dim3A_285 : vector<16xi32>
    %and3A_287 = arith.andi %lt3A_283, %lt3A_286 : vector<16xi1>
    tpu.vector_store_idx %arg16[%min3A_282, %get3A_276], %broadcast_in_dim3A_3 masked %and3A_287 : memref<632x16xf32, #tpu.memory_space<vmem>>[vector<16xi32>, vector<16xi32>], vector<16xf32>, vector<16xi1>
    %get3A_288 = arith.constant 320 : index
    %get3A_289 = tpu.vector_load %arg19[%get3A_288] {strides = array<i32>} : memref<640xi32, #tpu.memory_space<vmem>>, vector<16xi32>,
    %broadcast_in_dim3A_290 = arith.constant 320 : i32
    %broadcast_in_dim3A_291 = vector.broadcast %broadcast_in_dim3A_290 : i32 to vector<16xi32>
    %add3A_292 = arith.addi %iota3A, %broadcast_in_dim3A_291 : vector<16xi32>
    %broadcast_in_dim3A_293 = arith.constant 631 : i32
    %broadcast_in_dim3A_294 = vector.broadcast %broadcast_in_dim3A_293 : i32 to vector<16xi32>
    %min3A_295 = arith.minsi %add3A_292, %broadcast_in_dim3A_294 : vector<16xi32>
    %lt3A_296 = arith.cmpi slt, %get3A_289, %broadcast_in_dim3A_32 : vector<16xi32>
    %broadcast_in_dim3A_297 = arith.constant 632 : i32
    %broadcast_in_dim3A_298 = vector.broadcast %broadcast_in_dim3A_297 : i32 to vector<16xi32>
    %lt3A_299 = arith.cmpi slt, %add3A_292, %broadcast_in_dim3A_298 : vector<16xi32>
    %and3A_300 = arith.andi %lt3A_296, %lt3A_299 : vector<16xi1>
    tpu.vector_store_idx %arg16[%min3A_295, %get3A_289], %broadcast_in_dim3A_3 masked %and3A_300 : memref<632x16xf32, #tpu.memory_space<vmem>>[vector<16xi32>, vector<16xi32>], vector<16xf32>, vector<16xi1>
    %get3A_301 = arith.constant 336 : index
    %get3A_302 = tpu.vector_load %arg19[%get3A_301] {strides = array<i32>} : memref<640xi32, #tpu.memory_space<vmem>>, vector<16xi32>,
    %broadcast_in_dim3A_303 = arith.constant 336 : i32
    %broadcast_in_dim3A_304 = vector.broadcast %broadcast_in_dim3A_303 : i32 to vector<16xi32>
    %add3A_305 = arith.addi %iota3A, %broadcast_in_dim3A_304 : vector<16xi32>
    %broadcast_in_dim3A_306 = arith.constant 631 : i32
    %broadcast_in_dim3A_307 = vector.broadcast %broadcast_in_dim3A_306 : i32 to vector<16xi32>
    %min3A_308 = arith.minsi %add3A_305, %broadcast_in_dim3A_307 : vector<16xi32>
    %lt3A_309 = arith.cmpi slt, %get3A_302, %broadcast_in_dim3A_32 : vector<16xi32>
    %broadcast_in_dim3A_310 = arith.constant 632 : i32
    %broadcast_in_dim3A_311 = vector.broadcast %broadcast_in_dim3A_310 : i32 to vector<16xi32>
    %lt3A_312 = arith.cmpi slt, %add3A_305, %broadcast_in_dim3A_311 : vector<16xi32>
    %and3A_313 = arith.andi %lt3A_309, %lt3A_312 : vector<16xi1>
    tpu.vector_store_idx %arg16[%min3A_308, %get3A_302], %broadcast_in_dim3A_3 masked %and3A_313 : memref<632x16xf32, #tpu.memory_space<vmem>>[vector<16xi32>, vector<16xi32>], vector<16xf32>, vector<16xi1>
    %get3A_314 = arith.constant 352 : index
    %get3A_315 = tpu.vector_load %arg19[%get3A_314] {strides = array<i32>} : memref<640xi32, #tpu.memory_space<vmem>>, vector<16xi32>,
    %broadcast_in_dim3A_316 = arith.constant 352 : i32
    %broadcast_in_dim3A_317 = vector.broadcast %broadcast_in_dim3A_316 : i32 to vector<16xi32>
    %add3A_318 = arith.addi %iota3A, %broadcast_in_dim3A_317 : vector<16xi32>
    %broadcast_in_dim3A_319 = arith.constant 631 : i32
    %broadcast_in_dim3A_320 = vector.broadcast %broadcast_in_dim3A_319 : i32 to vector<16xi32>
    %min3A_321 = arith.minsi %add3A_318, %broadcast_in_dim3A_320 : vector<16xi32>
    %lt3A_322 = arith.cmpi slt, %get3A_315, %broadcast_in_dim3A_32 : vector<16xi32>
    %broadcast_in_dim3A_323 = arith.constant 632 : i32
    %broadcast_in_dim3A_324 = vector.broadcast %broadcast_in_dim3A_323 : i32 to vector<16xi32>
    %lt3A_325 = arith.cmpi slt, %add3A_318, %broadcast_in_dim3A_324 : vector<16xi32>
    %and3A_326 = arith.andi %lt3A_322, %lt3A_325 : vector<16xi1>
    tpu.vector_store_idx %arg16[%min3A_321, %get3A_315], %broadcast_in_dim3A_3 masked %and3A_326 : memref<632x16xf32, #tpu.memory_space<vmem>>[vector<16xi32>, vector<16xi32>], vector<16xf32>, vector<16xi1>
    %get3A_327 = arith.constant 368 : index
    %get3A_328 = tpu.vector_load %arg19[%get3A_327] {strides = array<i32>} : memref<640xi32, #tpu.memory_space<vmem>>, vector<16xi32>,
    %broadcast_in_dim3A_329 = arith.constant 368 : i32
    %broadcast_in_dim3A_330 = vector.broadcast %broadcast_in_dim3A_329 : i32 to vector<16xi32>
    %add3A_331 = arith.addi %iota3A, %broadcast_in_dim3A_330 : vector<16xi32>
    %broadcast_in_dim3A_332 = arith.constant 631 : i32
    %broadcast_in_dim3A_333 = vector.broadcast %broadcast_in_dim3A_332 : i32 to vector<16xi32>
    %min3A_334 = arith.minsi %add3A_331, %broadcast_in_dim3A_333 : vector<16xi32>
    %lt3A_335 = arith.cmpi slt, %get3A_328, %broadcast_in_dim3A_32 : vector<16xi32>
    %broadcast_in_dim3A_336 = arith.constant 632 : i32
    %broadcast_in_dim3A_337 = vector.broadcast %broadcast_in_dim3A_336 : i32 to vector<16xi32>
    %lt3A_338 = arith.cmpi slt, %add3A_331, %broadcast_in_dim3A_337 : vector<16xi32>
    %and3A_339 = arith.andi %lt3A_335, %lt3A_338 : vector<16xi1>
    tpu.vector_store_idx %arg16[%min3A_334, %get3A_328], %broadcast_in_dim3A_3 masked %and3A_339 : memref<632x16xf32, #tpu.memory_space<vmem>>[vector<16xi32>, vector<16xi32>], vector<16xf32>, vector<16xi1>
    %get3A_340 = arith.constant 384 : index
    %get3A_341 = tpu.vector_load %arg19[%get3A_340] {strides = array<i32>} : memref<640xi32, #tpu.memory_space<vmem>>, vector<16xi32>,
    %broadcast_in_dim3A_342 = arith.constant 384 : i32
    %broadcast_in_dim3A_343 = vector.broadcast %broadcast_in_dim3A_342 : i32 to vector<16xi32>
    %add3A_344 = arith.addi %iota3A, %broadcast_in_dim3A_343 : vector<16xi32>
    %broadcast_in_dim3A_345 = arith.constant 631 : i32
    %broadcast_in_dim3A_346 = vector.broadcast %broadcast_in_dim3A_345 : i32 to vector<16xi32>
    %min3A_347 = arith.minsi %add3A_344, %broadcast_in_dim3A_346 : vector<16xi32>
    %lt3A_348 = arith.cmpi slt, %get3A_341, %broadcast_in_dim3A_32 : vector<16xi32>
    %broadcast_in_dim3A_349 = arith.constant 632 : i32
    %broadcast_in_dim3A_350 = vector.broadcast %broadcast_in_dim3A_349 : i32 to vector<16xi32>
    %lt3A_351 = arith.cmpi slt, %add3A_344, %broadcast_in_dim3A_350 : vector<16xi32>
    %and3A_352 = arith.andi %lt3A_348, %lt3A_351 : vector<16xi1>
    tpu.vector_store_idx %arg16[%min3A_347, %get3A_341], %broadcast_in_dim3A_3 masked %and3A_352 : memref<632x16xf32, #tpu.memory_space<vmem>>[vector<16xi32>, vector<16xi32>], vector<16xf32>, vector<16xi1>
    %get3A_353 = arith.constant 400 : index
    %get3A_354 = tpu.vector_load %arg19[%get3A_353] {strides = array<i32>} : memref<640xi32, #tpu.memory_space<vmem>>, vector<16xi32>,
    %broadcast_in_dim3A_355 = arith.constant 400 : i32
    %broadcast_in_dim3A_356 = vector.broadcast %broadcast_in_dim3A_355 : i32 to vector<16xi32>
    %add3A_357 = arith.addi %iota3A, %broadcast_in_dim3A_356 : vector<16xi32>
    %broadcast_in_dim3A_358 = arith.constant 631 : i32
    %broadcast_in_dim3A_359 = vector.broadcast %broadcast_in_dim3A_358 : i32 to vector<16xi32>
    %min3A_360 = arith.minsi %add3A_357, %broadcast_in_dim3A_359 : vector<16xi32>
    %lt3A_361 = arith.cmpi slt, %get3A_354, %broadcast_in_dim3A_32 : vector<16xi32>
    %broadcast_in_dim3A_362 = arith.constant 632 : i32
    %broadcast_in_dim3A_363 = vector.broadcast %broadcast_in_dim3A_362 : i32 to vector<16xi32>
    %lt3A_364 = arith.cmpi slt, %add3A_357, %broadcast_in_dim3A_363 : vector<16xi32>
    %and3A_365 = arith.andi %lt3A_361, %lt3A_364 : vector<16xi1>
    tpu.vector_store_idx %arg16[%min3A_360, %get3A_354], %broadcast_in_dim3A_3 masked %and3A_365 : memref<632x16xf32, #tpu.memory_space<vmem>>[vector<16xi32>, vector<16xi32>], vector<16xf32>, vector<16xi1>
    %get3A_366 = arith.constant 416 : index
    %get3A_367 = tpu.vector_load %arg19[%get3A_366] {strides = array<i32>} : memref<640xi32, #tpu.memory_space<vmem>>, vector<16xi32>,
    %broadcast_in_dim3A_368 = arith.constant 416 : i32
    %broadcast_in_dim3A_369 = vector.broadcast %broadcast_in_dim3A_368 : i32 to vector<16xi32>
    %add3A_370 = arith.addi %iota3A, %broadcast_in_dim3A_369 : vector<16xi32>
    %broadcast_in_dim3A_371 = arith.constant 631 : i32
    %broadcast_in_dim3A_372 = vector.broadcast %broadcast_in_dim3A_371 : i32 to vector<16xi32>
    %min3A_373 = arith.minsi %add3A_370, %broadcast_in_dim3A_372 : vector<16xi32>
    %lt3A_374 = arith.cmpi slt, %get3A_367, %broadcast_in_dim3A_32 : vector<16xi32>
    %broadcast_in_dim3A_375 = arith.constant 632 : i32
    %broadcast_in_dim3A_376 = vector.broadcast %broadcast_in_dim3A_375 : i32 to vector<16xi32>
    %lt3A_377 = arith.cmpi slt, %add3A_370, %broadcast_in_dim3A_376 : vector<16xi32>
    %and3A_378 = arith.andi %lt3A_374, %lt3A_377 : vector<16xi1>
    tpu.vector_store_idx %arg16[%min3A_373, %get3A_367], %broadcast_in_dim3A_3 masked %and3A_378 : memref<632x16xf32, #tpu.memory_space<vmem>>[vector<16xi32>, vector<16xi32>], vector<16xf32>, vector<16xi1>
    %get3A_379 = arith.constant 432 : index
    %get3A_380 = tpu.vector_load %arg19[%get3A_379] {strides = array<i32>} : memref<640xi32, #tpu.memory_space<vmem>>, vector<16xi32>,
    %broadcast_in_dim3A_381 = arith.constant 432 : i32
    %broadcast_in_dim3A_382 = vector.broadcast %broadcast_in_dim3A_381 : i32 to vector<16xi32>
    %add3A_383 = arith.addi %iota3A, %broadcast_in_dim3A_382 : vector<16xi32>
    %broadcast_in_dim3A_384 = arith.constant 631 : i32
    %broadcast_in_dim3A_385 = vector.broadcast %broadcast_in_dim3A_384 : i32 to vector<16xi32>
    %min3A_386 = arith.minsi %add3A_383, %broadcast_in_dim3A_385 : vector<16xi32>
    %lt3A_387 = arith.cmpi slt, %get3A_380, %broadcast_in_dim3A_32 : vector<16xi32>
    %broadcast_in_dim3A_388 = arith.constant 632 : i32
    %broadcast_in_dim3A_389 = vector.broadcast %broadcast_in_dim3A_388 : i32 to vector<16xi32>
    %lt3A_390 = arith.cmpi slt, %add3A_383, %broadcast_in_dim3A_389 : vector<16xi32>
    %and3A_391 = arith.andi %lt3A_387, %lt3A_390 : vector<16xi1>
    tpu.vector_store_idx %arg16[%min3A_386, %get3A_380], %broadcast_in_dim3A_3 masked %and3A_391 : memref<632x16xf32, #tpu.memory_space<vmem>>[vector<16xi32>, vector<16xi32>], vector<16xf32>, vector<16xi1>
    %get3A_392 = arith.constant 448 : index
    %get3A_393 = tpu.vector_load %arg19[%get3A_392] {strides = array<i32>} : memref<640xi32, #tpu.memory_space<vmem>>, vector<16xi32>,
    %broadcast_in_dim3A_394 = arith.constant 448 : i32
    %broadcast_in_dim3A_395 = vector.broadcast %broadcast_in_dim3A_394 : i32 to vector<16xi32>
    %add3A_396 = arith.addi %iota3A, %broadcast_in_dim3A_395 : vector<16xi32>
    %broadcast_in_dim3A_397 = arith.constant 631 : i32
    %broadcast_in_dim3A_398 = vector.broadcast %broadcast_in_dim3A_397 : i32 to vector<16xi32>
    %min3A_399 = arith.minsi %add3A_396, %broadcast_in_dim3A_398 : vector<16xi32>
    %lt3A_400 = arith.cmpi slt, %get3A_393, %broadcast_in_dim3A_32 : vector<16xi32>
    %broadcast_in_dim3A_401 = arith.constant 632 : i32
    %broadcast_in_dim3A_402 = vector.broadcast %broadcast_in_dim3A_401 : i32 to vector<16xi32>
    %lt3A_403 = arith.cmpi slt, %add3A_396, %broadcast_in_dim3A_402 : vector<16xi32>
    %and3A_404 = arith.andi %lt3A_400, %lt3A_403 : vector<16xi1>
    tpu.vector_store_idx %arg16[%min3A_399, %get3A_393], %broadcast_in_dim3A_3 masked %and3A_404 : memref<632x16xf32, #tpu.memory_space<vmem>>[vector<16xi32>, vector<16xi32>], vector<16xf32>, vector<16xi1>
    %get3A_405 = arith.constant 464 : index
    %get3A_406 = tpu.vector_load %arg19[%get3A_405] {strides = array<i32>} : memref<640xi32, #tpu.memory_space<vmem>>, vector<16xi32>,
    %broadcast_in_dim3A_407 = arith.constant 464 : i32
    %broadcast_in_dim3A_408 = vector.broadcast %broadcast_in_dim3A_407 : i32 to vector<16xi32>
    %add3A_409 = arith.addi %iota3A, %broadcast_in_dim3A_408 : vector<16xi32>
    %broadcast_in_dim3A_410 = arith.constant 631 : i32
    %broadcast_in_dim3A_411 = vector.broadcast %broadcast_in_dim3A_410 : i32 to vector<16xi32>
    %min3A_412 = arith.minsi %add3A_409, %broadcast_in_dim3A_411 : vector<16xi32>
    %lt3A_413 = arith.cmpi slt, %get3A_406, %broadcast_in_dim3A_32 : vector<16xi32>
    %broadcast_in_dim3A_414 = arith.constant 632 : i32
    %broadcast_in_dim3A_415 = vector.broadcast %broadcast_in_dim3A_414 : i32 to vector<16xi32>
    %lt3A_416 = arith.cmpi slt, %add3A_409, %broadcast_in_dim3A_415 : vector<16xi32>
    %and3A_417 = arith.andi %lt3A_413, %lt3A_416 : vector<16xi1>
    tpu.vector_store_idx %arg16[%min3A_412, %get3A_406], %broadcast_in_dim3A_3 masked %and3A_417 : memref<632x16xf32, #tpu.memory_space<vmem>>[vector<16xi32>, vector<16xi32>], vector<16xf32>, vector<16xi1>
    %get3A_418 = arith.constant 480 : index
    %get3A_419 = tpu.vector_load %arg19[%get3A_418] {strides = array<i32>} : memref<640xi32, #tpu.memory_space<vmem>>, vector<16xi32>,
    %broadcast_in_dim3A_420 = arith.constant 480 : i32
    %broadcast_in_dim3A_421 = vector.broadcast %broadcast_in_dim3A_420 : i32 to vector<16xi32>
    %add3A_422 = arith.addi %iota3A, %broadcast_in_dim3A_421 : vector<16xi32>
    %broadcast_in_dim3A_423 = arith.constant 631 : i32
    %broadcast_in_dim3A_424 = vector.broadcast %broadcast_in_dim3A_423 : i32 to vector<16xi32>
    %min3A_425 = arith.minsi %add3A_422, %broadcast_in_dim3A_424 : vector<16xi32>
    %lt3A_426 = arith.cmpi slt, %get3A_419, %broadcast_in_dim3A_32 : vector<16xi32>
    %broadcast_in_dim3A_427 = arith.constant 632 : i32
    %broadcast_in_dim3A_428 = vector.broadcast %broadcast_in_dim3A_427 : i32 to vector<16xi32>
    %lt3A_429 = arith.cmpi slt, %add3A_422, %broadcast_in_dim3A_428 : vector<16xi32>
    %and3A_430 = arith.andi %lt3A_426, %lt3A_429 : vector<16xi1>
    tpu.vector_store_idx %arg16[%min3A_425, %get3A_419], %broadcast_in_dim3A_3 masked %and3A_430 : memref<632x16xf32, #tpu.memory_space<vmem>>[vector<16xi32>, vector<16xi32>], vector<16xf32>, vector<16xi1>
    %get3A_431 = arith.constant 496 : index
    %get3A_432 = tpu.vector_load %arg19[%get3A_431] {strides = array<i32>} : memref<640xi32, #tpu.memory_space<vmem>>, vector<16xi32>,
    %broadcast_in_dim3A_433 = arith.constant 496 : i32
    %broadcast_in_dim3A_434 = vector.broadcast %broadcast_in_dim3A_433 : i32 to vector<16xi32>
    %add3A_435 = arith.addi %iota3A, %broadcast_in_dim3A_434 : vector<16xi32>
    %broadcast_in_dim3A_436 = arith.constant 631 : i32
    %broadcast_in_dim3A_437 = vector.broadcast %broadcast_in_dim3A_436 : i32 to vector<16xi32>
    %min3A_438 = arith.minsi %add3A_435, %broadcast_in_dim3A_437 : vector<16xi32>
    %lt3A_439 = arith.cmpi slt, %get3A_432, %broadcast_in_dim3A_32 : vector<16xi32>
    %broadcast_in_dim3A_440 = arith.constant 632 : i32
    %broadcast_in_dim3A_441 = vector.broadcast %broadcast_in_dim3A_440 : i32 to vector<16xi32>
    %lt3A_442 = arith.cmpi slt, %add3A_435, %broadcast_in_dim3A_441 : vector<16xi32>
    %and3A_443 = arith.andi %lt3A_439, %lt3A_442 : vector<16xi1>
    tpu.vector_store_idx %arg16[%min3A_438, %get3A_432], %broadcast_in_dim3A_3 masked %and3A_443 : memref<632x16xf32, #tpu.memory_space<vmem>>[vector<16xi32>, vector<16xi32>], vector<16xf32>, vector<16xi1>
    %get3A_444 = arith.constant 512 : index
    %get3A_445 = tpu.vector_load %arg19[%get3A_444] {strides = array<i32>} : memref<640xi32, #tpu.memory_space<vmem>>, vector<16xi32>,
    %broadcast_in_dim3A_446 = arith.constant 512 : i32
    %broadcast_in_dim3A_447 = vector.broadcast %broadcast_in_dim3A_446 : i32 to vector<16xi32>
    %add3A_448 = arith.addi %iota3A, %broadcast_in_dim3A_447 : vector<16xi32>
    %broadcast_in_dim3A_449 = arith.constant 631 : i32
    %broadcast_in_dim3A_450 = vector.broadcast %broadcast_in_dim3A_449 : i32 to vector<16xi32>
    %min3A_451 = arith.minsi %add3A_448, %broadcast_in_dim3A_450 : vector<16xi32>
    %lt3A_452 = arith.cmpi slt, %get3A_445, %broadcast_in_dim3A_32 : vector<16xi32>
    %broadcast_in_dim3A_453 = arith.constant 632 : i32
    %broadcast_in_dim3A_454 = vector.broadcast %broadcast_in_dim3A_453 : i32 to vector<16xi32>
    %lt3A_455 = arith.cmpi slt, %add3A_448, %broadcast_in_dim3A_454 : vector<16xi32>
    %and3A_456 = arith.andi %lt3A_452, %lt3A_455 : vector<16xi1>
    tpu.vector_store_idx %arg16[%min3A_451, %get3A_445], %broadcast_in_dim3A_3 masked %and3A_456 : memref<632x16xf32, #tpu.memory_space<vmem>>[vector<16xi32>, vector<16xi32>], vector<16xf32>, vector<16xi1>
    %get3A_457 = arith.constant 528 : index
    %get3A_458 = tpu.vector_load %arg19[%get3A_457] {strides = array<i32>} : memref<640xi32, #tpu.memory_space<vmem>>, vector<16xi32>,
    %broadcast_in_dim3A_459 = arith.constant 528 : i32
    %broadcast_in_dim3A_460 = vector.broadcast %broadcast_in_dim3A_459 : i32 to vector<16xi32>
    %add3A_461 = arith.addi %iota3A, %broadcast_in_dim3A_460 : vector<16xi32>
    %broadcast_in_dim3A_462 = arith.constant 631 : i32
    %broadcast_in_dim3A_463 = vector.broadcast %broadcast_in_dim3A_462 : i32 to vector<16xi32>
    %min3A_464 = arith.minsi %add3A_461, %broadcast_in_dim3A_463 : vector<16xi32>
    %lt3A_465 = arith.cmpi slt, %get3A_458, %broadcast_in_dim3A_32 : vector<16xi32>
    %broadcast_in_dim3A_466 = arith.constant 632 : i32
    %broadcast_in_dim3A_467 = vector.broadcast %broadcast_in_dim3A_466 : i32 to vector<16xi32>
    %lt3A_468 = arith.cmpi slt, %add3A_461, %broadcast_in_dim3A_467 : vector<16xi32>
    %and3A_469 = arith.andi %lt3A_465, %lt3A_468 : vector<16xi1>
    tpu.vector_store_idx %arg16[%min3A_464, %get3A_458], %broadcast_in_dim3A_3 masked %and3A_469 : memref<632x16xf32, #tpu.memory_space<vmem>>[vector<16xi32>, vector<16xi32>], vector<16xf32>, vector<16xi1>
    %get3A_470 = arith.constant 544 : index
    %get3A_471 = tpu.vector_load %arg19[%get3A_470] {strides = array<i32>} : memref<640xi32, #tpu.memory_space<vmem>>, vector<16xi32>,
    %broadcast_in_dim3A_472 = arith.constant 544 : i32
    %broadcast_in_dim3A_473 = vector.broadcast %broadcast_in_dim3A_472 : i32 to vector<16xi32>
    %add3A_474 = arith.addi %iota3A, %broadcast_in_dim3A_473 : vector<16xi32>
    %broadcast_in_dim3A_475 = arith.constant 631 : i32
    %broadcast_in_dim3A_476 = vector.broadcast %broadcast_in_dim3A_475 : i32 to vector<16xi32>
    %min3A_477 = arith.minsi %add3A_474, %broadcast_in_dim3A_476 : vector<16xi32>
    %lt3A_478 = arith.cmpi slt, %get3A_471, %broadcast_in_dim3A_32 : vector<16xi32>
    %broadcast_in_dim3A_479 = arith.constant 632 : i32
    %broadcast_in_dim3A_480 = vector.broadcast %broadcast_in_dim3A_479 : i32 to vector<16xi32>
    %lt3A_481 = arith.cmpi slt, %add3A_474, %broadcast_in_dim3A_480 : vector<16xi32>
    %and3A_482 = arith.andi %lt3A_478, %lt3A_481 : vector<16xi1>
    tpu.vector_store_idx %arg16[%min3A_477, %get3A_471], %broadcast_in_dim3A_3 masked %and3A_482 : memref<632x16xf32, #tpu.memory_space<vmem>>[vector<16xi32>, vector<16xi32>], vector<16xf32>, vector<16xi1>
    %get3A_483 = arith.constant 560 : index
    %get3A_484 = tpu.vector_load %arg19[%get3A_483] {strides = array<i32>} : memref<640xi32, #tpu.memory_space<vmem>>, vector<16xi32>,
    %broadcast_in_dim3A_485 = arith.constant 560 : i32
    %broadcast_in_dim3A_486 = vector.broadcast %broadcast_in_dim3A_485 : i32 to vector<16xi32>
    %add3A_487 = arith.addi %iota3A, %broadcast_in_dim3A_486 : vector<16xi32>
    %broadcast_in_dim3A_488 = arith.constant 631 : i32
    %broadcast_in_dim3A_489 = vector.broadcast %broadcast_in_dim3A_488 : i32 to vector<16xi32>
    %min3A_490 = arith.minsi %add3A_487, %broadcast_in_dim3A_489 : vector<16xi32>
    %lt3A_491 = arith.cmpi slt, %get3A_484, %broadcast_in_dim3A_32 : vector<16xi32>
    %broadcast_in_dim3A_492 = arith.constant 632 : i32
    %broadcast_in_dim3A_493 = vector.broadcast %broadcast_in_dim3A_492 : i32 to vector<16xi32>
    %lt3A_494 = arith.cmpi slt, %add3A_487, %broadcast_in_dim3A_493 : vector<16xi32>
    %and3A_495 = arith.andi %lt3A_491, %lt3A_494 : vector<16xi1>
    tpu.vector_store_idx %arg16[%min3A_490, %get3A_484], %broadcast_in_dim3A_3 masked %and3A_495 : memref<632x16xf32, #tpu.memory_space<vmem>>[vector<16xi32>, vector<16xi32>], vector<16xf32>, vector<16xi1>
    %get3A_496 = arith.constant 576 : index
    %get3A_497 = tpu.vector_load %arg19[%get3A_496] {strides = array<i32>} : memref<640xi32, #tpu.memory_space<vmem>>, vector<16xi32>,
    %broadcast_in_dim3A_498 = arith.constant 576 : i32
    %broadcast_in_dim3A_499 = vector.broadcast %broadcast_in_dim3A_498 : i32 to vector<16xi32>
    %add3A_500 = arith.addi %iota3A, %broadcast_in_dim3A_499 : vector<16xi32>
    %broadcast_in_dim3A_501 = arith.constant 631 : i32
    %broadcast_in_dim3A_502 = vector.broadcast %broadcast_in_dim3A_501 : i32 to vector<16xi32>
    %min3A_503 = arith.minsi %add3A_500, %broadcast_in_dim3A_502 : vector<16xi32>
    %lt3A_504 = arith.cmpi slt, %get3A_497, %broadcast_in_dim3A_32 : vector<16xi32>
    %broadcast_in_dim3A_505 = arith.constant 632 : i32
    %broadcast_in_dim3A_506 = vector.broadcast %broadcast_in_dim3A_505 : i32 to vector<16xi32>
    %lt3A_507 = arith.cmpi slt, %add3A_500, %broadcast_in_dim3A_506 : vector<16xi32>
    %and3A_508 = arith.andi %lt3A_504, %lt3A_507 : vector<16xi1>
    tpu.vector_store_idx %arg16[%min3A_503, %get3A_497], %broadcast_in_dim3A_3 masked %and3A_508 : memref<632x16xf32, #tpu.memory_space<vmem>>[vector<16xi32>, vector<16xi32>], vector<16xf32>, vector<16xi1>
    %get3A_509 = arith.constant 592 : index
    %get3A_510 = tpu.vector_load %arg19[%get3A_509] {strides = array<i32>} : memref<640xi32, #tpu.memory_space<vmem>>, vector<16xi32>,
    %broadcast_in_dim3A_511 = arith.constant 592 : i32
    %broadcast_in_dim3A_512 = vector.broadcast %broadcast_in_dim3A_511 : i32 to vector<16xi32>
    %add3A_513 = arith.addi %iota3A, %broadcast_in_dim3A_512 : vector<16xi32>
    %broadcast_in_dim3A_514 = arith.constant 631 : i32
    %broadcast_in_dim3A_515 = vector.broadcast %broadcast_in_dim3A_514 : i32 to vector<16xi32>
    %min3A_516 = arith.minsi %add3A_513, %broadcast_in_dim3A_515 : vector<16xi32>
    %lt3A_517 = arith.cmpi slt, %get3A_510, %broadcast_in_dim3A_32 : vector<16xi32>
    %broadcast_in_dim3A_518 = arith.constant 632 : i32
    %broadcast_in_dim3A_519 = vector.broadcast %broadcast_in_dim3A_518 : i32 to vector<16xi32>
    %lt3A_520 = arith.cmpi slt, %add3A_513, %broadcast_in_dim3A_519 : vector<16xi32>
    %and3A_521 = arith.andi %lt3A_517, %lt3A_520 : vector<16xi1>
    tpu.vector_store_idx %arg16[%min3A_516, %get3A_510], %broadcast_in_dim3A_3 masked %and3A_521 : memref<632x16xf32, #tpu.memory_space<vmem>>[vector<16xi32>, vector<16xi32>], vector<16xf32>, vector<16xi1>
    %get3A_522 = arith.constant 608 : index
    %get3A_523 = tpu.vector_load %arg19[%get3A_522] {strides = array<i32>} : memref<640xi32, #tpu.memory_space<vmem>>, vector<16xi32>,
    %broadcast_in_dim3A_524 = arith.constant 608 : i32
    %broadcast_in_dim3A_525 = vector.broadcast %broadcast_in_dim3A_524 : i32 to vector<16xi32>
    %add3A_526 = arith.addi %iota3A, %broadcast_in_dim3A_525 : vector<16xi32>
    %broadcast_in_dim3A_527 = arith.constant 631 : i32
    %broadcast_in_dim3A_528 = vector.broadcast %broadcast_in_dim3A_527 : i32 to vector<16xi32>
    %min3A_529 = arith.minsi %add3A_526, %broadcast_in_dim3A_528 : vector<16xi32>
    %lt3A_530 = arith.cmpi slt, %get3A_523, %broadcast_in_dim3A_32 : vector<16xi32>
    %broadcast_in_dim3A_531 = arith.constant 632 : i32
    %broadcast_in_dim3A_532 = vector.broadcast %broadcast_in_dim3A_531 : i32 to vector<16xi32>
    %lt3A_533 = arith.cmpi slt, %add3A_526, %broadcast_in_dim3A_532 : vector<16xi32>
    %and3A_534 = arith.andi %lt3A_530, %lt3A_533 : vector<16xi1>
    tpu.vector_store_idx %arg16[%min3A_529, %get3A_523], %broadcast_in_dim3A_3 masked %and3A_534 : memref<632x16xf32, #tpu.memory_space<vmem>>[vector<16xi32>, vector<16xi32>], vector<16xf32>, vector<16xi1>
    %get3A_535 = arith.constant 624 : index
    %get3A_536 = tpu.vector_load %arg19[%get3A_535] {strides = array<i32>} : memref<640xi32, #tpu.memory_space<vmem>>, vector<16xi32>,
    %broadcast_in_dim3A_537 = arith.constant 624 : i32
    %broadcast_in_dim3A_538 = vector.broadcast %broadcast_in_dim3A_537 : i32 to vector<16xi32>
    %add3A_539 = arith.addi %iota3A, %broadcast_in_dim3A_538 : vector<16xi32>
    %broadcast_in_dim3A_540 = arith.constant 631 : i32
    %broadcast_in_dim3A_541 = vector.broadcast %broadcast_in_dim3A_540 : i32 to vector<16xi32>
    %min3A_542 = arith.minsi %add3A_539, %broadcast_in_dim3A_541 : vector<16xi32>
    %lt3A_543 = arith.cmpi slt, %get3A_536, %broadcast_in_dim3A_32 : vector<16xi32>
    %broadcast_in_dim3A_544 = arith.constant 632 : i32
    %broadcast_in_dim3A_545 = vector.broadcast %broadcast_in_dim3A_544 : i32 to vector<16xi32>
    %lt3A_546 = arith.cmpi slt, %add3A_539, %broadcast_in_dim3A_545 : vector<16xi32>
    %and3A_547 = arith.andi %lt3A_543, %lt3A_546 : vector<16xi1>
    tpu.vector_store_idx %arg16[%min3A_542, %get3A_536], %broadcast_in_dim3A_3 masked %and3A_547 : memref<632x16xf32, #tpu.memory_space<vmem>>[vector<16xi32>, vector<16xi32>], vector<16xf32>, vector<16xi1>
    %broadcast_in_dim3A_548 = arith.constant 1597463007 : i32
    %broadcast_in_dim3A_549 = vector.broadcast %broadcast_in_dim3A_548 : i32 to vector<16xi32>
    %broadcast_in_dim3A_550 = arith.constant 1 : i32
    %broadcast_in_dim3A_551 = vector.broadcast %broadcast_in_dim3A_550 : i32 to vector<16xi32>
    %broadcast_in_dim3A_552 = arith.constant 1.500000e+00 : f32
    %broadcast_in_dim3A_553 = vector.broadcast %broadcast_in_dim3A_552 : f32 to vector<16xf32>
    %broadcast_in_dim3A_554 = arith.constant 5.000000e-01 : f32
    %broadcast_in_dim3A_555 = vector.broadcast %broadcast_in_dim3A_554 : f32 to vector<16xf32>
    %scan3A_556 = arith.constant 0 : i32
    %scan3A_557 = arith.constant 632 : i32
    %scan3A_558 = arith.addi %scan3A_556, %scan3A_557 : i32
    %scan3A_559 = arith.constant 1 : i32
    scf.for %scan3A_827 = %scan3A_556 to %scan3A_558 step %scan3A_559  : i32 {
      %mul3A_828 = arith.constant 1 : i32
      %mul3A_829 = arith.muli %scan3A_827, %mul3A_828 : i32
      %add3A_830 = arith.constant 0 : i32
      %add3A_831 = arith.addi %add3A_830, %mul3A_829 : i32
      %get3A_832 = arith.index_cast %add3A_831 : i32 to index
      %get3A_833 = arith.constant 0 : index
      %get3A_834 = tpu.vector_load %arg15[%get3A_832, %get3A_833] {strides = array<i32>} : memref<632x16xf32, #tpu.memory_space<vmem>>, vector<16xf32>,
      %add3A_835 = arith.addf %get3A_834, %broadcast_in_dim3A_3 : vector<16xf32>
      %div3A = arith.divf %broadcast_in_dim3A_3, %add3A_835 : vector<16xf32>
      %swap3A = arith.index_cast %add3A_831 : i32 to index
      %swap3A_836 = arith.constant 0 : index
      %swap3A_837 = tpu.vector_load %arg17[%swap3A, %swap3A_836] {strides = array<i32>} : memref<632x16xf32, #tpu.memory_space<vmem>>, vector<16xf32>,
      tpu.vector_store %arg17[%swap3A, %swap3A_836], %div3A {strides = array<i32>} : memref<632x16xf32, #tpu.memory_space<vmem>>, vector<16xf32>,
      %bitcast3A = vector.bitcast %add3A_835 : vector<16xf32> to vector<16xi32>
      %shift_right_logical3A = arith.shrui %bitcast3A, %broadcast_in_dim3A_551 : vector<16xi32>
      %sub3A = arith.subi %broadcast_in_dim3A_549, %shift_right_logical3A : vector<16xi32>
      %bitcast3A_838 = vector.bitcast %sub3A : vector<16xi32> to vector<16xf32>
      %mul3A_839 = arith.mulf %broadcast_in_dim3A_555, %add3A_835 : vector<16xf32>
      %mul3A_840 = arith.mulf %mul3A_839, %bitcast3A_838 : vector<16xf32>
      %mul3A_841 = arith.mulf %mul3A_840, %bitcast3A_838 : vector<16xf32>
      %sub3A_842 = arith.subf %broadcast_in_dim3A_553, %mul3A_841 : vector<16xf32>
      %mul3A_843 = arith.mulf %bitcast3A_838, %sub3A_842 : vector<16xf32>
      %mul3A_844 = arith.mulf %mul3A_839, %mul3A_843 : vector<16xf32>
      %mul3A_845 = arith.mulf %mul3A_844, %mul3A_843 : vector<16xf32>
      %sub3A_846 = arith.subf %broadcast_in_dim3A_553, %mul3A_845 : vector<16xf32>
      %mul3A_847 = arith.mulf %mul3A_843, %sub3A_846 : vector<16xf32>
      %mul3A_848 = arith.mulf %mul3A_839, %mul3A_847 : vector<16xf32>
      %mul3A_849 = arith.mulf %mul3A_848, %mul3A_847 : vector<16xf32>
      %sub3A_850 = arith.subf %broadcast_in_dim3A_553, %mul3A_849 : vector<16xf32>
      %mul3A_851 = arith.mulf %mul3A_847, %sub3A_850 : vector<16xf32>
      %get3A_852 = arith.index_cast %add3A_831 : i32 to index
      %get3A_853 = arith.constant 0 : index
      %get3A_854 = tpu.vector_load %arg16[%get3A_852, %get3A_853] {strides = array<i32>} : memref<632x16xf32, #tpu.memory_space<vmem>>, vector<16xf32>,
      %mul3A_855 = arith.mulf %get3A_854, %mul3A_851 : vector<16xf32>
      %swap3A_856 = arith.index_cast %add3A_831 : i32 to index
      %swap3A_857 = arith.constant 0 : index
      %swap3A_858 = tpu.vector_load %arg16[%swap3A_856, %swap3A_857] {strides = array<i32>} : memref<632x16xf32, #tpu.memory_space<vmem>>, vector<16xf32>,
      tpu.vector_store %arg16[%swap3A_856, %swap3A_857], %mul3A_855 {strides = array<i32>} : memref<632x16xf32, #tpu.memory_space<vmem>>, vector<16xf32>,
    }
    %scan3A_560 = arith.constant 632 : i32
    "tpu.region"() ({
      %run_scoped3A_827 = tpu.sem_alloc : memref<!tpu.dma_semaphore, #tpu.memory_space<semaphore_mem>>
      %dma_start3A_828 = arith.constant 0 : i32
      %dma_start3A_829 = tpu.memref_slice %arg9[%mul3A_0, %dma_start3A_828] : memref<10112x16xf32, #tpu.memory_space<vmem_shared>> -> memref<632x16xf32, #tpu.memory_space<vmem_shared>>
      %dma_start3A_830 = arith.constant 0 : i32
      %dma_start3A_831 = tpu.memref_slice %arg9[%mul3A_0, %dma_start3A_830] : memref<10112x16xf32, #tpu.memory_space<vmem_shared>> -> memref<632x16xf32, #tpu.memory_space<vmem_shared>>
      tpu.enqueue_dma source(%arg16 : memref<632x16xf32, #tpu.memory_space<vmem>>) target(%dma_start3A_831 : memref<632x16xf32, #tpu.memory_space<vmem_shared>>) target_semaphore(%run_scoped3A_827 : memref<!tpu.dma_semaphore, #tpu.memory_space<semaphore_mem>>)
      %dma_wait3A_832 = arith.constant 0 : i32
      %dma_wait3A_833 = tpu.memref_slice %arg9[%mul3A_0, %dma_wait3A_832] : memref<10112x16xf32, #tpu.memory_space<vmem_shared>> -> memref<632x16xf32, #tpu.memory_space<vmem_shared>>
      %dma_wait3A_834 = arith.constant 0 : i32
      %dma_wait3A_835 = tpu.memref_slice %arg9[%mul3A_0, %dma_wait3A_834] : memref<10112x16xf32, #tpu.memory_space<vmem_shared>> -> memref<632x16xf32, #tpu.memory_space<vmem_shared>>
      tpu.wait_dma2 semaphore(%run_scoped3A_827 : memref<!tpu.dma_semaphore, #tpu.memory_space<semaphore_mem>>) src(%arg16 : memref<632x16xf32, #tpu.memory_space<vmem>>) dst(%dma_wait3A_835 : memref<632x16xf32, #tpu.memory_space<vmem_shared>>)
      tpu.yield
    }) : () -> ()
    %barrier3A_561 = arith.constant 0 : index
    tpu.barrier barrier_id(%barrier3A_561)
    %dma_start3A = arith.constant 0 : i32
    %dma_start3A_562 = arith.constant 0 : i32
    %dma_start3A_563 = tpu.memref_slice %arg11[%dma_start3A, %dma_start3A_562] : memref<80x256xi32, #tpu.memory_space<vmem>> -> memref<1x256xi32, #tpu.memory_space<vmem>>
    %dma_start3A_564 = tpu.memref_squeeze %dma_start3A_563 : memref<1x256xi32, #tpu.memory_space<vmem>> -> memref<256xi32, #tpu.memory_space<vmem>>
    %dma_start3A_565 = arith.constant 0 : i32
    %dma_start3A_566 = arith.constant 0 : i32
    %dma_start3A_567 = tpu.memref_slice %arg9[%dma_start3A_565, %dma_start3A_566] : memref<10112x16xf32, #tpu.memory_space<vmem_shared>> -> memref<10112x16xf32, #tpu.memory_space<vmem_shared>>
    tpu.enqueue_indirect_dma source(%dma_start3A_567 : memref<10112x16xf32, #tpu.memory_space<vmem_shared>>) target(%arg13 : memref<256x16xf32, #tpu.memory_space<vmem>>) offsets(%dma_start3A_564 : memref<256xi32, #tpu.memory_space<vmem>>) semaphore(%arg20 : memref<!tpu.dma_semaphore, #tpu.memory_space<semaphore_mem>>)
    %scan3A_568 = arith.constant 0 : i32
    %scan3A_569 = arith.constant 39 : i32
    %scan3A_570 = arith.addi %scan3A_568, %scan3A_569 : i32
    %scan3A_571 = arith.constant 1 : i32
    scf.for %scan3A_827 = %scan3A_568 to %scan3A_570 step %scan3A_571  : i32 {
      %mul3A_828 = arith.constant 2 : i32
      %mul3A_829 = arith.muli %scan3A_827, %mul3A_828 : i32
      %add3A_830 = arith.constant 0 : i32
      %add3A_831 = arith.addi %add3A_830, %mul3A_829 : i32
      %add3A_832 = arith.constant 1 : i32
      %add3A_833 = arith.addi %add3A_831, %add3A_832 : i32
      %dma_start3A_834 = arith.constant 0 : i32
      %dma_start3A_835 = tpu.memref_slice %arg11[%add3A_833, %dma_start3A_834] : memref<80x256xi32, #tpu.memory_space<vmem>> -> memref<1x256xi32, #tpu.memory_space<vmem>>
      %dma_start3A_836 = tpu.memref_squeeze %dma_start3A_835 : memref<1x256xi32, #tpu.memory_space<vmem>> -> memref<256xi32, #tpu.memory_space<vmem>>
      %dma_start3A_837 = arith.constant 0 : i32
      %dma_start3A_838 = arith.constant 0 : i32
      %dma_start3A_839 = tpu.memref_slice %arg9[%dma_start3A_837, %dma_start3A_838] : memref<10112x16xf32, #tpu.memory_space<vmem_shared>> -> memref<10112x16xf32, #tpu.memory_space<vmem_shared>>
      tpu.enqueue_indirect_dma source(%dma_start3A_839 : memref<10112x16xf32, #tpu.memory_space<vmem_shared>>) target(%arg14 : memref<256x16xf32, #tpu.memory_space<vmem>>) offsets(%dma_start3A_836 : memref<256xi32, #tpu.memory_space<vmem>>) semaphore(%arg21 : memref<!tpu.dma_semaphore, #tpu.memory_space<semaphore_mem>>)
      %dma_wait3A_840 = arith.constant 0 : i32
      %dma_wait3A_841 = tpu.memref_slice %arg11[%add3A_831, %dma_wait3A_840] : memref<80x256xi32, #tpu.memory_space<vmem>> -> memref<1x256xi32, #tpu.memory_space<vmem>>
      %dma_wait3A_842 = tpu.memref_squeeze %dma_wait3A_841 : memref<1x256xi32, #tpu.memory_space<vmem>> -> memref<256xi32, #tpu.memory_space<vmem>>
      %dma_wait3A_843 = arith.constant 0 : i32
      %dma_wait3A_844 = arith.constant 0 : i32
      %dma_wait3A_845 = tpu.memref_slice %arg9[%dma_wait3A_843, %dma_wait3A_844] : memref<10112x16xf32, #tpu.memory_space<vmem_shared>> -> memref<10112x16xf32, #tpu.memory_space<vmem_shared>>
      tpu.wait_indirect_dma semaphore(%arg20 : memref<!tpu.dma_semaphore, #tpu.memory_space<semaphore_mem>>) src(%dma_wait3A_845 : memref<10112x16xf32, #tpu.memory_space<vmem_shared>>) dst(%arg13 : memref<256x16xf32, #tpu.memory_space<vmem>>)
      "tpu.region"() ({
        %run_scoped3A_864 = tpu.sem_alloc : memref<!tpu.dma_semaphore, #tpu.memory_space<semaphore_mem>>
        %dma_start3A_865 = arith.constant 0 : i32
        %dma_start3A_866 = tpu.memref_slice %arg12[%add3A_831, %dma_start3A_865] : memref<80x256xi32, #tpu.memory_space<vmem>> -> memref<1x256xi32, #tpu.memory_space<vmem>>
        %dma_start3A_867 = tpu.memref_squeeze %dma_start3A_866 : memref<1x256xi32, #tpu.memory_space<vmem>> -> memref<256xi32, #tpu.memory_space<vmem>>
        %dma_start3A_868 = arith.constant 0 : i32
        %dma_start3A_869 = arith.constant 0 : i32
        %dma_start3A_870 = tpu.memref_slice %arg10[%dma_start3A_868, %dma_start3A_869] : memref<10112x16xf32, #tpu.memory_space<vmem_shared>> -> memref<10112x16xf32, #tpu.memory_space<vmem_shared>>
        tpu.enqueue_indirect_dma source(%arg13 : memref<256x16xf32, #tpu.memory_space<vmem>>) target(%dma_start3A_870 : memref<10112x16xf32, #tpu.memory_space<vmem_shared>>) offsets(%dma_start3A_867 : memref<256xi32, #tpu.memory_space<vmem>>) semaphore(%run_scoped3A_864 : memref<!tpu.dma_semaphore, #tpu.memory_space<semaphore_mem>>) {add = true}
        %dma_wait3A_871 = arith.constant 0 : i32
        %dma_wait3A_872 = tpu.memref_slice %arg12[%add3A_831, %dma_wait3A_871] : memref<80x256xi32, #tpu.memory_space<vmem>> -> memref<1x256xi32, #tpu.memory_space<vmem>>
        %dma_wait3A_873 = tpu.memref_squeeze %dma_wait3A_872 : memref<1x256xi32, #tpu.memory_space<vmem>> -> memref<256xi32, #tpu.memory_space<vmem>>
        %dma_wait3A_874 = arith.constant 0 : i32
        %dma_wait3A_875 = arith.constant 0 : i32
        %dma_wait3A_876 = tpu.memref_slice %arg10[%dma_wait3A_874, %dma_wait3A_875] : memref<10112x16xf32, #tpu.memory_space<vmem_shared>> -> memref<10112x16xf32, #tpu.memory_space<vmem_shared>>
        tpu.wait_indirect_dma semaphore(%run_scoped3A_864 : memref<!tpu.dma_semaphore, #tpu.memory_space<semaphore_mem>>) src(%arg13 : memref<256x16xf32, #tpu.memory_space<vmem>>) dst(%dma_wait3A_876 : memref<10112x16xf32, #tpu.memory_space<vmem_shared>>)
        tpu.yield
      }) : () -> ()
      %add3A_846 = arith.constant 2 : i32
      %add3A_847 = arith.addi %add3A_831, %add3A_846 : i32
      %dma_start3A_848 = arith.constant 0 : i32
      %dma_start3A_849 = tpu.memref_slice %arg11[%add3A_847, %dma_start3A_848] : memref<80x256xi32, #tpu.memory_space<vmem>> -> memref<1x256xi32, #tpu.memory_space<vmem>>
      %dma_start3A_850 = tpu.memref_squeeze %dma_start3A_849 : memref<1x256xi32, #tpu.memory_space<vmem>> -> memref<256xi32, #tpu.memory_space<vmem>>
      %dma_start3A_851 = arith.constant 0 : i32
      %dma_start3A_852 = arith.constant 0 : i32
      %dma_start3A_853 = tpu.memref_slice %arg9[%dma_start3A_851, %dma_start3A_852] : memref<10112x16xf32, #tpu.memory_space<vmem_shared>> -> memref<10112x16xf32, #tpu.memory_space<vmem_shared>>
      tpu.enqueue_indirect_dma source(%dma_start3A_853 : memref<10112x16xf32, #tpu.memory_space<vmem_shared>>) target(%arg13 : memref<256x16xf32, #tpu.memory_space<vmem>>) offsets(%dma_start3A_850 : memref<256xi32, #tpu.memory_space<vmem>>) semaphore(%arg20 : memref<!tpu.dma_semaphore, #tpu.memory_space<semaphore_mem>>)
      %add3A_854 = arith.constant 1 : i32
      %add3A_855 = arith.addi %add3A_831, %add3A_854 : i32
      %dma_wait3A_856 = arith.constant 0 : i32
      %dma_wait3A_857 = tpu.memref_slice %arg11[%add3A_855, %dma_wait3A_856] : memref<80x256xi32, #tpu.memory_space<vmem>> -> memref<1x256xi32, #tpu.memory_space<vmem>>
      %dma_wait3A_858 = tpu.memref_squeeze %dma_wait3A_857 : memref<1x256xi32, #tpu.memory_space<vmem>> -> memref<256xi32, #tpu.memory_space<vmem>>
      %dma_wait3A_859 = arith.constant 0 : i32
      %dma_wait3A_860 = arith.constant 0 : i32
      %dma_wait3A_861 = tpu.memref_slice %arg9[%dma_wait3A_859, %dma_wait3A_860] : memref<10112x16xf32, #tpu.memory_space<vmem_shared>> -> memref<10112x16xf32, #tpu.memory_space<vmem_shared>>
      tpu.wait_indirect_dma semaphore(%arg21 : memref<!tpu.dma_semaphore, #tpu.memory_space<semaphore_mem>>) src(%dma_wait3A_861 : memref<10112x16xf32, #tpu.memory_space<vmem_shared>>) dst(%arg14 : memref<256x16xf32, #tpu.memory_space<vmem>>)
      %add3A_862 = arith.constant 1 : i32
      %add3A_863 = arith.addi %add3A_831, %add3A_862 : i32
      "tpu.region"() ({
        %run_scoped3A_864 = tpu.sem_alloc : memref<!tpu.dma_semaphore, #tpu.memory_space<semaphore_mem>>
        %dma_start3A_865 = arith.constant 0 : i32
        %dma_start3A_866 = tpu.memref_slice %arg12[%add3A_863, %dma_start3A_865] : memref<80x256xi32, #tpu.memory_space<vmem>> -> memref<1x256xi32, #tpu.memory_space<vmem>>
        %dma_start3A_867 = tpu.memref_squeeze %dma_start3A_866 : memref<1x256xi32, #tpu.memory_space<vmem>> -> memref<256xi32, #tpu.memory_space<vmem>>
        %dma_start3A_868 = arith.constant 0 : i32
        %dma_start3A_869 = arith.constant 0 : i32
        %dma_start3A_870 = tpu.memref_slice %arg10[%dma_start3A_868, %dma_start3A_869] : memref<10112x16xf32, #tpu.memory_space<vmem_shared>> -> memref<10112x16xf32, #tpu.memory_space<vmem_shared>>
        tpu.enqueue_indirect_dma source(%arg14 : memref<256x16xf32, #tpu.memory_space<vmem>>) target(%dma_start3A_870 : memref<10112x16xf32, #tpu.memory_space<vmem_shared>>) offsets(%dma_start3A_867 : memref<256xi32, #tpu.memory_space<vmem>>) semaphore(%run_scoped3A_864 : memref<!tpu.dma_semaphore, #tpu.memory_space<semaphore_mem>>) {add = true}
        %dma_wait3A_871 = arith.constant 0 : i32
        %dma_wait3A_872 = tpu.memref_slice %arg12[%add3A_863, %dma_wait3A_871] : memref<80x256xi32, #tpu.memory_space<vmem>> -> memref<1x256xi32, #tpu.memory_space<vmem>>
        %dma_wait3A_873 = tpu.memref_squeeze %dma_wait3A_872 : memref<1x256xi32, #tpu.memory_space<vmem>> -> memref<256xi32, #tpu.memory_space<vmem>>
        %dma_wait3A_874 = arith.constant 0 : i32
        %dma_wait3A_875 = arith.constant 0 : i32
        %dma_wait3A_876 = tpu.memref_slice %arg10[%dma_wait3A_874, %dma_wait3A_875] : memref<10112x16xf32, #tpu.memory_space<vmem_shared>> -> memref<10112x16xf32, #tpu.memory_space<vmem_shared>>
        tpu.wait_indirect_dma semaphore(%run_scoped3A_864 : memref<!tpu.dma_semaphore, #tpu.memory_space<semaphore_mem>>) src(%arg14 : memref<256x16xf32, #tpu.memory_space<vmem>>) dst(%dma_wait3A_876 : memref<10112x16xf32, #tpu.memory_space<vmem_shared>>)
        tpu.yield
      }) : () -> ()
    }
    %scan3A_572 = arith.constant 39 : i32
    %dma_start3A_573 = arith.constant 79 : i32
    %dma_start3A_574 = arith.constant 0 : i32
    %dma_start3A_575 = tpu.memref_slice %arg11[%dma_start3A_573, %dma_start3A_574] : memref<80x256xi32, #tpu.memory_space<vmem>> -> memref<1x256xi32, #tpu.memory_space<vmem>>
    %dma_start3A_576 = tpu.memref_squeeze %dma_start3A_575 : memref<1x256xi32, #tpu.memory_space<vmem>> -> memref<256xi32, #tpu.memory_space<vmem>>
    %dma_start3A_577 = arith.constant 0 : i32
    %dma_start3A_578 = arith.constant 0 : i32
    %dma_start3A_579 = tpu.memref_slice %arg9[%dma_start3A_577, %dma_start3A_578] : memref<10112x16xf32, #tpu.memory_space<vmem_shared>> -> memref<10112x16xf32, #tpu.memory_space<vmem_shared>>
    tpu.enqueue_indirect_dma source(%dma_start3A_579 : memref<10112x16xf32, #tpu.memory_space<vmem_shared>>) target(%arg14 : memref<256x16xf32, #tpu.memory_space<vmem>>) offsets(%dma_start3A_576 : memref<256xi32, #tpu.memory_space<vmem>>) semaphore(%arg21 : memref<!tpu.dma_semaphore, #tpu.memory_space<semaphore_mem>>)
    %dma_wait3A = arith.constant 78 : i32
    %dma_wait3A_580 = arith.constant 0 : i32
    %dma_wait3A_581 = tpu.memref_slice %arg11[%dma_wait3A, %dma_wait3A_580] : memref<80x256xi32, #tpu.memory_space<vmem>> -> memref<1x256xi32, #tpu.memory_space<vmem>>
    %dma_wait3A_582 = tpu.memref_squeeze %dma_wait3A_581 : memref<1x256xi32, #tpu.memory_space<vmem>> -> memref<256xi32, #tpu.memory_space<vmem>>
    %dma_wait3A_583 = arith.constant 0 : i32
    %dma_wait3A_584 = arith.constant 0 : i32
    %dma_wait3A_585 = tpu.memref_slice %arg9[%dma_wait3A_583, %dma_wait3A_584] : memref<10112x16xf32, #tpu.memory_space<vmem_shared>> -> memref<10112x16xf32, #tpu.memory_space<vmem_shared>>
    tpu.wait_indirect_dma semaphore(%arg20 : memref<!tpu.dma_semaphore, #tpu.memory_space<semaphore_mem>>) src(%dma_wait3A_585 : memref<10112x16xf32, #tpu.memory_space<vmem_shared>>) dst(%arg13 : memref<256x16xf32, #tpu.memory_space<vmem>>)
    %run_scoped3A = arith.constant 78 : i32
    "tpu.region"() ({
      %run_scoped3A_827 = tpu.sem_alloc : memref<!tpu.dma_semaphore, #tpu.memory_space<semaphore_mem>>
      %dma_start3A_828 = arith.constant 0 : i32
      %dma_start3A_829 = tpu.memref_slice %arg12[%run_scoped3A, %dma_start3A_828] : memref<80x256xi32, #tpu.memory_space<vmem>> -> memref<1x256xi32, #tpu.memory_space<vmem>>
      %dma_start3A_830 = tpu.memref_squeeze %dma_start3A_829 : memref<1x256xi32, #tpu.memory_space<vmem>> -> memref<256xi32, #tpu.memory_space<vmem>>
      %dma_start3A_831 = arith.constant 0 : i32
      %dma_start3A_832 = arith.constant 0 : i32
      %dma_start3A_833 = tpu.memref_slice %arg10[%dma_start3A_831, %dma_start3A_832] : memref<10112x16xf32, #tpu.memory_space<vmem_shared>> -> memref<10112x16xf32, #tpu.memory_space<vmem_shared>>
      tpu.enqueue_indirect_dma source(%arg13 : memref<256x16xf32, #tpu.memory_space<vmem>>) target(%dma_start3A_833 : memref<10112x16xf32, #tpu.memory_space<vmem_shared>>) offsets(%dma_start3A_830 : memref<256xi32, #tpu.memory_space<vmem>>) semaphore(%run_scoped3A_827 : memref<!tpu.dma_semaphore, #tpu.memory_space<semaphore_mem>>) {add = true}
      %dma_wait3A_834 = arith.constant 0 : i32
      %dma_wait3A_835 = tpu.memref_slice %arg12[%run_scoped3A, %dma_wait3A_834] : memref<80x256xi32, #tpu.memory_space<vmem>> -> memref<1x256xi32, #tpu.memory_space<vmem>>
      %dma_wait3A_836 = tpu.memref_squeeze %dma_wait3A_835 : memref<1x256xi32, #tpu.memory_space<vmem>> -> memref<256xi32, #tpu.memory_space<vmem>>
      %dma_wait3A_837 = arith.constant 0 : i32
      %dma_wait3A_838 = arith.constant 0 : i32
      %dma_wait3A_839 = tpu.memref_slice %arg10[%dma_wait3A_837, %dma_wait3A_838] : memref<10112x16xf32, #tpu.memory_space<vmem_shared>> -> memref<10112x16xf32, #tpu.memory_space<vmem_shared>>
      tpu.wait_indirect_dma semaphore(%run_scoped3A_827 : memref<!tpu.dma_semaphore, #tpu.memory_space<semaphore_mem>>) src(%arg13 : memref<256x16xf32, #tpu.memory_space<vmem>>) dst(%dma_wait3A_839 : memref<10112x16xf32, #tpu.memory_space<vmem_shared>>)
      tpu.yield
    }) : () -> ()
    %dma_wait3A_586 = arith.constant 79 : i32
    %dma_wait3A_587 = arith.constant 0 : i32
    %dma_wait3A_588 = tpu.memref_slice %arg11[%dma_wait3A_586, %dma_wait3A_587] : memref<80x256xi32, #tpu.memory_space<vmem>> -> memref<1x256xi32, #tpu.memory_space<vmem>>
    %dma_wait3A_589 = tpu.memref_squeeze %dma_wait3A_588 : memref<1x256xi32, #tpu.memory_space<vmem>> -> memref<256xi32, #tpu.memory_space<vmem>>
    %dma_wait3A_590 = arith.constant 0 : i32
    %dma_wait3A_591 = arith.constant 0 : i32
    %dma_wait3A_592 = tpu.memref_slice %arg9[%dma_wait3A_590, %dma_wait3A_591] : memref<10112x16xf32, #tpu.memory_space<vmem_shared>> -> memref<10112x16xf32, #tpu.memory_space<vmem_shared>>
    tpu.wait_indirect_dma semaphore(%arg21 : memref<!tpu.dma_semaphore, #tpu.memory_space<semaphore_mem>>) src(%dma_wait3A_592 : memref<10112x16xf32, #tpu.memory_space<vmem_shared>>) dst(%arg14 : memref<256x16xf32, #tpu.memory_space<vmem>>)
    %run_scoped3A_593 = arith.constant 79 : i32
    "tpu.region"() ({
      %run_scoped3A_827 = tpu.sem_alloc : memref<!tpu.dma_semaphore, #tpu.memory_space<semaphore_mem>>
      %dma_start3A_828 = arith.constant 0 : i32
      %dma_start3A_829 = tpu.memref_slice %arg12[%run_scoped3A_593, %dma_start3A_828] : memref<80x256xi32, #tpu.memory_space<vmem>> -> memref<1x256xi32, #tpu.memory_space<vmem>>
      %dma_start3A_830 = tpu.memref_squeeze %dma_start3A_829 : memref<1x256xi32, #tpu.memory_space<vmem>> -> memref<256xi32, #tpu.memory_space<vmem>>
      %dma_start3A_831 = arith.constant 0 : i32
      %dma_start3A_832 = arith.constant 0 : i32
      %dma_start3A_833 = tpu.memref_slice %arg10[%dma_start3A_831, %dma_start3A_832] : memref<10112x16xf32, #tpu.memory_space<vmem_shared>> -> memref<10112x16xf32, #tpu.memory_space<vmem_shared>>
      tpu.enqueue_indirect_dma source(%arg14 : memref<256x16xf32, #tpu.memory_space<vmem>>) target(%dma_start3A_833 : memref<10112x16xf32, #tpu.memory_space<vmem_shared>>) offsets(%dma_start3A_830 : memref<256xi32, #tpu.memory_space<vmem>>) semaphore(%run_scoped3A_827 : memref<!tpu.dma_semaphore, #tpu.memory_space<semaphore_mem>>) {add = true}
      %dma_wait3A_834 = arith.constant 0 : i32
      %dma_wait3A_835 = tpu.memref_slice %arg12[%run_scoped3A_593, %dma_wait3A_834] : memref<80x256xi32, #tpu.memory_space<vmem>> -> memref<1x256xi32, #tpu.memory_space<vmem>>
      %dma_wait3A_836 = tpu.memref_squeeze %dma_wait3A_835 : memref<1x256xi32, #tpu.memory_space<vmem>> -> memref<256xi32, #tpu.memory_space<vmem>>
      %dma_wait3A_837 = arith.constant 0 : i32
      %dma_wait3A_838 = arith.constant 0 : i32
      %dma_wait3A_839 = tpu.memref_slice %arg10[%dma_wait3A_837, %dma_wait3A_838] : memref<10112x16xf32, #tpu.memory_space<vmem_shared>> -> memref<10112x16xf32, #tpu.memory_space<vmem_shared>>
      tpu.wait_indirect_dma semaphore(%run_scoped3A_827 : memref<!tpu.dma_semaphore, #tpu.memory_space<semaphore_mem>>) src(%arg14 : memref<256x16xf32, #tpu.memory_space<vmem>>) dst(%dma_wait3A_839 : memref<10112x16xf32, #tpu.memory_space<vmem_shared>>)
      tpu.yield
    }) : () -> ()
    %barrier3A_594 = arith.constant 0 : index
    tpu.barrier barrier_id(%barrier3A_594)
    "tpu.region"() ({
      %run_scoped3A_827 = tpu.sem_alloc : memref<!tpu.dma_semaphore, #tpu.memory_space<semaphore_mem>>
      %dma_start3A_828 = arith.constant 0 : i32
      %dma_start3A_829 = tpu.memref_slice %arg10[%mul3A_0, %dma_start3A_828] : memref<10112x16xf32, #tpu.memory_space<vmem_shared>> -> memref<632x16xf32, #tpu.memory_space<vmem_shared>>
      %dma_start3A_830 = arith.constant 0 : i32
      %dma_start3A_831 = tpu.memref_slice %arg10[%mul3A_0, %dma_start3A_830] : memref<10112x16xf32, #tpu.memory_space<vmem_shared>> -> memref<632x16xf32, #tpu.memory_space<vmem_shared>>
      tpu.enqueue_dma source(%dma_start3A_831 : memref<632x16xf32, #tpu.memory_space<vmem_shared>>) target(%arg15 : memref<632x16xf32, #tpu.memory_space<vmem>>) target_semaphore(%run_scoped3A_827 : memref<!tpu.dma_semaphore, #tpu.memory_space<semaphore_mem>>)
      %dma_wait3A_832 = arith.constant 0 : i32
      %dma_wait3A_833 = tpu.memref_slice %arg10[%mul3A_0, %dma_wait3A_832] : memref<10112x16xf32, #tpu.memory_space<vmem_shared>> -> memref<632x16xf32, #tpu.memory_space<vmem_shared>>
      %dma_wait3A_834 = arith.constant 0 : i32
      %dma_wait3A_835 = tpu.memref_slice %arg10[%mul3A_0, %dma_wait3A_834] : memref<10112x16xf32, #tpu.memory_space<vmem_shared>> -> memref<632x16xf32, #tpu.memory_space<vmem_shared>>
      tpu.wait_dma2 semaphore(%run_scoped3A_827 : memref<!tpu.dma_semaphore, #tpu.memory_space<semaphore_mem>>) src(%dma_wait3A_835 : memref<632x16xf32, #tpu.memory_space<vmem_shared>>) dst(%arg15 : memref<632x16xf32, #tpu.memory_space<vmem>>)
      tpu.yield
    }) : () -> ()
    %scan3A_595 = arith.constant 0 : i32
    %scan3A_596 = arith.constant 158 : i32
    %scan3A_597 = arith.addi %scan3A_595, %scan3A_596 : i32
    %scan3A_598 = arith.constant 1 : i32
    scf.for %scan3A_827 = %scan3A_595 to %scan3A_597 step %scan3A_598  : i32 {
      %mul3A_828 = arith.constant 4 : i32
      %mul3A_829 = arith.muli %scan3A_827, %mul3A_828 : i32
      %add3A_830 = arith.constant 0 : i32
      %add3A_831 = arith.addi %add3A_830, %mul3A_829 : i32
      %add3A_832 = arith.constant 0 : i32
      %add3A_833 = arith.addi %add3A_831, %add3A_832 : i32
      %get3A_834 = arith.index_cast %add3A_833 : i32 to index
      %get3A_835 = arith.constant 0 : index
      %get3A_836 = tpu.vector_load %arg17[%get3A_834, %get3A_835] {strides = array<i32>} : memref<632x16xf32, #tpu.memory_space<vmem>>, vector<16xf32>,
      %add3A_837 = arith.constant 0 : i32
      %add3A_838 = arith.addi %add3A_831, %add3A_837 : i32
      %get3A_839 = arith.index_cast %add3A_838 : i32 to index
      %get3A_840 = arith.constant 0 : index
      %get3A_841 = tpu.vector_load %arg15[%get3A_839, %get3A_840] {strides = array<i32>} : memref<632x16xf32, #tpu.memory_space<vmem>>, vector<16xf32>,
      %add3A_842 = arith.constant 0 : i32
      %add3A_843 = arith.addi %add3A_831, %add3A_842 : i32
      %get3A_844 = arith.index_cast %add3A_843 : i32 to index
      %get3A_845 = arith.constant 0 : index
      %get3A_846 = tpu.vector_load %arg16[%get3A_844, %get3A_845] {strides = array<i32>} : memref<632x16xf32, #tpu.memory_space<vmem>>, vector<16xf32>,
      %add3A_847 = arith.addf %get3A_841, %get3A_846 : vector<16xf32>
      %mul3A_848 = arith.mulf %get3A_836, %add3A_847 : vector<16xf32>
      %add3A_849 = arith.constant 0 : i32
      %add3A_850 = arith.addi %add3A_831, %add3A_849 : i32
      %swap3A = arith.index_cast %add3A_850 : i32 to index
      %swap3A_851 = arith.constant 0 : index
      %swap3A_852 = tpu.vector_load %arg16[%swap3A, %swap3A_851] {strides = array<i32>} : memref<632x16xf32, #tpu.memory_space<vmem>>, vector<16xf32>,
      tpu.vector_store %arg16[%swap3A, %swap3A_851], %mul3A_848 {strides = array<i32>} : memref<632x16xf32, #tpu.memory_space<vmem>>, vector<16xf32>,
      %add3A_853 = arith.constant 1 : i32
      %add3A_854 = arith.addi %add3A_831, %add3A_853 : i32
      %get3A_855 = arith.index_cast %add3A_854 : i32 to index
      %get3A_856 = arith.constant 0 : index
      %get3A_857 = tpu.vector_load %arg17[%get3A_855, %get3A_856] {strides = array<i32>} : memref<632x16xf32, #tpu.memory_space<vmem>>, vector<16xf32>,
      %add3A_858 = arith.constant 1 : i32
      %add3A_859 = arith.addi %add3A_831, %add3A_858 : i32
      %get3A_860 = arith.index_cast %add3A_859 : i32 to index
      %get3A_861 = arith.constant 0 : index
      %get3A_862 = tpu.vector_load %arg15[%get3A_860, %get3A_861] {strides = array<i32>} : memref<632x16xf32, #tpu.memory_space<vmem>>, vector<16xf32>,
      %add3A_863 = arith.constant 1 : i32
      %add3A_864 = arith.addi %add3A_831, %add3A_863 : i32
      %get3A_865 = arith.index_cast %add3A_864 : i32 to index
      %get3A_866 = arith.constant 0 : index
      %get3A_867 = tpu.vector_load %arg16[%get3A_865, %get3A_866] {strides = array<i32>} : memref<632x16xf32, #tpu.memory_space<vmem>>, vector<16xf32>,
      %add3A_868 = arith.addf %get3A_862, %get3A_867 : vector<16xf32>
      %mul3A_869 = arith.mulf %get3A_857, %add3A_868 : vector<16xf32>
      %add3A_870 = arith.constant 1 : i32
      %add3A_871 = arith.addi %add3A_831, %add3A_870 : i32
      %swap3A_872 = arith.index_cast %add3A_871 : i32 to index
      %swap3A_873 = arith.constant 0 : index
      %swap3A_874 = tpu.vector_load %arg16[%swap3A_872, %swap3A_873] {strides = array<i32>} : memref<632x16xf32, #tpu.memory_space<vmem>>, vector<16xf32>,
      tpu.vector_store %arg16[%swap3A_872, %swap3A_873], %mul3A_869 {strides = array<i32>} : memref<632x16xf32, #tpu.memory_space<vmem>>, vector<16xf32>,
      %add3A_875 = arith.constant 2 : i32
      %add3A_876 = arith.addi %add3A_831, %add3A_875 : i32
      %get3A_877 = arith.index_cast %add3A_876 : i32 to index
      %get3A_878 = arith.constant 0 : index
      %get3A_879 = tpu.vector_load %arg17[%get3A_877, %get3A_878] {strides = array<i32>} : memref<632x16xf32, #tpu.memory_space<vmem>>, vector<16xf32>,
      %add3A_880 = arith.constant 2 : i32
      %add3A_881 = arith.addi %add3A_831, %add3A_880 : i32
      %get3A_882 = arith.index_cast %add3A_881 : i32 to index
      %get3A_883 = arith.constant 0 : index
      %get3A_884 = tpu.vector_load %arg15[%get3A_882, %get3A_883] {strides = array<i32>} : memref<632x16xf32, #tpu.memory_space<vmem>>, vector<16xf32>,
      %add3A_885 = arith.constant 2 : i32
      %add3A_886 = arith.addi %add3A_831, %add3A_885 : i32
      %get3A_887 = arith.index_cast %add3A_886 : i32 to index
      %get3A_888 = arith.constant 0 : index
      %get3A_889 = tpu.vector_load %arg16[%get3A_887, %get3A_888] {strides = array<i32>} : memref<632x16xf32, #tpu.memory_space<vmem>>, vector<16xf32>,
      %add3A_890 = arith.addf %get3A_884, %get3A_889 : vector<16xf32>
      %mul3A_891 = arith.mulf %get3A_879, %add3A_890 : vector<16xf32>
      %add3A_892 = arith.constant 2 : i32
      %add3A_893 = arith.addi %add3A_831, %add3A_892 : i32
      %swap3A_894 = arith.index_cast %add3A_893 : i32 to index
      %swap3A_895 = arith.constant 0 : index
      %swap3A_896 = tpu.vector_load %arg16[%swap3A_894, %swap3A_895] {strides = array<i32>} : memref<632x16xf32, #tpu.memory_space<vmem>>, vector<16xf32>,
      tpu.vector_store %arg16[%swap3A_894, %swap3A_895], %mul3A_891 {strides = array<i32>} : memref<632x16xf32, #tpu.memory_space<vmem>>, vector<16xf32>,
      %add3A_897 = arith.constant 3 : i32
      %add3A_898 = arith.addi %add3A_831, %add3A_897 : i32
      %get3A_899 = arith.index_cast %add3A_898 : i32 to index
      %get3A_900 = arith.constant 0 : index
      %get3A_901 = tpu.vector_load %arg17[%get3A_899, %get3A_900] {strides = array<i32>} : memref<632x16xf32, #tpu.memory_space<vmem>>, vector<16xf32>,
      %add3A_902 = arith.constant 3 : i32
      %add3A_903 = arith.addi %add3A_831, %add3A_902 : i32
      %get3A_904 = arith.index_cast %add3A_903 : i32 to index
      %get3A_905 = arith.constant 0 : index
      %get3A_906 = tpu.vector_load %arg15[%get3A_904, %get3A_905] {strides = array<i32>} : memref<632x16xf32, #tpu.memory_space<vmem>>, vector<16xf32>,
      %add3A_907 = arith.constant 3 : i32
      %add3A_908 = arith.addi %add3A_831, %add3A_907 : i32
      %get3A_909 = arith.index_cast %add3A_908 : i32 to index
      %get3A_910 = arith.constant 0 : index
      %get3A_911 = tpu.vector_load %arg16[%get3A_909, %get3A_910] {strides = array<i32>} : memref<632x16xf32, #tpu.memory_space<vmem>>, vector<16xf32>,
      %add3A_912 = arith.addf %get3A_906, %get3A_911 : vector<16xf32>
      %mul3A_913 = arith.mulf %get3A_901, %add3A_912 : vector<16xf32>
      %add3A_914 = arith.constant 3 : i32
      %add3A_915 = arith.addi %add3A_831, %add3A_914 : i32
      %swap3A_916 = arith.index_cast %add3A_915 : i32 to index
      %swap3A_917 = arith.constant 0 : index
      %swap3A_918 = tpu.vector_load %arg16[%swap3A_916, %swap3A_917] {strides = array<i32>} : memref<632x16xf32, #tpu.memory_space<vmem>>, vector<16xf32>,
      tpu.vector_store %arg16[%swap3A_916, %swap3A_917], %mul3A_913 {strides = array<i32>} : memref<632x16xf32, #tpu.memory_space<vmem>>, vector<16xf32>,
    }
    %scan3A_599 = arith.constant 158 : i32
    "tpu.region"() ({
      %run_scoped3A_827 = tpu.sem_alloc : memref<!tpu.dma_semaphore, #tpu.memory_space<semaphore_mem>>
      %dma_start3A_828 = arith.constant 0 : i32
      %dma_start3A_829 = tpu.memref_slice %arg9[%mul3A_0, %dma_start3A_828] : memref<10112x16xf32, #tpu.memory_space<vmem_shared>> -> memref<632x16xf32, #tpu.memory_space<vmem_shared>>
      %dma_start3A_830 = arith.constant 0 : i32
      %dma_start3A_831 = tpu.memref_slice %arg9[%mul3A_0, %dma_start3A_830] : memref<10112x16xf32, #tpu.memory_space<vmem_shared>> -> memref<632x16xf32, #tpu.memory_space<vmem_shared>>
      tpu.enqueue_dma source(%arg16 : memref<632x16xf32, #tpu.memory_space<vmem>>) target(%dma_start3A_831 : memref<632x16xf32, #tpu.memory_space<vmem_shared>>) target_semaphore(%run_scoped3A_827 : memref<!tpu.dma_semaphore, #tpu.memory_space<semaphore_mem>>)
      %dma_wait3A_832 = arith.constant 0 : i32
      %dma_wait3A_833 = tpu.memref_slice %arg9[%mul3A_0, %dma_wait3A_832] : memref<10112x16xf32, #tpu.memory_space<vmem_shared>> -> memref<632x16xf32, #tpu.memory_space<vmem_shared>>
      %dma_wait3A_834 = arith.constant 0 : i32
      %dma_wait3A_835 = tpu.memref_slice %arg9[%mul3A_0, %dma_wait3A_834] : memref<10112x16xf32, #tpu.memory_space<vmem_shared>> -> memref<632x16xf32, #tpu.memory_space<vmem_shared>>
      tpu.wait_dma2 semaphore(%run_scoped3A_827 : memref<!tpu.dma_semaphore, #tpu.memory_space<semaphore_mem>>) src(%arg16 : memref<632x16xf32, #tpu.memory_space<vmem>>) dst(%dma_wait3A_835 : memref<632x16xf32, #tpu.memory_space<vmem_shared>>)
      tpu.yield
    }) : () -> ()
    "tpu.region"() ({
      %run_scoped3A_827 = tpu.sem_alloc : memref<!tpu.dma_semaphore, #tpu.memory_space<semaphore_mem>>
      %dma_start3A_828 = arith.constant 0 : i32
      %dma_start3A_829 = tpu.memref_slice %arg10[%mul3A_0, %dma_start3A_828] : memref<10112x16xf32, #tpu.memory_space<vmem_shared>> -> memref<632x16xf32, #tpu.memory_space<vmem_shared>>
      %dma_start3A_830 = arith.constant 0 : i32
      %dma_start3A_831 = tpu.memref_slice %arg10[%mul3A_0, %dma_start3A_830] : memref<10112x16xf32, #tpu.memory_space<vmem_shared>> -> memref<632x16xf32, #tpu.memory_space<vmem_shared>>
      tpu.enqueue_dma source(%arg18 : memref<632x16xf32, #tpu.memory_space<vmem>>) target(%dma_start3A_831 : memref<632x16xf32, #tpu.memory_space<vmem_shared>>) target_semaphore(%run_scoped3A_827 : memref<!tpu.dma_semaphore, #tpu.memory_space<semaphore_mem>>)
      %dma_wait3A_832 = arith.constant 0 : i32
      %dma_wait3A_833 = tpu.memref_slice %arg10[%mul3A_0, %dma_wait3A_832] : memref<10112x16xf32, #tpu.memory_space<vmem_shared>> -> memref<632x16xf32, #tpu.memory_space<vmem_shared>>
      %dma_wait3A_834 = arith.constant 0 : i32
      %dma_wait3A_835 = tpu.memref_slice %arg10[%mul3A_0, %dma_wait3A_834] : memref<10112x16xf32, #tpu.memory_space<vmem_shared>> -> memref<632x16xf32, #tpu.memory_space<vmem_shared>>
      tpu.wait_dma2 semaphore(%run_scoped3A_827 : memref<!tpu.dma_semaphore, #tpu.memory_space<semaphore_mem>>) src(%arg18 : memref<632x16xf32, #tpu.memory_space<vmem>>) dst(%dma_wait3A_835 : memref<632x16xf32, #tpu.memory_space<vmem_shared>>)
      tpu.yield
    }) : () -> ()
    %barrier3A_600 = arith.constant 0 : index
    tpu.barrier barrier_id(%barrier3A_600)
    %dma_start3A_601 = arith.constant 0 : i32
    %dma_start3A_602 = arith.constant 0 : i32
    %dma_start3A_603 = tpu.memref_slice %arg11[%dma_start3A_601, %dma_start3A_602] : memref<80x256xi32, #tpu.memory_space<vmem>> -> memref<1x256xi32, #tpu.memory_space<vmem>>
    %dma_start3A_604 = tpu.memref_squeeze %dma_start3A_603 : memref<1x256xi32, #tpu.memory_space<vmem>> -> memref<256xi32, #tpu.memory_space<vmem>>
    %dma_start3A_605 = arith.constant 0 : i32
    %dma_start3A_606 = arith.constant 0 : i32
    %dma_start3A_607 = tpu.memref_slice %arg9[%dma_start3A_605, %dma_start3A_606] : memref<10112x16xf32, #tpu.memory_space<vmem_shared>> -> memref<10112x16xf32, #tpu.memory_space<vmem_shared>>
    tpu.enqueue_indirect_dma source(%dma_start3A_607 : memref<10112x16xf32, #tpu.memory_space<vmem_shared>>) target(%arg13 : memref<256x16xf32, #tpu.memory_space<vmem>>) offsets(%dma_start3A_604 : memref<256xi32, #tpu.memory_space<vmem>>) semaphore(%arg20 : memref<!tpu.dma_semaphore, #tpu.memory_space<semaphore_mem>>)
    %scan3A_608 = arith.constant 0 : i32
    %scan3A_609 = arith.constant 39 : i32
    %scan3A_610 = arith.addi %scan3A_608, %scan3A_609 : i32
    %scan3A_611 = arith.constant 1 : i32
    scf.for %scan3A_827 = %scan3A_608 to %scan3A_610 step %scan3A_611  : i32 {
      %mul3A_828 = arith.constant 2 : i32
      %mul3A_829 = arith.muli %scan3A_827, %mul3A_828 : i32
      %add3A_830 = arith.constant 0 : i32
      %add3A_831 = arith.addi %add3A_830, %mul3A_829 : i32
      %add3A_832 = arith.constant 1 : i32
      %add3A_833 = arith.addi %add3A_831, %add3A_832 : i32
      %dma_start3A_834 = arith.constant 0 : i32
      %dma_start3A_835 = tpu.memref_slice %arg11[%add3A_833, %dma_start3A_834] : memref<80x256xi32, #tpu.memory_space<vmem>> -> memref<1x256xi32, #tpu.memory_space<vmem>>
      %dma_start3A_836 = tpu.memref_squeeze %dma_start3A_835 : memref<1x256xi32, #tpu.memory_space<vmem>> -> memref<256xi32, #tpu.memory_space<vmem>>
      %dma_start3A_837 = arith.constant 0 : i32
      %dma_start3A_838 = arith.constant 0 : i32
      %dma_start3A_839 = tpu.memref_slice %arg9[%dma_start3A_837, %dma_start3A_838] : memref<10112x16xf32, #tpu.memory_space<vmem_shared>> -> memref<10112x16xf32, #tpu.memory_space<vmem_shared>>
      tpu.enqueue_indirect_dma source(%dma_start3A_839 : memref<10112x16xf32, #tpu.memory_space<vmem_shared>>) target(%arg14 : memref<256x16xf32, #tpu.memory_space<vmem>>) offsets(%dma_start3A_836 : memref<256xi32, #tpu.memory_space<vmem>>) semaphore(%arg21 : memref<!tpu.dma_semaphore, #tpu.memory_space<semaphore_mem>>)
      %dma_wait3A_840 = arith.constant 0 : i32
      %dma_wait3A_841 = tpu.memref_slice %arg11[%add3A_831, %dma_wait3A_840] : memref<80x256xi32, #tpu.memory_space<vmem>> -> memref<1x256xi32, #tpu.memory_space<vmem>>
      %dma_wait3A_842 = tpu.memref_squeeze %dma_wait3A_841 : memref<1x256xi32, #tpu.memory_space<vmem>> -> memref<256xi32, #tpu.memory_space<vmem>>
      %dma_wait3A_843 = arith.constant 0 : i32
      %dma_wait3A_844 = arith.constant 0 : i32
      %dma_wait3A_845 = tpu.memref_slice %arg9[%dma_wait3A_843, %dma_wait3A_844] : memref<10112x16xf32, #tpu.memory_space<vmem_shared>> -> memref<10112x16xf32, #tpu.memory_space<vmem_shared>>
      tpu.wait_indirect_dma semaphore(%arg20 : memref<!tpu.dma_semaphore, #tpu.memory_space<semaphore_mem>>) src(%dma_wait3A_845 : memref<10112x16xf32, #tpu.memory_space<vmem_shared>>) dst(%arg13 : memref<256x16xf32, #tpu.memory_space<vmem>>)
      "tpu.region"() ({
        %run_scoped3A_864 = tpu.sem_alloc : memref<!tpu.dma_semaphore, #tpu.memory_space<semaphore_mem>>
        %dma_start3A_865 = arith.constant 0 : i32
        %dma_start3A_866 = tpu.memref_slice %arg12[%add3A_831, %dma_start3A_865] : memref<80x256xi32, #tpu.memory_space<vmem>> -> memref<1x256xi32, #tpu.memory_space<vmem>>
        %dma_start3A_867 = tpu.memref_squeeze %dma_start3A_866 : memref<1x256xi32, #tpu.memory_space<vmem>> -> memref<256xi32, #tpu.memory_space<vmem>>
        %dma_start3A_868 = arith.constant 0 : i32
        %dma_start3A_869 = arith.constant 0 : i32
        %dma_start3A_870 = tpu.memref_slice %arg10[%dma_start3A_868, %dma_start3A_869] : memref<10112x16xf32, #tpu.memory_space<vmem_shared>> -> memref<10112x16xf32, #tpu.memory_space<vmem_shared>>
        tpu.enqueue_indirect_dma source(%arg13 : memref<256x16xf32, #tpu.memory_space<vmem>>) target(%dma_start3A_870 : memref<10112x16xf32, #tpu.memory_space<vmem_shared>>) offsets(%dma_start3A_867 : memref<256xi32, #tpu.memory_space<vmem>>) semaphore(%run_scoped3A_864 : memref<!tpu.dma_semaphore, #tpu.memory_space<semaphore_mem>>) {add = true}
        %dma_wait3A_871 = arith.constant 0 : i32
        %dma_wait3A_872 = tpu.memref_slice %arg12[%add3A_831, %dma_wait3A_871] : memref<80x256xi32, #tpu.memory_space<vmem>> -> memref<1x256xi32, #tpu.memory_space<vmem>>
        %dma_wait3A_873 = tpu.memref_squeeze %dma_wait3A_872 : memref<1x256xi32, #tpu.memory_space<vmem>> -> memref<256xi32, #tpu.memory_space<vmem>>
        %dma_wait3A_874 = arith.constant 0 : i32
        %dma_wait3A_875 = arith.constant 0 : i32
        %dma_wait3A_876 = tpu.memref_slice %arg10[%dma_wait3A_874, %dma_wait3A_875] : memref<10112x16xf32, #tpu.memory_space<vmem_shared>> -> memref<10112x16xf32, #tpu.memory_space<vmem_shared>>
        tpu.wait_indirect_dma semaphore(%run_scoped3A_864 : memref<!tpu.dma_semaphore, #tpu.memory_space<semaphore_mem>>) src(%arg13 : memref<256x16xf32, #tpu.memory_space<vmem>>) dst(%dma_wait3A_876 : memref<10112x16xf32, #tpu.memory_space<vmem_shared>>)
        tpu.yield
      }) : () -> ()
      %add3A_846 = arith.constant 2 : i32
      %add3A_847 = arith.addi %add3A_831, %add3A_846 : i32
      %dma_start3A_848 = arith.constant 0 : i32
      %dma_start3A_849 = tpu.memref_slice %arg11[%add3A_847, %dma_start3A_848] : memref<80x256xi32, #tpu.memory_space<vmem>> -> memref<1x256xi32, #tpu.memory_space<vmem>>
      %dma_start3A_850 = tpu.memref_squeeze %dma_start3A_849 : memref<1x256xi32, #tpu.memory_space<vmem>> -> memref<256xi32, #tpu.memory_space<vmem>>
      %dma_start3A_851 = arith.constant 0 : i32
      %dma_start3A_852 = arith.constant 0 : i32
      %dma_start3A_853 = tpu.memref_slice %arg9[%dma_start3A_851, %dma_start3A_852] : memref<10112x16xf32, #tpu.memory_space<vmem_shared>> -> memref<10112x16xf32, #tpu.memory_space<vmem_shared>>
      tpu.enqueue_indirect_dma source(%dma_start3A_853 : memref<10112x16xf32, #tpu.memory_space<vmem_shared>>) target(%arg13 : memref<256x16xf32, #tpu.memory_space<vmem>>) offsets(%dma_start3A_850 : memref<256xi32, #tpu.memory_space<vmem>>) semaphore(%arg20 : memref<!tpu.dma_semaphore, #tpu.memory_space<semaphore_mem>>)
      %add3A_854 = arith.constant 1 : i32
      %add3A_855 = arith.addi %add3A_831, %add3A_854 : i32
      %dma_wait3A_856 = arith.constant 0 : i32
      %dma_wait3A_857 = tpu.memref_slice %arg11[%add3A_855, %dma_wait3A_856] : memref<80x256xi32, #tpu.memory_space<vmem>> -> memref<1x256xi32, #tpu.memory_space<vmem>>
      %dma_wait3A_858 = tpu.memref_squeeze %dma_wait3A_857 : memref<1x256xi32, #tpu.memory_space<vmem>> -> memref<256xi32, #tpu.memory_space<vmem>>
      %dma_wait3A_859 = arith.constant 0 : i32
      %dma_wait3A_860 = arith.constant 0 : i32
      %dma_wait3A_861 = tpu.memref_slice %arg9[%dma_wait3A_859, %dma_wait3A_860] : memref<10112x16xf32, #tpu.memory_space<vmem_shared>> -> memref<10112x16xf32, #tpu.memory_space<vmem_shared>>
      tpu.wait_indirect_dma semaphore(%arg21 : memref<!tpu.dma_semaphore, #tpu.memory_space<semaphore_mem>>) src(%dma_wait3A_861 : memref<10112x16xf32, #tpu.memory_space<vmem_shared>>) dst(%arg14 : memref<256x16xf32, #tpu.memory_space<vmem>>)
      %add3A_862 = arith.constant 1 : i32
      %add3A_863 = arith.addi %add3A_831, %add3A_862 : i32
      "tpu.region"() ({
        %run_scoped3A_864 = tpu.sem_alloc : memref<!tpu.dma_semaphore, #tpu.memory_space<semaphore_mem>>
        %dma_start3A_865 = arith.constant 0 : i32
        %dma_start3A_866 = tpu.memref_slice %arg12[%add3A_863, %dma_start3A_865] : memref<80x256xi32, #tpu.memory_space<vmem>> -> memref<1x256xi32, #tpu.memory_space<vmem>>
        %dma_start3A_867 = tpu.memref_squeeze %dma_start3A_866 : memref<1x256xi32, #tpu.memory_space<vmem>> -> memref<256xi32, #tpu.memory_space<vmem>>
        %dma_start3A_868 = arith.constant 0 : i32
        %dma_start3A_869 = arith.constant 0 : i32
        %dma_start3A_870 = tpu.memref_slice %arg10[%dma_start3A_868, %dma_start3A_869] : memref<10112x16xf32, #tpu.memory_space<vmem_shared>> -> memref<10112x16xf32, #tpu.memory_space<vmem_shared>>
        tpu.enqueue_indirect_dma source(%arg14 : memref<256x16xf32, #tpu.memory_space<vmem>>) target(%dma_start3A_870 : memref<10112x16xf32, #tpu.memory_space<vmem_shared>>) offsets(%dma_start3A_867 : memref<256xi32, #tpu.memory_space<vmem>>) semaphore(%run_scoped3A_864 : memref<!tpu.dma_semaphore, #tpu.memory_space<semaphore_mem>>) {add = true}
        %dma_wait3A_871 = arith.constant 0 : i32
        %dma_wait3A_872 = tpu.memref_slice %arg12[%add3A_863, %dma_wait3A_871] : memref<80x256xi32, #tpu.memory_space<vmem>> -> memref<1x256xi32, #tpu.memory_space<vmem>>
        %dma_wait3A_873 = tpu.memref_squeeze %dma_wait3A_872 : memref<1x256xi32, #tpu.memory_space<vmem>> -> memref<256xi32, #tpu.memory_space<vmem>>
        %dma_wait3A_874 = arith.constant 0 : i32
        %dma_wait3A_875 = arith.constant 0 : i32
        %dma_wait3A_876 = tpu.memref_slice %arg10[%dma_wait3A_874, %dma_wait3A_875] : memref<10112x16xf32, #tpu.memory_space<vmem_shared>> -> memref<10112x16xf32, #tpu.memory_space<vmem_shared>>
        tpu.wait_indirect_dma semaphore(%run_scoped3A_864 : memref<!tpu.dma_semaphore, #tpu.memory_space<semaphore_mem>>) src(%arg14 : memref<256x16xf32, #tpu.memory_space<vmem>>) dst(%dma_wait3A_876 : memref<10112x16xf32, #tpu.memory_space<vmem_shared>>)
        tpu.yield
      }) : () -> ()
    }
    %scan3A_612 = arith.constant 39 : i32
    %dma_start3A_613 = arith.constant 79 : i32
    %dma_start3A_614 = arith.constant 0 : i32
    %dma_start3A_615 = tpu.memref_slice %arg11[%dma_start3A_613, %dma_start3A_614] : memref<80x256xi32, #tpu.memory_space<vmem>> -> memref<1x256xi32, #tpu.memory_space<vmem>>
    %dma_start3A_616 = tpu.memref_squeeze %dma_start3A_615 : memref<1x256xi32, #tpu.memory_space<vmem>> -> memref<256xi32, #tpu.memory_space<vmem>>
    %dma_start3A_617 = arith.constant 0 : i32
    %dma_start3A_618 = arith.constant 0 : i32
    %dma_start3A_619 = tpu.memref_slice %arg9[%dma_start3A_617, %dma_start3A_618] : memref<10112x16xf32, #tpu.memory_space<vmem_shared>> -> memref<10112x16xf32, #tpu.memory_space<vmem_shared>>
    tpu.enqueue_indirect_dma source(%dma_start3A_619 : memref<10112x16xf32, #tpu.memory_space<vmem_shared>>) target(%arg14 : memref<256x16xf32, #tpu.memory_space<vmem>>) offsets(%dma_start3A_616 : memref<256xi32, #tpu.memory_space<vmem>>) semaphore(%arg21 : memref<!tpu.dma_semaphore, #tpu.memory_space<semaphore_mem>>)
    %dma_wait3A_620 = arith.constant 78 : i32
    %dma_wait3A_621 = arith.constant 0 : i32
    %dma_wait3A_622 = tpu.memref_slice %arg11[%dma_wait3A_620, %dma_wait3A_621] : memref<80x256xi32, #tpu.memory_space<vmem>> -> memref<1x256xi32, #tpu.memory_space<vmem>>
    %dma_wait3A_623 = tpu.memref_squeeze %dma_wait3A_622 : memref<1x256xi32, #tpu.memory_space<vmem>> -> memref<256xi32, #tpu.memory_space<vmem>>
    %dma_wait3A_624 = arith.constant 0 : i32
    %dma_wait3A_625 = arith.constant 0 : i32
    %dma_wait3A_626 = tpu.memref_slice %arg9[%dma_wait3A_624, %dma_wait3A_625] : memref<10112x16xf32, #tpu.memory_space<vmem_shared>> -> memref<10112x16xf32, #tpu.memory_space<vmem_shared>>
    tpu.wait_indirect_dma semaphore(%arg20 : memref<!tpu.dma_semaphore, #tpu.memory_space<semaphore_mem>>) src(%dma_wait3A_626 : memref<10112x16xf32, #tpu.memory_space<vmem_shared>>) dst(%arg13 : memref<256x16xf32, #tpu.memory_space<vmem>>)
    %run_scoped3A_627 = arith.constant 78 : i32
    "tpu.region"() ({
      %run_scoped3A_827 = tpu.sem_alloc : memref<!tpu.dma_semaphore, #tpu.memory_space<semaphore_mem>>
      %dma_start3A_828 = arith.constant 0 : i32
      %dma_start3A_829 = tpu.memref_slice %arg12[%run_scoped3A_627, %dma_start3A_828] : memref<80x256xi32, #tpu.memory_space<vmem>> -> memref<1x256xi32, #tpu.memory_space<vmem>>
      %dma_start3A_830 = tpu.memref_squeeze %dma_start3A_829 : memref<1x256xi32, #tpu.memory_space<vmem>> -> memref<256xi32, #tpu.memory_space<vmem>>
      %dma_start3A_831 = arith.constant 0 : i32
      %dma_start3A_832 = arith.constant 0 : i32
      %dma_start3A_833 = tpu.memref_slice %arg10[%dma_start3A_831, %dma_start3A_832] : memref<10112x16xf32, #tpu.memory_space<vmem_shared>> -> memref<10112x16xf32, #tpu.memory_space<vmem_shared>>
      tpu.enqueue_indirect_dma source(%arg13 : memref<256x16xf32, #tpu.memory_space<vmem>>) target(%dma_start3A_833 : memref<10112x16xf32, #tpu.memory_space<vmem_shared>>) offsets(%dma_start3A_830 : memref<256xi32, #tpu.memory_space<vmem>>) semaphore(%run_scoped3A_827 : memref<!tpu.dma_semaphore, #tpu.memory_space<semaphore_mem>>) {add = true}
      %dma_wait3A_834 = arith.constant 0 : i32
      %dma_wait3A_835 = tpu.memref_slice %arg12[%run_scoped3A_627, %dma_wait3A_834] : memref<80x256xi32, #tpu.memory_space<vmem>> -> memref<1x256xi32, #tpu.memory_space<vmem>>
      %dma_wait3A_836 = tpu.memref_squeeze %dma_wait3A_835 : memref<1x256xi32, #tpu.memory_space<vmem>> -> memref<256xi32, #tpu.memory_space<vmem>>
      %dma_wait3A_837 = arith.constant 0 : i32
      %dma_wait3A_838 = arith.constant 0 : i32
      %dma_wait3A_839 = tpu.memref_slice %arg10[%dma_wait3A_837, %dma_wait3A_838] : memref<10112x16xf32, #tpu.memory_space<vmem_shared>> -> memref<10112x16xf32, #tpu.memory_space<vmem_shared>>
      tpu.wait_indirect_dma semaphore(%run_scoped3A_827 : memref<!tpu.dma_semaphore, #tpu.memory_space<semaphore_mem>>) src(%arg13 : memref<256x16xf32, #tpu.memory_space<vmem>>) dst(%dma_wait3A_839 : memref<10112x16xf32, #tpu.memory_space<vmem_shared>>)
      tpu.yield
    }) : () -> ()
    %dma_wait3A_628 = arith.constant 79 : i32
    %dma_wait3A_629 = arith.constant 0 : i32
    %dma_wait3A_630 = tpu.memref_slice %arg11[%dma_wait3A_628, %dma_wait3A_629] : memref<80x256xi32, #tpu.memory_space<vmem>> -> memref<1x256xi32, #tpu.memory_space<vmem>>
    %dma_wait3A_631 = tpu.memref_squeeze %dma_wait3A_630 : memref<1x256xi32, #tpu.memory_space<vmem>> -> memref<256xi32, #tpu.memory_space<vmem>>
    %dma_wait3A_632 = arith.constant 0 : i32
    %dma_wait3A_633 = arith.constant 0 : i32
    %dma_wait3A_634 = tpu.memref_slice %arg9[%dma_wait3A_632, %dma_wait3A_633] : memref<10112x16xf32, #tpu.memory_space<vmem_shared>> -> memref<10112x16xf32, #tpu.memory_space<vmem_shared>>
    tpu.wait_indirect_dma semaphore(%arg21 : memref<!tpu.dma_semaphore, #tpu.memory_space<semaphore_mem>>) src(%dma_wait3A_634 : memref<10112x16xf32, #tpu.memory_space<vmem_shared>>) dst(%arg14 : memref<256x16xf32, #tpu.memory_space<vmem>>)
    %run_scoped3A_635 = arith.constant 79 : i32
    "tpu.region"() ({
      %run_scoped3A_827 = tpu.sem_alloc : memref<!tpu.dma_semaphore, #tpu.memory_space<semaphore_mem>>
      %dma_start3A_828 = arith.constant 0 : i32
      %dma_start3A_829 = tpu.memref_slice %arg12[%run_scoped3A_635, %dma_start3A_828] : memref<80x256xi32, #tpu.memory_space<vmem>> -> memref<1x256xi32, #tpu.memory_space<vmem>>
      %dma_start3A_830 = tpu.memref_squeeze %dma_start3A_829 : memref<1x256xi32, #tpu.memory_space<vmem>> -> memref<256xi32, #tpu.memory_space<vmem>>
      %dma_start3A_831 = arith.constant 0 : i32
      %dma_start3A_832 = arith.constant 0 : i32
      %dma_start3A_833 = tpu.memref_slice %arg10[%dma_start3A_831, %dma_start3A_832] : memref<10112x16xf32, #tpu.memory_space<vmem_shared>> -> memref<10112x16xf32, #tpu.memory_space<vmem_shared>>
      tpu.enqueue_indirect_dma source(%arg14 : memref<256x16xf32, #tpu.memory_space<vmem>>) target(%dma_start3A_833 : memref<10112x16xf32, #tpu.memory_space<vmem_shared>>) offsets(%dma_start3A_830 : memref<256xi32, #tpu.memory_space<vmem>>) semaphore(%run_scoped3A_827 : memref<!tpu.dma_semaphore, #tpu.memory_space<semaphore_mem>>) {add = true}
      %dma_wait3A_834 = arith.constant 0 : i32
      %dma_wait3A_835 = tpu.memref_slice %arg12[%run_scoped3A_635, %dma_wait3A_834] : memref<80x256xi32, #tpu.memory_space<vmem>> -> memref<1x256xi32, #tpu.memory_space<vmem>>
      %dma_wait3A_836 = tpu.memref_squeeze %dma_wait3A_835 : memref<1x256xi32, #tpu.memory_space<vmem>> -> memref<256xi32, #tpu.memory_space<vmem>>
      %dma_wait3A_837 = arith.constant 0 : i32
      %dma_wait3A_838 = arith.constant 0 : i32
      %dma_wait3A_839 = tpu.memref_slice %arg10[%dma_wait3A_837, %dma_wait3A_838] : memref<10112x16xf32, #tpu.memory_space<vmem_shared>> -> memref<10112x16xf32, #tpu.memory_space<vmem_shared>>
      tpu.wait_indirect_dma semaphore(%run_scoped3A_827 : memref<!tpu.dma_semaphore, #tpu.memory_space<semaphore_mem>>) src(%arg14 : memref<256x16xf32, #tpu.memory_space<vmem>>) dst(%dma_wait3A_839 : memref<10112x16xf32, #tpu.memory_space<vmem_shared>>)
      tpu.yield
    }) : () -> ()
    %barrier3A_636 = arith.constant 0 : index
    tpu.barrier barrier_id(%barrier3A_636)
    "tpu.region"() ({
      %run_scoped3A_827 = tpu.sem_alloc : memref<!tpu.dma_semaphore, #tpu.memory_space<semaphore_mem>>
      %dma_start3A_828 = arith.constant 0 : i32
      %dma_start3A_829 = tpu.memref_slice %arg10[%mul3A_0, %dma_start3A_828] : memref<10112x16xf32, #tpu.memory_space<vmem_shared>> -> memref<632x16xf32, #tpu.memory_space<vmem_shared>>
      %dma_start3A_830 = arith.constant 0 : i32
      %dma_start3A_831 = tpu.memref_slice %arg10[%mul3A_0, %dma_start3A_830] : memref<10112x16xf32, #tpu.memory_space<vmem_shared>> -> memref<632x16xf32, #tpu.memory_space<vmem_shared>>
      tpu.enqueue_dma source(%dma_start3A_831 : memref<632x16xf32, #tpu.memory_space<vmem_shared>>) target(%arg15 : memref<632x16xf32, #tpu.memory_space<vmem>>) target_semaphore(%run_scoped3A_827 : memref<!tpu.dma_semaphore, #tpu.memory_space<semaphore_mem>>)
      %dma_wait3A_832 = arith.constant 0 : i32
      %dma_wait3A_833 = tpu.memref_slice %arg10[%mul3A_0, %dma_wait3A_832] : memref<10112x16xf32, #tpu.memory_space<vmem_shared>> -> memref<632x16xf32, #tpu.memory_space<vmem_shared>>
      %dma_wait3A_834 = arith.constant 0 : i32
      %dma_wait3A_835 = tpu.memref_slice %arg10[%mul3A_0, %dma_wait3A_834] : memref<10112x16xf32, #tpu.memory_space<vmem_shared>> -> memref<632x16xf32, #tpu.memory_space<vmem_shared>>
      tpu.wait_dma2 semaphore(%run_scoped3A_827 : memref<!tpu.dma_semaphore, #tpu.memory_space<semaphore_mem>>) src(%dma_wait3A_835 : memref<632x16xf32, #tpu.memory_space<vmem_shared>>) dst(%arg15 : memref<632x16xf32, #tpu.memory_space<vmem>>)
      tpu.yield
    }) : () -> ()
    %scan3A_637 = arith.constant 0 : i32
    %scan3A_638 = arith.constant 158 : i32
    %scan3A_639 = arith.addi %scan3A_637, %scan3A_638 : i32
    %scan3A_640 = arith.constant 1 : i32
    scf.for %scan3A_827 = %scan3A_637 to %scan3A_639 step %scan3A_640  : i32 {
      %mul3A_828 = arith.constant 4 : i32
      %mul3A_829 = arith.muli %scan3A_827, %mul3A_828 : i32
      %add3A_830 = arith.constant 0 : i32
      %add3A_831 = arith.addi %add3A_830, %mul3A_829 : i32
      %add3A_832 = arith.constant 0 : i32
      %add3A_833 = arith.addi %add3A_831, %add3A_832 : i32
      %get3A_834 = arith.index_cast %add3A_833 : i32 to index
      %get3A_835 = arith.constant 0 : index
      %get3A_836 = tpu.vector_load %arg17[%get3A_834, %get3A_835] {strides = array<i32>} : memref<632x16xf32, #tpu.memory_space<vmem>>, vector<16xf32>,
      %add3A_837 = arith.constant 0 : i32
      %add3A_838 = arith.addi %add3A_831, %add3A_837 : i32
      %get3A_839 = arith.index_cast %add3A_838 : i32 to index
      %get3A_840 = arith.constant 0 : index
      %get3A_841 = tpu.vector_load %arg15[%get3A_839, %get3A_840] {strides = array<i32>} : memref<632x16xf32, #tpu.memory_space<vmem>>, vector<16xf32>,
      %add3A_842 = arith.constant 0 : i32
      %add3A_843 = arith.addi %add3A_831, %add3A_842 : i32
      %get3A_844 = arith.index_cast %add3A_843 : i32 to index
      %get3A_845 = arith.constant 0 : index
      %get3A_846 = tpu.vector_load %arg16[%get3A_844, %get3A_845] {strides = array<i32>} : memref<632x16xf32, #tpu.memory_space<vmem>>, vector<16xf32>,
      %add3A_847 = arith.addf %get3A_841, %get3A_846 : vector<16xf32>
      %mul3A_848 = arith.mulf %get3A_836, %add3A_847 : vector<16xf32>
      %add3A_849 = arith.constant 0 : i32
      %add3A_850 = arith.addi %add3A_831, %add3A_849 : i32
      %swap3A = arith.index_cast %add3A_850 : i32 to index
      %swap3A_851 = arith.constant 0 : index
      %swap3A_852 = tpu.vector_load %arg16[%swap3A, %swap3A_851] {strides = array<i32>} : memref<632x16xf32, #tpu.memory_space<vmem>>, vector<16xf32>,
      tpu.vector_store %arg16[%swap3A, %swap3A_851], %mul3A_848 {strides = array<i32>} : memref<632x16xf32, #tpu.memory_space<vmem>>, vector<16xf32>,
      %add3A_853 = arith.constant 1 : i32
      %add3A_854 = arith.addi %add3A_831, %add3A_853 : i32
      %get3A_855 = arith.index_cast %add3A_854 : i32 to index
      %get3A_856 = arith.constant 0 : index
      %get3A_857 = tpu.vector_load %arg17[%get3A_855, %get3A_856] {strides = array<i32>} : memref<632x16xf32, #tpu.memory_space<vmem>>, vector<16xf32>,
      %add3A_858 = arith.constant 1 : i32
      %add3A_859 = arith.addi %add3A_831, %add3A_858 : i32
      %get3A_860 = arith.index_cast %add3A_859 : i32 to index
      %get3A_861 = arith.constant 0 : index
      %get3A_862 = tpu.vector_load %arg15[%get3A_860, %get3A_861] {strides = array<i32>} : memref<632x16xf32, #tpu.memory_space<vmem>>, vector<16xf32>,
      %add3A_863 = arith.constant 1 : i32
      %add3A_864 = arith.addi %add3A_831, %add3A_863 : i32
      %get3A_865 = arith.index_cast %add3A_864 : i32 to index
      %get3A_866 = arith.constant 0 : index
      %get3A_867 = tpu.vector_load %arg16[%get3A_865, %get3A_866] {strides = array<i32>} : memref<632x16xf32, #tpu.memory_space<vmem>>, vector<16xf32>,
      %add3A_868 = arith.addf %get3A_862, %get3A_867 : vector<16xf32>
      %mul3A_869 = arith.mulf %get3A_857, %add3A_868 : vector<16xf32>
      %add3A_870 = arith.constant 1 : i32
      %add3A_871 = arith.addi %add3A_831, %add3A_870 : i32
      %swap3A_872 = arith.index_cast %add3A_871 : i32 to index
      %swap3A_873 = arith.constant 0 : index
      %swap3A_874 = tpu.vector_load %arg16[%swap3A_872, %swap3A_873] {strides = array<i32>} : memref<632x16xf32, #tpu.memory_space<vmem>>, vector<16xf32>,
      tpu.vector_store %arg16[%swap3A_872, %swap3A_873], %mul3A_869 {strides = array<i32>} : memref<632x16xf32, #tpu.memory_space<vmem>>, vector<16xf32>,
      %add3A_875 = arith.constant 2 : i32
      %add3A_876 = arith.addi %add3A_831, %add3A_875 : i32
      %get3A_877 = arith.index_cast %add3A_876 : i32 to index
      %get3A_878 = arith.constant 0 : index
      %get3A_879 = tpu.vector_load %arg17[%get3A_877, %get3A_878] {strides = array<i32>} : memref<632x16xf32, #tpu.memory_space<vmem>>, vector<16xf32>,
      %add3A_880 = arith.constant 2 : i32
      %add3A_881 = arith.addi %add3A_831, %add3A_880 : i32
      %get3A_882 = arith.index_cast %add3A_881 : i32 to index
      %get3A_883 = arith.constant 0 : index
      %get3A_884 = tpu.vector_load %arg15[%get3A_882, %get3A_883] {strides = array<i32>} : memref<632x16xf32, #tpu.memory_space<vmem>>, vector<16xf32>,
      %add3A_885 = arith.constant 2 : i32
      %add3A_886 = arith.addi %add3A_831, %add3A_885 : i32
      %get3A_887 = arith.index_cast %add3A_886 : i32 to index
      %get3A_888 = arith.constant 0 : index
      %get3A_889 = tpu.vector_load %arg16[%get3A_887, %get3A_888] {strides = array<i32>} : memref<632x16xf32, #tpu.memory_space<vmem>>, vector<16xf32>,
      %add3A_890 = arith.addf %get3A_884, %get3A_889 : vector<16xf32>
      %mul3A_891 = arith.mulf %get3A_879, %add3A_890 : vector<16xf32>
      %add3A_892 = arith.constant 2 : i32
      %add3A_893 = arith.addi %add3A_831, %add3A_892 : i32
      %swap3A_894 = arith.index_cast %add3A_893 : i32 to index
      %swap3A_895 = arith.constant 0 : index
      %swap3A_896 = tpu.vector_load %arg16[%swap3A_894, %swap3A_895] {strides = array<i32>} : memref<632x16xf32, #tpu.memory_space<vmem>>, vector<16xf32>,
      tpu.vector_store %arg16[%swap3A_894, %swap3A_895], %mul3A_891 {strides = array<i32>} : memref<632x16xf32, #tpu.memory_space<vmem>>, vector<16xf32>,
      %add3A_897 = arith.constant 3 : i32
      %add3A_898 = arith.addi %add3A_831, %add3A_897 : i32
      %get3A_899 = arith.index_cast %add3A_898 : i32 to index
      %get3A_900 = arith.constant 0 : index
      %get3A_901 = tpu.vector_load %arg17[%get3A_899, %get3A_900] {strides = array<i32>} : memref<632x16xf32, #tpu.memory_space<vmem>>, vector<16xf32>,
      %add3A_902 = arith.constant 3 : i32
      %add3A_903 = arith.addi %add3A_831, %add3A_902 : i32
      %get3A_904 = arith.index_cast %add3A_903 : i32 to index
      %get3A_905 = arith.constant 0 : index
      %get3A_906 = tpu.vector_load %arg15[%get3A_904, %get3A_905] {strides = array<i32>} : memref<632x16xf32, #tpu.memory_space<vmem>>, vector<16xf32>,
      %add3A_907 = arith.constant 3 : i32
      %add3A_908 = arith.addi %add3A_831, %add3A_907 : i32
      %get3A_909 = arith.index_cast %add3A_908 : i32 to index
      %get3A_910 = arith.constant 0 : index
      %get3A_911 = tpu.vector_load %arg16[%get3A_909, %get3A_910] {strides = array<i32>} : memref<632x16xf32, #tpu.memory_space<vmem>>, vector<16xf32>,
      %add3A_912 = arith.addf %get3A_906, %get3A_911 : vector<16xf32>
      %mul3A_913 = arith.mulf %get3A_901, %add3A_912 : vector<16xf32>
      %add3A_914 = arith.constant 3 : i32
      %add3A_915 = arith.addi %add3A_831, %add3A_914 : i32
      %swap3A_916 = arith.index_cast %add3A_915 : i32 to index
      %swap3A_917 = arith.constant 0 : index
      %swap3A_918 = tpu.vector_load %arg16[%swap3A_916, %swap3A_917] {strides = array<i32>} : memref<632x16xf32, #tpu.memory_space<vmem>>, vector<16xf32>,
      tpu.vector_store %arg16[%swap3A_916, %swap3A_917], %mul3A_913 {strides = array<i32>} : memref<632x16xf32, #tpu.memory_space<vmem>>, vector<16xf32>,
    }
    %scan3A_641 = arith.constant 158 : i32
    "tpu.region"() ({
      %run_scoped3A_827 = tpu.sem_alloc : memref<!tpu.dma_semaphore, #tpu.memory_space<semaphore_mem>>
      %dma_start3A_828 = arith.constant 0 : i32
      %dma_start3A_829 = tpu.memref_slice %arg9[%mul3A_0, %dma_start3A_828] : memref<10112x16xf32, #tpu.memory_space<vmem_shared>> -> memref<632x16xf32, #tpu.memory_space<vmem_shared>>
      %dma_start3A_830 = arith.constant 0 : i32
      %dma_start3A_831 = tpu.memref_slice %arg9[%mul3A_0, %dma_start3A_830] : memref<10112x16xf32, #tpu.memory_space<vmem_shared>> -> memref<632x16xf32, #tpu.memory_space<vmem_shared>>
      tpu.enqueue_dma source(%arg16 : memref<632x16xf32, #tpu.memory_space<vmem>>) target(%dma_start3A_831 : memref<632x16xf32, #tpu.memory_space<vmem_shared>>) target_semaphore(%run_scoped3A_827 : memref<!tpu.dma_semaphore, #tpu.memory_space<semaphore_mem>>)
      %dma_wait3A_832 = arith.constant 0 : i32
      %dma_wait3A_833 = tpu.memref_slice %arg9[%mul3A_0, %dma_wait3A_832] : memref<10112x16xf32, #tpu.memory_space<vmem_shared>> -> memref<632x16xf32, #tpu.memory_space<vmem_shared>>
      %dma_wait3A_834 = arith.constant 0 : i32
      %dma_wait3A_835 = tpu.memref_slice %arg9[%mul3A_0, %dma_wait3A_834] : memref<10112x16xf32, #tpu.memory_space<vmem_shared>> -> memref<632x16xf32, #tpu.memory_space<vmem_shared>>
      tpu.wait_dma2 semaphore(%run_scoped3A_827 : memref<!tpu.dma_semaphore, #tpu.memory_space<semaphore_mem>>) src(%arg16 : memref<632x16xf32, #tpu.memory_space<vmem>>) dst(%dma_wait3A_835 : memref<632x16xf32, #tpu.memory_space<vmem_shared>>)
      tpu.yield
    }) : () -> ()
    %dma_start3A_642 = arith.constant 0 : i32
    %dma_start3A_643 = tpu.memref_slice %arg5[%mul3A_0, %dma_start3A_642] : memref<10112x16xf32, #tpu.memory_space<hbm>> -> memref<632x16xf32, #tpu.memory_space<hbm>>
    %dma_start3A_644 = arith.constant 0 : i32
    %dma_start3A_645 = tpu.memref_slice %arg5[%mul3A_0, %dma_start3A_644] : memref<10112x16xf32, #tpu.memory_space<hbm>> -> memref<632x16xf32, #tpu.memory_space<hbm>>
    tpu.enqueue_dma source(%arg16 : memref<632x16xf32, #tpu.memory_space<vmem>>) target(%dma_start3A_645 : memref<632x16xf32, #tpu.memory_space<hbm>>) target_semaphore(%arg22 : memref<!tpu.dma_semaphore, #tpu.memory_space<semaphore_mem>>)
    "tpu.region"() ({
      %run_scoped3A_827 = tpu.sem_alloc : memref<!tpu.dma_semaphore, #tpu.memory_space<semaphore_mem>>
      %dma_start3A_828 = arith.constant 0 : i32
      %dma_start3A_829 = tpu.memref_slice %arg10[%mul3A_0, %dma_start3A_828] : memref<10112x16xf32, #tpu.memory_space<vmem_shared>> -> memref<632x16xf32, #tpu.memory_space<vmem_shared>>
      %dma_start3A_830 = arith.constant 0 : i32
      %dma_start3A_831 = tpu.memref_slice %arg10[%mul3A_0, %dma_start3A_830] : memref<10112x16xf32, #tpu.memory_space<vmem_shared>> -> memref<632x16xf32, #tpu.memory_space<vmem_shared>>
      tpu.enqueue_dma source(%arg18 : memref<632x16xf32, #tpu.memory_space<vmem>>) target(%dma_start3A_831 : memref<632x16xf32, #tpu.memory_space<vmem_shared>>) target_semaphore(%run_scoped3A_827 : memref<!tpu.dma_semaphore, #tpu.memory_space<semaphore_mem>>)
      %dma_wait3A_832 = arith.constant 0 : i32
      %dma_wait3A_833 = tpu.memref_slice %arg10[%mul3A_0, %dma_wait3A_832] : memref<10112x16xf32, #tpu.memory_space<vmem_shared>> -> memref<632x16xf32, #tpu.memory_space<vmem_shared>>
      %dma_wait3A_834 = arith.constant 0 : i32
      %dma_wait3A_835 = tpu.memref_slice %arg10[%mul3A_0, %dma_wait3A_834] : memref<10112x16xf32, #tpu.memory_space<vmem_shared>> -> memref<632x16xf32, #tpu.memory_space<vmem_shared>>
      tpu.wait_dma2 semaphore(%run_scoped3A_827 : memref<!tpu.dma_semaphore, #tpu.memory_space<semaphore_mem>>) src(%arg18 : memref<632x16xf32, #tpu.memory_space<vmem>>) dst(%dma_wait3A_835 : memref<632x16xf32, #tpu.memory_space<vmem_shared>>)
      tpu.yield
    }) : () -> ()
    %barrier3A_646 = arith.constant 0 : index
    tpu.barrier barrier_id(%barrier3A_646)
    %dma_start3A_647 = arith.constant 0 : i32
    %dma_start3A_648 = arith.constant 0 : i32
    %dma_start3A_649 = tpu.memref_slice %arg11[%dma_start3A_647, %dma_start3A_648] : memref<80x256xi32, #tpu.memory_space<vmem>> -> memref<1x256xi32, #tpu.memory_space<vmem>>
    %dma_start3A_650 = tpu.memref_squeeze %dma_start3A_649 : memref<1x256xi32, #tpu.memory_space<vmem>> -> memref<256xi32, #tpu.memory_space<vmem>>
    %dma_start3A_651 = arith.constant 0 : i32
    %dma_start3A_652 = arith.constant 0 : i32
    %dma_start3A_653 = tpu.memref_slice %arg9[%dma_start3A_651, %dma_start3A_652] : memref<10112x16xf32, #tpu.memory_space<vmem_shared>> -> memref<10112x16xf32, #tpu.memory_space<vmem_shared>>
    tpu.enqueue_indirect_dma source(%dma_start3A_653 : memref<10112x16xf32, #tpu.memory_space<vmem_shared>>) target(%arg13 : memref<256x16xf32, #tpu.memory_space<vmem>>) offsets(%dma_start3A_650 : memref<256xi32, #tpu.memory_space<vmem>>) semaphore(%arg20 : memref<!tpu.dma_semaphore, #tpu.memory_space<semaphore_mem>>)
    %scan3A_654 = arith.constant 0 : i32
    %scan3A_655 = arith.constant 39 : i32
    %scan3A_656 = arith.addi %scan3A_654, %scan3A_655 : i32
    %scan3A_657 = arith.constant 1 : i32
    scf.for %scan3A_827 = %scan3A_654 to %scan3A_656 step %scan3A_657  : i32 {
      %mul3A_828 = arith.constant 2 : i32
      %mul3A_829 = arith.muli %scan3A_827, %mul3A_828 : i32
      %add3A_830 = arith.constant 0 : i32
      %add3A_831 = arith.addi %add3A_830, %mul3A_829 : i32
      %add3A_832 = arith.constant 1 : i32
      %add3A_833 = arith.addi %add3A_831, %add3A_832 : i32
      %dma_start3A_834 = arith.constant 0 : i32
      %dma_start3A_835 = tpu.memref_slice %arg11[%add3A_833, %dma_start3A_834] : memref<80x256xi32, #tpu.memory_space<vmem>> -> memref<1x256xi32, #tpu.memory_space<vmem>>
      %dma_start3A_836 = tpu.memref_squeeze %dma_start3A_835 : memref<1x256xi32, #tpu.memory_space<vmem>> -> memref<256xi32, #tpu.memory_space<vmem>>
      %dma_start3A_837 = arith.constant 0 : i32
      %dma_start3A_838 = arith.constant 0 : i32
      %dma_start3A_839 = tpu.memref_slice %arg9[%dma_start3A_837, %dma_start3A_838] : memref<10112x16xf32, #tpu.memory_space<vmem_shared>> -> memref<10112x16xf32, #tpu.memory_space<vmem_shared>>
      tpu.enqueue_indirect_dma source(%dma_start3A_839 : memref<10112x16xf32, #tpu.memory_space<vmem_shared>>) target(%arg14 : memref<256x16xf32, #tpu.memory_space<vmem>>) offsets(%dma_start3A_836 : memref<256xi32, #tpu.memory_space<vmem>>) semaphore(%arg21 : memref<!tpu.dma_semaphore, #tpu.memory_space<semaphore_mem>>)
      %dma_wait3A_840 = arith.constant 0 : i32
      %dma_wait3A_841 = tpu.memref_slice %arg11[%add3A_831, %dma_wait3A_840] : memref<80x256xi32, #tpu.memory_space<vmem>> -> memref<1x256xi32, #tpu.memory_space<vmem>>
      %dma_wait3A_842 = tpu.memref_squeeze %dma_wait3A_841 : memref<1x256xi32, #tpu.memory_space<vmem>> -> memref<256xi32, #tpu.memory_space<vmem>>
      %dma_wait3A_843 = arith.constant 0 : i32
      %dma_wait3A_844 = arith.constant 0 : i32
      %dma_wait3A_845 = tpu.memref_slice %arg9[%dma_wait3A_843, %dma_wait3A_844] : memref<10112x16xf32, #tpu.memory_space<vmem_shared>> -> memref<10112x16xf32, #tpu.memory_space<vmem_shared>>
      tpu.wait_indirect_dma semaphore(%arg20 : memref<!tpu.dma_semaphore, #tpu.memory_space<semaphore_mem>>) src(%dma_wait3A_845 : memref<10112x16xf32, #tpu.memory_space<vmem_shared>>) dst(%arg13 : memref<256x16xf32, #tpu.memory_space<vmem>>)
      "tpu.region"() ({
        %run_scoped3A_864 = tpu.sem_alloc : memref<!tpu.dma_semaphore, #tpu.memory_space<semaphore_mem>>
        %dma_start3A_865 = arith.constant 0 : i32
        %dma_start3A_866 = tpu.memref_slice %arg12[%add3A_831, %dma_start3A_865] : memref<80x256xi32, #tpu.memory_space<vmem>> -> memref<1x256xi32, #tpu.memory_space<vmem>>
        %dma_start3A_867 = tpu.memref_squeeze %dma_start3A_866 : memref<1x256xi32, #tpu.memory_space<vmem>> -> memref<256xi32, #tpu.memory_space<vmem>>
        %dma_start3A_868 = arith.constant 0 : i32
        %dma_start3A_869 = arith.constant 0 : i32
        %dma_start3A_870 = tpu.memref_slice %arg10[%dma_start3A_868, %dma_start3A_869] : memref<10112x16xf32, #tpu.memory_space<vmem_shared>> -> memref<10112x16xf32, #tpu.memory_space<vmem_shared>>
        tpu.enqueue_indirect_dma source(%arg13 : memref<256x16xf32, #tpu.memory_space<vmem>>) target(%dma_start3A_870 : memref<10112x16xf32, #tpu.memory_space<vmem_shared>>) offsets(%dma_start3A_867 : memref<256xi32, #tpu.memory_space<vmem>>) semaphore(%run_scoped3A_864 : memref<!tpu.dma_semaphore, #tpu.memory_space<semaphore_mem>>) {add = true}
        %dma_wait3A_871 = arith.constant 0 : i32
        %dma_wait3A_872 = tpu.memref_slice %arg12[%add3A_831, %dma_wait3A_871] : memref<80x256xi32, #tpu.memory_space<vmem>> -> memref<1x256xi32, #tpu.memory_space<vmem>>
        %dma_wait3A_873 = tpu.memref_squeeze %dma_wait3A_872 : memref<1x256xi32, #tpu.memory_space<vmem>> -> memref<256xi32, #tpu.memory_space<vmem>>
        %dma_wait3A_874 = arith.constant 0 : i32
        %dma_wait3A_875 = arith.constant 0 : i32
        %dma_wait3A_876 = tpu.memref_slice %arg10[%dma_wait3A_874, %dma_wait3A_875] : memref<10112x16xf32, #tpu.memory_space<vmem_shared>> -> memref<10112x16xf32, #tpu.memory_space<vmem_shared>>
        tpu.wait_indirect_dma semaphore(%run_scoped3A_864 : memref<!tpu.dma_semaphore, #tpu.memory_space<semaphore_mem>>) src(%arg13 : memref<256x16xf32, #tpu.memory_space<vmem>>) dst(%dma_wait3A_876 : memref<10112x16xf32, #tpu.memory_space<vmem_shared>>)
        tpu.yield
      }) : () -> ()
      %add3A_846 = arith.constant 2 : i32
      %add3A_847 = arith.addi %add3A_831, %add3A_846 : i32
      %dma_start3A_848 = arith.constant 0 : i32
      %dma_start3A_849 = tpu.memref_slice %arg11[%add3A_847, %dma_start3A_848] : memref<80x256xi32, #tpu.memory_space<vmem>> -> memref<1x256xi32, #tpu.memory_space<vmem>>
      %dma_start3A_850 = tpu.memref_squeeze %dma_start3A_849 : memref<1x256xi32, #tpu.memory_space<vmem>> -> memref<256xi32, #tpu.memory_space<vmem>>
      %dma_start3A_851 = arith.constant 0 : i32
      %dma_start3A_852 = arith.constant 0 : i32
      %dma_start3A_853 = tpu.memref_slice %arg9[%dma_start3A_851, %dma_start3A_852] : memref<10112x16xf32, #tpu.memory_space<vmem_shared>> -> memref<10112x16xf32, #tpu.memory_space<vmem_shared>>
      tpu.enqueue_indirect_dma source(%dma_start3A_853 : memref<10112x16xf32, #tpu.memory_space<vmem_shared>>) target(%arg13 : memref<256x16xf32, #tpu.memory_space<vmem>>) offsets(%dma_start3A_850 : memref<256xi32, #tpu.memory_space<vmem>>) semaphore(%arg20 : memref<!tpu.dma_semaphore, #tpu.memory_space<semaphore_mem>>)
      %add3A_854 = arith.constant 1 : i32
      %add3A_855 = arith.addi %add3A_831, %add3A_854 : i32
      %dma_wait3A_856 = arith.constant 0 : i32
      %dma_wait3A_857 = tpu.memref_slice %arg11[%add3A_855, %dma_wait3A_856] : memref<80x256xi32, #tpu.memory_space<vmem>> -> memref<1x256xi32, #tpu.memory_space<vmem>>
      %dma_wait3A_858 = tpu.memref_squeeze %dma_wait3A_857 : memref<1x256xi32, #tpu.memory_space<vmem>> -> memref<256xi32, #tpu.memory_space<vmem>>
      %dma_wait3A_859 = arith.constant 0 : i32
      %dma_wait3A_860 = arith.constant 0 : i32
      %dma_wait3A_861 = tpu.memref_slice %arg9[%dma_wait3A_859, %dma_wait3A_860] : memref<10112x16xf32, #tpu.memory_space<vmem_shared>> -> memref<10112x16xf32, #tpu.memory_space<vmem_shared>>
      tpu.wait_indirect_dma semaphore(%arg21 : memref<!tpu.dma_semaphore, #tpu.memory_space<semaphore_mem>>) src(%dma_wait3A_861 : memref<10112x16xf32, #tpu.memory_space<vmem_shared>>) dst(%arg14 : memref<256x16xf32, #tpu.memory_space<vmem>>)
      %add3A_862 = arith.constant 1 : i32
      %add3A_863 = arith.addi %add3A_831, %add3A_862 : i32
      "tpu.region"() ({
        %run_scoped3A_864 = tpu.sem_alloc : memref<!tpu.dma_semaphore, #tpu.memory_space<semaphore_mem>>
        %dma_start3A_865 = arith.constant 0 : i32
        %dma_start3A_866 = tpu.memref_slice %arg12[%add3A_863, %dma_start3A_865] : memref<80x256xi32, #tpu.memory_space<vmem>> -> memref<1x256xi32, #tpu.memory_space<vmem>>
        %dma_start3A_867 = tpu.memref_squeeze %dma_start3A_866 : memref<1x256xi32, #tpu.memory_space<vmem>> -> memref<256xi32, #tpu.memory_space<vmem>>
        %dma_start3A_868 = arith.constant 0 : i32
        %dma_start3A_869 = arith.constant 0 : i32
        %dma_start3A_870 = tpu.memref_slice %arg10[%dma_start3A_868, %dma_start3A_869] : memref<10112x16xf32, #tpu.memory_space<vmem_shared>> -> memref<10112x16xf32, #tpu.memory_space<vmem_shared>>
        tpu.enqueue_indirect_dma source(%arg14 : memref<256x16xf32, #tpu.memory_space<vmem>>) target(%dma_start3A_870 : memref<10112x16xf32, #tpu.memory_space<vmem_shared>>) offsets(%dma_start3A_867 : memref<256xi32, #tpu.memory_space<vmem>>) semaphore(%run_scoped3A_864 : memref<!tpu.dma_semaphore, #tpu.memory_space<semaphore_mem>>) {add = true}
        %dma_wait3A_871 = arith.constant 0 : i32
        %dma_wait3A_872 = tpu.memref_slice %arg12[%add3A_863, %dma_wait3A_871] : memref<80x256xi32, #tpu.memory_space<vmem>> -> memref<1x256xi32, #tpu.memory_space<vmem>>
        %dma_wait3A_873 = tpu.memref_squeeze %dma_wait3A_872 : memref<1x256xi32, #tpu.memory_space<vmem>> -> memref<256xi32, #tpu.memory_space<vmem>>
        %dma_wait3A_874 = arith.constant 0 : i32
        %dma_wait3A_875 = arith.constant 0 : i32
        %dma_wait3A_876 = tpu.memref_slice %arg10[%dma_wait3A_874, %dma_wait3A_875] : memref<10112x16xf32, #tpu.memory_space<vmem_shared>> -> memref<10112x16xf32, #tpu.memory_space<vmem_shared>>
        tpu.wait_indirect_dma semaphore(%run_scoped3A_864 : memref<!tpu.dma_semaphore, #tpu.memory_space<semaphore_mem>>) src(%arg14 : memref<256x16xf32, #tpu.memory_space<vmem>>) dst(%dma_wait3A_876 : memref<10112x16xf32, #tpu.memory_space<vmem_shared>>)
        tpu.yield
      }) : () -> ()
    }
    %scan3A_658 = arith.constant 39 : i32
    %dma_start3A_659 = arith.constant 79 : i32
    %dma_start3A_660 = arith.constant 0 : i32
    %dma_start3A_661 = tpu.memref_slice %arg11[%dma_start3A_659, %dma_start3A_660] : memref<80x256xi32, #tpu.memory_space<vmem>> -> memref<1x256xi32, #tpu.memory_space<vmem>>
    %dma_start3A_662 = tpu.memref_squeeze %dma_start3A_661 : memref<1x256xi32, #tpu.memory_space<vmem>> -> memref<256xi32, #tpu.memory_space<vmem>>
    %dma_start3A_663 = arith.constant 0 : i32
    %dma_start3A_664 = arith.constant 0 : i32
    %dma_start3A_665 = tpu.memref_slice %arg9[%dma_start3A_663, %dma_start3A_664] : memref<10112x16xf32, #tpu.memory_space<vmem_shared>> -> memref<10112x16xf32, #tpu.memory_space<vmem_shared>>
    tpu.enqueue_indirect_dma source(%dma_start3A_665 : memref<10112x16xf32, #tpu.memory_space<vmem_shared>>) target(%arg14 : memref<256x16xf32, #tpu.memory_space<vmem>>) offsets(%dma_start3A_662 : memref<256xi32, #tpu.memory_space<vmem>>) semaphore(%arg21 : memref<!tpu.dma_semaphore, #tpu.memory_space<semaphore_mem>>)
    %dma_wait3A_666 = arith.constant 78 : i32
    %dma_wait3A_667 = arith.constant 0 : i32
    %dma_wait3A_668 = tpu.memref_slice %arg11[%dma_wait3A_666, %dma_wait3A_667] : memref<80x256xi32, #tpu.memory_space<vmem>> -> memref<1x256xi32, #tpu.memory_space<vmem>>
    %dma_wait3A_669 = tpu.memref_squeeze %dma_wait3A_668 : memref<1x256xi32, #tpu.memory_space<vmem>> -> memref<256xi32, #tpu.memory_space<vmem>>
    %dma_wait3A_670 = arith.constant 0 : i32
    %dma_wait3A_671 = arith.constant 0 : i32
    %dma_wait3A_672 = tpu.memref_slice %arg9[%dma_wait3A_670, %dma_wait3A_671] : memref<10112x16xf32, #tpu.memory_space<vmem_shared>> -> memref<10112x16xf32, #tpu.memory_space<vmem_shared>>
    tpu.wait_indirect_dma semaphore(%arg20 : memref<!tpu.dma_semaphore, #tpu.memory_space<semaphore_mem>>) src(%dma_wait3A_672 : memref<10112x16xf32, #tpu.memory_space<vmem_shared>>) dst(%arg13 : memref<256x16xf32, #tpu.memory_space<vmem>>)
    %run_scoped3A_673 = arith.constant 78 : i32
    "tpu.region"() ({
      %run_scoped3A_827 = tpu.sem_alloc : memref<!tpu.dma_semaphore, #tpu.memory_space<semaphore_mem>>
      %dma_start3A_828 = arith.constant 0 : i32
      %dma_start3A_829 = tpu.memref_slice %arg12[%run_scoped3A_673, %dma_start3A_828] : memref<80x256xi32, #tpu.memory_space<vmem>> -> memref<1x256xi32, #tpu.memory_space<vmem>>
      %dma_start3A_830 = tpu.memref_squeeze %dma_start3A_829 : memref<1x256xi32, #tpu.memory_space<vmem>> -> memref<256xi32, #tpu.memory_space<vmem>>
      %dma_start3A_831 = arith.constant 0 : i32
      %dma_start3A_832 = arith.constant 0 : i32
      %dma_start3A_833 = tpu.memref_slice %arg10[%dma_start3A_831, %dma_start3A_832] : memref<10112x16xf32, #tpu.memory_space<vmem_shared>> -> memref<10112x16xf32, #tpu.memory_space<vmem_shared>>
      tpu.enqueue_indirect_dma source(%arg13 : memref<256x16xf32, #tpu.memory_space<vmem>>) target(%dma_start3A_833 : memref<10112x16xf32, #tpu.memory_space<vmem_shared>>) offsets(%dma_start3A_830 : memref<256xi32, #tpu.memory_space<vmem>>) semaphore(%run_scoped3A_827 : memref<!tpu.dma_semaphore, #tpu.memory_space<semaphore_mem>>) {add = true}
      %dma_wait3A_834 = arith.constant 0 : i32
      %dma_wait3A_835 = tpu.memref_slice %arg12[%run_scoped3A_673, %dma_wait3A_834] : memref<80x256xi32, #tpu.memory_space<vmem>> -> memref<1x256xi32, #tpu.memory_space<vmem>>
      %dma_wait3A_836 = tpu.memref_squeeze %dma_wait3A_835 : memref<1x256xi32, #tpu.memory_space<vmem>> -> memref<256xi32, #tpu.memory_space<vmem>>
      %dma_wait3A_837 = arith.constant 0 : i32
      %dma_wait3A_838 = arith.constant 0 : i32
      %dma_wait3A_839 = tpu.memref_slice %arg10[%dma_wait3A_837, %dma_wait3A_838] : memref<10112x16xf32, #tpu.memory_space<vmem_shared>> -> memref<10112x16xf32, #tpu.memory_space<vmem_shared>>
      tpu.wait_indirect_dma semaphore(%run_scoped3A_827 : memref<!tpu.dma_semaphore, #tpu.memory_space<semaphore_mem>>) src(%arg13 : memref<256x16xf32, #tpu.memory_space<vmem>>) dst(%dma_wait3A_839 : memref<10112x16xf32, #tpu.memory_space<vmem_shared>>)
      tpu.yield
    }) : () -> ()
    %dma_wait3A_674 = arith.constant 79 : i32
    %dma_wait3A_675 = arith.constant 0 : i32
    %dma_wait3A_676 = tpu.memref_slice %arg11[%dma_wait3A_674, %dma_wait3A_675] : memref<80x256xi32, #tpu.memory_space<vmem>> -> memref<1x256xi32, #tpu.memory_space<vmem>>
    %dma_wait3A_677 = tpu.memref_squeeze %dma_wait3A_676 : memref<1x256xi32, #tpu.memory_space<vmem>> -> memref<256xi32, #tpu.memory_space<vmem>>
    %dma_wait3A_678 = arith.constant 0 : i32
    %dma_wait3A_679 = arith.constant 0 : i32
    %dma_wait3A_680 = tpu.memref_slice %arg9[%dma_wait3A_678, %dma_wait3A_679] : memref<10112x16xf32, #tpu.memory_space<vmem_shared>> -> memref<10112x16xf32, #tpu.memory_space<vmem_shared>>
    tpu.wait_indirect_dma semaphore(%arg21 : memref<!tpu.dma_semaphore, #tpu.memory_space<semaphore_mem>>) src(%dma_wait3A_680 : memref<10112x16xf32, #tpu.memory_space<vmem_shared>>) dst(%arg14 : memref<256x16xf32, #tpu.memory_space<vmem>>)
    %run_scoped3A_681 = arith.constant 79 : i32
    "tpu.region"() ({
      %run_scoped3A_827 = tpu.sem_alloc : memref<!tpu.dma_semaphore, #tpu.memory_space<semaphore_mem>>
      %dma_start3A_828 = arith.constant 0 : i32
      %dma_start3A_829 = tpu.memref_slice %arg12[%run_scoped3A_681, %dma_start3A_828] : memref<80x256xi32, #tpu.memory_space<vmem>> -> memref<1x256xi32, #tpu.memory_space<vmem>>
      %dma_start3A_830 = tpu.memref_squeeze %dma_start3A_829 : memref<1x256xi32, #tpu.memory_space<vmem>> -> memref<256xi32, #tpu.memory_space<vmem>>
      %dma_start3A_831 = arith.constant 0 : i32
      %dma_start3A_832 = arith.constant 0 : i32
      %dma_start3A_833 = tpu.memref_slice %arg10[%dma_start3A_831, %dma_start3A_832] : memref<10112x16xf32, #tpu.memory_space<vmem_shared>> -> memref<10112x16xf32, #tpu.memory_space<vmem_shared>>
      tpu.enqueue_indirect_dma source(%arg14 : memref<256x16xf32, #tpu.memory_space<vmem>>) target(%dma_start3A_833 : memref<10112x16xf32, #tpu.memory_space<vmem_shared>>) offsets(%dma_start3A_830 : memref<256xi32, #tpu.memory_space<vmem>>) semaphore(%run_scoped3A_827 : memref<!tpu.dma_semaphore, #tpu.memory_space<semaphore_mem>>) {add = true}
      %dma_wait3A_834 = arith.constant 0 : i32
      %dma_wait3A_835 = tpu.memref_slice %arg12[%run_scoped3A_681, %dma_wait3A_834] : memref<80x256xi32, #tpu.memory_space<vmem>> -> memref<1x256xi32, #tpu.memory_space<vmem>>
      %dma_wait3A_836 = tpu.memref_squeeze %dma_wait3A_835 : memref<1x256xi32, #tpu.memory_space<vmem>> -> memref<256xi32, #tpu.memory_space<vmem>>
      %dma_wait3A_837 = arith.constant 0 : i32
      %dma_wait3A_838 = arith.constant 0 : i32
      %dma_wait3A_839 = tpu.memref_slice %arg10[%dma_wait3A_837, %dma_wait3A_838] : memref<10112x16xf32, #tpu.memory_space<vmem_shared>> -> memref<10112x16xf32, #tpu.memory_space<vmem_shared>>
      tpu.wait_indirect_dma semaphore(%run_scoped3A_827 : memref<!tpu.dma_semaphore, #tpu.memory_space<semaphore_mem>>) src(%arg14 : memref<256x16xf32, #tpu.memory_space<vmem>>) dst(%dma_wait3A_839 : memref<10112x16xf32, #tpu.memory_space<vmem_shared>>)
      tpu.yield
    }) : () -> ()
    %barrier3A_682 = arith.constant 0 : index
    tpu.barrier barrier_id(%barrier3A_682)
    "tpu.region"() ({
      %run_scoped3A_827 = tpu.sem_alloc : memref<!tpu.dma_semaphore, #tpu.memory_space<semaphore_mem>>
      %dma_start3A_828 = arith.constant 0 : i32
      %dma_start3A_829 = tpu.memref_slice %arg10[%mul3A_0, %dma_start3A_828] : memref<10112x16xf32, #tpu.memory_space<vmem_shared>> -> memref<632x16xf32, #tpu.memory_space<vmem_shared>>
      %dma_start3A_830 = arith.constant 0 : i32
      %dma_start3A_831 = tpu.memref_slice %arg10[%mul3A_0, %dma_start3A_830] : memref<10112x16xf32, #tpu.memory_space<vmem_shared>> -> memref<632x16xf32, #tpu.memory_space<vmem_shared>>
      tpu.enqueue_dma source(%dma_start3A_831 : memref<632x16xf32, #tpu.memory_space<vmem_shared>>) target(%arg15 : memref<632x16xf32, #tpu.memory_space<vmem>>) target_semaphore(%run_scoped3A_827 : memref<!tpu.dma_semaphore, #tpu.memory_space<semaphore_mem>>)
      %dma_wait3A_832 = arith.constant 0 : i32
      %dma_wait3A_833 = tpu.memref_slice %arg10[%mul3A_0, %dma_wait3A_832] : memref<10112x16xf32, #tpu.memory_space<vmem_shared>> -> memref<632x16xf32, #tpu.memory_space<vmem_shared>>
      %dma_wait3A_834 = arith.constant 0 : i32
      %dma_wait3A_835 = tpu.memref_slice %arg10[%mul3A_0, %dma_wait3A_834] : memref<10112x16xf32, #tpu.memory_space<vmem_shared>> -> memref<632x16xf32, #tpu.memory_space<vmem_shared>>
      tpu.wait_dma2 semaphore(%run_scoped3A_827 : memref<!tpu.dma_semaphore, #tpu.memory_space<semaphore_mem>>) src(%dma_wait3A_835 : memref<632x16xf32, #tpu.memory_space<vmem_shared>>) dst(%arg15 : memref<632x16xf32, #tpu.memory_space<vmem>>)
      tpu.yield
    }) : () -> ()
    %dma_wait3A_683 = arith.constant 0 : i32
    %dma_wait3A_684 = tpu.memref_slice %arg5[%mul3A_0, %dma_wait3A_683] : memref<10112x16xf32, #tpu.memory_space<hbm>> -> memref<632x16xf32, #tpu.memory_space<hbm>>
    %dma_wait3A_685 = arith.constant 0 : i32
    %dma_wait3A_686 = tpu.memref_slice %arg5[%mul3A_0, %dma_wait3A_685] : memref<10112x16xf32, #tpu.memory_space<hbm>> -> memref<632x16xf32, #tpu.memory_space<hbm>>
    tpu.wait_dma2 semaphore(%arg22 : memref<!tpu.dma_semaphore, #tpu.memory_space<semaphore_mem>>) src(%arg16 : memref<632x16xf32, #tpu.memory_space<vmem>>) dst(%dma_wait3A_686 : memref<632x16xf32, #tpu.memory_space<hbm>>)
    %scan3A_687 = arith.constant 0 : i32
    %scan3A_688 = arith.constant 158 : i32
    %scan3A_689 = arith.addi %scan3A_687, %scan3A_688 : i32
    %scan3A_690 = arith.constant 1 : i32
    scf.for %scan3A_827 = %scan3A_687 to %scan3A_689 step %scan3A_690  : i32 {
      %mul3A_828 = arith.constant 4 : i32
      %mul3A_829 = arith.muli %scan3A_827, %mul3A_828 : i32
      %add3A_830 = arith.constant 0 : i32
      %add3A_831 = arith.addi %add3A_830, %mul3A_829 : i32
      %add3A_832 = arith.constant 0 : i32
      %add3A_833 = arith.addi %add3A_831, %add3A_832 : i32
      %get3A_834 = arith.index_cast %add3A_833 : i32 to index
      %get3A_835 = arith.constant 0 : index
      %get3A_836 = tpu.vector_load %arg17[%get3A_834, %get3A_835] {strides = array<i32>} : memref<632x16xf32, #tpu.memory_space<vmem>>, vector<16xf32>,
      %add3A_837 = arith.constant 0 : i32
      %add3A_838 = arith.addi %add3A_831, %add3A_837 : i32
      %get3A_839 = arith.index_cast %add3A_838 : i32 to index
      %get3A_840 = arith.constant 0 : index
      %get3A_841 = tpu.vector_load %arg15[%get3A_839, %get3A_840] {strides = array<i32>} : memref<632x16xf32, #tpu.memory_space<vmem>>, vector<16xf32>,
      %add3A_842 = arith.constant 0 : i32
      %add3A_843 = arith.addi %add3A_831, %add3A_842 : i32
      %get3A_844 = arith.index_cast %add3A_843 : i32 to index
      %get3A_845 = arith.constant 0 : index
      %get3A_846 = tpu.vector_load %arg16[%get3A_844, %get3A_845] {strides = array<i32>} : memref<632x16xf32, #tpu.memory_space<vmem>>, vector<16xf32>,
      %add3A_847 = arith.addf %get3A_841, %get3A_846 : vector<16xf32>
      %mul3A_848 = arith.mulf %get3A_836, %add3A_847 : vector<16xf32>
      %add3A_849 = arith.constant 0 : i32
      %add3A_850 = arith.addi %add3A_831, %add3A_849 : i32
      %swap3A = arith.index_cast %add3A_850 : i32 to index
      %swap3A_851 = arith.constant 0 : index
      %swap3A_852 = tpu.vector_load %arg16[%swap3A, %swap3A_851] {strides = array<i32>} : memref<632x16xf32, #tpu.memory_space<vmem>>, vector<16xf32>,
      tpu.vector_store %arg16[%swap3A, %swap3A_851], %mul3A_848 {strides = array<i32>} : memref<632x16xf32, #tpu.memory_space<vmem>>, vector<16xf32>,
      %add3A_853 = arith.constant 1 : i32
      %add3A_854 = arith.addi %add3A_831, %add3A_853 : i32
      %get3A_855 = arith.index_cast %add3A_854 : i32 to index
      %get3A_856 = arith.constant 0 : index
      %get3A_857 = tpu.vector_load %arg17[%get3A_855, %get3A_856] {strides = array<i32>} : memref<632x16xf32, #tpu.memory_space<vmem>>, vector<16xf32>,
      %add3A_858 = arith.constant 1 : i32
      %add3A_859 = arith.addi %add3A_831, %add3A_858 : i32
      %get3A_860 = arith.index_cast %add3A_859 : i32 to index
      %get3A_861 = arith.constant 0 : index
      %get3A_862 = tpu.vector_load %arg15[%get3A_860, %get3A_861] {strides = array<i32>} : memref<632x16xf32, #tpu.memory_space<vmem>>, vector<16xf32>,
      %add3A_863 = arith.constant 1 : i32
      %add3A_864 = arith.addi %add3A_831, %add3A_863 : i32
      %get3A_865 = arith.index_cast %add3A_864 : i32 to index
      %get3A_866 = arith.constant 0 : index
      %get3A_867 = tpu.vector_load %arg16[%get3A_865, %get3A_866] {strides = array<i32>} : memref<632x16xf32, #tpu.memory_space<vmem>>, vector<16xf32>,
      %add3A_868 = arith.addf %get3A_862, %get3A_867 : vector<16xf32>
      %mul3A_869 = arith.mulf %get3A_857, %add3A_868 : vector<16xf32>
      %add3A_870 = arith.constant 1 : i32
      %add3A_871 = arith.addi %add3A_831, %add3A_870 : i32
      %swap3A_872 = arith.index_cast %add3A_871 : i32 to index
      %swap3A_873 = arith.constant 0 : index
      %swap3A_874 = tpu.vector_load %arg16[%swap3A_872, %swap3A_873] {strides = array<i32>} : memref<632x16xf32, #tpu.memory_space<vmem>>, vector<16xf32>,
      tpu.vector_store %arg16[%swap3A_872, %swap3A_873], %mul3A_869 {strides = array<i32>} : memref<632x16xf32, #tpu.memory_space<vmem>>, vector<16xf32>,
      %add3A_875 = arith.constant 2 : i32
      %add3A_876 = arith.addi %add3A_831, %add3A_875 : i32
      %get3A_877 = arith.index_cast %add3A_876 : i32 to index
      %get3A_878 = arith.constant 0 : index
      %get3A_879 = tpu.vector_load %arg17[%get3A_877, %get3A_878] {strides = array<i32>} : memref<632x16xf32, #tpu.memory_space<vmem>>, vector<16xf32>,
      %add3A_880 = arith.constant 2 : i32
      %add3A_881 = arith.addi %add3A_831, %add3A_880 : i32
      %get3A_882 = arith.index_cast %add3A_881 : i32 to index
      %get3A_883 = arith.constant 0 : index
      %get3A_884 = tpu.vector_load %arg15[%get3A_882, %get3A_883] {strides = array<i32>} : memref<632x16xf32, #tpu.memory_space<vmem>>, vector<16xf32>,
      %add3A_885 = arith.constant 2 : i32
      %add3A_886 = arith.addi %add3A_831, %add3A_885 : i32
      %get3A_887 = arith.index_cast %add3A_886 : i32 to index
      %get3A_888 = arith.constant 0 : index
      %get3A_889 = tpu.vector_load %arg16[%get3A_887, %get3A_888] {strides = array<i32>} : memref<632x16xf32, #tpu.memory_space<vmem>>, vector<16xf32>,
      %add3A_890 = arith.addf %get3A_884, %get3A_889 : vector<16xf32>
      %mul3A_891 = arith.mulf %get3A_879, %add3A_890 : vector<16xf32>
      %add3A_892 = arith.constant 2 : i32
      %add3A_893 = arith.addi %add3A_831, %add3A_892 : i32
      %swap3A_894 = arith.index_cast %add3A_893 : i32 to index
      %swap3A_895 = arith.constant 0 : index
      %swap3A_896 = tpu.vector_load %arg16[%swap3A_894, %swap3A_895] {strides = array<i32>} : memref<632x16xf32, #tpu.memory_space<vmem>>, vector<16xf32>,
      tpu.vector_store %arg16[%swap3A_894, %swap3A_895], %mul3A_891 {strides = array<i32>} : memref<632x16xf32, #tpu.memory_space<vmem>>, vector<16xf32>,
      %add3A_897 = arith.constant 3 : i32
      %add3A_898 = arith.addi %add3A_831, %add3A_897 : i32
      %get3A_899 = arith.index_cast %add3A_898 : i32 to index
      %get3A_900 = arith.constant 0 : index
      %get3A_901 = tpu.vector_load %arg17[%get3A_899, %get3A_900] {strides = array<i32>} : memref<632x16xf32, #tpu.memory_space<vmem>>, vector<16xf32>,
      %add3A_902 = arith.constant 3 : i32
      %add3A_903 = arith.addi %add3A_831, %add3A_902 : i32
      %get3A_904 = arith.index_cast %add3A_903 : i32 to index
      %get3A_905 = arith.constant 0 : index
      %get3A_906 = tpu.vector_load %arg15[%get3A_904, %get3A_905] {strides = array<i32>} : memref<632x16xf32, #tpu.memory_space<vmem>>, vector<16xf32>,
      %add3A_907 = arith.constant 3 : i32
      %add3A_908 = arith.addi %add3A_831, %add3A_907 : i32
      %get3A_909 = arith.index_cast %add3A_908 : i32 to index
      %get3A_910 = arith.constant 0 : index
      %get3A_911 = tpu.vector_load %arg16[%get3A_909, %get3A_910] {strides = array<i32>} : memref<632x16xf32, #tpu.memory_space<vmem>>, vector<16xf32>,
      %add3A_912 = arith.addf %get3A_906, %get3A_911 : vector<16xf32>
      %mul3A_913 = arith.mulf %get3A_901, %add3A_912 : vector<16xf32>
      %add3A_914 = arith.constant 3 : i32
      %add3A_915 = arith.addi %add3A_831, %add3A_914 : i32
      %swap3A_916 = arith.index_cast %add3A_915 : i32 to index
      %swap3A_917 = arith.constant 0 : index
      %swap3A_918 = tpu.vector_load %arg16[%swap3A_916, %swap3A_917] {strides = array<i32>} : memref<632x16xf32, #tpu.memory_space<vmem>>, vector<16xf32>,
      tpu.vector_store %arg16[%swap3A_916, %swap3A_917], %mul3A_913 {strides = array<i32>} : memref<632x16xf32, #tpu.memory_space<vmem>>, vector<16xf32>,
    }
    %scan3A_691 = arith.constant 158 : i32
    "tpu.region"() ({
      %run_scoped3A_827 = tpu.sem_alloc : memref<!tpu.dma_semaphore, #tpu.memory_space<semaphore_mem>>
      %dma_start3A_828 = arith.constant 0 : i32
      %dma_start3A_829 = tpu.memref_slice %arg9[%mul3A_0, %dma_start3A_828] : memref<10112x16xf32, #tpu.memory_space<vmem_shared>> -> memref<632x16xf32, #tpu.memory_space<vmem_shared>>
      %dma_start3A_830 = arith.constant 0 : i32
      %dma_start3A_831 = tpu.memref_slice %arg9[%mul3A_0, %dma_start3A_830] : memref<10112x16xf32, #tpu.memory_space<vmem_shared>> -> memref<632x16xf32, #tpu.memory_space<vmem_shared>>
      tpu.enqueue_dma source(%arg16 : memref<632x16xf32, #tpu.memory_space<vmem>>) target(%dma_start3A_831 : memref<632x16xf32, #tpu.memory_space<vmem_shared>>) target_semaphore(%run_scoped3A_827 : memref<!tpu.dma_semaphore, #tpu.memory_space<semaphore_mem>>)
      %dma_wait3A_832 = arith.constant 0 : i32
      %dma_wait3A_833 = tpu.memref_slice %arg9[%mul3A_0, %dma_wait3A_832] : memref<10112x16xf32, #tpu.memory_space<vmem_shared>> -> memref<632x16xf32, #tpu.memory_space<vmem_shared>>
      %dma_wait3A_834 = arith.constant 0 : i32
      %dma_wait3A_835 = tpu.memref_slice %arg9[%mul3A_0, %dma_wait3A_834] : memref<10112x16xf32, #tpu.memory_space<vmem_shared>> -> memref<632x16xf32, #tpu.memory_space<vmem_shared>>
      tpu.wait_dma2 semaphore(%run_scoped3A_827 : memref<!tpu.dma_semaphore, #tpu.memory_space<semaphore_mem>>) src(%arg16 : memref<632x16xf32, #tpu.memory_space<vmem>>) dst(%dma_wait3A_835 : memref<632x16xf32, #tpu.memory_space<vmem_shared>>)
      tpu.yield
    }) : () -> ()
    "tpu.region"() ({
      %run_scoped3A_827 = tpu.sem_alloc : memref<!tpu.dma_semaphore, #tpu.memory_space<semaphore_mem>>
      %dma_start3A_828 = arith.constant 0 : i32
      %dma_start3A_829 = tpu.memref_slice %arg10[%mul3A_0, %dma_start3A_828] : memref<10112x16xf32, #tpu.memory_space<vmem_shared>> -> memref<632x16xf32, #tpu.memory_space<vmem_shared>>
      %dma_start3A_830 = arith.constant 0 : i32
      %dma_start3A_831 = tpu.memref_slice %arg10[%mul3A_0, %dma_start3A_830] : memref<10112x16xf32, #tpu.memory_space<vmem_shared>> -> memref<632x16xf32, #tpu.memory_space<vmem_shared>>
      tpu.enqueue_dma source(%arg18 : memref<632x16xf32, #tpu.memory_space<vmem>>) target(%dma_start3A_831 : memref<632x16xf32, #tpu.memory_space<vmem_shared>>) target_semaphore(%run_scoped3A_827 : memref<!tpu.dma_semaphore, #tpu.memory_space<semaphore_mem>>)
      %dma_wait3A_832 = arith.constant 0 : i32
      %dma_wait3A_833 = tpu.memref_slice %arg10[%mul3A_0, %dma_wait3A_832] : memref<10112x16xf32, #tpu.memory_space<vmem_shared>> -> memref<632x16xf32, #tpu.memory_space<vmem_shared>>
      %dma_wait3A_834 = arith.constant 0 : i32
      %dma_wait3A_835 = tpu.memref_slice %arg10[%mul3A_0, %dma_wait3A_834] : memref<10112x16xf32, #tpu.memory_space<vmem_shared>> -> memref<632x16xf32, #tpu.memory_space<vmem_shared>>
      tpu.wait_dma2 semaphore(%run_scoped3A_827 : memref<!tpu.dma_semaphore, #tpu.memory_space<semaphore_mem>>) src(%arg18 : memref<632x16xf32, #tpu.memory_space<vmem>>) dst(%dma_wait3A_835 : memref<632x16xf32, #tpu.memory_space<vmem_shared>>)
      tpu.yield
    }) : () -> ()
    %barrier3A_692 = arith.constant 0 : index
    tpu.barrier barrier_id(%barrier3A_692)
    %dma_start3A_693 = arith.constant 0 : i32
    %dma_start3A_694 = arith.constant 0 : i32
    %dma_start3A_695 = tpu.memref_slice %arg11[%dma_start3A_693, %dma_start3A_694] : memref<80x256xi32, #tpu.memory_space<vmem>> -> memref<1x256xi32, #tpu.memory_space<vmem>>
    %dma_start3A_696 = tpu.memref_squeeze %dma_start3A_695 : memref<1x256xi32, #tpu.memory_space<vmem>> -> memref<256xi32, #tpu.memory_space<vmem>>
    %dma_start3A_697 = arith.constant 0 : i32
    %dma_start3A_698 = arith.constant 0 : i32
    %dma_start3A_699 = tpu.memref_slice %arg9[%dma_start3A_697, %dma_start3A_698] : memref<10112x16xf32, #tpu.memory_space<vmem_shared>> -> memref<10112x16xf32, #tpu.memory_space<vmem_shared>>
    tpu.enqueue_indirect_dma source(%dma_start3A_699 : memref<10112x16xf32, #tpu.memory_space<vmem_shared>>) target(%arg13 : memref<256x16xf32, #tpu.memory_space<vmem>>) offsets(%dma_start3A_696 : memref<256xi32, #tpu.memory_space<vmem>>) semaphore(%arg20 : memref<!tpu.dma_semaphore, #tpu.memory_space<semaphore_mem>>)
    %scan3A_700 = arith.constant 0 : i32
    %scan3A_701 = arith.constant 39 : i32
    %scan3A_702 = arith.addi %scan3A_700, %scan3A_701 : i32
    %scan3A_703 = arith.constant 1 : i32
    scf.for %scan3A_827 = %scan3A_700 to %scan3A_702 step %scan3A_703  : i32 {
      %mul3A_828 = arith.constant 2 : i32
      %mul3A_829 = arith.muli %scan3A_827, %mul3A_828 : i32
      %add3A_830 = arith.constant 0 : i32
      %add3A_831 = arith.addi %add3A_830, %mul3A_829 : i32
      %add3A_832 = arith.constant 1 : i32
      %add3A_833 = arith.addi %add3A_831, %add3A_832 : i32
      %dma_start3A_834 = arith.constant 0 : i32
      %dma_start3A_835 = tpu.memref_slice %arg11[%add3A_833, %dma_start3A_834] : memref<80x256xi32, #tpu.memory_space<vmem>> -> memref<1x256xi32, #tpu.memory_space<vmem>>
      %dma_start3A_836 = tpu.memref_squeeze %dma_start3A_835 : memref<1x256xi32, #tpu.memory_space<vmem>> -> memref<256xi32, #tpu.memory_space<vmem>>
      %dma_start3A_837 = arith.constant 0 : i32
      %dma_start3A_838 = arith.constant 0 : i32
      %dma_start3A_839 = tpu.memref_slice %arg9[%dma_start3A_837, %dma_start3A_838] : memref<10112x16xf32, #tpu.memory_space<vmem_shared>> -> memref<10112x16xf32, #tpu.memory_space<vmem_shared>>
      tpu.enqueue_indirect_dma source(%dma_start3A_839 : memref<10112x16xf32, #tpu.memory_space<vmem_shared>>) target(%arg14 : memref<256x16xf32, #tpu.memory_space<vmem>>) offsets(%dma_start3A_836 : memref<256xi32, #tpu.memory_space<vmem>>) semaphore(%arg21 : memref<!tpu.dma_semaphore, #tpu.memory_space<semaphore_mem>>)
      %dma_wait3A_840 = arith.constant 0 : i32
      %dma_wait3A_841 = tpu.memref_slice %arg11[%add3A_831, %dma_wait3A_840] : memref<80x256xi32, #tpu.memory_space<vmem>> -> memref<1x256xi32, #tpu.memory_space<vmem>>
      %dma_wait3A_842 = tpu.memref_squeeze %dma_wait3A_841 : memref<1x256xi32, #tpu.memory_space<vmem>> -> memref<256xi32, #tpu.memory_space<vmem>>
      %dma_wait3A_843 = arith.constant 0 : i32
      %dma_wait3A_844 = arith.constant 0 : i32
      %dma_wait3A_845 = tpu.memref_slice %arg9[%dma_wait3A_843, %dma_wait3A_844] : memref<10112x16xf32, #tpu.memory_space<vmem_shared>> -> memref<10112x16xf32, #tpu.memory_space<vmem_shared>>
      tpu.wait_indirect_dma semaphore(%arg20 : memref<!tpu.dma_semaphore, #tpu.memory_space<semaphore_mem>>) src(%dma_wait3A_845 : memref<10112x16xf32, #tpu.memory_space<vmem_shared>>) dst(%arg13 : memref<256x16xf32, #tpu.memory_space<vmem>>)
      "tpu.region"() ({
        %run_scoped3A_864 = tpu.sem_alloc : memref<!tpu.dma_semaphore, #tpu.memory_space<semaphore_mem>>
        %dma_start3A_865 = arith.constant 0 : i32
        %dma_start3A_866 = tpu.memref_slice %arg12[%add3A_831, %dma_start3A_865] : memref<80x256xi32, #tpu.memory_space<vmem>> -> memref<1x256xi32, #tpu.memory_space<vmem>>
        %dma_start3A_867 = tpu.memref_squeeze %dma_start3A_866 : memref<1x256xi32, #tpu.memory_space<vmem>> -> memref<256xi32, #tpu.memory_space<vmem>>
        %dma_start3A_868 = arith.constant 0 : i32
        %dma_start3A_869 = arith.constant 0 : i32
        %dma_start3A_870 = tpu.memref_slice %arg10[%dma_start3A_868, %dma_start3A_869] : memref<10112x16xf32, #tpu.memory_space<vmem_shared>> -> memref<10112x16xf32, #tpu.memory_space<vmem_shared>>
        tpu.enqueue_indirect_dma source(%arg13 : memref<256x16xf32, #tpu.memory_space<vmem>>) target(%dma_start3A_870 : memref<10112x16xf32, #tpu.memory_space<vmem_shared>>) offsets(%dma_start3A_867 : memref<256xi32, #tpu.memory_space<vmem>>) semaphore(%run_scoped3A_864 : memref<!tpu.dma_semaphore, #tpu.memory_space<semaphore_mem>>) {add = true}
        %dma_wait3A_871 = arith.constant 0 : i32
        %dma_wait3A_872 = tpu.memref_slice %arg12[%add3A_831, %dma_wait3A_871] : memref<80x256xi32, #tpu.memory_space<vmem>> -> memref<1x256xi32, #tpu.memory_space<vmem>>
        %dma_wait3A_873 = tpu.memref_squeeze %dma_wait3A_872 : memref<1x256xi32, #tpu.memory_space<vmem>> -> memref<256xi32, #tpu.memory_space<vmem>>
        %dma_wait3A_874 = arith.constant 0 : i32
        %dma_wait3A_875 = arith.constant 0 : i32
        %dma_wait3A_876 = tpu.memref_slice %arg10[%dma_wait3A_874, %dma_wait3A_875] : memref<10112x16xf32, #tpu.memory_space<vmem_shared>> -> memref<10112x16xf32, #tpu.memory_space<vmem_shared>>
        tpu.wait_indirect_dma semaphore(%run_scoped3A_864 : memref<!tpu.dma_semaphore, #tpu.memory_space<semaphore_mem>>) src(%arg13 : memref<256x16xf32, #tpu.memory_space<vmem>>) dst(%dma_wait3A_876 : memref<10112x16xf32, #tpu.memory_space<vmem_shared>>)
        tpu.yield
      }) : () -> ()
      %add3A_846 = arith.constant 2 : i32
      %add3A_847 = arith.addi %add3A_831, %add3A_846 : i32
      %dma_start3A_848 = arith.constant 0 : i32
      %dma_start3A_849 = tpu.memref_slice %arg11[%add3A_847, %dma_start3A_848] : memref<80x256xi32, #tpu.memory_space<vmem>> -> memref<1x256xi32, #tpu.memory_space<vmem>>
      %dma_start3A_850 = tpu.memref_squeeze %dma_start3A_849 : memref<1x256xi32, #tpu.memory_space<vmem>> -> memref<256xi32, #tpu.memory_space<vmem>>
      %dma_start3A_851 = arith.constant 0 : i32
      %dma_start3A_852 = arith.constant 0 : i32
      %dma_start3A_853 = tpu.memref_slice %arg9[%dma_start3A_851, %dma_start3A_852] : memref<10112x16xf32, #tpu.memory_space<vmem_shared>> -> memref<10112x16xf32, #tpu.memory_space<vmem_shared>>
      tpu.enqueue_indirect_dma source(%dma_start3A_853 : memref<10112x16xf32, #tpu.memory_space<vmem_shared>>) target(%arg13 : memref<256x16xf32, #tpu.memory_space<vmem>>) offsets(%dma_start3A_850 : memref<256xi32, #tpu.memory_space<vmem>>) semaphore(%arg20 : memref<!tpu.dma_semaphore, #tpu.memory_space<semaphore_mem>>)
      %add3A_854 = arith.constant 1 : i32
      %add3A_855 = arith.addi %add3A_831, %add3A_854 : i32
      %dma_wait3A_856 = arith.constant 0 : i32
      %dma_wait3A_857 = tpu.memref_slice %arg11[%add3A_855, %dma_wait3A_856] : memref<80x256xi32, #tpu.memory_space<vmem>> -> memref<1x256xi32, #tpu.memory_space<vmem>>
      %dma_wait3A_858 = tpu.memref_squeeze %dma_wait3A_857 : memref<1x256xi32, #tpu.memory_space<vmem>> -> memref<256xi32, #tpu.memory_space<vmem>>
      %dma_wait3A_859 = arith.constant 0 : i32
      %dma_wait3A_860 = arith.constant 0 : i32
      %dma_wait3A_861 = tpu.memref_slice %arg9[%dma_wait3A_859, %dma_wait3A_860] : memref<10112x16xf32, #tpu.memory_space<vmem_shared>> -> memref<10112x16xf32, #tpu.memory_space<vmem_shared>>
      tpu.wait_indirect_dma semaphore(%arg21 : memref<!tpu.dma_semaphore, #tpu.memory_space<semaphore_mem>>) src(%dma_wait3A_861 : memref<10112x16xf32, #tpu.memory_space<vmem_shared>>) dst(%arg14 : memref<256x16xf32, #tpu.memory_space<vmem>>)
      %add3A_862 = arith.constant 1 : i32
      %add3A_863 = arith.addi %add3A_831, %add3A_862 : i32
      "tpu.region"() ({
        %run_scoped3A_864 = tpu.sem_alloc : memref<!tpu.dma_semaphore, #tpu.memory_space<semaphore_mem>>
        %dma_start3A_865 = arith.constant 0 : i32
        %dma_start3A_866 = tpu.memref_slice %arg12[%add3A_863, %dma_start3A_865] : memref<80x256xi32, #tpu.memory_space<vmem>> -> memref<1x256xi32, #tpu.memory_space<vmem>>
        %dma_start3A_867 = tpu.memref_squeeze %dma_start3A_866 : memref<1x256xi32, #tpu.memory_space<vmem>> -> memref<256xi32, #tpu.memory_space<vmem>>
        %dma_start3A_868 = arith.constant 0 : i32
        %dma_start3A_869 = arith.constant 0 : i32
        %dma_start3A_870 = tpu.memref_slice %arg10[%dma_start3A_868, %dma_start3A_869] : memref<10112x16xf32, #tpu.memory_space<vmem_shared>> -> memref<10112x16xf32, #tpu.memory_space<vmem_shared>>
        tpu.enqueue_indirect_dma source(%arg14 : memref<256x16xf32, #tpu.memory_space<vmem>>) target(%dma_start3A_870 : memref<10112x16xf32, #tpu.memory_space<vmem_shared>>) offsets(%dma_start3A_867 : memref<256xi32, #tpu.memory_space<vmem>>) semaphore(%run_scoped3A_864 : memref<!tpu.dma_semaphore, #tpu.memory_space<semaphore_mem>>) {add = true}
        %dma_wait3A_871 = arith.constant 0 : i32
        %dma_wait3A_872 = tpu.memref_slice %arg12[%add3A_863, %dma_wait3A_871] : memref<80x256xi32, #tpu.memory_space<vmem>> -> memref<1x256xi32, #tpu.memory_space<vmem>>
        %dma_wait3A_873 = tpu.memref_squeeze %dma_wait3A_872 : memref<1x256xi32, #tpu.memory_space<vmem>> -> memref<256xi32, #tpu.memory_space<vmem>>
        %dma_wait3A_874 = arith.constant 0 : i32
        %dma_wait3A_875 = arith.constant 0 : i32
        %dma_wait3A_876 = tpu.memref_slice %arg10[%dma_wait3A_874, %dma_wait3A_875] : memref<10112x16xf32, #tpu.memory_space<vmem_shared>> -> memref<10112x16xf32, #tpu.memory_space<vmem_shared>>
        tpu.wait_indirect_dma semaphore(%run_scoped3A_864 : memref<!tpu.dma_semaphore, #tpu.memory_space<semaphore_mem>>) src(%arg14 : memref<256x16xf32, #tpu.memory_space<vmem>>) dst(%dma_wait3A_876 : memref<10112x16xf32, #tpu.memory_space<vmem_shared>>)
        tpu.yield
      }) : () -> ()
    }
    %scan3A_704 = arith.constant 39 : i32
    %dma_start3A_705 = arith.constant 79 : i32
    %dma_start3A_706 = arith.constant 0 : i32
    %dma_start3A_707 = tpu.memref_slice %arg11[%dma_start3A_705, %dma_start3A_706] : memref<80x256xi32, #tpu.memory_space<vmem>> -> memref<1x256xi32, #tpu.memory_space<vmem>>
    %dma_start3A_708 = tpu.memref_squeeze %dma_start3A_707 : memref<1x256xi32, #tpu.memory_space<vmem>> -> memref<256xi32, #tpu.memory_space<vmem>>
    %dma_start3A_709 = arith.constant 0 : i32
    %dma_start3A_710 = arith.constant 0 : i32
    %dma_start3A_711 = tpu.memref_slice %arg9[%dma_start3A_709, %dma_start3A_710] : memref<10112x16xf32, #tpu.memory_space<vmem_shared>> -> memref<10112x16xf32, #tpu.memory_space<vmem_shared>>
    tpu.enqueue_indirect_dma source(%dma_start3A_711 : memref<10112x16xf32, #tpu.memory_space<vmem_shared>>) target(%arg14 : memref<256x16xf32, #tpu.memory_space<vmem>>) offsets(%dma_start3A_708 : memref<256xi32, #tpu.memory_space<vmem>>) semaphore(%arg21 : memref<!tpu.dma_semaphore, #tpu.memory_space<semaphore_mem>>)
    %dma_wait3A_712 = arith.constant 78 : i32
    %dma_wait3A_713 = arith.constant 0 : i32
    %dma_wait3A_714 = tpu.memref_slice %arg11[%dma_wait3A_712, %dma_wait3A_713] : memref<80x256xi32, #tpu.memory_space<vmem>> -> memref<1x256xi32, #tpu.memory_space<vmem>>
    %dma_wait3A_715 = tpu.memref_squeeze %dma_wait3A_714 : memref<1x256xi32, #tpu.memory_space<vmem>> -> memref<256xi32, #tpu.memory_space<vmem>>
    %dma_wait3A_716 = arith.constant 0 : i32
    %dma_wait3A_717 = arith.constant 0 : i32
    %dma_wait3A_718 = tpu.memref_slice %arg9[%dma_wait3A_716, %dma_wait3A_717] : memref<10112x16xf32, #tpu.memory_space<vmem_shared>> -> memref<10112x16xf32, #tpu.memory_space<vmem_shared>>
    tpu.wait_indirect_dma semaphore(%arg20 : memref<!tpu.dma_semaphore, #tpu.memory_space<semaphore_mem>>) src(%dma_wait3A_718 : memref<10112x16xf32, #tpu.memory_space<vmem_shared>>) dst(%arg13 : memref<256x16xf32, #tpu.memory_space<vmem>>)
    %run_scoped3A_719 = arith.constant 78 : i32
    "tpu.region"() ({
      %run_scoped3A_827 = tpu.sem_alloc : memref<!tpu.dma_semaphore, #tpu.memory_space<semaphore_mem>>
      %dma_start3A_828 = arith.constant 0 : i32
      %dma_start3A_829 = tpu.memref_slice %arg12[%run_scoped3A_719, %dma_start3A_828] : memref<80x256xi32, #tpu.memory_space<vmem>> -> memref<1x256xi32, #tpu.memory_space<vmem>>
      %dma_start3A_830 = tpu.memref_squeeze %dma_start3A_829 : memref<1x256xi32, #tpu.memory_space<vmem>> -> memref<256xi32, #tpu.memory_space<vmem>>
      %dma_start3A_831 = arith.constant 0 : i32
      %dma_start3A_832 = arith.constant 0 : i32
      %dma_start3A_833 = tpu.memref_slice %arg10[%dma_start3A_831, %dma_start3A_832] : memref<10112x16xf32, #tpu.memory_space<vmem_shared>> -> memref<10112x16xf32, #tpu.memory_space<vmem_shared>>
      tpu.enqueue_indirect_dma source(%arg13 : memref<256x16xf32, #tpu.memory_space<vmem>>) target(%dma_start3A_833 : memref<10112x16xf32, #tpu.memory_space<vmem_shared>>) offsets(%dma_start3A_830 : memref<256xi32, #tpu.memory_space<vmem>>) semaphore(%run_scoped3A_827 : memref<!tpu.dma_semaphore, #tpu.memory_space<semaphore_mem>>) {add = true}
      %dma_wait3A_834 = arith.constant 0 : i32
      %dma_wait3A_835 = tpu.memref_slice %arg12[%run_scoped3A_719, %dma_wait3A_834] : memref<80x256xi32, #tpu.memory_space<vmem>> -> memref<1x256xi32, #tpu.memory_space<vmem>>
      %dma_wait3A_836 = tpu.memref_squeeze %dma_wait3A_835 : memref<1x256xi32, #tpu.memory_space<vmem>> -> memref<256xi32, #tpu.memory_space<vmem>>
      %dma_wait3A_837 = arith.constant 0 : i32
      %dma_wait3A_838 = arith.constant 0 : i32
      %dma_wait3A_839 = tpu.memref_slice %arg10[%dma_wait3A_837, %dma_wait3A_838] : memref<10112x16xf32, #tpu.memory_space<vmem_shared>> -> memref<10112x16xf32, #tpu.memory_space<vmem_shared>>
      tpu.wait_indirect_dma semaphore(%run_scoped3A_827 : memref<!tpu.dma_semaphore, #tpu.memory_space<semaphore_mem>>) src(%arg13 : memref<256x16xf32, #tpu.memory_space<vmem>>) dst(%dma_wait3A_839 : memref<10112x16xf32, #tpu.memory_space<vmem_shared>>)
      tpu.yield
    }) : () -> ()
    %dma_wait3A_720 = arith.constant 79 : i32
    %dma_wait3A_721 = arith.constant 0 : i32
    %dma_wait3A_722 = tpu.memref_slice %arg11[%dma_wait3A_720, %dma_wait3A_721] : memref<80x256xi32, #tpu.memory_space<vmem>> -> memref<1x256xi32, #tpu.memory_space<vmem>>
    %dma_wait3A_723 = tpu.memref_squeeze %dma_wait3A_722 : memref<1x256xi32, #tpu.memory_space<vmem>> -> memref<256xi32, #tpu.memory_space<vmem>>
    %dma_wait3A_724 = arith.constant 0 : i32
    %dma_wait3A_725 = arith.constant 0 : i32
    %dma_wait3A_726 = tpu.memref_slice %arg9[%dma_wait3A_724, %dma_wait3A_725] : memref<10112x16xf32, #tpu.memory_space<vmem_shared>> -> memref<10112x16xf32, #tpu.memory_space<vmem_shared>>
    tpu.wait_indirect_dma semaphore(%arg21 : memref<!tpu.dma_semaphore, #tpu.memory_space<semaphore_mem>>) src(%dma_wait3A_726 : memref<10112x16xf32, #tpu.memory_space<vmem_shared>>) dst(%arg14 : memref<256x16xf32, #tpu.memory_space<vmem>>)
    %run_scoped3A_727 = arith.constant 79 : i32
    "tpu.region"() ({
      %run_scoped3A_827 = tpu.sem_alloc : memref<!tpu.dma_semaphore, #tpu.memory_space<semaphore_mem>>
      %dma_start3A_828 = arith.constant 0 : i32
      %dma_start3A_829 = tpu.memref_slice %arg12[%run_scoped3A_727, %dma_start3A_828] : memref<80x256xi32, #tpu.memory_space<vmem>> -> memref<1x256xi32, #tpu.memory_space<vmem>>
      %dma_start3A_830 = tpu.memref_squeeze %dma_start3A_829 : memref<1x256xi32, #tpu.memory_space<vmem>> -> memref<256xi32, #tpu.memory_space<vmem>>
      %dma_start3A_831 = arith.constant 0 : i32
      %dma_start3A_832 = arith.constant 0 : i32
      %dma_start3A_833 = tpu.memref_slice %arg10[%dma_start3A_831, %dma_start3A_832] : memref<10112x16xf32, #tpu.memory_space<vmem_shared>> -> memref<10112x16xf32, #tpu.memory_space<vmem_shared>>
      tpu.enqueue_indirect_dma source(%arg14 : memref<256x16xf32, #tpu.memory_space<vmem>>) target(%dma_start3A_833 : memref<10112x16xf32, #tpu.memory_space<vmem_shared>>) offsets(%dma_start3A_830 : memref<256xi32, #tpu.memory_space<vmem>>) semaphore(%run_scoped3A_827 : memref<!tpu.dma_semaphore, #tpu.memory_space<semaphore_mem>>) {add = true}
      %dma_wait3A_834 = arith.constant 0 : i32
      %dma_wait3A_835 = tpu.memref_slice %arg12[%run_scoped3A_727, %dma_wait3A_834] : memref<80x256xi32, #tpu.memory_space<vmem>> -> memref<1x256xi32, #tpu.memory_space<vmem>>
      %dma_wait3A_836 = tpu.memref_squeeze %dma_wait3A_835 : memref<1x256xi32, #tpu.memory_space<vmem>> -> memref<256xi32, #tpu.memory_space<vmem>>
      %dma_wait3A_837 = arith.constant 0 : i32
      %dma_wait3A_838 = arith.constant 0 : i32
      %dma_wait3A_839 = tpu.memref_slice %arg10[%dma_wait3A_837, %dma_wait3A_838] : memref<10112x16xf32, #tpu.memory_space<vmem_shared>> -> memref<10112x16xf32, #tpu.memory_space<vmem_shared>>
      tpu.wait_indirect_dma semaphore(%run_scoped3A_827 : memref<!tpu.dma_semaphore, #tpu.memory_space<semaphore_mem>>) src(%arg14 : memref<256x16xf32, #tpu.memory_space<vmem>>) dst(%dma_wait3A_839 : memref<10112x16xf32, #tpu.memory_space<vmem_shared>>)
      tpu.yield
    }) : () -> ()
    %barrier3A_728 = arith.constant 0 : index
    tpu.barrier barrier_id(%barrier3A_728)
    "tpu.region"() ({
      %run_scoped3A_827 = tpu.sem_alloc : memref<!tpu.dma_semaphore, #tpu.memory_space<semaphore_mem>>
      %dma_start3A_828 = arith.constant 0 : i32
      %dma_start3A_829 = tpu.memref_slice %arg10[%mul3A_0, %dma_start3A_828] : memref<10112x16xf32, #tpu.memory_space<vmem_shared>> -> memref<632x16xf32, #tpu.memory_space<vmem_shared>>
      %dma_start3A_830 = arith.constant 0 : i32
      %dma_start3A_831 = tpu.memref_slice %arg10[%mul3A_0, %dma_start3A_830] : memref<10112x16xf32, #tpu.memory_space<vmem_shared>> -> memref<632x16xf32, #tpu.memory_space<vmem_shared>>
      tpu.enqueue_dma source(%dma_start3A_831 : memref<632x16xf32, #tpu.memory_space<vmem_shared>>) target(%arg15 : memref<632x16xf32, #tpu.memory_space<vmem>>) target_semaphore(%run_scoped3A_827 : memref<!tpu.dma_semaphore, #tpu.memory_space<semaphore_mem>>)
      %dma_wait3A_832 = arith.constant 0 : i32
      %dma_wait3A_833 = tpu.memref_slice %arg10[%mul3A_0, %dma_wait3A_832] : memref<10112x16xf32, #tpu.memory_space<vmem_shared>> -> memref<632x16xf32, #tpu.memory_space<vmem_shared>>
      %dma_wait3A_834 = arith.constant 0 : i32
      %dma_wait3A_835 = tpu.memref_slice %arg10[%mul3A_0, %dma_wait3A_834] : memref<10112x16xf32, #tpu.memory_space<vmem_shared>> -> memref<632x16xf32, #tpu.memory_space<vmem_shared>>
      tpu.wait_dma2 semaphore(%run_scoped3A_827 : memref<!tpu.dma_semaphore, #tpu.memory_space<semaphore_mem>>) src(%dma_wait3A_835 : memref<632x16xf32, #tpu.memory_space<vmem_shared>>) dst(%arg15 : memref<632x16xf32, #tpu.memory_space<vmem>>)
      tpu.yield
    }) : () -> ()
    %scan3A_729 = arith.constant 0 : i32
    %scan3A_730 = arith.constant 158 : i32
    %scan3A_731 = arith.addi %scan3A_729, %scan3A_730 : i32
    %scan3A_732 = arith.constant 1 : i32
    scf.for %scan3A_827 = %scan3A_729 to %scan3A_731 step %scan3A_732  : i32 {
      %mul3A_828 = arith.constant 4 : i32
      %mul3A_829 = arith.muli %scan3A_827, %mul3A_828 : i32
      %add3A_830 = arith.constant 0 : i32
      %add3A_831 = arith.addi %add3A_830, %mul3A_829 : i32
      %add3A_832 = arith.constant 0 : i32
      %add3A_833 = arith.addi %add3A_831, %add3A_832 : i32
      %get3A_834 = arith.index_cast %add3A_833 : i32 to index
      %get3A_835 = arith.constant 0 : index
      %get3A_836 = tpu.vector_load %arg17[%get3A_834, %get3A_835] {strides = array<i32>} : memref<632x16xf32, #tpu.memory_space<vmem>>, vector<16xf32>,
      %add3A_837 = arith.constant 0 : i32
      %add3A_838 = arith.addi %add3A_831, %add3A_837 : i32
      %get3A_839 = arith.index_cast %add3A_838 : i32 to index
      %get3A_840 = arith.constant 0 : index
      %get3A_841 = tpu.vector_load %arg15[%get3A_839, %get3A_840] {strides = array<i32>} : memref<632x16xf32, #tpu.memory_space<vmem>>, vector<16xf32>,
      %add3A_842 = arith.constant 0 : i32
      %add3A_843 = arith.addi %add3A_831, %add3A_842 : i32
      %get3A_844 = arith.index_cast %add3A_843 : i32 to index
      %get3A_845 = arith.constant 0 : index
      %get3A_846 = tpu.vector_load %arg16[%get3A_844, %get3A_845] {strides = array<i32>} : memref<632x16xf32, #tpu.memory_space<vmem>>, vector<16xf32>,
      %add3A_847 = arith.addf %get3A_841, %get3A_846 : vector<16xf32>
      %mul3A_848 = arith.mulf %get3A_836, %add3A_847 : vector<16xf32>
      %add3A_849 = arith.constant 0 : i32
      %add3A_850 = arith.addi %add3A_831, %add3A_849 : i32
      %swap3A = arith.index_cast %add3A_850 : i32 to index
      %swap3A_851 = arith.constant 0 : index
      %swap3A_852 = tpu.vector_load %arg16[%swap3A, %swap3A_851] {strides = array<i32>} : memref<632x16xf32, #tpu.memory_space<vmem>>, vector<16xf32>,
      tpu.vector_store %arg16[%swap3A, %swap3A_851], %mul3A_848 {strides = array<i32>} : memref<632x16xf32, #tpu.memory_space<vmem>>, vector<16xf32>,
      %add3A_853 = arith.constant 1 : i32
      %add3A_854 = arith.addi %add3A_831, %add3A_853 : i32
      %get3A_855 = arith.index_cast %add3A_854 : i32 to index
      %get3A_856 = arith.constant 0 : index
      %get3A_857 = tpu.vector_load %arg17[%get3A_855, %get3A_856] {strides = array<i32>} : memref<632x16xf32, #tpu.memory_space<vmem>>, vector<16xf32>,
      %add3A_858 = arith.constant 1 : i32
      %add3A_859 = arith.addi %add3A_831, %add3A_858 : i32
      %get3A_860 = arith.index_cast %add3A_859 : i32 to index
      %get3A_861 = arith.constant 0 : index
      %get3A_862 = tpu.vector_load %arg15[%get3A_860, %get3A_861] {strides = array<i32>} : memref<632x16xf32, #tpu.memory_space<vmem>>, vector<16xf32>,
      %add3A_863 = arith.constant 1 : i32
      %add3A_864 = arith.addi %add3A_831, %add3A_863 : i32
      %get3A_865 = arith.index_cast %add3A_864 : i32 to index
      %get3A_866 = arith.constant 0 : index
      %get3A_867 = tpu.vector_load %arg16[%get3A_865, %get3A_866] {strides = array<i32>} : memref<632x16xf32, #tpu.memory_space<vmem>>, vector<16xf32>,
      %add3A_868 = arith.addf %get3A_862, %get3A_867 : vector<16xf32>
      %mul3A_869 = arith.mulf %get3A_857, %add3A_868 : vector<16xf32>
      %add3A_870 = arith.constant 1 : i32
      %add3A_871 = arith.addi %add3A_831, %add3A_870 : i32
      %swap3A_872 = arith.index_cast %add3A_871 : i32 to index
      %swap3A_873 = arith.constant 0 : index
      %swap3A_874 = tpu.vector_load %arg16[%swap3A_872, %swap3A_873] {strides = array<i32>} : memref<632x16xf32, #tpu.memory_space<vmem>>, vector<16xf32>,
      tpu.vector_store %arg16[%swap3A_872, %swap3A_873], %mul3A_869 {strides = array<i32>} : memref<632x16xf32, #tpu.memory_space<vmem>>, vector<16xf32>,
      %add3A_875 = arith.constant 2 : i32
      %add3A_876 = arith.addi %add3A_831, %add3A_875 : i32
      %get3A_877 = arith.index_cast %add3A_876 : i32 to index
      %get3A_878 = arith.constant 0 : index
      %get3A_879 = tpu.vector_load %arg17[%get3A_877, %get3A_878] {strides = array<i32>} : memref<632x16xf32, #tpu.memory_space<vmem>>, vector<16xf32>,
      %add3A_880 = arith.constant 2 : i32
      %add3A_881 = arith.addi %add3A_831, %add3A_880 : i32
      %get3A_882 = arith.index_cast %add3A_881 : i32 to index
      %get3A_883 = arith.constant 0 : index
      %get3A_884 = tpu.vector_load %arg15[%get3A_882, %get3A_883] {strides = array<i32>} : memref<632x16xf32, #tpu.memory_space<vmem>>, vector<16xf32>,
      %add3A_885 = arith.constant 2 : i32
      %add3A_886 = arith.addi %add3A_831, %add3A_885 : i32
      %get3A_887 = arith.index_cast %add3A_886 : i32 to index
      %get3A_888 = arith.constant 0 : index
      %get3A_889 = tpu.vector_load %arg16[%get3A_887, %get3A_888] {strides = array<i32>} : memref<632x16xf32, #tpu.memory_space<vmem>>, vector<16xf32>,
      %add3A_890 = arith.addf %get3A_884, %get3A_889 : vector<16xf32>
      %mul3A_891 = arith.mulf %get3A_879, %add3A_890 : vector<16xf32>
      %add3A_892 = arith.constant 2 : i32
      %add3A_893 = arith.addi %add3A_831, %add3A_892 : i32
      %swap3A_894 = arith.index_cast %add3A_893 : i32 to index
      %swap3A_895 = arith.constant 0 : index
      %swap3A_896 = tpu.vector_load %arg16[%swap3A_894, %swap3A_895] {strides = array<i32>} : memref<632x16xf32, #tpu.memory_space<vmem>>, vector<16xf32>,
      tpu.vector_store %arg16[%swap3A_894, %swap3A_895], %mul3A_891 {strides = array<i32>} : memref<632x16xf32, #tpu.memory_space<vmem>>, vector<16xf32>,
      %add3A_897 = arith.constant 3 : i32
      %add3A_898 = arith.addi %add3A_831, %add3A_897 : i32
      %get3A_899 = arith.index_cast %add3A_898 : i32 to index
      %get3A_900 = arith.constant 0 : index
      %get3A_901 = tpu.vector_load %arg17[%get3A_899, %get3A_900] {strides = array<i32>} : memref<632x16xf32, #tpu.memory_space<vmem>>, vector<16xf32>,
      %add3A_902 = arith.constant 3 : i32
      %add3A_903 = arith.addi %add3A_831, %add3A_902 : i32
      %get3A_904 = arith.index_cast %add3A_903 : i32 to index
      %get3A_905 = arith.constant 0 : index
      %get3A_906 = tpu.vector_load %arg15[%get3A_904, %get3A_905] {strides = array<i32>} : memref<632x16xf32, #tpu.memory_space<vmem>>, vector<16xf32>,
      %add3A_907 = arith.constant 3 : i32
      %add3A_908 = arith.addi %add3A_831, %add3A_907 : i32
      %get3A_909 = arith.index_cast %add3A_908 : i32 to index
      %get3A_910 = arith.constant 0 : index
      %get3A_911 = tpu.vector_load %arg16[%get3A_909, %get3A_910] {strides = array<i32>} : memref<632x16xf32, #tpu.memory_space<vmem>>, vector<16xf32>,
      %add3A_912 = arith.addf %get3A_906, %get3A_911 : vector<16xf32>
      %mul3A_913 = arith.mulf %get3A_901, %add3A_912 : vector<16xf32>
      %add3A_914 = arith.constant 3 : i32
      %add3A_915 = arith.addi %add3A_831, %add3A_914 : i32
      %swap3A_916 = arith.index_cast %add3A_915 : i32 to index
      %swap3A_917 = arith.constant 0 : index
      %swap3A_918 = tpu.vector_load %arg16[%swap3A_916, %swap3A_917] {strides = array<i32>} : memref<632x16xf32, #tpu.memory_space<vmem>>, vector<16xf32>,
      tpu.vector_store %arg16[%swap3A_916, %swap3A_917], %mul3A_913 {strides = array<i32>} : memref<632x16xf32, #tpu.memory_space<vmem>>, vector<16xf32>,
    }
    %scan3A_733 = arith.constant 158 : i32
    "tpu.region"() ({
      %run_scoped3A_827 = tpu.sem_alloc : memref<!tpu.dma_semaphore, #tpu.memory_space<semaphore_mem>>
      %dma_start3A_828 = arith.constant 0 : i32
      %dma_start3A_829 = tpu.memref_slice %arg9[%mul3A_0, %dma_start3A_828] : memref<10112x16xf32, #tpu.memory_space<vmem_shared>> -> memref<632x16xf32, #tpu.memory_space<vmem_shared>>
      %dma_start3A_830 = arith.constant 0 : i32
      %dma_start3A_831 = tpu.memref_slice %arg9[%mul3A_0, %dma_start3A_830] : memref<10112x16xf32, #tpu.memory_space<vmem_shared>> -> memref<632x16xf32, #tpu.memory_space<vmem_shared>>
      tpu.enqueue_dma source(%arg16 : memref<632x16xf32, #tpu.memory_space<vmem>>) target(%dma_start3A_831 : memref<632x16xf32, #tpu.memory_space<vmem_shared>>) target_semaphore(%run_scoped3A_827 : memref<!tpu.dma_semaphore, #tpu.memory_space<semaphore_mem>>)
      %dma_wait3A_832 = arith.constant 0 : i32
      %dma_wait3A_833 = tpu.memref_slice %arg9[%mul3A_0, %dma_wait3A_832] : memref<10112x16xf32, #tpu.memory_space<vmem_shared>> -> memref<632x16xf32, #tpu.memory_space<vmem_shared>>
      %dma_wait3A_834 = arith.constant 0 : i32
      %dma_wait3A_835 = tpu.memref_slice %arg9[%mul3A_0, %dma_wait3A_834] : memref<10112x16xf32, #tpu.memory_space<vmem_shared>> -> memref<632x16xf32, #tpu.memory_space<vmem_shared>>
      tpu.wait_dma2 semaphore(%run_scoped3A_827 : memref<!tpu.dma_semaphore, #tpu.memory_space<semaphore_mem>>) src(%arg16 : memref<632x16xf32, #tpu.memory_space<vmem>>) dst(%dma_wait3A_835 : memref<632x16xf32, #tpu.memory_space<vmem_shared>>)
      tpu.yield
    }) : () -> ()
    %dma_start3A_734 = arith.constant 0 : i32
    %dma_start3A_735 = tpu.memref_slice %arg6[%mul3A_0, %dma_start3A_734] : memref<10112x16xf32, #tpu.memory_space<hbm>> -> memref<632x16xf32, #tpu.memory_space<hbm>>
    %dma_start3A_736 = arith.constant 0 : i32
    %dma_start3A_737 = tpu.memref_slice %arg6[%mul3A_0, %dma_start3A_736] : memref<10112x16xf32, #tpu.memory_space<hbm>> -> memref<632x16xf32, #tpu.memory_space<hbm>>
    tpu.enqueue_dma source(%arg16 : memref<632x16xf32, #tpu.memory_space<vmem>>) target(%dma_start3A_737 : memref<632x16xf32, #tpu.memory_space<hbm>>) target_semaphore(%arg22 : memref<!tpu.dma_semaphore, #tpu.memory_space<semaphore_mem>>)
    "tpu.region"() ({
      %run_scoped3A_827 = tpu.sem_alloc : memref<!tpu.dma_semaphore, #tpu.memory_space<semaphore_mem>>
      %dma_start3A_828 = arith.constant 0 : i32
      %dma_start3A_829 = tpu.memref_slice %arg10[%mul3A_0, %dma_start3A_828] : memref<10112x16xf32, #tpu.memory_space<vmem_shared>> -> memref<632x16xf32, #tpu.memory_space<vmem_shared>>
      %dma_start3A_830 = arith.constant 0 : i32
      %dma_start3A_831 = tpu.memref_slice %arg10[%mul3A_0, %dma_start3A_830] : memref<10112x16xf32, #tpu.memory_space<vmem_shared>> -> memref<632x16xf32, #tpu.memory_space<vmem_shared>>
      tpu.enqueue_dma source(%arg18 : memref<632x16xf32, #tpu.memory_space<vmem>>) target(%dma_start3A_831 : memref<632x16xf32, #tpu.memory_space<vmem_shared>>) target_semaphore(%run_scoped3A_827 : memref<!tpu.dma_semaphore, #tpu.memory_space<semaphore_mem>>)
      %dma_wait3A_832 = arith.constant 0 : i32
      %dma_wait3A_833 = tpu.memref_slice %arg10[%mul3A_0, %dma_wait3A_832] : memref<10112x16xf32, #tpu.memory_space<vmem_shared>> -> memref<632x16xf32, #tpu.memory_space<vmem_shared>>
      %dma_wait3A_834 = arith.constant 0 : i32
      %dma_wait3A_835 = tpu.memref_slice %arg10[%mul3A_0, %dma_wait3A_834] : memref<10112x16xf32, #tpu.memory_space<vmem_shared>> -> memref<632x16xf32, #tpu.memory_space<vmem_shared>>
      tpu.wait_dma2 semaphore(%run_scoped3A_827 : memref<!tpu.dma_semaphore, #tpu.memory_space<semaphore_mem>>) src(%arg18 : memref<632x16xf32, #tpu.memory_space<vmem>>) dst(%dma_wait3A_835 : memref<632x16xf32, #tpu.memory_space<vmem_shared>>)
      tpu.yield
    }) : () -> ()
    %barrier3A_738 = arith.constant 0 : index
    tpu.barrier barrier_id(%barrier3A_738)
    %dma_start3A_739 = arith.constant 0 : i32
    %dma_start3A_740 = arith.constant 0 : i32
    %dma_start3A_741 = tpu.memref_slice %arg11[%dma_start3A_739, %dma_start3A_740] : memref<80x256xi32, #tpu.memory_space<vmem>> -> memref<1x256xi32, #tpu.memory_space<vmem>>
    %dma_start3A_742 = tpu.memref_squeeze %dma_start3A_741 : memref<1x256xi32, #tpu.memory_space<vmem>> -> memref<256xi32, #tpu.memory_space<vmem>>
    %dma_start3A_743 = arith.constant 0 : i32
    %dma_start3A_744 = arith.constant 0 : i32
    %dma_start3A_745 = tpu.memref_slice %arg9[%dma_start3A_743, %dma_start3A_744] : memref<10112x16xf32, #tpu.memory_space<vmem_shared>> -> memref<10112x16xf32, #tpu.memory_space<vmem_shared>>
    tpu.enqueue_indirect_dma source(%dma_start3A_745 : memref<10112x16xf32, #tpu.memory_space<vmem_shared>>) target(%arg13 : memref<256x16xf32, #tpu.memory_space<vmem>>) offsets(%dma_start3A_742 : memref<256xi32, #tpu.memory_space<vmem>>) semaphore(%arg20 : memref<!tpu.dma_semaphore, #tpu.memory_space<semaphore_mem>>)
    %scan3A_746 = arith.constant 0 : i32
    %scan3A_747 = arith.constant 39 : i32
    %scan3A_748 = arith.addi %scan3A_746, %scan3A_747 : i32
    %scan3A_749 = arith.constant 1 : i32
    scf.for %scan3A_827 = %scan3A_746 to %scan3A_748 step %scan3A_749  : i32 {
      %mul3A_828 = arith.constant 2 : i32
      %mul3A_829 = arith.muli %scan3A_827, %mul3A_828 : i32
      %add3A_830 = arith.constant 0 : i32
      %add3A_831 = arith.addi %add3A_830, %mul3A_829 : i32
      %add3A_832 = arith.constant 1 : i32
      %add3A_833 = arith.addi %add3A_831, %add3A_832 : i32
      %dma_start3A_834 = arith.constant 0 : i32
      %dma_start3A_835 = tpu.memref_slice %arg11[%add3A_833, %dma_start3A_834] : memref<80x256xi32, #tpu.memory_space<vmem>> -> memref<1x256xi32, #tpu.memory_space<vmem>>
      %dma_start3A_836 = tpu.memref_squeeze %dma_start3A_835 : memref<1x256xi32, #tpu.memory_space<vmem>> -> memref<256xi32, #tpu.memory_space<vmem>>
      %dma_start3A_837 = arith.constant 0 : i32
      %dma_start3A_838 = arith.constant 0 : i32
      %dma_start3A_839 = tpu.memref_slice %arg9[%dma_start3A_837, %dma_start3A_838] : memref<10112x16xf32, #tpu.memory_space<vmem_shared>> -> memref<10112x16xf32, #tpu.memory_space<vmem_shared>>
      tpu.enqueue_indirect_dma source(%dma_start3A_839 : memref<10112x16xf32, #tpu.memory_space<vmem_shared>>) target(%arg14 : memref<256x16xf32, #tpu.memory_space<vmem>>) offsets(%dma_start3A_836 : memref<256xi32, #tpu.memory_space<vmem>>) semaphore(%arg21 : memref<!tpu.dma_semaphore, #tpu.memory_space<semaphore_mem>>)
      %dma_wait3A_840 = arith.constant 0 : i32
      %dma_wait3A_841 = tpu.memref_slice %arg11[%add3A_831, %dma_wait3A_840] : memref<80x256xi32, #tpu.memory_space<vmem>> -> memref<1x256xi32, #tpu.memory_space<vmem>>
      %dma_wait3A_842 = tpu.memref_squeeze %dma_wait3A_841 : memref<1x256xi32, #tpu.memory_space<vmem>> -> memref<256xi32, #tpu.memory_space<vmem>>
      %dma_wait3A_843 = arith.constant 0 : i32
      %dma_wait3A_844 = arith.constant 0 : i32
      %dma_wait3A_845 = tpu.memref_slice %arg9[%dma_wait3A_843, %dma_wait3A_844] : memref<10112x16xf32, #tpu.memory_space<vmem_shared>> -> memref<10112x16xf32, #tpu.memory_space<vmem_shared>>
      tpu.wait_indirect_dma semaphore(%arg20 : memref<!tpu.dma_semaphore, #tpu.memory_space<semaphore_mem>>) src(%dma_wait3A_845 : memref<10112x16xf32, #tpu.memory_space<vmem_shared>>) dst(%arg13 : memref<256x16xf32, #tpu.memory_space<vmem>>)
      "tpu.region"() ({
        %run_scoped3A_864 = tpu.sem_alloc : memref<!tpu.dma_semaphore, #tpu.memory_space<semaphore_mem>>
        %dma_start3A_865 = arith.constant 0 : i32
        %dma_start3A_866 = tpu.memref_slice %arg12[%add3A_831, %dma_start3A_865] : memref<80x256xi32, #tpu.memory_space<vmem>> -> memref<1x256xi32, #tpu.memory_space<vmem>>
        %dma_start3A_867 = tpu.memref_squeeze %dma_start3A_866 : memref<1x256xi32, #tpu.memory_space<vmem>> -> memref<256xi32, #tpu.memory_space<vmem>>
        %dma_start3A_868 = arith.constant 0 : i32
        %dma_start3A_869 = arith.constant 0 : i32
        %dma_start3A_870 = tpu.memref_slice %arg10[%dma_start3A_868, %dma_start3A_869] : memref<10112x16xf32, #tpu.memory_space<vmem_shared>> -> memref<10112x16xf32, #tpu.memory_space<vmem_shared>>
        tpu.enqueue_indirect_dma source(%arg13 : memref<256x16xf32, #tpu.memory_space<vmem>>) target(%dma_start3A_870 : memref<10112x16xf32, #tpu.memory_space<vmem_shared>>) offsets(%dma_start3A_867 : memref<256xi32, #tpu.memory_space<vmem>>) semaphore(%run_scoped3A_864 : memref<!tpu.dma_semaphore, #tpu.memory_space<semaphore_mem>>) {add = true}
        %dma_wait3A_871 = arith.constant 0 : i32
        %dma_wait3A_872 = tpu.memref_slice %arg12[%add3A_831, %dma_wait3A_871] : memref<80x256xi32, #tpu.memory_space<vmem>> -> memref<1x256xi32, #tpu.memory_space<vmem>>
        %dma_wait3A_873 = tpu.memref_squeeze %dma_wait3A_872 : memref<1x256xi32, #tpu.memory_space<vmem>> -> memref<256xi32, #tpu.memory_space<vmem>>
        %dma_wait3A_874 = arith.constant 0 : i32
        %dma_wait3A_875 = arith.constant 0 : i32
        %dma_wait3A_876 = tpu.memref_slice %arg10[%dma_wait3A_874, %dma_wait3A_875] : memref<10112x16xf32, #tpu.memory_space<vmem_shared>> -> memref<10112x16xf32, #tpu.memory_space<vmem_shared>>
        tpu.wait_indirect_dma semaphore(%run_scoped3A_864 : memref<!tpu.dma_semaphore, #tpu.memory_space<semaphore_mem>>) src(%arg13 : memref<256x16xf32, #tpu.memory_space<vmem>>) dst(%dma_wait3A_876 : memref<10112x16xf32, #tpu.memory_space<vmem_shared>>)
        tpu.yield
      }) : () -> ()
      %add3A_846 = arith.constant 2 : i32
      %add3A_847 = arith.addi %add3A_831, %add3A_846 : i32
      %dma_start3A_848 = arith.constant 0 : i32
      %dma_start3A_849 = tpu.memref_slice %arg11[%add3A_847, %dma_start3A_848] : memref<80x256xi32, #tpu.memory_space<vmem>> -> memref<1x256xi32, #tpu.memory_space<vmem>>
      %dma_start3A_850 = tpu.memref_squeeze %dma_start3A_849 : memref<1x256xi32, #tpu.memory_space<vmem>> -> memref<256xi32, #tpu.memory_space<vmem>>
      %dma_start3A_851 = arith.constant 0 : i32
      %dma_start3A_852 = arith.constant 0 : i32
      %dma_start3A_853 = tpu.memref_slice %arg9[%dma_start3A_851, %dma_start3A_852] : memref<10112x16xf32, #tpu.memory_space<vmem_shared>> -> memref<10112x16xf32, #tpu.memory_space<vmem_shared>>
      tpu.enqueue_indirect_dma source(%dma_start3A_853 : memref<10112x16xf32, #tpu.memory_space<vmem_shared>>) target(%arg13 : memref<256x16xf32, #tpu.memory_space<vmem>>) offsets(%dma_start3A_850 : memref<256xi32, #tpu.memory_space<vmem>>) semaphore(%arg20 : memref<!tpu.dma_semaphore, #tpu.memory_space<semaphore_mem>>)
      %add3A_854 = arith.constant 1 : i32
      %add3A_855 = arith.addi %add3A_831, %add3A_854 : i32
      %dma_wait3A_856 = arith.constant 0 : i32
      %dma_wait3A_857 = tpu.memref_slice %arg11[%add3A_855, %dma_wait3A_856] : memref<80x256xi32, #tpu.memory_space<vmem>> -> memref<1x256xi32, #tpu.memory_space<vmem>>
      %dma_wait3A_858 = tpu.memref_squeeze %dma_wait3A_857 : memref<1x256xi32, #tpu.memory_space<vmem>> -> memref<256xi32, #tpu.memory_space<vmem>>
      %dma_wait3A_859 = arith.constant 0 : i32
      %dma_wait3A_860 = arith.constant 0 : i32
      %dma_wait3A_861 = tpu.memref_slice %arg9[%dma_wait3A_859, %dma_wait3A_860] : memref<10112x16xf32, #tpu.memory_space<vmem_shared>> -> memref<10112x16xf32, #tpu.memory_space<vmem_shared>>
      tpu.wait_indirect_dma semaphore(%arg21 : memref<!tpu.dma_semaphore, #tpu.memory_space<semaphore_mem>>) src(%dma_wait3A_861 : memref<10112x16xf32, #tpu.memory_space<vmem_shared>>) dst(%arg14 : memref<256x16xf32, #tpu.memory_space<vmem>>)
      %add3A_862 = arith.constant 1 : i32
      %add3A_863 = arith.addi %add3A_831, %add3A_862 : i32
      "tpu.region"() ({
        %run_scoped3A_864 = tpu.sem_alloc : memref<!tpu.dma_semaphore, #tpu.memory_space<semaphore_mem>>
        %dma_start3A_865 = arith.constant 0 : i32
        %dma_start3A_866 = tpu.memref_slice %arg12[%add3A_863, %dma_start3A_865] : memref<80x256xi32, #tpu.memory_space<vmem>> -> memref<1x256xi32, #tpu.memory_space<vmem>>
        %dma_start3A_867 = tpu.memref_squeeze %dma_start3A_866 : memref<1x256xi32, #tpu.memory_space<vmem>> -> memref<256xi32, #tpu.memory_space<vmem>>
        %dma_start3A_868 = arith.constant 0 : i32
        %dma_start3A_869 = arith.constant 0 : i32
        %dma_start3A_870 = tpu.memref_slice %arg10[%dma_start3A_868, %dma_start3A_869] : memref<10112x16xf32, #tpu.memory_space<vmem_shared>> -> memref<10112x16xf32, #tpu.memory_space<vmem_shared>>
        tpu.enqueue_indirect_dma source(%arg14 : memref<256x16xf32, #tpu.memory_space<vmem>>) target(%dma_start3A_870 : memref<10112x16xf32, #tpu.memory_space<vmem_shared>>) offsets(%dma_start3A_867 : memref<256xi32, #tpu.memory_space<vmem>>) semaphore(%run_scoped3A_864 : memref<!tpu.dma_semaphore, #tpu.memory_space<semaphore_mem>>) {add = true}
        %dma_wait3A_871 = arith.constant 0 : i32
        %dma_wait3A_872 = tpu.memref_slice %arg12[%add3A_863, %dma_wait3A_871] : memref<80x256xi32, #tpu.memory_space<vmem>> -> memref<1x256xi32, #tpu.memory_space<vmem>>
        %dma_wait3A_873 = tpu.memref_squeeze %dma_wait3A_872 : memref<1x256xi32, #tpu.memory_space<vmem>> -> memref<256xi32, #tpu.memory_space<vmem>>
        %dma_wait3A_874 = arith.constant 0 : i32
        %dma_wait3A_875 = arith.constant 0 : i32
        %dma_wait3A_876 = tpu.memref_slice %arg10[%dma_wait3A_874, %dma_wait3A_875] : memref<10112x16xf32, #tpu.memory_space<vmem_shared>> -> memref<10112x16xf32, #tpu.memory_space<vmem_shared>>
        tpu.wait_indirect_dma semaphore(%run_scoped3A_864 : memref<!tpu.dma_semaphore, #tpu.memory_space<semaphore_mem>>) src(%arg14 : memref<256x16xf32, #tpu.memory_space<vmem>>) dst(%dma_wait3A_876 : memref<10112x16xf32, #tpu.memory_space<vmem_shared>>)
        tpu.yield
      }) : () -> ()
    }
    %scan3A_750 = arith.constant 39 : i32
    %dma_start3A_751 = arith.constant 79 : i32
    %dma_start3A_752 = arith.constant 0 : i32
    %dma_start3A_753 = tpu.memref_slice %arg11[%dma_start3A_751, %dma_start3A_752] : memref<80x256xi32, #tpu.memory_space<vmem>> -> memref<1x256xi32, #tpu.memory_space<vmem>>
    %dma_start3A_754 = tpu.memref_squeeze %dma_start3A_753 : memref<1x256xi32, #tpu.memory_space<vmem>> -> memref<256xi32, #tpu.memory_space<vmem>>
    %dma_start3A_755 = arith.constant 0 : i32
    %dma_start3A_756 = arith.constant 0 : i32
    %dma_start3A_757 = tpu.memref_slice %arg9[%dma_start3A_755, %dma_start3A_756] : memref<10112x16xf32, #tpu.memory_space<vmem_shared>> -> memref<10112x16xf32, #tpu.memory_space<vmem_shared>>
    tpu.enqueue_indirect_dma source(%dma_start3A_757 : memref<10112x16xf32, #tpu.memory_space<vmem_shared>>) target(%arg14 : memref<256x16xf32, #tpu.memory_space<vmem>>) offsets(%dma_start3A_754 : memref<256xi32, #tpu.memory_space<vmem>>) semaphore(%arg21 : memref<!tpu.dma_semaphore, #tpu.memory_space<semaphore_mem>>)
    %dma_wait3A_758 = arith.constant 78 : i32
    %dma_wait3A_759 = arith.constant 0 : i32
    %dma_wait3A_760 = tpu.memref_slice %arg11[%dma_wait3A_758, %dma_wait3A_759] : memref<80x256xi32, #tpu.memory_space<vmem>> -> memref<1x256xi32, #tpu.memory_space<vmem>>
    %dma_wait3A_761 = tpu.memref_squeeze %dma_wait3A_760 : memref<1x256xi32, #tpu.memory_space<vmem>> -> memref<256xi32, #tpu.memory_space<vmem>>
    %dma_wait3A_762 = arith.constant 0 : i32
    %dma_wait3A_763 = arith.constant 0 : i32
    %dma_wait3A_764 = tpu.memref_slice %arg9[%dma_wait3A_762, %dma_wait3A_763] : memref<10112x16xf32, #tpu.memory_space<vmem_shared>> -> memref<10112x16xf32, #tpu.memory_space<vmem_shared>>
    tpu.wait_indirect_dma semaphore(%arg20 : memref<!tpu.dma_semaphore, #tpu.memory_space<semaphore_mem>>) src(%dma_wait3A_764 : memref<10112x16xf32, #tpu.memory_space<vmem_shared>>) dst(%arg13 : memref<256x16xf32, #tpu.memory_space<vmem>>)
    %run_scoped3A_765 = arith.constant 78 : i32
    "tpu.region"() ({
      %run_scoped3A_827 = tpu.sem_alloc : memref<!tpu.dma_semaphore, #tpu.memory_space<semaphore_mem>>
      %dma_start3A_828 = arith.constant 0 : i32
      %dma_start3A_829 = tpu.memref_slice %arg12[%run_scoped3A_765, %dma_start3A_828] : memref<80x256xi32, #tpu.memory_space<vmem>> -> memref<1x256xi32, #tpu.memory_space<vmem>>
      %dma_start3A_830 = tpu.memref_squeeze %dma_start3A_829 : memref<1x256xi32, #tpu.memory_space<vmem>> -> memref<256xi32, #tpu.memory_space<vmem>>
      %dma_start3A_831 = arith.constant 0 : i32
      %dma_start3A_832 = arith.constant 0 : i32
      %dma_start3A_833 = tpu.memref_slice %arg10[%dma_start3A_831, %dma_start3A_832] : memref<10112x16xf32, #tpu.memory_space<vmem_shared>> -> memref<10112x16xf32, #tpu.memory_space<vmem_shared>>
      tpu.enqueue_indirect_dma source(%arg13 : memref<256x16xf32, #tpu.memory_space<vmem>>) target(%dma_start3A_833 : memref<10112x16xf32, #tpu.memory_space<vmem_shared>>) offsets(%dma_start3A_830 : memref<256xi32, #tpu.memory_space<vmem>>) semaphore(%run_scoped3A_827 : memref<!tpu.dma_semaphore, #tpu.memory_space<semaphore_mem>>) {add = true}
      %dma_wait3A_834 = arith.constant 0 : i32
      %dma_wait3A_835 = tpu.memref_slice %arg12[%run_scoped3A_765, %dma_wait3A_834] : memref<80x256xi32, #tpu.memory_space<vmem>> -> memref<1x256xi32, #tpu.memory_space<vmem>>
      %dma_wait3A_836 = tpu.memref_squeeze %dma_wait3A_835 : memref<1x256xi32, #tpu.memory_space<vmem>> -> memref<256xi32, #tpu.memory_space<vmem>>
      %dma_wait3A_837 = arith.constant 0 : i32
      %dma_wait3A_838 = arith.constant 0 : i32
      %dma_wait3A_839 = tpu.memref_slice %arg10[%dma_wait3A_837, %dma_wait3A_838] : memref<10112x16xf32, #tpu.memory_space<vmem_shared>> -> memref<10112x16xf32, #tpu.memory_space<vmem_shared>>
      tpu.wait_indirect_dma semaphore(%run_scoped3A_827 : memref<!tpu.dma_semaphore, #tpu.memory_space<semaphore_mem>>) src(%arg13 : memref<256x16xf32, #tpu.memory_space<vmem>>) dst(%dma_wait3A_839 : memref<10112x16xf32, #tpu.memory_space<vmem_shared>>)
      tpu.yield
    }) : () -> ()
    %dma_wait3A_766 = arith.constant 79 : i32
    %dma_wait3A_767 = arith.constant 0 : i32
    %dma_wait3A_768 = tpu.memref_slice %arg11[%dma_wait3A_766, %dma_wait3A_767] : memref<80x256xi32, #tpu.memory_space<vmem>> -> memref<1x256xi32, #tpu.memory_space<vmem>>
    %dma_wait3A_769 = tpu.memref_squeeze %dma_wait3A_768 : memref<1x256xi32, #tpu.memory_space<vmem>> -> memref<256xi32, #tpu.memory_space<vmem>>
    %dma_wait3A_770 = arith.constant 0 : i32
    %dma_wait3A_771 = arith.constant 0 : i32
    %dma_wait3A_772 = tpu.memref_slice %arg9[%dma_wait3A_770, %dma_wait3A_771] : memref<10112x16xf32, #tpu.memory_space<vmem_shared>> -> memref<10112x16xf32, #tpu.memory_space<vmem_shared>>
    tpu.wait_indirect_dma semaphore(%arg21 : memref<!tpu.dma_semaphore, #tpu.memory_space<semaphore_mem>>) src(%dma_wait3A_772 : memref<10112x16xf32, #tpu.memory_space<vmem_shared>>) dst(%arg14 : memref<256x16xf32, #tpu.memory_space<vmem>>)
    %run_scoped3A_773 = arith.constant 79 : i32
    "tpu.region"() ({
      %run_scoped3A_827 = tpu.sem_alloc : memref<!tpu.dma_semaphore, #tpu.memory_space<semaphore_mem>>
      %dma_start3A_828 = arith.constant 0 : i32
      %dma_start3A_829 = tpu.memref_slice %arg12[%run_scoped3A_773, %dma_start3A_828] : memref<80x256xi32, #tpu.memory_space<vmem>> -> memref<1x256xi32, #tpu.memory_space<vmem>>
      %dma_start3A_830 = tpu.memref_squeeze %dma_start3A_829 : memref<1x256xi32, #tpu.memory_space<vmem>> -> memref<256xi32, #tpu.memory_space<vmem>>
      %dma_start3A_831 = arith.constant 0 : i32
      %dma_start3A_832 = arith.constant 0 : i32
      %dma_start3A_833 = tpu.memref_slice %arg10[%dma_start3A_831, %dma_start3A_832] : memref<10112x16xf32, #tpu.memory_space<vmem_shared>> -> memref<10112x16xf32, #tpu.memory_space<vmem_shared>>
      tpu.enqueue_indirect_dma source(%arg14 : memref<256x16xf32, #tpu.memory_space<vmem>>) target(%dma_start3A_833 : memref<10112x16xf32, #tpu.memory_space<vmem_shared>>) offsets(%dma_start3A_830 : memref<256xi32, #tpu.memory_space<vmem>>) semaphore(%run_scoped3A_827 : memref<!tpu.dma_semaphore, #tpu.memory_space<semaphore_mem>>) {add = true}
      %dma_wait3A_834 = arith.constant 0 : i32
      %dma_wait3A_835 = tpu.memref_slice %arg12[%run_scoped3A_773, %dma_wait3A_834] : memref<80x256xi32, #tpu.memory_space<vmem>> -> memref<1x256xi32, #tpu.memory_space<vmem>>
      %dma_wait3A_836 = tpu.memref_squeeze %dma_wait3A_835 : memref<1x256xi32, #tpu.memory_space<vmem>> -> memref<256xi32, #tpu.memory_space<vmem>>
      %dma_wait3A_837 = arith.constant 0 : i32
      %dma_wait3A_838 = arith.constant 0 : i32
      %dma_wait3A_839 = tpu.memref_slice %arg10[%dma_wait3A_837, %dma_wait3A_838] : memref<10112x16xf32, #tpu.memory_space<vmem_shared>> -> memref<10112x16xf32, #tpu.memory_space<vmem_shared>>
      tpu.wait_indirect_dma semaphore(%run_scoped3A_827 : memref<!tpu.dma_semaphore, #tpu.memory_space<semaphore_mem>>) src(%arg14 : memref<256x16xf32, #tpu.memory_space<vmem>>) dst(%dma_wait3A_839 : memref<10112x16xf32, #tpu.memory_space<vmem_shared>>)
      tpu.yield
    }) : () -> ()
    %barrier3A_774 = arith.constant 0 : index
    tpu.barrier barrier_id(%barrier3A_774)
    "tpu.region"() ({
      %run_scoped3A_827 = tpu.sem_alloc : memref<!tpu.dma_semaphore, #tpu.memory_space<semaphore_mem>>
      %dma_start3A_828 = arith.constant 0 : i32
      %dma_start3A_829 = tpu.memref_slice %arg10[%mul3A_0, %dma_start3A_828] : memref<10112x16xf32, #tpu.memory_space<vmem_shared>> -> memref<632x16xf32, #tpu.memory_space<vmem_shared>>
      %dma_start3A_830 = arith.constant 0 : i32
      %dma_start3A_831 = tpu.memref_slice %arg10[%mul3A_0, %dma_start3A_830] : memref<10112x16xf32, #tpu.memory_space<vmem_shared>> -> memref<632x16xf32, #tpu.memory_space<vmem_shared>>
      tpu.enqueue_dma source(%dma_start3A_831 : memref<632x16xf32, #tpu.memory_space<vmem_shared>>) target(%arg15 : memref<632x16xf32, #tpu.memory_space<vmem>>) target_semaphore(%run_scoped3A_827 : memref<!tpu.dma_semaphore, #tpu.memory_space<semaphore_mem>>)
      %dma_wait3A_832 = arith.constant 0 : i32
      %dma_wait3A_833 = tpu.memref_slice %arg10[%mul3A_0, %dma_wait3A_832] : memref<10112x16xf32, #tpu.memory_space<vmem_shared>> -> memref<632x16xf32, #tpu.memory_space<vmem_shared>>
      %dma_wait3A_834 = arith.constant 0 : i32
      %dma_wait3A_835 = tpu.memref_slice %arg10[%mul3A_0, %dma_wait3A_834] : memref<10112x16xf32, #tpu.memory_space<vmem_shared>> -> memref<632x16xf32, #tpu.memory_space<vmem_shared>>
      tpu.wait_dma2 semaphore(%run_scoped3A_827 : memref<!tpu.dma_semaphore, #tpu.memory_space<semaphore_mem>>) src(%dma_wait3A_835 : memref<632x16xf32, #tpu.memory_space<vmem_shared>>) dst(%arg15 : memref<632x16xf32, #tpu.memory_space<vmem>>)
      tpu.yield
    }) : () -> ()
    %dma_wait3A_775 = arith.constant 0 : i32
    %dma_wait3A_776 = tpu.memref_slice %arg6[%mul3A_0, %dma_wait3A_775] : memref<10112x16xf32, #tpu.memory_space<hbm>> -> memref<632x16xf32, #tpu.memory_space<hbm>>
    %dma_wait3A_777 = arith.constant 0 : i32
    %dma_wait3A_778 = tpu.memref_slice %arg6[%mul3A_0, %dma_wait3A_777] : memref<10112x16xf32, #tpu.memory_space<hbm>> -> memref<632x16xf32, #tpu.memory_space<hbm>>
    tpu.wait_dma2 semaphore(%arg22 : memref<!tpu.dma_semaphore, #tpu.memory_space<semaphore_mem>>) src(%arg16 : memref<632x16xf32, #tpu.memory_space<vmem>>) dst(%dma_wait3A_778 : memref<632x16xf32, #tpu.memory_space<hbm>>)
    %scan3A_779 = arith.constant 0 : i32
    %scan3A_780 = arith.constant 158 : i32
    %scan3A_781 = arith.addi %scan3A_779, %scan3A_780 : i32
    %scan3A_782 = arith.constant 1 : i32
    scf.for %scan3A_827 = %scan3A_779 to %scan3A_781 step %scan3A_782  : i32 {
      %mul3A_828 = arith.constant 4 : i32
      %mul3A_829 = arith.muli %scan3A_827, %mul3A_828 : i32
      %add3A_830 = arith.constant 0 : i32
      %add3A_831 = arith.addi %add3A_830, %mul3A_829 : i32
      %add3A_832 = arith.constant 0 : i32
      %add3A_833 = arith.addi %add3A_831, %add3A_832 : i32
      %get3A_834 = arith.index_cast %add3A_833 : i32 to index
      %get3A_835 = arith.constant 0 : index
      %get3A_836 = tpu.vector_load %arg17[%get3A_834, %get3A_835] {strides = array<i32>} : memref<632x16xf32, #tpu.memory_space<vmem>>, vector<16xf32>,
      %add3A_837 = arith.constant 0 : i32
      %add3A_838 = arith.addi %add3A_831, %add3A_837 : i32
      %get3A_839 = arith.index_cast %add3A_838 : i32 to index
      %get3A_840 = arith.constant 0 : index
      %get3A_841 = tpu.vector_load %arg15[%get3A_839, %get3A_840] {strides = array<i32>} : memref<632x16xf32, #tpu.memory_space<vmem>>, vector<16xf32>,
      %add3A_842 = arith.constant 0 : i32
      %add3A_843 = arith.addi %add3A_831, %add3A_842 : i32
      %get3A_844 = arith.index_cast %add3A_843 : i32 to index
      %get3A_845 = arith.constant 0 : index
      %get3A_846 = tpu.vector_load %arg16[%get3A_844, %get3A_845] {strides = array<i32>} : memref<632x16xf32, #tpu.memory_space<vmem>>, vector<16xf32>,
      %add3A_847 = arith.addf %get3A_841, %get3A_846 : vector<16xf32>
      %mul3A_848 = arith.mulf %get3A_836, %add3A_847 : vector<16xf32>
      %add3A_849 = arith.constant 0 : i32
      %add3A_850 = arith.addi %add3A_831, %add3A_849 : i32
      %swap3A = arith.index_cast %add3A_850 : i32 to index
      %swap3A_851 = arith.constant 0 : index
      %swap3A_852 = tpu.vector_load %arg16[%swap3A, %swap3A_851] {strides = array<i32>} : memref<632x16xf32, #tpu.memory_space<vmem>>, vector<16xf32>,
      tpu.vector_store %arg16[%swap3A, %swap3A_851], %mul3A_848 {strides = array<i32>} : memref<632x16xf32, #tpu.memory_space<vmem>>, vector<16xf32>,
      %add3A_853 = arith.constant 1 : i32
      %add3A_854 = arith.addi %add3A_831, %add3A_853 : i32
      %get3A_855 = arith.index_cast %add3A_854 : i32 to index
      %get3A_856 = arith.constant 0 : index
      %get3A_857 = tpu.vector_load %arg17[%get3A_855, %get3A_856] {strides = array<i32>} : memref<632x16xf32, #tpu.memory_space<vmem>>, vector<16xf32>,
      %add3A_858 = arith.constant 1 : i32
      %add3A_859 = arith.addi %add3A_831, %add3A_858 : i32
      %get3A_860 = arith.index_cast %add3A_859 : i32 to index
      %get3A_861 = arith.constant 0 : index
      %get3A_862 = tpu.vector_load %arg15[%get3A_860, %get3A_861] {strides = array<i32>} : memref<632x16xf32, #tpu.memory_space<vmem>>, vector<16xf32>,
      %add3A_863 = arith.constant 1 : i32
      %add3A_864 = arith.addi %add3A_831, %add3A_863 : i32
      %get3A_865 = arith.index_cast %add3A_864 : i32 to index
      %get3A_866 = arith.constant 0 : index
      %get3A_867 = tpu.vector_load %arg16[%get3A_865, %get3A_866] {strides = array<i32>} : memref<632x16xf32, #tpu.memory_space<vmem>>, vector<16xf32>,
      %add3A_868 = arith.addf %get3A_862, %get3A_867 : vector<16xf32>
      %mul3A_869 = arith.mulf %get3A_857, %add3A_868 : vector<16xf32>
      %add3A_870 = arith.constant 1 : i32
      %add3A_871 = arith.addi %add3A_831, %add3A_870 : i32
      %swap3A_872 = arith.index_cast %add3A_871 : i32 to index
      %swap3A_873 = arith.constant 0 : index
      %swap3A_874 = tpu.vector_load %arg16[%swap3A_872, %swap3A_873] {strides = array<i32>} : memref<632x16xf32, #tpu.memory_space<vmem>>, vector<16xf32>,
      tpu.vector_store %arg16[%swap3A_872, %swap3A_873], %mul3A_869 {strides = array<i32>} : memref<632x16xf32, #tpu.memory_space<vmem>>, vector<16xf32>,
      %add3A_875 = arith.constant 2 : i32
      %add3A_876 = arith.addi %add3A_831, %add3A_875 : i32
      %get3A_877 = arith.index_cast %add3A_876 : i32 to index
      %get3A_878 = arith.constant 0 : index
      %get3A_879 = tpu.vector_load %arg17[%get3A_877, %get3A_878] {strides = array<i32>} : memref<632x16xf32, #tpu.memory_space<vmem>>, vector<16xf32>,
      %add3A_880 = arith.constant 2 : i32
      %add3A_881 = arith.addi %add3A_831, %add3A_880 : i32
      %get3A_882 = arith.index_cast %add3A_881 : i32 to index
      %get3A_883 = arith.constant 0 : index
      %get3A_884 = tpu.vector_load %arg15[%get3A_882, %get3A_883] {strides = array<i32>} : memref<632x16xf32, #tpu.memory_space<vmem>>, vector<16xf32>,
      %add3A_885 = arith.constant 2 : i32
      %add3A_886 = arith.addi %add3A_831, %add3A_885 : i32
      %get3A_887 = arith.index_cast %add3A_886 : i32 to index
      %get3A_888 = arith.constant 0 : index
      %get3A_889 = tpu.vector_load %arg16[%get3A_887, %get3A_888] {strides = array<i32>} : memref<632x16xf32, #tpu.memory_space<vmem>>, vector<16xf32>,
      %add3A_890 = arith.addf %get3A_884, %get3A_889 : vector<16xf32>
      %mul3A_891 = arith.mulf %get3A_879, %add3A_890 : vector<16xf32>
      %add3A_892 = arith.constant 2 : i32
      %add3A_893 = arith.addi %add3A_831, %add3A_892 : i32
      %swap3A_894 = arith.index_cast %add3A_893 : i32 to index
      %swap3A_895 = arith.constant 0 : index
      %swap3A_896 = tpu.vector_load %arg16[%swap3A_894, %swap3A_895] {strides = array<i32>} : memref<632x16xf32, #tpu.memory_space<vmem>>, vector<16xf32>,
      tpu.vector_store %arg16[%swap3A_894, %swap3A_895], %mul3A_891 {strides = array<i32>} : memref<632x16xf32, #tpu.memory_space<vmem>>, vector<16xf32>,
      %add3A_897 = arith.constant 3 : i32
      %add3A_898 = arith.addi %add3A_831, %add3A_897 : i32
      %get3A_899 = arith.index_cast %add3A_898 : i32 to index
      %get3A_900 = arith.constant 0 : index
      %get3A_901 = tpu.vector_load %arg17[%get3A_899, %get3A_900] {strides = array<i32>} : memref<632x16xf32, #tpu.memory_space<vmem>>, vector<16xf32>,
      %add3A_902 = arith.constant 3 : i32
      %add3A_903 = arith.addi %add3A_831, %add3A_902 : i32
      %get3A_904 = arith.index_cast %add3A_903 : i32 to index
      %get3A_905 = arith.constant 0 : index
      %get3A_906 = tpu.vector_load %arg15[%get3A_904, %get3A_905] {strides = array<i32>} : memref<632x16xf32, #tpu.memory_space<vmem>>, vector<16xf32>,
      %add3A_907 = arith.constant 3 : i32
      %add3A_908 = arith.addi %add3A_831, %add3A_907 : i32
      %get3A_909 = arith.index_cast %add3A_908 : i32 to index
      %get3A_910 = arith.constant 0 : index
      %get3A_911 = tpu.vector_load %arg16[%get3A_909, %get3A_910] {strides = array<i32>} : memref<632x16xf32, #tpu.memory_space<vmem>>, vector<16xf32>,
      %add3A_912 = arith.addf %get3A_906, %get3A_911 : vector<16xf32>
      %mul3A_913 = arith.mulf %get3A_901, %add3A_912 : vector<16xf32>
      %add3A_914 = arith.constant 3 : i32
      %add3A_915 = arith.addi %add3A_831, %add3A_914 : i32
      %swap3A_916 = arith.index_cast %add3A_915 : i32 to index
      %swap3A_917 = arith.constant 0 : index
      %swap3A_918 = tpu.vector_load %arg16[%swap3A_916, %swap3A_917] {strides = array<i32>} : memref<632x16xf32, #tpu.memory_space<vmem>>, vector<16xf32>,
      tpu.vector_store %arg16[%swap3A_916, %swap3A_917], %mul3A_913 {strides = array<i32>} : memref<632x16xf32, #tpu.memory_space<vmem>>, vector<16xf32>,
    }
    %scan3A_783 = arith.constant 158 : i32
    "tpu.region"() ({
      %run_scoped3A_827 = tpu.sem_alloc : memref<!tpu.dma_semaphore, #tpu.memory_space<semaphore_mem>>
      %dma_start3A_828 = arith.constant 0 : i32
      %dma_start3A_829 = tpu.memref_slice %arg9[%mul3A_0, %dma_start3A_828] : memref<10112x16xf32, #tpu.memory_space<vmem_shared>> -> memref<632x16xf32, #tpu.memory_space<vmem_shared>>
      %dma_start3A_830 = arith.constant 0 : i32
      %dma_start3A_831 = tpu.memref_slice %arg9[%mul3A_0, %dma_start3A_830] : memref<10112x16xf32, #tpu.memory_space<vmem_shared>> -> memref<632x16xf32, #tpu.memory_space<vmem_shared>>
      tpu.enqueue_dma source(%arg16 : memref<632x16xf32, #tpu.memory_space<vmem>>) target(%dma_start3A_831 : memref<632x16xf32, #tpu.memory_space<vmem_shared>>) target_semaphore(%run_scoped3A_827 : memref<!tpu.dma_semaphore, #tpu.memory_space<semaphore_mem>>)
      %dma_wait3A_832 = arith.constant 0 : i32
      %dma_wait3A_833 = tpu.memref_slice %arg9[%mul3A_0, %dma_wait3A_832] : memref<10112x16xf32, #tpu.memory_space<vmem_shared>> -> memref<632x16xf32, #tpu.memory_space<vmem_shared>>
      %dma_wait3A_834 = arith.constant 0 : i32
      %dma_wait3A_835 = tpu.memref_slice %arg9[%mul3A_0, %dma_wait3A_834] : memref<10112x16xf32, #tpu.memory_space<vmem_shared>> -> memref<632x16xf32, #tpu.memory_space<vmem_shared>>
      tpu.wait_dma2 semaphore(%run_scoped3A_827 : memref<!tpu.dma_semaphore, #tpu.memory_space<semaphore_mem>>) src(%arg16 : memref<632x16xf32, #tpu.memory_space<vmem>>) dst(%dma_wait3A_835 : memref<632x16xf32, #tpu.memory_space<vmem_shared>>)
      tpu.yield
    }) : () -> ()
    "tpu.region"() ({
      %run_scoped3A_827 = tpu.sem_alloc : memref<!tpu.dma_semaphore, #tpu.memory_space<semaphore_mem>>
      %dma_start3A_828 = arith.constant 0 : i32
      %dma_start3A_829 = tpu.memref_slice %arg10[%mul3A_0, %dma_start3A_828] : memref<10112x16xf32, #tpu.memory_space<vmem_shared>> -> memref<632x16xf32, #tpu.memory_space<vmem_shared>>
      %dma_start3A_830 = arith.constant 0 : i32
      %dma_start3A_831 = tpu.memref_slice %arg10[%mul3A_0, %dma_start3A_830] : memref<10112x16xf32, #tpu.memory_space<vmem_shared>> -> memref<632x16xf32, #tpu.memory_space<vmem_shared>>
      tpu.enqueue_dma source(%arg18 : memref<632x16xf32, #tpu.memory_space<vmem>>) target(%dma_start3A_831 : memref<632x16xf32, #tpu.memory_space<vmem_shared>>) target_semaphore(%run_scoped3A_827 : memref<!tpu.dma_semaphore, #tpu.memory_space<semaphore_mem>>)
      %dma_wait3A_832 = arith.constant 0 : i32
      %dma_wait3A_833 = tpu.memref_slice %arg10[%mul3A_0, %dma_wait3A_832] : memref<10112x16xf32, #tpu.memory_space<vmem_shared>> -> memref<632x16xf32, #tpu.memory_space<vmem_shared>>
      %dma_wait3A_834 = arith.constant 0 : i32
      %dma_wait3A_835 = tpu.memref_slice %arg10[%mul3A_0, %dma_wait3A_834] : memref<10112x16xf32, #tpu.memory_space<vmem_shared>> -> memref<632x16xf32, #tpu.memory_space<vmem_shared>>
      tpu.wait_dma2 semaphore(%run_scoped3A_827 : memref<!tpu.dma_semaphore, #tpu.memory_space<semaphore_mem>>) src(%arg18 : memref<632x16xf32, #tpu.memory_space<vmem>>) dst(%dma_wait3A_835 : memref<632x16xf32, #tpu.memory_space<vmem_shared>>)
      tpu.yield
    }) : () -> ()
    %barrier3A_784 = arith.constant 0 : index
    tpu.barrier barrier_id(%barrier3A_784)
    %dma_start3A_785 = arith.constant 0 : i32
    %dma_start3A_786 = arith.constant 0 : i32
    %dma_start3A_787 = tpu.memref_slice %arg11[%dma_start3A_785, %dma_start3A_786] : memref<80x256xi32, #tpu.memory_space<vmem>> -> memref<1x256xi32, #tpu.memory_space<vmem>>
    %dma_start3A_788 = tpu.memref_squeeze %dma_start3A_787 : memref<1x256xi32, #tpu.memory_space<vmem>> -> memref<256xi32, #tpu.memory_space<vmem>>
    %dma_start3A_789 = arith.constant 0 : i32
    %dma_start3A_790 = arith.constant 0 : i32
    %dma_start3A_791 = tpu.memref_slice %arg9[%dma_start3A_789, %dma_start3A_790] : memref<10112x16xf32, #tpu.memory_space<vmem_shared>> -> memref<10112x16xf32, #tpu.memory_space<vmem_shared>>
    tpu.enqueue_indirect_dma source(%dma_start3A_791 : memref<10112x16xf32, #tpu.memory_space<vmem_shared>>) target(%arg13 : memref<256x16xf32, #tpu.memory_space<vmem>>) offsets(%dma_start3A_788 : memref<256xi32, #tpu.memory_space<vmem>>) semaphore(%arg20 : memref<!tpu.dma_semaphore, #tpu.memory_space<semaphore_mem>>)
    %scan3A_792 = arith.constant 0 : i32
    %scan3A_793 = arith.constant 39 : i32
    %scan3A_794 = arith.addi %scan3A_792, %scan3A_793 : i32
    %scan3A_795 = arith.constant 1 : i32
    scf.for %scan3A_827 = %scan3A_792 to %scan3A_794 step %scan3A_795  : i32 {
      %mul3A_828 = arith.constant 2 : i32
      %mul3A_829 = arith.muli %scan3A_827, %mul3A_828 : i32
      %add3A_830 = arith.constant 0 : i32
      %add3A_831 = arith.addi %add3A_830, %mul3A_829 : i32
      %add3A_832 = arith.constant 1 : i32
      %add3A_833 = arith.addi %add3A_831, %add3A_832 : i32
      %dma_start3A_834 = arith.constant 0 : i32
      %dma_start3A_835 = tpu.memref_slice %arg11[%add3A_833, %dma_start3A_834] : memref<80x256xi32, #tpu.memory_space<vmem>> -> memref<1x256xi32, #tpu.memory_space<vmem>>
      %dma_start3A_836 = tpu.memref_squeeze %dma_start3A_835 : memref<1x256xi32, #tpu.memory_space<vmem>> -> memref<256xi32, #tpu.memory_space<vmem>>
      %dma_start3A_837 = arith.constant 0 : i32
      %dma_start3A_838 = arith.constant 0 : i32
      %dma_start3A_839 = tpu.memref_slice %arg9[%dma_start3A_837, %dma_start3A_838] : memref<10112x16xf32, #tpu.memory_space<vmem_shared>> -> memref<10112x16xf32, #tpu.memory_space<vmem_shared>>
      tpu.enqueue_indirect_dma source(%dma_start3A_839 : memref<10112x16xf32, #tpu.memory_space<vmem_shared>>) target(%arg14 : memref<256x16xf32, #tpu.memory_space<vmem>>) offsets(%dma_start3A_836 : memref<256xi32, #tpu.memory_space<vmem>>) semaphore(%arg21 : memref<!tpu.dma_semaphore, #tpu.memory_space<semaphore_mem>>)
      %dma_wait3A_840 = arith.constant 0 : i32
      %dma_wait3A_841 = tpu.memref_slice %arg11[%add3A_831, %dma_wait3A_840] : memref<80x256xi32, #tpu.memory_space<vmem>> -> memref<1x256xi32, #tpu.memory_space<vmem>>
      %dma_wait3A_842 = tpu.memref_squeeze %dma_wait3A_841 : memref<1x256xi32, #tpu.memory_space<vmem>> -> memref<256xi32, #tpu.memory_space<vmem>>
      %dma_wait3A_843 = arith.constant 0 : i32
      %dma_wait3A_844 = arith.constant 0 : i32
      %dma_wait3A_845 = tpu.memref_slice %arg9[%dma_wait3A_843, %dma_wait3A_844] : memref<10112x16xf32, #tpu.memory_space<vmem_shared>> -> memref<10112x16xf32, #tpu.memory_space<vmem_shared>>
      tpu.wait_indirect_dma semaphore(%arg20 : memref<!tpu.dma_semaphore, #tpu.memory_space<semaphore_mem>>) src(%dma_wait3A_845 : memref<10112x16xf32, #tpu.memory_space<vmem_shared>>) dst(%arg13 : memref<256x16xf32, #tpu.memory_space<vmem>>)
      "tpu.region"() ({
        %run_scoped3A_864 = tpu.sem_alloc : memref<!tpu.dma_semaphore, #tpu.memory_space<semaphore_mem>>
        %dma_start3A_865 = arith.constant 0 : i32
        %dma_start3A_866 = tpu.memref_slice %arg12[%add3A_831, %dma_start3A_865] : memref<80x256xi32, #tpu.memory_space<vmem>> -> memref<1x256xi32, #tpu.memory_space<vmem>>
        %dma_start3A_867 = tpu.memref_squeeze %dma_start3A_866 : memref<1x256xi32, #tpu.memory_space<vmem>> -> memref<256xi32, #tpu.memory_space<vmem>>
        %dma_start3A_868 = arith.constant 0 : i32
        %dma_start3A_869 = arith.constant 0 : i32
        %dma_start3A_870 = tpu.memref_slice %arg10[%dma_start3A_868, %dma_start3A_869] : memref<10112x16xf32, #tpu.memory_space<vmem_shared>> -> memref<10112x16xf32, #tpu.memory_space<vmem_shared>>
        tpu.enqueue_indirect_dma source(%arg13 : memref<256x16xf32, #tpu.memory_space<vmem>>) target(%dma_start3A_870 : memref<10112x16xf32, #tpu.memory_space<vmem_shared>>) offsets(%dma_start3A_867 : memref<256xi32, #tpu.memory_space<vmem>>) semaphore(%run_scoped3A_864 : memref<!tpu.dma_semaphore, #tpu.memory_space<semaphore_mem>>) {add = true}
        %dma_wait3A_871 = arith.constant 0 : i32
        %dma_wait3A_872 = tpu.memref_slice %arg12[%add3A_831, %dma_wait3A_871] : memref<80x256xi32, #tpu.memory_space<vmem>> -> memref<1x256xi32, #tpu.memory_space<vmem>>
        %dma_wait3A_873 = tpu.memref_squeeze %dma_wait3A_872 : memref<1x256xi32, #tpu.memory_space<vmem>> -> memref<256xi32, #tpu.memory_space<vmem>>
        %dma_wait3A_874 = arith.constant 0 : i32
        %dma_wait3A_875 = arith.constant 0 : i32
        %dma_wait3A_876 = tpu.memref_slice %arg10[%dma_wait3A_874, %dma_wait3A_875] : memref<10112x16xf32, #tpu.memory_space<vmem_shared>> -> memref<10112x16xf32, #tpu.memory_space<vmem_shared>>
        tpu.wait_indirect_dma semaphore(%run_scoped3A_864 : memref<!tpu.dma_semaphore, #tpu.memory_space<semaphore_mem>>) src(%arg13 : memref<256x16xf32, #tpu.memory_space<vmem>>) dst(%dma_wait3A_876 : memref<10112x16xf32, #tpu.memory_space<vmem_shared>>)
        tpu.yield
      }) : () -> ()
      %add3A_846 = arith.constant 2 : i32
      %add3A_847 = arith.addi %add3A_831, %add3A_846 : i32
      %dma_start3A_848 = arith.constant 0 : i32
      %dma_start3A_849 = tpu.memref_slice %arg11[%add3A_847, %dma_start3A_848] : memref<80x256xi32, #tpu.memory_space<vmem>> -> memref<1x256xi32, #tpu.memory_space<vmem>>
      %dma_start3A_850 = tpu.memref_squeeze %dma_start3A_849 : memref<1x256xi32, #tpu.memory_space<vmem>> -> memref<256xi32, #tpu.memory_space<vmem>>
      %dma_start3A_851 = arith.constant 0 : i32
      %dma_start3A_852 = arith.constant 0 : i32
      %dma_start3A_853 = tpu.memref_slice %arg9[%dma_start3A_851, %dma_start3A_852] : memref<10112x16xf32, #tpu.memory_space<vmem_shared>> -> memref<10112x16xf32, #tpu.memory_space<vmem_shared>>
      tpu.enqueue_indirect_dma source(%dma_start3A_853 : memref<10112x16xf32, #tpu.memory_space<vmem_shared>>) target(%arg13 : memref<256x16xf32, #tpu.memory_space<vmem>>) offsets(%dma_start3A_850 : memref<256xi32, #tpu.memory_space<vmem>>) semaphore(%arg20 : memref<!tpu.dma_semaphore, #tpu.memory_space<semaphore_mem>>)
      %add3A_854 = arith.constant 1 : i32
      %add3A_855 = arith.addi %add3A_831, %add3A_854 : i32
      %dma_wait3A_856 = arith.constant 0 : i32
      %dma_wait3A_857 = tpu.memref_slice %arg11[%add3A_855, %dma_wait3A_856] : memref<80x256xi32, #tpu.memory_space<vmem>> -> memref<1x256xi32, #tpu.memory_space<vmem>>
      %dma_wait3A_858 = tpu.memref_squeeze %dma_wait3A_857 : memref<1x256xi32, #tpu.memory_space<vmem>> -> memref<256xi32, #tpu.memory_space<vmem>>
      %dma_wait3A_859 = arith.constant 0 : i32
      %dma_wait3A_860 = arith.constant 0 : i32
      %dma_wait3A_861 = tpu.memref_slice %arg9[%dma_wait3A_859, %dma_wait3A_860] : memref<10112x16xf32, #tpu.memory_space<vmem_shared>> -> memref<10112x16xf32, #tpu.memory_space<vmem_shared>>
      tpu.wait_indirect_dma semaphore(%arg21 : memref<!tpu.dma_semaphore, #tpu.memory_space<semaphore_mem>>) src(%dma_wait3A_861 : memref<10112x16xf32, #tpu.memory_space<vmem_shared>>) dst(%arg14 : memref<256x16xf32, #tpu.memory_space<vmem>>)
      %add3A_862 = arith.constant 1 : i32
      %add3A_863 = arith.addi %add3A_831, %add3A_862 : i32
      "tpu.region"() ({
        %run_scoped3A_864 = tpu.sem_alloc : memref<!tpu.dma_semaphore, #tpu.memory_space<semaphore_mem>>
        %dma_start3A_865 = arith.constant 0 : i32
        %dma_start3A_866 = tpu.memref_slice %arg12[%add3A_863, %dma_start3A_865] : memref<80x256xi32, #tpu.memory_space<vmem>> -> memref<1x256xi32, #tpu.memory_space<vmem>>
        %dma_start3A_867 = tpu.memref_squeeze %dma_start3A_866 : memref<1x256xi32, #tpu.memory_space<vmem>> -> memref<256xi32, #tpu.memory_space<vmem>>
        %dma_start3A_868 = arith.constant 0 : i32
        %dma_start3A_869 = arith.constant 0 : i32
        %dma_start3A_870 = tpu.memref_slice %arg10[%dma_start3A_868, %dma_start3A_869] : memref<10112x16xf32, #tpu.memory_space<vmem_shared>> -> memref<10112x16xf32, #tpu.memory_space<vmem_shared>>
        tpu.enqueue_indirect_dma source(%arg14 : memref<256x16xf32, #tpu.memory_space<vmem>>) target(%dma_start3A_870 : memref<10112x16xf32, #tpu.memory_space<vmem_shared>>) offsets(%dma_start3A_867 : memref<256xi32, #tpu.memory_space<vmem>>) semaphore(%run_scoped3A_864 : memref<!tpu.dma_semaphore, #tpu.memory_space<semaphore_mem>>) {add = true}
        %dma_wait3A_871 = arith.constant 0 : i32
        %dma_wait3A_872 = tpu.memref_slice %arg12[%add3A_863, %dma_wait3A_871] : memref<80x256xi32, #tpu.memory_space<vmem>> -> memref<1x256xi32, #tpu.memory_space<vmem>>
        %dma_wait3A_873 = tpu.memref_squeeze %dma_wait3A_872 : memref<1x256xi32, #tpu.memory_space<vmem>> -> memref<256xi32, #tpu.memory_space<vmem>>
        %dma_wait3A_874 = arith.constant 0 : i32
        %dma_wait3A_875 = arith.constant 0 : i32
        %dma_wait3A_876 = tpu.memref_slice %arg10[%dma_wait3A_874, %dma_wait3A_875] : memref<10112x16xf32, #tpu.memory_space<vmem_shared>> -> memref<10112x16xf32, #tpu.memory_space<vmem_shared>>
        tpu.wait_indirect_dma semaphore(%run_scoped3A_864 : memref<!tpu.dma_semaphore, #tpu.memory_space<semaphore_mem>>) src(%arg14 : memref<256x16xf32, #tpu.memory_space<vmem>>) dst(%dma_wait3A_876 : memref<10112x16xf32, #tpu.memory_space<vmem_shared>>)
        tpu.yield
      }) : () -> ()
    }
    %scan3A_796 = arith.constant 39 : i32
    %dma_start3A_797 = arith.constant 79 : i32
    %dma_start3A_798 = arith.constant 0 : i32
    %dma_start3A_799 = tpu.memref_slice %arg11[%dma_start3A_797, %dma_start3A_798] : memref<80x256xi32, #tpu.memory_space<vmem>> -> memref<1x256xi32, #tpu.memory_space<vmem>>
    %dma_start3A_800 = tpu.memref_squeeze %dma_start3A_799 : memref<1x256xi32, #tpu.memory_space<vmem>> -> memref<256xi32, #tpu.memory_space<vmem>>
    %dma_start3A_801 = arith.constant 0 : i32
    %dma_start3A_802 = arith.constant 0 : i32
    %dma_start3A_803 = tpu.memref_slice %arg9[%dma_start3A_801, %dma_start3A_802] : memref<10112x16xf32, #tpu.memory_space<vmem_shared>> -> memref<10112x16xf32, #tpu.memory_space<vmem_shared>>
    tpu.enqueue_indirect_dma source(%dma_start3A_803 : memref<10112x16xf32, #tpu.memory_space<vmem_shared>>) target(%arg14 : memref<256x16xf32, #tpu.memory_space<vmem>>) offsets(%dma_start3A_800 : memref<256xi32, #tpu.memory_space<vmem>>) semaphore(%arg21 : memref<!tpu.dma_semaphore, #tpu.memory_space<semaphore_mem>>)
    %dma_wait3A_804 = arith.constant 78 : i32
    %dma_wait3A_805 = arith.constant 0 : i32
    %dma_wait3A_806 = tpu.memref_slice %arg11[%dma_wait3A_804, %dma_wait3A_805] : memref<80x256xi32, #tpu.memory_space<vmem>> -> memref<1x256xi32, #tpu.memory_space<vmem>>
    %dma_wait3A_807 = tpu.memref_squeeze %dma_wait3A_806 : memref<1x256xi32, #tpu.memory_space<vmem>> -> memref<256xi32, #tpu.memory_space<vmem>>
    %dma_wait3A_808 = arith.constant 0 : i32
    %dma_wait3A_809 = arith.constant 0 : i32
    %dma_wait3A_810 = tpu.memref_slice %arg9[%dma_wait3A_808, %dma_wait3A_809] : memref<10112x16xf32, #tpu.memory_space<vmem_shared>> -> memref<10112x16xf32, #tpu.memory_space<vmem_shared>>
    tpu.wait_indirect_dma semaphore(%arg20 : memref<!tpu.dma_semaphore, #tpu.memory_space<semaphore_mem>>) src(%dma_wait3A_810 : memref<10112x16xf32, #tpu.memory_space<vmem_shared>>) dst(%arg13 : memref<256x16xf32, #tpu.memory_space<vmem>>)
    %run_scoped3A_811 = arith.constant 78 : i32
    "tpu.region"() ({
      %run_scoped3A_827 = tpu.sem_alloc : memref<!tpu.dma_semaphore, #tpu.memory_space<semaphore_mem>>
      %dma_start3A_828 = arith.constant 0 : i32
      %dma_start3A_829 = tpu.memref_slice %arg12[%run_scoped3A_811, %dma_start3A_828] : memref<80x256xi32, #tpu.memory_space<vmem>> -> memref<1x256xi32, #tpu.memory_space<vmem>>
      %dma_start3A_830 = tpu.memref_squeeze %dma_start3A_829 : memref<1x256xi32, #tpu.memory_space<vmem>> -> memref<256xi32, #tpu.memory_space<vmem>>
      %dma_start3A_831 = arith.constant 0 : i32
      %dma_start3A_832 = arith.constant 0 : i32
      %dma_start3A_833 = tpu.memref_slice %arg10[%dma_start3A_831, %dma_start3A_832] : memref<10112x16xf32, #tpu.memory_space<vmem_shared>> -> memref<10112x16xf32, #tpu.memory_space<vmem_shared>>
      tpu.enqueue_indirect_dma source(%arg13 : memref<256x16xf32, #tpu.memory_space<vmem>>) target(%dma_start3A_833 : memref<10112x16xf32, #tpu.memory_space<vmem_shared>>) offsets(%dma_start3A_830 : memref<256xi32, #tpu.memory_space<vmem>>) semaphore(%run_scoped3A_827 : memref<!tpu.dma_semaphore, #tpu.memory_space<semaphore_mem>>) {add = true}
      %dma_wait3A_834 = arith.constant 0 : i32
      %dma_wait3A_835 = tpu.memref_slice %arg12[%run_scoped3A_811, %dma_wait3A_834] : memref<80x256xi32, #tpu.memory_space<vmem>> -> memref<1x256xi32, #tpu.memory_space<vmem>>
      %dma_wait3A_836 = tpu.memref_squeeze %dma_wait3A_835 : memref<1x256xi32, #tpu.memory_space<vmem>> -> memref<256xi32, #tpu.memory_space<vmem>>
      %dma_wait3A_837 = arith.constant 0 : i32
      %dma_wait3A_838 = arith.constant 0 : i32
      %dma_wait3A_839 = tpu.memref_slice %arg10[%dma_wait3A_837, %dma_wait3A_838] : memref<10112x16xf32, #tpu.memory_space<vmem_shared>> -> memref<10112x16xf32, #tpu.memory_space<vmem_shared>>
      tpu.wait_indirect_dma semaphore(%run_scoped3A_827 : memref<!tpu.dma_semaphore, #tpu.memory_space<semaphore_mem>>) src(%arg13 : memref<256x16xf32, #tpu.memory_space<vmem>>) dst(%dma_wait3A_839 : memref<10112x16xf32, #tpu.memory_space<vmem_shared>>)
      tpu.yield
    }) : () -> ()
    %dma_wait3A_812 = arith.constant 79 : i32
    %dma_wait3A_813 = arith.constant 0 : i32
    %dma_wait3A_814 = tpu.memref_slice %arg11[%dma_wait3A_812, %dma_wait3A_813] : memref<80x256xi32, #tpu.memory_space<vmem>> -> memref<1x256xi32, #tpu.memory_space<vmem>>
    %dma_wait3A_815 = tpu.memref_squeeze %dma_wait3A_814 : memref<1x256xi32, #tpu.memory_space<vmem>> -> memref<256xi32, #tpu.memory_space<vmem>>
    %dma_wait3A_816 = arith.constant 0 : i32
    %dma_wait3A_817 = arith.constant 0 : i32
    %dma_wait3A_818 = tpu.memref_slice %arg9[%dma_wait3A_816, %dma_wait3A_817] : memref<10112x16xf32, #tpu.memory_space<vmem_shared>> -> memref<10112x16xf32, #tpu.memory_space<vmem_shared>>
    tpu.wait_indirect_dma semaphore(%arg21 : memref<!tpu.dma_semaphore, #tpu.memory_space<semaphore_mem>>) src(%dma_wait3A_818 : memref<10112x16xf32, #tpu.memory_space<vmem_shared>>) dst(%arg14 : memref<256x16xf32, #tpu.memory_space<vmem>>)
    %run_scoped3A_819 = arith.constant 79 : i32
    "tpu.region"() ({
      %run_scoped3A_827 = tpu.sem_alloc : memref<!tpu.dma_semaphore, #tpu.memory_space<semaphore_mem>>
      %dma_start3A_828 = arith.constant 0 : i32
      %dma_start3A_829 = tpu.memref_slice %arg12[%run_scoped3A_819, %dma_start3A_828] : memref<80x256xi32, #tpu.memory_space<vmem>> -> memref<1x256xi32, #tpu.memory_space<vmem>>
      %dma_start3A_830 = tpu.memref_squeeze %dma_start3A_829 : memref<1x256xi32, #tpu.memory_space<vmem>> -> memref<256xi32, #tpu.memory_space<vmem>>
      %dma_start3A_831 = arith.constant 0 : i32
      %dma_start3A_832 = arith.constant 0 : i32
      %dma_start3A_833 = tpu.memref_slice %arg10[%dma_start3A_831, %dma_start3A_832] : memref<10112x16xf32, #tpu.memory_space<vmem_shared>> -> memref<10112x16xf32, #tpu.memory_space<vmem_shared>>
      tpu.enqueue_indirect_dma source(%arg14 : memref<256x16xf32, #tpu.memory_space<vmem>>) target(%dma_start3A_833 : memref<10112x16xf32, #tpu.memory_space<vmem_shared>>) offsets(%dma_start3A_830 : memref<256xi32, #tpu.memory_space<vmem>>) semaphore(%run_scoped3A_827 : memref<!tpu.dma_semaphore, #tpu.memory_space<semaphore_mem>>) {add = true}
      %dma_wait3A_834 = arith.constant 0 : i32
      %dma_wait3A_835 = tpu.memref_slice %arg12[%run_scoped3A_819, %dma_wait3A_834] : memref<80x256xi32, #tpu.memory_space<vmem>> -> memref<1x256xi32, #tpu.memory_space<vmem>>
      %dma_wait3A_836 = tpu.memref_squeeze %dma_wait3A_835 : memref<1x256xi32, #tpu.memory_space<vmem>> -> memref<256xi32, #tpu.memory_space<vmem>>
      %dma_wait3A_837 = arith.constant 0 : i32
      %dma_wait3A_838 = arith.constant 0 : i32
      %dma_wait3A_839 = tpu.memref_slice %arg10[%dma_wait3A_837, %dma_wait3A_838] : memref<10112x16xf32, #tpu.memory_space<vmem_shared>> -> memref<10112x16xf32, #tpu.memory_space<vmem_shared>>
      tpu.wait_indirect_dma semaphore(%run_scoped3A_827 : memref<!tpu.dma_semaphore, #tpu.memory_space<semaphore_mem>>) src(%arg14 : memref<256x16xf32, #tpu.memory_space<vmem>>) dst(%dma_wait3A_839 : memref<10112x16xf32, #tpu.memory_space<vmem_shared>>)
      tpu.yield
    }) : () -> ()
    %barrier3A_820 = arith.constant 0 : index
    tpu.barrier barrier_id(%barrier3A_820)
    "tpu.region"() ({
      %run_scoped3A_827 = tpu.sem_alloc : memref<!tpu.dma_semaphore, #tpu.memory_space<semaphore_mem>>
      %dma_start3A_828 = arith.constant 0 : i32
      %dma_start3A_829 = tpu.memref_slice %arg10[%mul3A_0, %dma_start3A_828] : memref<10112x16xf32, #tpu.memory_space<vmem_shared>> -> memref<632x16xf32, #tpu.memory_space<vmem_shared>>
      %dma_start3A_830 = arith.constant 0 : i32
      %dma_start3A_831 = tpu.memref_slice %arg10[%mul3A_0, %dma_start3A_830] : memref<10112x16xf32, #tpu.memory_space<vmem_shared>> -> memref<632x16xf32, #tpu.memory_space<vmem_shared>>
      tpu.enqueue_dma source(%dma_start3A_831 : memref<632x16xf32, #tpu.memory_space<vmem_shared>>) target(%arg15 : memref<632x16xf32, #tpu.memory_space<vmem>>) target_semaphore(%run_scoped3A_827 : memref<!tpu.dma_semaphore, #tpu.memory_space<semaphore_mem>>)
      %dma_wait3A_832 = arith.constant 0 : i32
      %dma_wait3A_833 = tpu.memref_slice %arg10[%mul3A_0, %dma_wait3A_832] : memref<10112x16xf32, #tpu.memory_space<vmem_shared>> -> memref<632x16xf32, #tpu.memory_space<vmem_shared>>
      %dma_wait3A_834 = arith.constant 0 : i32
      %dma_wait3A_835 = tpu.memref_slice %arg10[%mul3A_0, %dma_wait3A_834] : memref<10112x16xf32, #tpu.memory_space<vmem_shared>> -> memref<632x16xf32, #tpu.memory_space<vmem_shared>>
      tpu.wait_dma2 semaphore(%run_scoped3A_827 : memref<!tpu.dma_semaphore, #tpu.memory_space<semaphore_mem>>) src(%dma_wait3A_835 : memref<632x16xf32, #tpu.memory_space<vmem_shared>>) dst(%arg15 : memref<632x16xf32, #tpu.memory_space<vmem>>)
      tpu.yield
    }) : () -> ()
    %scan3A_821 = arith.constant 0 : i32
    %scan3A_822 = arith.constant 158 : i32
    %scan3A_823 = arith.addi %scan3A_821, %scan3A_822 : i32
    %scan3A_824 = arith.constant 1 : i32
    scf.for %scan3A_827 = %scan3A_821 to %scan3A_823 step %scan3A_824  : i32 {
      %mul3A_828 = arith.constant 4 : i32
      %mul3A_829 = arith.muli %scan3A_827, %mul3A_828 : i32
      %add3A_830 = arith.constant 0 : i32
      %add3A_831 = arith.addi %add3A_830, %mul3A_829 : i32
      %add3A_832 = arith.constant 0 : i32
      %add3A_833 = arith.addi %add3A_831, %add3A_832 : i32
      %get3A_834 = arith.index_cast %add3A_833 : i32 to index
      %get3A_835 = arith.constant 0 : index
      %get3A_836 = tpu.vector_load %arg17[%get3A_834, %get3A_835] {strides = array<i32>} : memref<632x16xf32, #tpu.memory_space<vmem>>, vector<16xf32>,
      %add3A_837 = arith.constant 0 : i32
      %add3A_838 = arith.addi %add3A_831, %add3A_837 : i32
      %get3A_839 = arith.index_cast %add3A_838 : i32 to index
      %get3A_840 = arith.constant 0 : index
      %get3A_841 = tpu.vector_load %arg15[%get3A_839, %get3A_840] {strides = array<i32>} : memref<632x16xf32, #tpu.memory_space<vmem>>, vector<16xf32>,
      %add3A_842 = arith.constant 0 : i32
      %add3A_843 = arith.addi %add3A_831, %add3A_842 : i32
      %get3A_844 = arith.index_cast %add3A_843 : i32 to index
      %get3A_845 = arith.constant 0 : index
      %get3A_846 = tpu.vector_load %arg16[%get3A_844, %get3A_845] {strides = array<i32>} : memref<632x16xf32, #tpu.memory_space<vmem>>, vector<16xf32>,
      %add3A_847 = arith.addf %get3A_841, %get3A_846 : vector<16xf32>
      %mul3A_848 = arith.mulf %get3A_836, %add3A_847 : vector<16xf32>
      %add3A_849 = arith.constant 0 : i32
      %add3A_850 = arith.addi %add3A_831, %add3A_849 : i32
      %swap3A = arith.index_cast %add3A_850 : i32 to index
      %swap3A_851 = arith.constant 0 : index
      %swap3A_852 = tpu.vector_load %arg16[%swap3A, %swap3A_851] {strides = array<i32>} : memref<632x16xf32, #tpu.memory_space<vmem>>, vector<16xf32>,
      tpu.vector_store %arg16[%swap3A, %swap3A_851], %mul3A_848 {strides = array<i32>} : memref<632x16xf32, #tpu.memory_space<vmem>>, vector<16xf32>,
      %add3A_853 = arith.constant 1 : i32
      %add3A_854 = arith.addi %add3A_831, %add3A_853 : i32
      %get3A_855 = arith.index_cast %add3A_854 : i32 to index
      %get3A_856 = arith.constant 0 : index
      %get3A_857 = tpu.vector_load %arg17[%get3A_855, %get3A_856] {strides = array<i32>} : memref<632x16xf32, #tpu.memory_space<vmem>>, vector<16xf32>,
      %add3A_858 = arith.constant 1 : i32
      %add3A_859 = arith.addi %add3A_831, %add3A_858 : i32
      %get3A_860 = arith.index_cast %add3A_859 : i32 to index
      %get3A_861 = arith.constant 0 : index
      %get3A_862 = tpu.vector_load %arg15[%get3A_860, %get3A_861] {strides = array<i32>} : memref<632x16xf32, #tpu.memory_space<vmem>>, vector<16xf32>,
      %add3A_863 = arith.constant 1 : i32
      %add3A_864 = arith.addi %add3A_831, %add3A_863 : i32
      %get3A_865 = arith.index_cast %add3A_864 : i32 to index
      %get3A_866 = arith.constant 0 : index
      %get3A_867 = tpu.vector_load %arg16[%get3A_865, %get3A_866] {strides = array<i32>} : memref<632x16xf32, #tpu.memory_space<vmem>>, vector<16xf32>,
      %add3A_868 = arith.addf %get3A_862, %get3A_867 : vector<16xf32>
      %mul3A_869 = arith.mulf %get3A_857, %add3A_868 : vector<16xf32>
      %add3A_870 = arith.constant 1 : i32
      %add3A_871 = arith.addi %add3A_831, %add3A_870 : i32
      %swap3A_872 = arith.index_cast %add3A_871 : i32 to index
      %swap3A_873 = arith.constant 0 : index
      %swap3A_874 = tpu.vector_load %arg16[%swap3A_872, %swap3A_873] {strides = array<i32>} : memref<632x16xf32, #tpu.memory_space<vmem>>, vector<16xf32>,
      tpu.vector_store %arg16[%swap3A_872, %swap3A_873], %mul3A_869 {strides = array<i32>} : memref<632x16xf32, #tpu.memory_space<vmem>>, vector<16xf32>,
      %add3A_875 = arith.constant 2 : i32
      %add3A_876 = arith.addi %add3A_831, %add3A_875 : i32
      %get3A_877 = arith.index_cast %add3A_876 : i32 to index
      %get3A_878 = arith.constant 0 : index
      %get3A_879 = tpu.vector_load %arg17[%get3A_877, %get3A_878] {strides = array<i32>} : memref<632x16xf32, #tpu.memory_space<vmem>>, vector<16xf32>,
      %add3A_880 = arith.constant 2 : i32
      %add3A_881 = arith.addi %add3A_831, %add3A_880 : i32
      %get3A_882 = arith.index_cast %add3A_881 : i32 to index
      %get3A_883 = arith.constant 0 : index
      %get3A_884 = tpu.vector_load %arg15[%get3A_882, %get3A_883] {strides = array<i32>} : memref<632x16xf32, #tpu.memory_space<vmem>>, vector<16xf32>,
      %add3A_885 = arith.constant 2 : i32
      %add3A_886 = arith.addi %add3A_831, %add3A_885 : i32
      %get3A_887 = arith.index_cast %add3A_886 : i32 to index
      %get3A_888 = arith.constant 0 : index
      %get3A_889 = tpu.vector_load %arg16[%get3A_887, %get3A_888] {strides = array<i32>} : memref<632x16xf32, #tpu.memory_space<vmem>>, vector<16xf32>,
      %add3A_890 = arith.addf %get3A_884, %get3A_889 : vector<16xf32>
      %mul3A_891 = arith.mulf %get3A_879, %add3A_890 : vector<16xf32>
      %add3A_892 = arith.constant 2 : i32
      %add3A_893 = arith.addi %add3A_831, %add3A_892 : i32
      %swap3A_894 = arith.index_cast %add3A_893 : i32 to index
      %swap3A_895 = arith.constant 0 : index
      %swap3A_896 = tpu.vector_load %arg16[%swap3A_894, %swap3A_895] {strides = array<i32>} : memref<632x16xf32, #tpu.memory_space<vmem>>, vector<16xf32>,
      tpu.vector_store %arg16[%swap3A_894, %swap3A_895], %mul3A_891 {strides = array<i32>} : memref<632x16xf32, #tpu.memory_space<vmem>>, vector<16xf32>,
      %add3A_897 = arith.constant 3 : i32
      %add3A_898 = arith.addi %add3A_831, %add3A_897 : i32
      %get3A_899 = arith.index_cast %add3A_898 : i32 to index
      %get3A_900 = arith.constant 0 : index
      %get3A_901 = tpu.vector_load %arg17[%get3A_899, %get3A_900] {strides = array<i32>} : memref<632x16xf32, #tpu.memory_space<vmem>>, vector<16xf32>,
      %add3A_902 = arith.constant 3 : i32
      %add3A_903 = arith.addi %add3A_831, %add3A_902 : i32
      %get3A_904 = arith.index_cast %add3A_903 : i32 to index
      %get3A_905 = arith.constant 0 : index
      %get3A_906 = tpu.vector_load %arg15[%get3A_904, %get3A_905] {strides = array<i32>} : memref<632x16xf32, #tpu.memory_space<vmem>>, vector<16xf32>,
      %add3A_907 = arith.constant 3 : i32
      %add3A_908 = arith.addi %add3A_831, %add3A_907 : i32
      %get3A_909 = arith.index_cast %add3A_908 : i32 to index
      %get3A_910 = arith.constant 0 : index
      %get3A_911 = tpu.vector_load %arg16[%get3A_909, %get3A_910] {strides = array<i32>} : memref<632x16xf32, #tpu.memory_space<vmem>>, vector<16xf32>,
      %add3A_912 = arith.addf %get3A_906, %get3A_911 : vector<16xf32>
      %mul3A_913 = arith.mulf %get3A_901, %add3A_912 : vector<16xf32>
      %add3A_914 = arith.constant 3 : i32
      %add3A_915 = arith.addi %add3A_831, %add3A_914 : i32
      %swap3A_916 = arith.index_cast %add3A_915 : i32 to index
      %swap3A_917 = arith.constant 0 : index
      %swap3A_918 = tpu.vector_load %arg16[%swap3A_916, %swap3A_917] {strides = array<i32>} : memref<632x16xf32, #tpu.memory_space<vmem>>, vector<16xf32>,
      tpu.vector_store %arg16[%swap3A_916, %swap3A_917], %mul3A_913 {strides = array<i32>} : memref<632x16xf32, #tpu.memory_space<vmem>>, vector<16xf32>,
    }
    %scan3A_825 = arith.constant 158 : i32
    "tpu.region"() ({
      %run_scoped3A_827 = tpu.sem_alloc : memref<!tpu.dma_semaphore, #tpu.memory_space<semaphore_mem>>
      %dma_start3A_828 = arith.constant 0 : i32
      %dma_start3A_829 = tpu.memref_slice %arg9[%mul3A_0, %dma_start3A_828] : memref<10112x16xf32, #tpu.memory_space<vmem_shared>> -> memref<632x16xf32, #tpu.memory_space<vmem_shared>>
      %dma_start3A_830 = arith.constant 0 : i32
      %dma_start3A_831 = tpu.memref_slice %arg9[%mul3A_0, %dma_start3A_830] : memref<10112x16xf32, #tpu.memory_space<vmem_shared>> -> memref<632x16xf32, #tpu.memory_space<vmem_shared>>
      tpu.enqueue_dma source(%arg16 : memref<632x16xf32, #tpu.memory_space<vmem>>) target(%dma_start3A_831 : memref<632x16xf32, #tpu.memory_space<vmem_shared>>) target_semaphore(%run_scoped3A_827 : memref<!tpu.dma_semaphore, #tpu.memory_space<semaphore_mem>>)
      %dma_wait3A_832 = arith.constant 0 : i32
      %dma_wait3A_833 = tpu.memref_slice %arg9[%mul3A_0, %dma_wait3A_832] : memref<10112x16xf32, #tpu.memory_space<vmem_shared>> -> memref<632x16xf32, #tpu.memory_space<vmem_shared>>
      %dma_wait3A_834 = arith.constant 0 : i32
      %dma_wait3A_835 = tpu.memref_slice %arg9[%mul3A_0, %dma_wait3A_834] : memref<10112x16xf32, #tpu.memory_space<vmem_shared>> -> memref<632x16xf32, #tpu.memory_space<vmem_shared>>
      tpu.wait_dma2 semaphore(%run_scoped3A_827 : memref<!tpu.dma_semaphore, #tpu.memory_space<semaphore_mem>>) src(%arg16 : memref<632x16xf32, #tpu.memory_space<vmem>>) dst(%dma_wait3A_835 : memref<632x16xf32, #tpu.memory_space<vmem_shared>>)
      tpu.yield
    }) : () -> ()
    "tpu.region"() ({
      %run_scoped3A_827 = tpu.sem_alloc : memref<!tpu.dma_semaphore, #tpu.memory_space<semaphore_mem>>
      %dma_start3A_828 = arith.constant 0 : i32
      %dma_start3A_829 = tpu.memref_slice %arg7[%mul3A_0, %dma_start3A_828] : memref<10112x16xf32, #tpu.memory_space<hbm>> -> memref<632x16xf32, #tpu.memory_space<hbm>>
      %dma_start3A_830 = arith.constant 0 : i32
      %dma_start3A_831 = tpu.memref_slice %arg7[%mul3A_0, %dma_start3A_830] : memref<10112x16xf32, #tpu.memory_space<hbm>> -> memref<632x16xf32, #tpu.memory_space<hbm>>
      tpu.enqueue_dma source(%arg16 : memref<632x16xf32, #tpu.memory_space<vmem>>) target(%dma_start3A_831 : memref<632x16xf32, #tpu.memory_space<hbm>>) target_semaphore(%run_scoped3A_827 : memref<!tpu.dma_semaphore, #tpu.memory_space<semaphore_mem>>)
      %dma_wait3A_832 = arith.constant 0 : i32
      %dma_wait3A_833 = tpu.memref_slice %arg7[%mul3A_0, %dma_wait3A_832] : memref<10112x16xf32, #tpu.memory_space<hbm>> -> memref<632x16xf32, #tpu.memory_space<hbm>>
      %dma_wait3A_834 = arith.constant 0 : i32
      %dma_wait3A_835 = tpu.memref_slice %arg7[%mul3A_0, %dma_wait3A_834] : memref<10112x16xf32, #tpu.memory_space<hbm>> -> memref<632x16xf32, #tpu.memory_space<hbm>>
      tpu.wait_dma2 semaphore(%run_scoped3A_827 : memref<!tpu.dma_semaphore, #tpu.memory_space<semaphore_mem>>) src(%arg16 : memref<632x16xf32, #tpu.memory_space<vmem>>) dst(%dma_wait3A_835 : memref<632x16xf32, #tpu.memory_space<hbm>>)
      tpu.yield
    }) : () -> ()
    %barrier3A_826 = arith.constant 0 : index
    tpu.barrier barrier_id(%barrier3A_826)
    return
  }
}

module attributes {stable_mosaic.version = 14 : i64} {
  func.func @_epi_body(%arg0: memref<10112x16xf32, #tpu.memory_space<vmem>>, %arg1: memref<10112x16xf32, #tpu.memory_space<vmem>>, %arg2: memref<10112x16xf32, #tpu.memory_space<vmem>>, %arg3: memref<10112x16xf32, #tpu.memory_space<vmem>>, %arg4: memref<10000x128xf32, #tpu.memory_space<vmem>>, %arg5: memref<10112x1xi32, #tpu.memory_space<vmem>>, %arg6: memref<128x128xf32, #tpu.memory_space<vmem>>, %arg7: memref<1x128xf32, #tpu.memory_space<vmem>>, %arg8: memref<128x128xf32, #tpu.memory_space<vmem>>, %arg9: memref<1x128xf32, #tpu.memory_space<vmem>>, %arg10: memref<128x128xf32, #tpu.memory_space<vmem>>, %arg11: memref<1x128xf32, #tpu.memory_space<vmem>>, %arg12: memref<10x128xf32, #tpu.memory_space<vmem>>, %arg13: memref<1x10xf32, #tpu.memory_space<vmem>>, %arg14: memref<16x10xf32, #tpu.memory_space<vmem>>) attributes {dimension_semantics = [], scalar_prefetch = 0 : i64, scratch_operands = 0 : i64, tpu.core_type = #tpu.core_type<tc>} {
    %get3A = arith.constant 0 : index
    %get3A_0 = arith.constant 0 : index
    %get3A_1 = vector.load %arg3[%get3A, %get3A_0] : memref<10112x16xf32, #tpu.memory_space<vmem>>, vector<10112x16xf32>
    %add3A = arith.constant 1.000000e+00 : f32
    %add3A_2 = vector.broadcast %add3A : f32 to vector<10112x16xf32>
    %add3A_3 = arith.addf %get3A_1, %add3A_2 : vector<10112x16xf32>
    %sqrt3A = math.sqrt %add3A_3 : vector<10112x16xf32>
    %get3A_4 = arith.constant 0 : index
    %get3A_5 = arith.constant 0 : index
    %get3A_6 = vector.load %arg0[%get3A_4, %get3A_5] : memref<10112x16xf32, #tpu.memory_space<vmem>>, vector<10112x16xf32>
    %mul3A = arith.mulf %sqrt3A, %get3A_6 : vector<10112x16xf32>
    %reduce_sum3A = arith.constant dense<0.000000e+00> : vector<16xf32>
    %reduce_sum3A_7 = vector.multi_reduction <add>, %mul3A, %reduce_sum3A [0] : vector<10112x16xf32> to vector<16xf32>
    %broadcast_in_dim3A = vector.shape_cast %reduce_sum3A_7 : vector<16xf32> to vector<1x16xf32>
    %get3A_8 = arith.constant 0 : index
    %get3A_9 = arith.constant 0 : index
    %get3A_10 = vector.load %arg1[%get3A_8, %get3A_9] : memref<10112x16xf32, #tpu.memory_space<vmem>>, vector<10112x16xf32>
    %mul3A_11 = arith.mulf %sqrt3A, %get3A_10 : vector<10112x16xf32>
    %reduce_sum3A_12 = arith.constant dense<0.000000e+00> : vector<16xf32>
    %reduce_sum3A_13 = vector.multi_reduction <add>, %mul3A_11, %reduce_sum3A_12 [0] : vector<10112x16xf32> to vector<16xf32>
    %broadcast_in_dim3A_14 = vector.shape_cast %reduce_sum3A_13 : vector<16xf32> to vector<1x16xf32>
    %get3A_15 = arith.constant 0 : index
    %get3A_16 = arith.constant 0 : index
    %get3A_17 = vector.load %arg2[%get3A_15, %get3A_16] : memref<10112x16xf32, #tpu.memory_space<vmem>>, vector<10112x16xf32>
    %mul3A_18 = arith.mulf %sqrt3A, %get3A_17 : vector<10112x16xf32>
    %slice3A = vector.extract_strided_slice %mul3A_18 {offsets = [0, 0], sizes = [10000, 16], strides = [1, 1]} : vector<10112x16xf32> to vector<10000x16xf32>
    %get3A_19 = arith.constant 0 : index
    %get3A_20 = arith.constant 0 : index
    %get3A_21 = vector.load %arg4[%get3A_19, %get3A_20] : memref<10000x128xf32, #tpu.memory_space<vmem>>, vector<10000x128xf32>
    %dot_general3A = arith.constant dense<0.000000e+00> : vector<16x128xf32>
    %dot_general3A_22 = tpu.matmul %slice3A, %get3A_21, %dot_general3A {dimension_numbers = #tpu.dot_dimension_numbers<[0], [0], [1], [1], [0, 1, 1, 1], [], []>, transpose_lhs_hint = false} : vector<10000x16xf32>, vector<10000x128xf32>, vector<16x128xf32> -> vector<16x128xf32>
    %iota3A = tpu.iota {dimensions = array<i32: 1>} : vector<1x16xi32>
    %get3A_23 = arith.constant 0 : index
    %get3A_24 = arith.constant 0 : index
    %get3A_25 = vector.load %arg5[%get3A_23, %get3A_24] : memref<10112x1xi32, #tpu.memory_space<vmem>>, vector<10112x1xi32>
    %eq3A = vector.broadcast %get3A_25 : vector<10112x1xi32> to vector<10112x16xi32>
    %eq3A_26 = vector.broadcast %iota3A : vector<1x16xi32> to vector<10112x16xi32>
    %eq3A_27 = arith.cmpi eq, %eq3A, %eq3A_26 : vector<10112x16xi32>
    %convert_element_type3A = arith.extui %eq3A_27 : vector<10112x16xi1> to vector<10112x16xi32>
    %convert_element_type3A_28 = arith.sitofp %convert_element_type3A : vector<10112x16xi32> to vector<10112x16xf32>
    %broadcast_in_dim3A_29 = arith.constant 1.000000e+00 : f32
    %broadcast_in_dim3A_30 = vector.broadcast %broadcast_in_dim3A_29 : f32 to vector<10112x1xf32>
    %dot_general3A_31 = arith.constant dense<0.000000e+00> : vector<16x1xf32>
    %dot_general3A_32 = tpu.matmul %convert_element_type3A_28, %broadcast_in_dim3A_30, %dot_general3A_31 {dimension_numbers = #tpu.dot_dimension_numbers<[0], [0], [1], [1], [0, 1, 1, 1], [], []>, transpose_lhs_hint = false} : vector<10112x16xf32>, vector<10112x1xf32>, vector<16x1xf32> -> vector<16x1xf32>
    %max3A = arith.constant 1.000000e+00 : f32
    %max3A_33 = vector.broadcast %max3A : f32 to vector<16x1xf32>
    %max3A_34 = arith.maximumf %dot_general3A_32, %max3A_33 : vector<16x1xf32>
    %get3A_35 = arith.constant 0 : index
    %get3A_36 = arith.constant 0 : index
    %get3A_37 = vector.load %arg10[%get3A_35, %get3A_36] : memref<128x128xf32, #tpu.memory_space<vmem>>, vector<128x128xf32>
    %get3A_38 = arith.constant 0 : index
    %get3A_39 = arith.constant 0 : index
    %get3A_40 = vector.load %arg8[%get3A_38, %get3A_39] : memref<128x128xf32, #tpu.memory_space<vmem>>, vector<128x128xf32>
    %dot_general3A_41 = arith.constant dense<0.000000e+00> : vector<128x128xf32>
    %dot_general3A_42 = tpu.matmul %get3A_37, %get3A_40, %dot_general3A_41 {dimension_numbers = #tpu.dot_dimension_numbers<[1], [0], [0], [1], [0, 0, 1, 1], [], []>, transpose_lhs_hint = false} : vector<128x128xf32>, vector<128x128xf32>, vector<128x128xf32> -> vector<128x128xf32>
    %get3A_43 = arith.constant 0 : index
    %get3A_44 = arith.constant 0 : index
    %get3A_45 = vector.load %arg6[%get3A_43, %get3A_44] : memref<128x128xf32, #tpu.memory_space<vmem>>, vector<128x128xf32>
    %dot_general3A_46 = arith.constant dense<0.000000e+00> : vector<128x128xf32>
    %dot_general3A_47 = tpu.matmul %dot_general3A_42, %get3A_45, %dot_general3A_46 {dimension_numbers = #tpu.dot_dimension_numbers<[1], [0], [0], [1], [0, 0, 1, 1], [], []>, transpose_lhs_hint = false} : vector<128x128xf32>, vector<128x128xf32>, vector<128x128xf32> -> vector<128x128xf32>
    %get3A_48 = arith.constant 0 : index
    %get3A_49 = arith.constant 0 : index
    %get3A_50 = vector.load %arg7[%get3A_48, %get3A_49] : memref<1x128xf32, #tpu.memory_space<vmem>>, vector<1x128xf32>
    %dot_general3A_51 = arith.constant dense<0.000000e+00> : vector<1x128xf32>
    %dot_general3A_52 = tpu.matmul %get3A_50, %dot_general3A_42, %dot_general3A_51 {dimension_numbers = #tpu.dot_dimension_numbers<[1], [1], [0], [0], [0, 0, 1, 0], [], []>, transpose_lhs_hint = false} : vector<1x128xf32>, vector<128x128xf32>, vector<1x128xf32> -> vector<1x128xf32>
    %get3A_53 = arith.constant 0 : index
    %get3A_54 = arith.constant 0 : index
    %get3A_55 = vector.load %arg9[%get3A_53, %get3A_54] : memref<1x128xf32, #tpu.memory_space<vmem>>, vector<1x128xf32>
    %dot_general3A_56 = arith.constant dense<0.000000e+00> : vector<1x128xf32>
    %dot_general3A_57 = tpu.matmul %get3A_55, %get3A_37, %dot_general3A_56 {dimension_numbers = #tpu.dot_dimension_numbers<[1], [1], [0], [0], [0, 0, 1, 0], [], []>, transpose_lhs_hint = false} : vector<1x128xf32>, vector<128x128xf32>, vector<1x128xf32> -> vector<1x128xf32>
    %dot_general3A_58 = arith.constant dense<0.000000e+00> : vector<16x128xf32>
    %dot_general3A_59 = tpu.matmul %dot_general3A_22, %dot_general3A_47, %dot_general3A_58 {dimension_numbers = #tpu.dot_dimension_numbers<[1], [1], [0], [0], [0, 0, 1, 0], [], []>, transpose_lhs_hint = false} : vector<16x128xf32>, vector<128x128xf32>, vector<16x128xf32> -> vector<16x128xf32>
    %dot_general3A_60 = arith.constant dense<0.000000e+00> : vector<16x128xf32>
    %dot_general3A_61 = tpu.matmul %broadcast_in_dim3A_14, %dot_general3A_52, %dot_general3A_60 {dimension_numbers = #tpu.dot_dimension_numbers<[0], [0], [1], [1], [0, 1, 1, 1], [], []>, transpose_lhs_hint = false} : vector<1x16xf32>, vector<1x128xf32>, vector<16x128xf32> -> vector<16x128xf32>
    %add3A_62 = arith.addf %dot_general3A_59, %dot_general3A_61 : vector<16x128xf32>
    %dot_general3A_63 = arith.constant dense<0.000000e+00> : vector<16x128xf32>
    %dot_general3A_64 = tpu.matmul %broadcast_in_dim3A, %dot_general3A_57, %dot_general3A_63 {dimension_numbers = #tpu.dot_dimension_numbers<[0], [0], [1], [1], [0, 1, 1, 1], [], []>, transpose_lhs_hint = false} : vector<1x16xf32>, vector<1x128xf32>, vector<16x128xf32> -> vector<16x128xf32>
    %add3A_65 = arith.addf %add3A_62, %dot_general3A_64 : vector<16x128xf32>
    %get3A_66 = arith.constant 0 : index
    %get3A_67 = arith.constant 0 : index
    %get3A_68 = vector.load %arg11[%get3A_66, %get3A_67] : memref<1x128xf32, #tpu.memory_space<vmem>>, vector<1x128xf32>
    %mul3A_69 = vector.broadcast %dot_general3A_32 : vector<16x1xf32> to vector<16x128xf32>
    %mul3A_70 = vector.broadcast %get3A_68 : vector<1x128xf32> to vector<16x128xf32>
    %mul3A_71 = arith.mulf %mul3A_69, %mul3A_70 : vector<16x128xf32>
    %add3A_72 = arith.addf %add3A_65, %mul3A_71 : vector<16x128xf32>
    %div3A = vector.broadcast %max3A_34 : vector<16x1xf32> to vector<16x128xf32>
    %div3A_73 = arith.divf %add3A_72, %div3A : vector<16x128xf32>
    %get3A_74 = arith.constant 0 : index
    %get3A_75 = arith.constant 0 : index
    %get3A_76 = vector.load %arg12[%get3A_74, %get3A_75] : memref<10x128xf32, #tpu.memory_space<vmem>>, vector<10x128xf32>
    %dot_general3A_77 = arith.constant dense<0.000000e+00> : vector<16x10xf32>
    %dot_general3A_78 = tpu.matmul %div3A_73, %get3A_76, %dot_general3A_77 {dimension_numbers = #tpu.dot_dimension_numbers<[1], [1], [0], [0], [0, 0, 1, 0], [], []>, transpose_lhs_hint = false} : vector<16x128xf32>, vector<10x128xf32>, vector<16x10xf32> -> vector<16x10xf32>
    %get3A_79 = arith.constant 0 : index
    %get3A_80 = arith.constant 0 : index
    %get3A_81 = vector.load %arg13[%get3A_79, %get3A_80] : memref<1x10xf32, #tpu.memory_space<vmem>>, vector<1x10xf32>
    %add3A_82 = vector.broadcast %get3A_81 : vector<1x10xf32> to vector<16x10xf32>
    %add3A_83 = arith.addf %dot_general3A_78, %add3A_82 : vector<16x10xf32>
    %reduce_max3A = arith.constant dense<0xFF800000> : vector<16xf32>
    %reduce_max3A_84 = vector.multi_reduction <maximumf>, %add3A_83, %reduce_max3A [1] : vector<16x10xf32> to vector<16xf32>
    %broadcast_in_dim3A_85 = vector.shape_cast %reduce_max3A_84 : vector<16xf32> to vector<16x1xf32>
    %sub3A = vector.broadcast %broadcast_in_dim3A_85 : vector<16x1xf32> to vector<16x10xf32>
    %sub3A_86 = arith.subf %add3A_83, %sub3A : vector<16x10xf32>
    %exp3A = math.exp %sub3A_86 : vector<16x10xf32>
    %reduce_sum3A_87 = arith.constant dense<0.000000e+00> : vector<16xf32>
    %reduce_sum3A_88 = vector.multi_reduction <add>, %exp3A, %reduce_sum3A_87 [1] : vector<16x10xf32> to vector<16xf32>
    %broadcast_in_dim3A_89 = vector.shape_cast %reduce_sum3A_88 : vector<16xf32> to vector<16x1xf32>
    %log3A = math.log %broadcast_in_dim3A_89 : vector<16x1xf32>
    %add3A_90 = arith.addf %log3A, %broadcast_in_dim3A_85 : vector<16x1xf32>
    %sub3A_91 = vector.broadcast %add3A_90 : vector<16x1xf32> to vector<16x10xf32>
    %sub3A_92 = arith.subf %add3A_83, %sub3A_91 : vector<16x10xf32>
    %swap3A = arith.constant 0 : index
    %swap3A_93 = arith.constant 0 : index
    %swap3A_94 = vector.load %arg14[%swap3A, %swap3A_93] : memref<16x10xf32, #tpu.memory_space<vmem>>, vector<16x10xf32>
    tpu.vector_store %arg14[%swap3A, %swap3A_93], %sub3A_92 {strides = array<i32>} : memref<16x10xf32, #tpu.memory_space<vmem>>, vector<16x10xf32>,
    return
  }
}

</mosaic_0001>

<sc_bundles>
// kernel: kernel.4.cloned.1.call-start
scs
__scs_entry_jumppad:
0x0: {  	(pc) =	sbr.rel $0x88, $3  }
0x1: {  	(tag) =	ssettag $0x0;
	lr =	simm.s32 $0x1  }
0x2: {  	[smem:$0x3F96] =	sst lr;
	_ =	strace $0xD0000000  }
0x3: {  	_ = 	snop  }
0x4: {  	_ = 	snop  }
0x5: {  	_ = 	snop  }
0x6: {  	_ = 	snop  }
0x7: {  	_ = 	snop  }
__scs_overlays_trampoline_lowered:
0x8: {  	[smem:$0x3FA5] =	sst s0  }
0x9: {  	[smem:$0x3FA6] =	sst s1  }
0xa: {  	[smem:$0x3FA7] =	sst s2  }
0xb: {  	[smem:$0x3FA8] =	sst s3  }
0xc: {  	[smem:$0x3FA9] =	sst s4  }
0xd: {  	[smem:$0x3FAA] =	sst s5  }
0xe: {  	[smem:$0x3FAB] =	sst s6  }
0xf: {  	[smem:$0x3FAC] =	sst s7  }
0x10: {  	[smem:$0x3FAD] =	sst s8  }
0x11: {  	[smem:$0x3FAE] =	sst s9;
	s0 =	simm.s32 @!p0 $0x0  }
0x12: {  	s1 =	sld [smem:$0x3F94];
	s0 =	simm.s32 @p0 $0x1  }
0x13: {  	[smem:$0x3FAF] =	sst s0;
	s0 =	simm.s32 @!p1 $0x0  }
0x14: {  	s2 =	sld [smem:$0x3F93];
	s0 =	simm.s32 @p1 $0x1  }
0x15: {  	[smem:$0x3FB0] =	sst s0;
	s0 =	simm.s32 @!p2 $0x0  }
0x16: {  	s3 =	sld [smem:$0x3FDB];
	s0 =	simm.s32 @p2 $0x1  }
0x17: {  	s4 =	simm.s32 $0x1BF5;
	[smem:$0x3FB2] =	sst s0  }
0x18: {  	s0 =	sld [smem:$0x3F95];
	_ =	swait.ge [sflag:s4], $0x0  }
0x19: {  	s7 =	sld [smem:$0x3F96]  }
0x1a: {  	s8 =	sadd.s32 $0xFFFFE003, lr  }
0x1b: {  	s9 =	sadd.s32 $0xFFFFFEF7, lr;
	s5 =	simm.s32 $0xFFFFFFFF;
	p2 =	slt.u32 s8, $0xFFFFF086  }
0x1c: {  	p1 =	slt.u32 s9, $0xF7A;
	s5 =	simm.s32 @!p2 $0x0  }
0x1d: {  	s5 =	simm.s32 @p1 $0x1;
	p0 =	seq.s32 s7, s2  }
0x1e: {  	s7 =	smul.u32 @!p0 $0xF7A, s2;
	p2 =	seq.s32 @!p0 s5, $0x0  }
0x1f: {  	s9 =	smul.u32 $0xF7A, s1;
	s8 =	simm.s32 @!p0 $0x1BF5;
	p2 =	por !p2, p0  }
0x20: {  	[sflag:s8] =	ssyncset.s32 @!p0 $0xFFFFF086;
	s6 =	sadd.s32 @!p0 s3, s7;
	s7 =	simm.s32 @!p0 $0x108  }
0x21: {  	s3 =	sadd.s32 s3, s9;
	s6 =	sadd.s32 @!p0 $0x88, s6;
	s7 =	simm.s32 @p2 $0x1082  }
0x22: {  	[simem:s7], [sflag:s8] =	dma.local @!p0 [hbm:s6], $0xF7A  }
0x23: {  	s9 =	sor.u32 $0xD0000000, s2;
	s6 =	simm.s32 $0x108;
	_ =	swait.ge @!p0 [sflag:s8], $0x0  }
0x24: {  	s3 =	sadd.s32 $0x88, s3;
	s6 =	simm.s32 @!p1 $0x1082;
	[sflag:s4] =	ssyncset.s32 $0xFFFFF086  }
0x25: {  	[simem:s6], [sflag:s4] =	dma.local [hbm:s3], $0xF7A  }
0x26: {  	[smem:$0x3F96] =	sst s1;
	(tag) =	ssettag s2;
	_ =	strace s9  }
0x27: {  	s1 =	sld [smem:$0x3FA6]  }
0x28: {  	s2 =	sld [smem:$0x3FA7]  }
0x29: {  	s4 =	sld [smem:$0x3FA9]  }
0x2a: {  	p0 =	seq.s32 s5, $0x0;
	s5 =	sld [smem:$0x3FAA]  }
0x2b: {  	s6 =	sld [smem:$0x3FAB]  }
0x2c: {  	s7 =	sld [smem:$0x3FAC]  }
0x2d: {  	s3 =	simm.s32 $0x108;
	s8 =	sld [smem:$0x3FAD]  }
0x2e: {  	s3 =	simm.s32 @!p0 $0x1082;
	s9 =	sld [smem:$0x3FAE]  }
0x2f: {  	lr =	sadd.s32 s0, s3;
	s0 =	sld [smem:$0x3FA5]  }
0x30: {  	s3 =	sld [smem:$0x3FA8]  }
0x31: {  	[smem:$0x3FB1] =	sst s10  }
0x32: {  	s10 =	sld [smem:$0x3FAF];
	_ =	sdelay $0x3  }
0x33: {  	p0 =	seq.s32 s10, $0x1;
	s10 =	sld [smem:$0x3FB1];
	_ =	sdelay $0x3  }
0x34: {  	[smem:$0x3FB1] =	sst s10  }
0x35: {  	s10 =	sld [smem:$0x3FB0];
	_ =	sdelay $0x3  }
0x36: {  	p1 =	seq.s32 s10, $0x1;
	s10 =	sld [smem:$0x3FB1];
	_ =	sdelay $0x3  }
0x37: {  	[smem:$0x3FB1] =	sst s10  }
0x38: {  	s10 =	sld [smem:$0x3FB2]  }
0x39: {  	_ = 	snop;
	(pc) =	sbr.ind lr, $3  }
0x3a: {  	_ = 	snop  }
0x3b: {  	_ = 	snop  }
0x3c: {  	p2 =	seq.s32 s10, $0x1;
	s10 =	sld [smem:$0x3FB1]  }
0x3d: {  	_ =	shalt  }
0x3e: {  	_ =	shalt  }
0x3f: {  	_ =	shalt  }
0x40: {  	_ =	shalt  }
0x41: {  	_ =	shalt  }
0x42: {  	_ =	shalt  }
0x43: {  	_ =	shalt  }
0x44: {  	_ =	shalt  }
0x45: {  	_ =	shalt  }
0x46: {  	_ =	shalt  }
0x47: {  	_ =	shalt  }
0x48: {  	_ =	shalt  }
0x49: {  	_ =	shalt  }
0x4a: {  	_ =	shalt  }
0x4b: {  	_ =	shalt  }
0x4c: {  	_ =	shalt  }
0x4d: {  	_ =	shalt  }
0x4e: {  	_ =	shalt  }
0x4f: {  	_ =	shalt  }
0x50: {  	_ =	shalt  }
0x51: {  	_ =	shalt  }
0x52: {  	_ =	shalt  }
0x53: {  	_ =	shalt  }
0x54: {  	_ =	shalt  }
0x55: {  	_ =	shalt  }
0x56: {  	_ =	shalt  }
0x57: {  	_ =	shalt  }
0x58: {  	_ =	shalt  }
0x59: {  	_ =	shalt  }
0x5a: {  	_ =	shalt  }
0x5b: {  	_ =	shalt  }
0x5c: {  	_ =	shalt  }
0x5d: {  	_ =	shalt  }
0x5e: {  	_ =	shalt  }
0x5f: {  	_ =	shalt  }
0x60: {  	_ =	shalt  }
0x61: {  	_ =	shalt  }
0x62: {  	_ =	shalt  }
0x63: {  	_ =	shalt  }
0x64: {  	_ =	shalt  }
0x65: {  	_ =	shalt  }
0x66: {  	_ =	shalt  }
0x67: {  	_ =	shalt  }
0x68: {  	_ =	shalt  }
0x69: {  	_ =	shalt  }
0x6a: {  	_ =	shalt  }
0x6b: {  	_ =	shalt  }
0x6c: {  	_ =	shalt  }
0x6d: {  	_ =	shalt  }
0x6e: {  	_ =	shalt  }
0x6f: {  	_ =	shalt  }
0x70: {  	_ =	shalt  }
0x71: {  	_ =	shalt  }
0x72: {  	_ =	shalt  }
0x73: {  	_ =	shalt  }
0x74: {  	_ =	shalt  }
0x75: {  	_ =	shalt  }
0x76: {  	_ =	shalt  }
0x77: {  	_ =	shalt  }
0x78: {  	_ =	shalt  }
0x79: {  	_ =	shalt  }
0x7a: {  	_ =	shalt  }
0x7b: {  	_ =	shalt  }
0x7c: {  	_ =	shalt  }
0x7d: {  	_ =	shalt  }
0x7e: {  	_ =	shalt  }
0x7f: {  	_ =	shalt  }
0x80: {  	_ =	shalt  }
0x81: {  	_ =	shalt  }
0x82: {  	_ =	shalt  }
0x83: {  	_ =	shalt  }
0x84: {  	_ =	shalt  }
0x85: {  	_ =	shalt  }
0x86: {  	_ =	shalt  }
0x87: {  	_ =	shalt  }
.Lfunc_end0:
.L_simem_size_0:
called_computation_lowered:
.L_overlay_start_0:
0x88: {  	s0 =	sld [smem:$0x3FD9]  }
0x89: {  	s1 =	sld [smem:$0x3FFE];
	_ =	sdelay $0x3  }
0x8a: {  	s0 =	sadd.s32 s1, s0  }
0x8b: {  	[smem:$0x3FBD] =	sst s0  }
0x8c: {  	_ = 	snop  }
0x8d: {  	(tm) =	ssettm $0x1  }
0x8e: {  	s15 =	sld [smem:$0x3FFB];
	_ =	sdelay $0x3  }
0x8f: {  	_ =	strace s15  }
0x90: {  	s0 =	sld [smem:$0x3FFC];
	_ =	sdelay $0x3  }
0x91: {  	_ =	strace s0  }
0x92: {  	s0 =	sld [smem:$0x3FFD];
	_ =	sdelay $0x3  }
0x93: {  	_ =	strace s0  }
0x94: {  	_ =	strace $0x8FFFFFFF  }
0x95: {  	s16 =	sld [smem:$0x3FDB];
	_ =	sdelay $0x1  }
0x96: {  	s17 =	simm.s32 $_scs_section_size  }
0x97: {  	s2 =	simm.s32 $_size__tile_overlayer_lowered;
	s3 =	simm.s32 $_tile_overlayer_lowered  }
0x98: {  	s20 =	simm.s32 $0x1BFF;
	s19 =	sshll.u32 s3, $0x1;
	s0 =	sadd.s32 s17, s16  }
0x99: {  	s4 =	simm.s32 $0x0;
	s18 =	sshll.u32 s2, $0x1;
	s2 =	sadd.s32 s19, s0  }
0x9a: {  	[timem:s4], [sflag:s20] =	dma.local [hbm:s2], s18  }
0x9b: {  	_ =	swait.ge [sflag:s20], s18  }
0x9c: {  	s1 =	ssub.s32 $0x0, s18;
	[sflag:s20] =	ssyncset.done $0x0  }
0x9d: {  	[sflag:s20] =	ssyncadd.s32 s1;
	_ =	sdelay $0x1  }
0x9e: {  	s21 =	simm.s32 $0x1B8B  }
0x9f: {  	_ =	swait.ge [sflag:s21], $0x1  }
0xa0: {  	[sflag:s21] =	ssyncset.done $0x0  }
0xa1: {  	s23 =	simm.s32 $0x1B8E;
	s22 =	sld [smem:$0x3FFE];
	[sflag:s21] =	ssyncadd.s32 $0xFFFFFFFF  }
0xa2: {  	s24 =	simm.s32 $execute0_lowered;
	[smem:$0x3FD2] =	sst s23  }
0xa3: {  	s2 =	sshll.u32 s24, $0x1;
	_ =	strace $0x80000046;
	[dreg:$0x1] =	wrdreg $0xFFFFFFFF  }
0xa4: {  	s25 =	simm.s32 $_size_execute0_lowered;
	s0 =	sadd.s32 s0, s2;
	[dreg:$0x0] =	wrdreg $0x0  }
0xa5: {  	s2 =	sshll.u32 s25, $0x1;
	[dreg:$0x2] =	wrdreg s0  }
0xa6: {  	[dreg:$0x3] =	wrdreg s2  }
0xa7: {  	[dreg:$0x4] =	wrdreg $0xC0  }
0xa8: {  	_ =	task [dreg:s4], $0x5FFFF  }
0xa9: {  	[dreg:$0x1] =	wrdreg $0xFFFFFFFF  }
0xaa: {  	[dreg:$0x0] =	wrdreg $0x60  }
0xab: {  	[dreg:$0x2] =	wrdreg s22  }
0xac: {  	[dreg:$0x3] =	wrdreg $0x27800  }
0xad: {  	[dreg:$0x4] =	wrdreg $0x0  }
0xae: {  	[dreg:$0x5] =	wrdreg $0x9  }
0xaf: {  	_ =	task.clear_ibuf [dreg:s4], $0x6FFFF;
	_ =	strace $0x90000046  }
0xb0: {  	s26 =	simm.s32 $0x9;
	_ =	strace $0x80000048  }
0xb1: {  	_ =	swait.ge [sflag:s26], $0x1  }
0xb2: {  	[sflag:s26] =	ssyncadd.s32 $0xFFFFFFFF  }
0xb3: {  	_ =	strace $0x90000048  }
0xb4: {  	_ =	sfence  }
0xb5: {  	s28 =	sld [smem:$0x0];
	_ =	sdelay $0x1  }
0xb6: {  	s29 =	srdreg.scid  }
0xb7: {  	s30 =	sshll.u32 s29, $0xD;
	s31 =	sshrl.u32 s29, $0x2  }
0xb8: {  	s1 =	sand.u32 $0x1, s29;
	s2 =	sand.u32 $0x4000, s30;
	s0 =	sadd.s32 s31, s28  }
0xb9: {  	s1 =	sor.u32 s2, s1;
	s0 =	sshll.u32 s0, $0x11  }
0xba: {  	s0 =	sor.u32 s0, s1  }
0xbb: {  	s0 =	sadd.s32 $0x8F2B, s0  }
0xbc: {  	[sflag:s0] =	ssyncadd.remote.s32 $0x1  }
0xbd: {  	_ =	sfence.sel $0xFFFF  }
0xbe: {  	[dreg:$0x0] =	wrdreg $0xFFFFFFFF;
	(pc) =	sbr.abs _section_cstart, $3  }
0xbf: {  	[dreg:$0x1] =	wrdreg $0xFFFFFFFF  }
0xc0: {  	_ =	task.clear_ibuf [dreg:s4], $0x2FFFF;
	_ =	strace $0x9FFFFFFF  }
0xc1: {  	(tm) =	ssettm $0x7FFFFFFF  }
tec
execute0_lowered:
.L_overlay_start_1:
0x0: {  	(tag) =	ssettag $0x1  }
0x1: {  	s6 =	rddreg [dreg:$0x0]  }
0x2: {  	s3 =	rddreg [dreg:$0x1];
	s0 =	stileid.u32  }
0x3: {  	s5 =	rddreg [dreg:$0x2];
	s2 =	smul.u32 $0xA00, s0  }
0x4: {  	s1 =	rddreg [dreg:$0x3];
	s4 =	simm.s32 $0x0  }
0x5: {  	s8 =	simm.s32 $0x4F00;
	[smem:$0x7FF] =	sst s4;
	s2 =	sadd.s32 s2, s6  }
0x6: {  	s30 =	simm.s32 $0x4;
	_ =	strace $0x80000047;
	s7 =	sadd.s32 $0xC800, s2  }
0x7: {  	[tilespmem:s8], [sflag:$0x4] =	stream.linear.gather [hbm4b:s7+s4], $0x5000, $0x38;
	[tilespmem:$0x1AF80] =	vst v63  }
0x8: {  	_ =	swait.ge [sflag:s30], $0x5000  }
0x9: {  	[sflag:s30] =	ssyncset.done $0x0  }
0xa: {  	s31 =	simm.s32 $0x9F00;
	s2 =	sadd.s32 $0x2800, s2;
	[sflag:s30] =	ssyncadd.s32 $0xFFFFB000  }
0xb: {  	[tilespmem:s31], [sflag:$0x4] =	stream.linear.gather [hbm4b:s2+s4], $0x5000, $0x38;
	[tilespmem:$0x1AF80] =	vst v63  }
0xc: {  	s10 =	sadd.s32 $0x2200, s6;
	_ =	swait.ge [sflag:s30], $0x5000  }
0xd: {  	s9 =	sadd.s32 $0x25800, s6;
	s11 =	sadd.s32 $0x16800, s6;
	[sflag:s30] =	ssyncset.done $0x0  }
0xe: {  	v0 =	vimm.f32 $0.0e+00;
	s7 =	sadd.s32 $0x20800, s6;
	s2 =	sadd.s32 $0x1B800, s6;
	[sflag:s30] =	ssyncadd.s32 $0xFFFFB000  }
.LBB2_1:
0xf: {  	p0 =	sne.s32 s4, $0x9DC0  }
.Ltmp0:
0x10: {  	_ = 	snop;
	(pc) =	sbr.rel @p0 .LBB2_1-.Ltmp0, $3  }
0x11: {  	_ =	sdelay $0x1  }
0x12: {  	s6 =	sshra.s32 s4, $0x2  }
0x13: {  	s4 =	sadd.s32 $0x40, s4;
	[tilespmem:s6+$0x18580] =	vst v0  }
0x14: {  	v0 =	vimm.f32 $1.000000000e+00;
	s4 =	simm.s32 $0x40;
	s6 =	simm.s32 $0x0  }
.LBB2_3:
0x15: {  	p0 =	sne.s32 s4, $0x3FC0;
	[tilespmem:s6+$0xEF00] =	vst v0;
	s6 =	smov.u32 s4;
	s4 =	sadd.s32 $0x40, s4  }
.Ltmp1:
0x16: {  	(pc) =	sbr.rel @p0 .LBB2_3-.Ltmp1, $2  }
0x17: {  	_ =	sdelay $0x2  }
0x18: {  	s6 =	sshra.s32 s6, $0x2  }
0x19: {  	s8 =	smul.u32 $0x2780, s0;
	_ =	sdelay $0x1  }
0x1a: {  	[tilespmem:s6+$0xEF00] =	vst v0;
	s4 =	simm.s32 $0x18580;
	s31 =	simm.s32 $0x4;
	s6 =	sadd.s32 s8, s3  }
0x1b: {  	[spmem:s6] =	stream.linear.scatter [tilespmem:s4], [sflag:$0x4], $0x2780, $0x38;
	[tilespmem:$0x1AF80] =	vst v63  }
0x1c: {  	_ =	swait.ge [sflag:s31], $0x2780  }
0x1d: {  	[sflag:s31] =	ssyncset.done $0x0  }
0x1e: {  	s12 =	simm.s32 $0x100;
	[sflag:s31] =	ssyncadd.s32 $0xFFFFD880  }
0x1f: {  	s13 =	simm.s32 $0xEF00;
	s4 =	simm.s32 $0x0;
	[bflag:$0x0] =	sbarrier.arrive $0xFFFF  }
.LBB2_5:
0x20: {  	p0 =	sne.s32 s4, $0x13C00  }
.Ltmp2:
0x21: {  	_ = 	snop;
	(pc) =	sbr.rel @p0 .LBB2_5-.Ltmp2, $4  }
0x22: {  	_ = 	snop  }
0x23: {  	s14 =	sshra.s32 s4, $0x2  }
0x24: {  	s4 =	sadd.s32 $0x400, s4;
	s14 =	sadd.s32 $0x4F00, s14  }
0x25: {  	[spmem:s3] =	stream.indirect.scatter.add.f32 [tilespmem:s13], [sflag:$0x1], $0x10, s14, s12, $0xb8;
	[tilespmem:$0x1AF80] =	vst v63  }
0x26: {  	s4 =	simm.s32 $0x1  }
0x27: {  	_ =	swait.ge [sflag:s4], $0x1000  }
0x28: {  	s12 =	simm.s32 $0x4F;
	[sflag:s4] =	ssyncset.done $0x0  }
.LBB2_7:
0x29: {  	p0 =	sne.s32 s12, $0x1;
	s12 =	sadd.s32 $0xFFFFFFFF, s12;
	[sflag:s4] =	ssyncadd.s32 $0xFFFFF000  }
.Ltmp3:
0x2a: {  	(pc) =	sbr.rel @p0 .LBB2_7-.Ltmp3, $3  }
0x2b: {  	_ =	sdelay $0x1  }
0x2c: {  	_ =	swait.ge [sflag:s4], $0x1000  }
0x2d: {  	[sflag:s4] =	ssyncset.done $0x0  }
0x2e: {  	[sflag:s4] =	ssyncadd.s32 $0xFFFFF000  }
0x2f: {  	s12 =	simm.s32 $0x10F00;
	s13 =	simm.s32 $0x4;
	[bflag:$0x0] =	sbarrier.arrive $0xFFFF  }
0x30: {  	[tilespmem:s12], [sflag:$0x4] =	stream.linear.gather [spmem:s6], $0x2780, $0x38;
	[tilespmem:$0x1AF80] =	vst v63  }
0x31: {  	_ =	swait.ge [sflag:s13], $0x2780  }
0x32: {  	s4 =	sshrl.u32 s8, $0x3;
	[sflag:s13] =	ssyncset.done $0x0  }
0x33: {  	s14 =	simm.s32 $0x0;
	s11 =	sadd.s32 s11, s4;
	[sflag:s13] =	ssyncadd.s32 $0xFFFFD880  }
0x34: {  	[hbm4b:s11+s14] =	stream.linear.scatter [tilespmem:s12], [sflag:$0x4], $0x2780, $0x38;
	[tilespmem:$0x1AF80] =	vst v63  }
0x35: {  	_ =	swait.ge [sflag:s13], $0x2780  }
0x36: {  	[sflag:s13] =	ssyncset.done $0x0  }
0x37: {  	s29 =	simm.s32 $0x18580;
	[sflag:s13] =	ssyncadd.s32 $0xFFFFD880  }
0x38: {  	[spmem:s6] =	stream.linear.scatter [tilespmem:s29], [sflag:$0x4], $0x2780, $0x38;
	[tilespmem:$0x1AF80] =	vst v63  }
0x39: {  	s30 =	smul.u32 $0x4F, s0;
	_ =	swait.ge [sflag:s13], $0x2780  }
0x3a: {  	[sflag:s13] =	ssyncset.done $0x0  }
0x3b: {  	s31 =	simm.s32 $0x1AD00;
	s10 =	sadd.s32 s10, s30;
	[sflag:s13] =	ssyncadd.s32 $0xFFFFD880  }
0x3c: {  	[tilespmem:s31], [sflag:$0x4] =	stream.linear.gather [hbm4b:s10+s14], $0x280, $0x38;
	[tilespmem:$0x1AF80] =	vst v63  }
0x3d: {  	_ =	swait.ge [sflag:s13], $0x280  }
0x3e: {  	[sflag:s13] =	ssyncset.done $0x0  }
0x3f: {  	v0 =	vimm.f32 $0.0e+00;
	s11 =	simm.s32 $0x0;
	s10 =	simm.s32 $0x40;
	[sflag:s13] =	ssyncadd.s32 $0xFFFFFD80  }
.LBB2_9:
0x40: {  	p0 =	sne.s32 s10, $0x9DC0;
	[tilespmem:s11+$0x13680] =	vst v0;
	s11 =	smov.u32 s10;
	s10 =	sadd.s32 $0x40, s10  }
.Ltmp4:
0x41: {  	(pc) =	sbr.rel @p0 .LBB2_9-.Ltmp4, $2  }
0x42: {  	_ =	sdelay $0x2  }
0x43: {  	s11 =	sshra.s32 s11, $0x2  }
0x44: {  	[tilespmem:s11+$0x13680] =	vst v0  }
0x45: {  	v0 =	vld [tilespmem:$0x1AD00];
	_ =	sdelay $0x2  }
0x46: {  	v1 =	vlaneseq.u32  }
0x47: {  	v1 =	vmul.u32 $0x10, v1  }
0x48: {  	vm0 =	vlt.s32 v0, $0x10  }
0x49: {  	v2 =	vadd.s32 v1, v0;
	_ =	sdelay $0x3  }
0x4a: {  	s10 =	simm.s32 $0x13680;
	v0 =	vimm.f32 $1.000000000e+00  }
0x4b: {  	[tilespmem:v2+s10+$0x0] =	vst.idx.msk vm0, v0  }
0x4c: {  	v2 =	vld [tilespmem:$0x1AD10];
	_ =	sdelay $0x4  }
0x4d: {  	v3 =	vor.u32 $0x100, v1;
	vm7 =	vlt.s32 v2, $0x10  }
0x4e: {  	v2 =	vadd.s32 v3, v2;
	_ =	sdelay $0x4  }
0x4f: {  	[tilespmem:v2+s10+$0x0] =	vst.idx.msk vm7, v0  }
0x50: {  	v2 =	vld [tilespmem:$0x1AD20];
	_ =	sdelay $0x4  }
0x51: {  	v3 =	vor.u32 $0x200, v1;
	vm8 =	vlt.s32 v2, $0x10  }
0x52: {  	v2 =	vadd.s32 v3, v2;
	_ =	sdelay $0x4  }
0x53: {  	[tilespmem:v2+s10+$0x0] =	vst.idx.msk vm8, v0  }
0x54: {  	v2 =	vld [tilespmem:$0x1AD30];
	_ =	sdelay $0x4  }
0x55: {  	v3 =	vor.u32 $0x300, v1;
	vm9 =	vlt.s32 v2, $0x10  }
0x56: {  	v2 =	vadd.s32 v3, v2;
	_ =	sdelay $0x4  }
0x57: {  	[tilespmem:v2+s10+$0x0] =	vst.idx.msk vm9, v0  }
0x58: {  	v2 =	vld [tilespmem:$0x1AD40];
	_ =	sdelay $0x4  }
0x59: {  	v3 =	vor.u32 $0x400, v1;
	vm10 =	vlt.s32 v2, $0x10  }
0x5a: {  	v2 =	vadd.s32 v3, v2;
	_ =	sdelay $0x4  }
0x5b: {  	[tilespmem:v2+s10+$0x0] =	vst.idx.msk vm10, v0  }
0x5c: {  	v2 =	vld [tilespmem:$0x1AD50];
	_ =	sdelay $0x4  }
0x5d: {  	v3 =	vor.u32 $0x500, v1;
	vm11 =	vlt.s32 v2, $0x10  }
0x5e: {  	v2 =	vadd.s32 v3, v2;
	_ =	sdelay $0x4  }
0x5f: {  	[tilespmem:v2+s10+$0x0] =	vst.idx.msk vm11, v0  }
0x60: {  	v2 =	vld [tilespmem:$0x1AD60];
	_ =	sdelay $0x4  }
0x61: {  	v3 =	vor.u32 $0x600, v1;
	vm12 =	vlt.s32 v2, $0x10  }
0x62: {  	v2 =	vadd.s32 v3, v2;
	_ =	sdelay $0x4  }
0x63: {  	[tilespmem:v2+s10+$0x0] =	vst.idx.msk vm12, v0  }
0x64: {  	v2 =	vld [tilespmem:$0x1AD70];
	_ =	sdelay $0x4  }
0x65: {  	v3 =	vor.u32 $0x700, v1;
	vm13 =	vlt.s32 v2, $0x10  }
0x66: {  	v2 =	vadd.s32 v3, v2;
	_ =	sdelay $0x4  }
0x67: {  	[tilespmem:v2+s10+$0x0] =	vst.idx.msk vm13, v0  }
0x68: {  	v2 =	vld [tilespmem:$0x1AD80];
	_ =	sdelay $0x4  }
0x69: {  	v3 =	vor.u32 $0x800, v1;
	vm14 =	vlt.s32 v2, $0x10  }
0x6a: {  	v2 =	vadd.s32 v3, v2;
	_ =	sdelay $0x4  }
0x6b: {  	[tilespmem:v2+s10+$0x0] =	vst.idx.msk vm14, v0  }
0x6c: {  	v2 =	vld [tilespmem:$0x1AD90];
	_ =	sdelay $0x4  }
0x6d: {  	v3 =	vor.u32 $0x900, v1;
	vm15 =	vlt.s32 v2, $0x10  }
0x6e: {  	v2 =	vadd.s32 v3, v2;
	_ =	sdelay $0x4  }
0x6f: {  	[tilespmem:v2+s10+$0x0] =	vst.idx.msk vm15, v0  }
0x70: {  	v2 =	vld [tilespmem:$0x1ADA0];
	_ =	sdelay $0x4  }
0x71: {  	v3 =	vor.u32 $0xA00, v1;
	vm4 =	vlt.s32 v2, $0x10  }
0x72: {  	v2 =	vadd.s32 v3, v2;
	_ =	sdelay $0x4  }
0x73: {  	[tilespmem:v2+s10+$0x0] =	vst.idx.msk vm4, v0  }
0x74: {  	v2 =	vld [tilespmem:$0x1ADB0];
	_ =	sdelay $0x4  }
0x75: {  	v3 =	vor.u32 $0xB00, v1;
	vm5 =	vlt.s32 v2, $0x10  }
0x76: {  	v2 =	vadd.s32 v3, v2;
	_ =	sdelay $0x4  }
0x77: {  	[tilespmem:v2+s10+$0x0] =	vst.idx.msk vm5, v0  }
0x78: {  	v2 =	vld [tilespmem:$0x1ADC0];
	_ =	sdelay $0x4  }
0x79: {  	v3 =	vor.u32 $0xC00, v1;
	vm6 =	vlt.s32 v2, $0x10  }
0x7a: {  	v2 =	vadd.s32 v3, v2;
	_ =	sdelay $0x4  }
0x7b: {  	[tilespmem:v2+s10+$0x0] =	vst.idx.msk vm6, v0  }
0x7c: {  	v2 =	vld [tilespmem:$0x1ADD0];
	_ =	sdelay $0x4  }
0x7d: {  	v3 =	vor.u32 $0xD00, v1;
	vm7 =	vlt.s32 v2, $0x10  }
0x7e: {  	v2 =	vadd.s32 v3, v2;
	_ =	sdelay $0x4  }
0x7f: {  	[tilespmem:v2+s10+$0x0] =	vst.idx.msk vm7, v0  }
0x80: {  	v2 =	vld [tilespmem:$0x1ADE0];
	_ =	sdelay $0x4  }
0x81: {  	v3 =	vor.u32 $0xE00, v1;
	vm8 =	vlt.s32 v2, $0x10  }
0x82: {  	v2 =	vadd.s32 v3, v2;
	_ =	sdelay $0x4  }
0x83: {  	[tilespmem:v2+s10+$0x0] =	vst.idx.msk vm8, v0  }
0x84: {  	v2 =	vld [tilespmem:$0x1ADF0];
	_ =	sdelay $0x4  }
0x85: {  	v3 =	vor.u32 $0xF00, v1;
	vm9 =	vlt.s32 v2, $0x10  }
0x86: {  	v2 =	vadd.s32 v3, v2;
	_ =	sdelay $0x4  }
0x87: {  	[tilespmem:v2+s10+$0x0] =	vst.idx.msk vm9, v0  }
0x88: {  	v2 =	vld [tilespmem:$0x1AE00];
	_ =	sdelay $0x4  }
0x89: {  	v3 =	vor.u32 $0x1000, v1;
	vm10 =	vlt.s32 v2, $0x10  }
0x8a: {  	v2 =	vadd.s32 v3, v2;
	_ =	sdelay $0x4  }
0x8b: {  	[tilespmem:v2+s10+$0x0] =	vst.idx.msk vm10, v0  }
0x8c: {  	v2 =	vld [tilespmem:$0x1AE10];
	_ =	sdelay $0x4  }
0x8d: {  	v3 =	vor.u32 $0x1100, v1;
	vm11 =	vlt.s32 v2, $0x10  }
0x8e: {  	v2 =	vadd.s32 v3, v2;
	_ =	sdelay $0x4  }
0x8f: {  	[tilespmem:v2+s10+$0x0] =	vst.idx.msk vm11, v0  }
0x90: {  	v2 =	vld [tilespmem:$0x1AE20];
	_ =	sdelay $0x4  }
0x91: {  	v3 =	vor.u32 $0x1200, v1;
	vm12 =	vlt.s32 v2, $0x10  }
0x92: {  	v2 =	vadd.s32 v3, v2;
	_ =	sdelay $0x4  }
0x93: {  	[tilespmem:v2+s10+$0x0] =	vst.idx.msk vm12, v0  }
0x94: {  	v2 =	vld [tilespmem:$0x1AE30];
	_ =	sdelay $0x4  }
0x95: {  	v3 =	vor.u32 $0x1300, v1;
	vm13 =	vlt.s32 v2, $0x10  }
0x96: {  	v2 =	vadd.s32 v3, v2;
	_ =	sdelay $0x4  }
0x97: {  	[tilespmem:v2+s10+$0x0] =	vst.idx.msk vm13, v0  }
0x98: {  	v2 =	vld [tilespmem:$0x1AE40];
	_ =	sdelay $0x4  }
0x99: {  	v3 =	vor.u32 $0x1400, v1;
	vm14 =	vlt.s32 v2, $0x10  }
0x9a: {  	v2 =	vadd.s32 v3, v2;
	_ =	sdelay $0x4  }
0x9b: {  	[tilespmem:v2+s10+$0x0] =	vst.idx.msk vm14, v0  }
0x9c: {  	v2 =	vld [tilespmem:$0x1AE50];
	_ =	sdelay $0x4  }
0x9d: {  	v3 =	vor.u32 $0x1500, v1;
	vm15 =	vlt.s32 v2, $0x10  }
0x9e: {  	v2 =	vadd.s32 v3, v2;
	_ =	sdelay $0x4  }
0x9f: {  	[tilespmem:v2+s10+$0x0] =	vst.idx.msk vm15, v0  }
0xa0: {  	v2 =	vld [tilespmem:$0x1AE60];
	_ =	sdelay $0x4  }
0xa1: {  	v3 =	vor.u32 $0x1600, v1;
	vm4 =	vlt.s32 v2, $0x10  }
0xa2: {  	v2 =	vadd.s32 v3, v2;
	_ =	sdelay $0x4  }
0xa3: {  	[tilespmem:v2+s10+$0x0] =	vst.idx.msk vm4, v0  }
0xa4: {  	v2 =	vld [tilespmem:$0x1AE70];
	_ =	sdelay $0x4  }
0xa5: {  	v3 =	vor.u32 $0x1700, v1;
	vm5 =	vlt.s32 v2, $0x10  }
0xa6: {  	v2 =	vadd.s32 v3, v2;
	_ =	sdelay $0x4  }
0xa7: {  	[tilespmem:v2+s10+$0x0] =	vst.idx.msk vm5, v0  }
0xa8: {  	v2 =	vld [tilespmem:$0x1AE80];
	_ =	sdelay $0x4  }
0xa9: {  	v3 =	vor.u32 $0x1800, v1;
	vm6 =	vlt.s32 v2, $0x10  }
0xaa: {  	v2 =	vadd.s32 v3, v2;
	_ =	sdelay $0x4  }
0xab: {  	[tilespmem:v2+s10+$0x0] =	vst.idx.msk vm6, v0  }
0xac: {  	v2 =	vld [tilespmem:$0x1AE90];
	_ =	sdelay $0x4  }
0xad: {  	v3 =	vor.u32 $0x1900, v1;
	vm7 =	vlt.s32 v2, $0x10  }
0xae: {  	v2 =	vadd.s32 v3, v2;
	_ =	sdelay $0x4  }
0xaf: {  	[tilespmem:v2+s10+$0x0] =	vst.idx.msk vm7, v0  }
0xb0: {  	v2 =	vld [tilespmem:$0x1AEA0];
	_ =	sdelay $0x4  }
0xb1: {  	v3 =	vor.u32 $0x1A00, v1;
	vm8 =	vlt.s32 v2, $0x10  }
0xb2: {  	v2 =	vadd.s32 v3, v2;
	_ =	sdelay $0x4  }
0xb3: {  	[tilespmem:v2+s10+$0x0] =	vst.idx.msk vm8, v0  }
0xb4: {  	v2 =	vld [tilespmem:$0x1AEB0];
	_ =	sdelay $0x4  }
0xb5: {  	v3 =	vor.u32 $0x1B00, v1;
	vm9 =	vlt.s32 v2, $0x10  }
0xb6: {  	v2 =	vadd.s32 v3, v2;
	_ =	sdelay $0x4  }
0xb7: {  	[tilespmem:v2+s10+$0x0] =	vst.idx.msk vm9, v0  }
0xb8: {  	v2 =	vld [tilespmem:$0x1AEC0];
	_ =	sdelay $0x4  }
0xb9: {  	v3 =	vor.u32 $0x1C00, v1;
	vm10 =	vlt.s32 v2, $0x10  }
0xba: {  	v2 =	vadd.s32 v3, v2;
	_ =	sdelay $0x4  }
0xbb: {  	[tilespmem:v2+s10+$0x0] =	vst.idx.msk vm10, v0  }
0xbc: {  	v2 =	vld [tilespmem:$0x1AED0];
	_ =	sdelay $0x4  }
0xbd: {  	v3 =	vor.u32 $0x1D00, v1;
	vm11 =	vlt.s32 v2, $0x10  }
0xbe: {  	v2 =	vadd.s32 v3, v2;
	_ =	sdelay $0x4  }
0xbf: {  	[tilespmem:v2+s10+$0x0] =	vst.idx.msk vm11, v0  }
0xc0: {  	v2 =	vld [tilespmem:$0x1AEE0];
	_ =	sdelay $0x4  }
0xc1: {  	v3 =	vor.u32 $0x1E00, v1;
	vm12 =	vlt.s32 v2, $0x10  }
0xc2: {  	v2 =	vadd.s32 v3, v2;
	_ =	sdelay $0x4  }
0xc3: {  	[tilespmem:v2+s10+$0x0] =	vst.idx.msk vm12, v0  }
0xc4: {  	v2 =	vld [tilespmem:$0x1AEF0];
	_ =	sdelay $0x4  }
0xc5: {  	v3 =	vor.u32 $0x1F00, v1;
	vm13 =	vlt.s32 v2, $0x10  }
0xc6: {  	v2 =	vadd.s32 v3, v2;
	_ =	sdelay $0x4  }
0xc7: {  	[tilespmem:v2+s10+$0x0] =	vst.idx.msk vm13, v0  }
0xc8: {  	v2 =	vld [tilespmem:$0x1AF00];
	_ =	sdelay $0x4  }
0xc9: {  	v3 =	vor.u32 $0x2000, v1;
	vm14 =	vlt.s32 v2, $0x10  }
0xca: {  	v2 =	vadd.s32 v3, v2;
	_ =	sdelay $0x4  }
0xcb: {  	[tilespmem:v2+s10+$0x0] =	vst.idx.msk vm14, v0  }
0xcc: {  	v2 =	vld [tilespmem:$0x1AF10];
	_ =	sdelay $0x4  }
0xcd: {  	v3 =	vor.u32 $0x2100, v1;
	vm15 =	vlt.s32 v2, $0x10  }
0xce: {  	v2 =	vadd.s32 v3, v2;
	_ =	sdelay $0x4  }
0xcf: {  	[tilespmem:v2+s10+$0x0] =	vst.idx.msk vm15, v0  }
0xd0: {  	v2 =	vld [tilespmem:$0x1AF20];
	_ =	sdelay $0x4  }
0xd1: {  	v3 =	vor.u32 $0x2200, v1;
	vm4 =	vlt.s32 v2, $0x10  }
0xd2: {  	v2 =	vadd.s32 v3, v2;
	_ =	sdelay $0x4  }
0xd3: {  	[tilespmem:v2+s10+$0x0] =	vst.idx.msk vm4, v0  }
0xd4: {  	v2 =	vld [tilespmem:$0x1AF30];
	_ =	sdelay $0x4  }
0xd5: {  	v3 =	vor.u32 $0x2300, v1;
	vm5 =	vlt.s32 v2, $0x10  }
0xd6: {  	v2 =	vadd.s32 v3, v2;
	_ =	sdelay $0x4  }
0xd7: {  	[tilespmem:v2+s10+$0x0] =	vst.idx.msk vm5, v0  }
0xd8: {  	v2 =	vld [tilespmem:$0x1AF40];
	_ =	sdelay $0x4  }
0xd9: {  	v3 =	vor.u32 $0x2400, v1;
	vm6 =	vlt.s32 v2, $0x10  }
0xda: {  	v2 =	vadd.s32 v3, v2;
	_ =	sdelay $0x4  }
0xdb: {  	[tilespmem:v2+s10+$0x0] =	vst.idx.msk vm6, v0  }
0xdc: {  	v2 =	vld [tilespmem:$0x1AF50];
	_ =	sdelay $0x4  }
0xdd: {  	v3 =	vor.u32 $0x2500, v1;
	vm7 =	vlt.s32 v2, $0x10  }
0xde: {  	v2 =	vadd.s32 v3, v2;
	_ =	sdelay $0x4  }
0xdf: {  	[tilespmem:v2+s10+$0x0] =	vst.idx.msk vm7, v0  }
0xe0: {  	v2 =	vld [tilespmem:$0x1AF60];
	_ =	sdelay $0x4  }
0xe1: {  	v1 =	vor.u32 $0x2600, v1;
	vm8 =	vlt.s32 v2, $0x10  }
0xe2: {  	v1 =	vadd.s32 v1, v2;
	_ =	sdelay $0x4  }
0xe3: {  	vm9 =	vcmask $0x300;
	v2 =	vimm.s32 $0x2770;
	[tilespmem:v1+s10+$0x0] =	vst.idx.msk vm8, v0  }
0xe4: {  	vm10 =	vcmask $0x704;
	v2 =	vsel vm9, $0x2700, v2;
	v1 =	vld [tilespmem:$0x1AF70]  }
0xe5: {  	vm11 =	vcmask $0xB08;
	v2 =	vsel vm10, $0x2710, v2  }
0xe6: {  	vm12 =	vcmask $0xF0C;
	v2 =	vsel vm11, $0x2720, v2  }
0xe7: {  	vm13 =	vcmask $0x1310;
	v2 =	vsel vm12, $0x2730, v2  }
0xe8: {  	vm2 =	vmmov $0xff;
	vm14 =	vcmask $0x1714;
	v2 =	vsel vm13, $0x2740, v2  }
0xe9: {  	vm15 =	vcmask $0x1B18;
	v2 =	vsel vm14, $0x2750, v2;
	vm1 =	vlt.s32 v1, $0x10  }
0xea: {  	v2 =	vsel vm15, $0x2760, v2;
	vm1 =	vmand vm1, vm2  }
0xeb: {  	v1 =	vadd.s32 v2, v1;
	_ =	sdelay $0x4  }
0xec: {  	s14 =	simm.s32 $0x0;
	[tilespmem:v1+s10+$0x0] =	vst.idx.msk vm1, v0  }
0xed: {  	v0 =	vld [tilespmem:s14+$0x10F00];
	_ =	sdelay $0x4  }
0xee: {  	v0 =	vadd.f32 $1.000000000e+00, v0;
	_ =	sdelay $0x1  }
0xef: {  	s12 =	simm.s32 $0x10;
	v1 =	vshrl.u32 v0, $0x1;
	v2 =	vmul.f32 $5.000000000e-01, v0  }
0xf0: {  	v3 =	vld [tilespmem:s12+$0x10F00];
	v4 =	vsub.s32 $0x5F3759DF, v1  }
0xf1: {  	v1 =	vmul.f32 v4, v2;
	_ =	sdelay $0x1  }
0xf2: {  	v1 =	vmul.f32 v4, v1  }
0xf3: {  	(erf) = vrcp.f32 v0  }
0xf4: {  	v0 =	vadd.f32 $1.000000000e+00, v3;
	v3 =	vsub.f32 $1.500000000e+00, v1  }
0xf5: {  	s11 =	simm.s32 $0x20  }
0xf6: {  	v5 =	vshrl.u32 v0, $0x1;
	v1 =	vmul.f32 $5.000000000e-01, v0;
	v3 =	vmul.f32 v4, v3;
	v4 =	vld [tilespmem:s11+$0x10F00]  }
0xf7: {  	(erf) = vrcp.f32 v0;
	v5 =	vsub.s32 $0x5F3759DF, v5  }
0xf8: {  	v6 =	vmul.f32 v5, v1;
	v7 =	vmul.f32 v3, v2;
	_ =	sdelay $0x1  }
0xf9: {  	v6 =	vmul.f32 v5, v6;
	v0 =	vmul.f32 v7, v3  }
0xfa: {  	v4 =	vadd.f32 $1.000000000e+00, v4  }
0xfb: {  	v6 =	vsub.f32 $1.500000000e+00, v6;
	v7 =	vpop (erf);
	v8 =	vsub.f32 $1.500000000e+00, v0  }
0xfc: {  	s10 =	simm.s32 $0x30;
	[tilespmem:s14+$0x15E00] =	vst v7;
	v7 =	vshrl.u32 v4, $0x1;
	v0 =	vmul.f32 $5.000000000e-01, v4  }
0xfd: {  	v9 =	vmul.f32 v5, v6;
	v5 =	vld [tilespmem:s10+$0x10F00];
	v6 =	vsub.s32 $0x5F3759DF, v7;
	v10 =	vmul.f32 v8, v3  }
0xfe: {  	v3 =	vmul.f32 v6, v0  }
0xff: {  	v7 =	vmul.f32 v9, v1;
	v2 =	vmul.f32 v10, v2  }
0x100: {  	(erf) = vrcp.f32 v4;
	v8 =	vpop (erf);
	v3 =	vmul.f32 v6, v3  }
0x101: {  	v7 =	vmul.f32 v7, v9;
	[tilespmem:s12+$0x15E00] =	vst v8;
	v2 =	vmul.f32 v2, v10  }
0x102: {  	v8 =	vld [tilespmem:s14+$0x13680];
	v5 =	vadd.f32 $1.000000000e+00, v5;
	v3 =	vsub.f32 $1.500000000e+00, v3  }
0x103: {  	v4 =	vsub.f32 $1.500000000e+00, v7;
	v11 =	vsub.f32 $1.500000000e+00, v2  }
0x104: {  	s13 =	simm.s32 $0x40;
	v12 =	vshrl.u32 v5, $0x1;
	v2 =	vmul.f32 $5.000000000e-01, v5;
	v7 =	vmul.f32 v6, v3  }
0x105: {  	s15 =	simm.s32 $0x140;
	v4 =	vmul.f32 v4, v9;
	v6 =	vld [tilespmem:s13+$0x10F00];
	v3 =	vsub.s32 $0x5F3759DF, v12;
	v9 =	vmul.f32 v11, v10  }
.LBB2_11:
0x106: {  	p0 =	sne.s32 s15, $0x9DC0;
	v13 =	vmul.f32 v3, v2;
	v11 =	vmul.f32 v7, v0;
	v12 =	vmov v7  }
0x107: {  	v7 =	vmul.f32 v4, v1;
	v8 =	vmul.f32 v9, v8;
	v1 =	vmovc v0;
	v0 =	vmov v2  }
0x108: {  	v2 =	vmul.f32 v3, v13;
	(erf) = vrcp.f32 v5  }
.Ltmp5:
0x109: {  	v9 =	vmul.f32 v11, v12;
	v10 =	vpop (erf);
	v7 =	vmul.f32 v7, v4;
	[tilespmem:s14+$0x13680] =	vst v8;
	s14 =	smov.u32 s12;
	s12 =	smov.u32 s11;
	(pc) =	sbr.rel @p0 .LBB2_11-.Ltmp5, $4  }
0x10a: {  	s11 =	smov.u32 s10;
	s10 =	smov.u32 s13;
	v5 =	vadd.f32 $1.000000000e+00, v6;
	v6 =	vsub.f32 $1.500000000e+00, v2;
	[tilespmem:s12+$0x15E00] =	vst v10;
	v8 =	vld [tilespmem:s14+$0x13680]  }
0x10b: {  	v10 =	vsub.f32 $1.500000000e+00, v9;
	v9 =	vsub.f32 $1.500000000e+00, v7  }
0x10c: {  	s13 =	sshra.s32 s15, $0x2;
	v11 =	vshrl.u32 v5, $0x1;
	v2 =	vmul.f32 $5.000000000e-01, v5;
	v7 =	vmul.f32 v3, v6  }
0x10d: {  	s15 =	sadd.s32 $0x40, s15;
	v6 =	vld [tilespmem:s13+$0x10F00];
	v3 =	vsub.s32 $0x5F3759DF, v11;
	v9 =	vmul.f32 v9, v4;
	v4 =	vmul.f32 v10, v12  }
0x10e: {  	_ = 	snop  }
0x10f: {  	v8 =	vmul.f32 v9, v8  }
0x110: {  	v1 =	vmul.f32 v4, v1  }
0x111: {  	v45 =	vmul.f32 v7, v0;
	(erf) = vrcp.f32 v5;
	v46 =	vpop (erf);
	[tilespmem:s14+$0x13680] =	vst v8  }
0x112: {  	v47 =	vmul.f32 v3, v2;
	v1 =	vmul.f32 v1, v4;
	[tilespmem:s11+$0x15E00] =	vst v46  }
0x113: {  	v48 =	vmul.f32 v45, v7;
	v49 =	vld [tilespmem:s12+$0x13680]  }
0x114: {  	v8 =	vmul.f32 v3, v47;
	v1 =	vsub.f32 $1.500000000e+00, v1  }
0x115: {  	v6 =	vadd.f32 $1.000000000e+00, v6;
	v5 =	vsub.f32 $1.500000000e+00, v48  }
0x116: {  	v8 =	vsub.f32 $1.500000000e+00, v8;
	v1 =	vmul.f32 v1, v4  }
0x117: {  	v10 =	vmul.f32 $5.000000000e-01, v6;
	v5 =	vmul.f32 v5, v7  }
0x118: {  	v50 =	vshrl.u32 v6, $0x1;
	v51 =	vmul.f32 v3, v8;
	v1 =	vmul.f32 v1, v49  }
0x119: {  	(erf) = vrcp.f32 v6;
	v4 =	vsub.s32 $0x5F3759DF, v50;
	v53 =	vmul.f32 v5, v0  }
0x11a: {  	v52 =	vmul.f32 v4, v10;
	v8 =	vmul.f32 v51, v2;
	v54 =	vpop (erf);
	[tilespmem:s12+$0x13680] =	vst v1  }
0x11b: {  	v0 =	vmul.f32 v53, v5;
	[tilespmem:s10+$0x15E00] =	vst v54  }
0x11c: {  	v55 =	vmul.f32 v4, v52;
	v56 =	vmul.f32 v8, v51;
	v57 =	vld [tilespmem:s11+$0x13680]  }
0x11d: {  	v0 =	vsub.f32 $1.500000000e+00, v0  }
0x11e: {  	v1 =	vsub.f32 $1.500000000e+00, v55;
	v6 =	vsub.f32 $1.500000000e+00, v56  }
0x11f: {  	v0 =	vmul.f32 v0, v5  }
0x120: {  	v1 =	vmul.f32 v4, v1;
	v3 =	vmul.f32 v6, v51  }
0x121: {  	v0 =	vmul.f32 v0, v57  }
0x122: {  	v4 =	vmul.f32 v1, v10;
	v58 =	vmul.f32 v3, v2  }
0x123: {  	v59 =	vpop (erf);
	[tilespmem:s11+$0x13680] =	vst v0  }
0x124: {  	v60 =	vmul.f32 v4, v1;
	v2 =	vmul.f32 v58, v3;
	[tilespmem:s13+$0x15E00] =	vst v59  }
0x125: {  	v61 =	vld [tilespmem:s10+$0x13680]  }
0x126: {  	v0 =	vsub.f32 $1.500000000e+00, v60;
	v2 =	vsub.f32 $1.500000000e+00, v2;
	_ =	sdelay $0x1  }
0x127: {  	v0 =	vmul.f32 v0, v1;
	v62 =	vmul.f32 v2, v3;
	_ =	sdelay $0x1  }
0x128: {  	v63 =	vmul.f32 v0, v10;
	v1 =	vmul.f32 v62, v61;
	_ =	sdelay $0x1  }
0x129: {  	v2 =	vmul.f32 v63, v0;
	[tilespmem:s10+$0x13680] =	vst v1  }
0x12a: {  	v1 =	vld [tilespmem:s13+$0x13680]  }
0x12b: {  	v2 =	vsub.f32 $1.500000000e+00, v2;
	_ =	sdelay $0x1  }
0x12c: {  	v0 =	vmul.f32 v2, v0;
	_ =	sdelay $0x1  }
0x12d: {  	v0 =	vmul.f32 v0, v1;
	_ =	sdelay $0x1  }
0x12e: {  	s8 =	sadd.s32 s8, s5;
	s28 =	simm.s32 $0x13680;
	s10 =	simm.s32 $0x4;
	[tilespmem:s13+$0x13680] =	vst v0  }
0x12f: {  	[spmem:s8] =	stream.linear.scatter [tilespmem:s28], [sflag:$0x4], $0x2780, $0x38;
	[tilespmem:$0x1AF80] =	vst v63  }
0x130: {  	_ =	swait.ge [sflag:s10], $0x2780  }
0x131: {  	[sflag:s10] =	ssyncset.done $0x0  }
0x132: {  	s29 =	simm.s32 $0x4F00;
	[sflag:s10] =	ssyncadd.s32 $0xFFFFD880  }
0x133: {  	s11 =	simm.s32 $0x100;
	s13 =	simm.s32 $0xEF00;
	[bflag:$0x0] =	sbarrier.arrive $0xFFFF  }
0x134: {  	[tilespmem:s13], [sflag:$0x1] =	stream.indirect.gather [spmem:s5], $0x10, s29, s11, $0xb8;
	[tilespmem:$0x1AF80] =	vst v63  }
0x135: {  	s15 =	simm.s32 $0x5000;
	s14 =	simm.s32 $0x1;
	s12 =	simm.s32 $0xFF00  }
0x136: {  	[tilespmem:s12], [sflag:$0x2] =	stream.indirect.gather [spmem:s5], $0x10, s15, s11, $0xb8;
	[tilespmem:$0x1AF80] =	vst v63  }
0x137: {  	_ =	swait.ge [sflag:s14], $0x1000  }
0x138: {  	[sflag:s14] =	ssyncset.done $0x0  }
0x139: {  	s30 =	simm.s32 $0x9F00;
	[sflag:s14] =	ssyncadd.s32 $0xFFFFF000  }
0x13a: {  	[spmem:s3] =	stream.indirect.scatter.add.f32 [tilespmem:s13], [sflag:$0x4], $0x10, s30, s11, $0xb8;
	[tilespmem:$0x1AF80] =	vst v63  }
0x13b: {  	_ =	swait.ge [sflag:s10], $0x1000  }
0x13c: {  	[sflag:s10] =	ssyncset.done $0x0  }
0x13d: {  	s16 =	simm.s32 $0x5100;
	s15 =	simm.s32 $0x2;
	[sflag:s10] =	ssyncadd.s32 $0xFFFFF000  }
0x13e: {  	[tilespmem:s13], [sflag:$0x1] =	stream.indirect.gather [spmem:s5], $0x10, s16, s11, $0xb8;
	[tilespmem:$0x1AF80] =	vst v63  }
0x13f: {  	_ =	swait.ge [sflag:s15], $0x1000  }
0x140: {  	[sflag:s15] =	ssyncset.done $0x0  }
0x141: {  	s31 =	simm.s32 $0xA000;
	[sflag:s15] =	ssyncadd.s32 $0xFFFFF000  }
0x142: {  	[spmem:s3] =	stream.indirect.scatter.add.f32 [tilespmem:s12], [sflag:$0x4], $0x10, s31, s11, $0xb8;
	[tilespmem:$0x1AF80] =	vst v63  }
0x143: {  	_ =	swait.ge [sflag:s10], $0x1000  }
0x144: {  	s17 =	simm.s32 $0x1000;
	s16 =	simm.s32 $0x200;
	[sflag:s10] =	ssyncset.done $0x0  }
.LBB2_13:
0x145: {  	s18 =	sadd.s32 $0x5000, s16  }
0x146: {  	[sflag:s10] =	ssyncadd.s32 $0xFFFFF000;
	s19 =	smov.u32 s17;
	s20 =	sadd.s32 $0x800, s17  }
0x147: {  	[tilespmem:s12], [sflag:$0x2] =	stream.indirect.gather [spmem:s5], $0x10, s18, s11, $0xb8;
	[tilespmem:$0x1AF80] =	vst v63  }
0x148: {  	p0 =	sne.s32 s17, $0x13000;
	_ =	swait.ge [sflag:s14], $0x1000  }
0x149: {  	[sflag:s14] =	ssyncset.done $0x0  }
0x14a: {  	s17 =	sadd.s32 $0x9F00, s16;
	[sflag:s14] =	ssyncadd.s32 $0xFFFFF000  }
0x14b: {  	[spmem:s3] =	stream.indirect.scatter.add.f32 [tilespmem:s13], [sflag:$0x4], $0x10, s17, s11, $0xb8;
	[tilespmem:$0x1AF80] =	vst v63  }
0x14c: {  	_ =	swait.ge [sflag:s10], $0x1000  }
0x14d: {  	[sflag:s10] =	ssyncset.done $0x0  }
0x14e: {  	s17 =	sadd.s32 $0x5100, s16;
	[sflag:s10] =	ssyncadd.s32 $0xFFFFF000  }
0x14f: {  	[tilespmem:s13], [sflag:$0x1] =	stream.indirect.gather [spmem:s5], $0x10, s17, s11, $0xb8;
	[tilespmem:$0x1AF80] =	vst v63  }
0x150: {  	_ =	swait.ge [sflag:s15], $0x1000  }
.Ltmp6:
0x151: {  	[sflag:s15] =	ssyncset.done $0x0;
	(pc) =	sbr.rel @p0 .LBB2_13-.Ltmp6, $4  }
0x152: {  	s16 =	sadd.s32 $0xA000, s16;
	[sflag:s15] =	ssyncadd.s32 $0xFFFFF000  }
0x153: {  	[spmem:s3] =	stream.indirect.scatter.add.f32 [tilespmem:s12], [sflag:$0x4], $0x10, s16, s11, $0xb8;
	[tilespmem:$0x1AF80] =	vst v63  }
0x154: {  	_ =	swait.ge [sflag:s10], $0x1000  }
0x155: {  	s17 =	smov.u32 s20;
	s16 =	sshra.s32 s19, $0x2;
	[sflag:s10] =	ssyncset.done $0x0  }
0x156: {  	s17 =	sadd.s32 $0x5000, s16;
	[sflag:s10] =	ssyncadd.s32 $0xFFFFF000  }
0x157: {  	[tilespmem:s12], [sflag:$0x2] =	stream.indirect.gather [spmem:s5], $0x10, s17, s11, $0xb8;
	[tilespmem:$0x1AF80] =	vst v63  }
0x158: {  	_ =	swait.ge [sflag:s14], $0x1000  }
0x159: {  	[sflag:s14] =	ssyncset.done $0x0  }
0x15a: {  	s18 =	sadd.s32 $0x9F00, s16;
	[sflag:s14] =	ssyncadd.s32 $0xFFFFF000  }
0x15b: {  	[spmem:s3] =	stream.indirect.scatter.add.f32 [tilespmem:s13], [sflag:$0x4], $0x10, s18, s11, $0xb8;
	[tilespmem:$0x1AF80] =	vst v63  }
0x15c: {  	_ =	swait.ge [sflag:s10], $0x1000  }
0x15d: {  	[sflag:s10] =	ssyncset.done $0x0  }
0x15e: {  	s19 =	sadd.s32 $0x5100, s16;
	[sflag:s10] =	ssyncadd.s32 $0xFFFFF000  }
0x15f: {  	[tilespmem:s13], [sflag:$0x1] =	stream.indirect.gather [spmem:s5], $0x10, s19, s11, $0xb8;
	[tilespmem:$0x1AF80] =	vst v63  }
0x160: {  	_ =	swait.ge [sflag:s15], $0x1000  }
0x161: {  	[sflag:s15] =	ssyncset.done $0x0  }
0x162: {  	s20 =	sadd.s32 $0xA000, s16;
	[sflag:s15] =	ssyncadd.s32 $0xFFFFF000  }
0x163: {  	[spmem:s3] =	stream.indirect.scatter.add.f32 [tilespmem:s12], [sflag:$0x4], $0x10, s20, s11, $0xb8;
	[tilespmem:$0x1AF80] =	vst v63  }
0x164: {  	_ =	swait.ge [sflag:s10], $0x1000  }
0x165: {  	s21 =	simm.s32 $0x100;
	s22 =	simm.s32 $0x9E00;
	[sflag:s10] =	ssyncset.done $0x0  }
0x166: {  	s23 =	simm.s32 $0xFF00;
	s24 =	simm.s32 $0x1;
	[sflag:s10] =	ssyncadd.s32 $0xFFFFF000  }
0x167: {  	[tilespmem:s23], [sflag:$0x2] =	stream.indirect.gather [spmem:s5], $0x10, s22, s21, $0xb8;
	[tilespmem:$0x1AF80] =	vst v63  }
0x168: {  	_ =	swait.ge [sflag:s24], $0x1000  }
0x169: {  	s25 =	simm.s32 $0xED00;
	[sflag:s24] =	ssyncset.done $0x0  }
0x16a: {  	s26 =	simm.s32 $0xEF00;
	s28 =	simm.s32 $0x4;
	[sflag:s24] =	ssyncadd.s32 $0xFFFFF000  }
0x16b: {  	[spmem:s3] =	stream.indirect.scatter.add.f32 [tilespmem:s26], [sflag:$0x4], $0x10, s25, s21, $0xb8;
	[tilespmem:$0x1AF80] =	vst v63  }
0x16c: {  	_ =	swait.ge [sflag:s28], $0x1000  }
0x16d: {  	[sflag:s28] =	ssyncset.done $0x0  }
0x16e: {  	s29 =	simm.s32 $0x2;
	[sflag:s28] =	ssyncadd.s32 $0xFFFFF000  }
0x16f: {  	_ =	swait.ge [sflag:s29], $0x1000  }
0x170: {  	[sflag:s29] =	ssyncset.done $0x0  }
0x171: {  	s30 =	simm.s32 $0xEE00;
	[sflag:s29] =	ssyncadd.s32 $0xFFFFF000  }
0x172: {  	[spmem:s3] =	stream.indirect.scatter.add.f32 [tilespmem:s23], [sflag:$0x4], $0x10, s30, s21, $0xb8;
	[tilespmem:$0x1AF80] =	vst v63  }
0x173: {  	_ =	swait.ge [sflag:s28], $0x1000  }
0x174: {  	[sflag:s28] =	ssyncset.done $0x0  }
0x175: {  	[sflag:s28] =	ssyncadd.s32 $0xFFFFF000  }
0x176: {  	s31 =	simm.s32 $0x10F00;
	[bflag:$0x0] =	sbarrier.arrive $0xFFFF  }
0x177: {  	[tilespmem:s31], [sflag:$0x4] =	stream.linear.gather [spmem:s6], $0x2780, $0x38;
	[tilespmem:$0x1AF80] =	vst v63  }
0x178: {  	_ =	swait.ge [sflag:s28], $0x2780  }
0x179: {  	[sflag:s28] =	ssyncset.done $0x0  }
0x17a: {  	s10 =	simm.s32 $0x0;
	[sflag:s28] =	ssyncadd.s32 $0xFFFFD880  }
0x17b: {  	v5 =	vld [tilespmem:s10+$0x15E00]  }
0x17c: {  	v4 =	vld [tilespmem:s10+$0x15E10]  }
0x17d: {  	v3 =	vld [tilespmem:s10+$0x10F00]  }
0x17e: {  	v2 =	vld [tilespmem:s10+$0x10F10]  }
0x17f: {  	v1 =	vld [tilespmem:s10+$0x10F20]  }
0x180: {  	v0 =	vld [tilespmem:s10+$0x10F30]  }
0x181: {  	v7 =	vld [tilespmem:s10+$0x13680]  }
0x182: {  	v8 =	vld [tilespmem:s10+$0x13690]  }
0x183: {  	s11 =	simm.s32 $0x100;
	v6 =	vld [tilespmem:s10+$0x136A0]  }
.LBB2_15:
0x184: {  	p0 =	sne.s32 s11, $0x9D00;
	v9 =	vld [tilespmem:s10+$0x136B0]  }
0x185: {  	v10 =	vld [tilespmem:s10+$0x15E20]  }
0x186: {  	s12 =	sshra.s32 s11, $0x2;
	v3 =	vadd.f32 v7, v3;
	v7 =	vld [tilespmem:s10+$0x15E30]  }
0x187: {  	v11 =	vld [tilespmem:s12+$0x15E00];
	v2 =	vadd.f32 v8, v2  }
0x188: {  	v8 =	vld [tilespmem:s12+$0x15E10];
	v5 =	vmul.f32 v3, v5;
	v1 =	vadd.f32 v6, v1  }
0x189: {  	v3 =	vld [tilespmem:s12+$0x10F00];
	v4 =	vmul.f32 v2, v4;
	v0 =	vadd.f32 v9, v0  }
0x18a: {  	v2 =	vld [tilespmem:s12+$0x10F10];
	[tilespmem:s10+$0x13680] =	vst v5;
	v6 =	vmul.f32 v1, v10  }
.Ltmp7:
0x18b: {  	v1 =	vld [tilespmem:s12+$0x10F20];
	[tilespmem:s10+$0x13690] =	vst v4;
	v9 =	vmul.f32 v0, v7;
	(pc) =	sbr.rel @p0 .LBB2_15-.Ltmp7, $4  }
0x18c: {  	v0 =	vld [tilespmem:s12+$0x10F30];
	[tilespmem:s10+$0x136A0] =	vst v6;
	v5 =	vmov v11  }
0x18d: {  	v7 =	vld [tilespmem:s12+$0x13680];
	[tilespmem:s10+$0x136B0] =	vst v9;
	v4 =	vmov v8;
	s10 =	smov.u32 s12  }
0x18e: {  	v8 =	vld [tilespmem:s10+$0x13690]  }
0x18f: {  	s11 =	sadd.s32 $0x100, s11;
	v6 =	vld [tilespmem:s10+$0x136A0]  }
0x190: {  	v9 =	vld [tilespmem:s10+$0x136B0]  }
0x191: {  	v10 =	vld [tilespmem:s10+$0x15E20]  }
0x192: {  	v63 =	vld [tilespmem:s10+$0x15E30];
	v3 =	vadd.f32 v7, v3  }
0x193: {  	v2 =	vadd.f32 v8, v2  }
0x194: {  	v3 =	vmul.f32 v3, v5;
	v1 =	vadd.f32 v6, v1  }
0x195: {  	v2 =	vmul.f32 v2, v4;
	v0 =	vadd.f32 v9, v0  }
0x196: {  	[tilespmem:s10+$0x13680] =	vst v3;
	v1 =	vmul.f32 v1, v10  }
0x197: {  	[tilespmem:s10+$0x13690] =	vst v2;
	v0 =	vmul.f32 v0, v63  }
0x198: {  	[tilespmem:s10+$0x136A0] =	vst v1  }
0x199: {  	s29 =	simm.s32 $0x13680;
	[tilespmem:s10+$0x136B0] =	vst v0;
	s10 =	simm.s32 $0x4  }
0x19a: {  	[spmem:s8] =	stream.linear.scatter [tilespmem:s29], [sflag:$0x4], $0x2780, $0x38;
	[tilespmem:$0x1AF80] =	vst v63  }
0x19b: {  	_ =	swait.ge [sflag:s10], $0x2780  }
0x19c: {  	[sflag:s10] =	ssyncset.done $0x0  }
0x19d: {  	s11 =	simm.s32 $0x18580;
	[sflag:s10] =	ssyncadd.s32 $0xFFFFD880  }
0x19e: {  	[spmem:s6] =	stream.linear.scatter [tilespmem:s11], [sflag:$0x4], $0x2780, $0x38;
	[tilespmem:$0x1AF80] =	vst v63  }
0x19f: {  	_ =	swait.ge [sflag:s10], $0x2780  }
0x1a0: {  	[sflag:s10] =	ssyncset.done $0x0  }
0x1a1: {  	s12 =	simm.s32 $0x4F00;
	[sflag:s10] =	ssyncadd.s32 $0xFFFFD880  }
0x1a2: {  	s13 =	simm.s32 $0xEF00;
	s11 =	simm.s32 $0x100;
	[bflag:$0x0] =	sbarrier.arrive $0xFFFF  }
0x1a3: {  	[tilespmem:s13], [sflag:$0x1] =	stream.indirect.gather [spmem:s5], $0x10, s12, s11, $0xb8;
	[tilespmem:$0x1AF80] =	vst v63  }
0x1a4: {  	s14 =	simm.s32 $0x1;
	s15 =	simm.s32 $0x5000;
	s12 =	simm.s32 $0xFF00  }
0x1a5: {  	[tilespmem:s12], [sflag:$0x2] =	stream.indirect.gather [spmem:s5], $0x10, s15, s11, $0xb8;
	[tilespmem:$0x1AF80] =	vst v63  }
0x1a6: {  	_ =	swait.ge [sflag:s14], $0x1000  }
0x1a7: {  	[sflag:s14] =	ssyncset.done $0x0  }
0x1a8: {  	s30 =	simm.s32 $0x9F00;
	[sflag:s14] =	ssyncadd.s32 $0xFFFFF000  }
0x1a9: {  	[spmem:s3] =	stream.indirect.scatter.add.f32 [tilespmem:s13], [sflag:$0x4], $0x10, s30, s11, $0xb8;
	[tilespmem:$0x1AF80] =	vst v63  }
0x1aa: {  	_ =	swait.ge [sflag:s10], $0x1000  }
0x1ab: {  	[sflag:s10] =	ssyncset.done $0x0  }
0x1ac: {  	s16 =	simm.s32 $0x5100;
	s15 =	simm.s32 $0x2;
	[sflag:s10] =	ssyncadd.s32 $0xFFFFF000  }
0x1ad: {  	[tilespmem:s13], [sflag:$0x1] =	stream.indirect.gather [spmem:s5], $0x10, s16, s11, $0xb8;
	[tilespmem:$0x1AF80] =	vst v63  }
0x1ae: {  	_ =	swait.ge [sflag:s15], $0x1000  }
0x1af: {  	[sflag:s15] =	ssyncset.done $0x0  }
0x1b0: {  	s31 =	simm.s32 $0xA000;
	[sflag:s15] =	ssyncadd.s32 $0xFFFFF000  }
0x1b1: {  	[spmem:s3] =	stream.indirect.scatter.add.f32 [tilespmem:s12], [sflag:$0x4], $0x10, s31, s11, $0xb8;
	[tilespmem:$0x1AF80] =	vst v63  }
0x1b2: {  	_ =	swait.ge [sflag:s10], $0x1000  }
0x1b3: {  	s17 =	simm.s32 $0x1000;
	s16 =	simm.s32 $0x200;
	[sflag:s10] =	ssyncset.done $0x0  }
.LBB2_17:
0x1b4: {  	s18 =	sadd.s32 $0x5000, s16  }
0x1b5: {  	[sflag:s10] =	ssyncadd.s32 $0xFFFFF000;
	s19 =	smov.u32 s17;
	s20 =	sadd.s32 $0x800, s17  }
0x1b6: {  	[tilespmem:s12], [sflag:$0x2] =	stream.indirect.gather [spmem:s5], $0x10, s18, s11, $0xb8;
	[tilespmem:$0x1AF80] =	vst v63  }
0x1b7: {  	p0 =	sne.s32 s17, $0x13000;
	_ =	swait.ge [sflag:s14], $0x1000  }
0x1b8: {  	[sflag:s14] =	ssyncset.done $0x0  }
0x1b9: {  	s17 =	sadd.s32 $0x9F00, s16;
	[sflag:s14] =	ssyncadd.s32 $0xFFFFF000  }
0x1ba: {  	[spmem:s3] =	stream.indirect.scatter.add.f32 [tilespmem:s13], [sflag:$0x4], $0x10, s17, s11, $0xb8;
	[tilespmem:$0x1AF80] =	vst v63  }
0x1bb: {  	_ =	swait.ge [sflag:s10], $0x1000  }
0x1bc: {  	[sflag:s10] =	ssyncset.done $0x0  }
0x1bd: {  	s17 =	sadd.s32 $0x5100, s16;
	[sflag:s10] =	ssyncadd.s32 $0xFFFFF000  }
0x1be: {  	[tilespmem:s13], [sflag:$0x1] =	stream.indirect.gather [spmem:s5], $0x10, s17, s11, $0xb8;
	[tilespmem:$0x1AF80] =	vst v63  }
0x1bf: {  	_ =	swait.ge [sflag:s15], $0x1000  }
.Ltmp8:
0x1c0: {  	[sflag:s15] =	ssyncset.done $0x0;
	(pc) =	sbr.rel @p0 .LBB2_17-.Ltmp8, $4  }
0x1c1: {  	s16 =	sadd.s32 $0xA000, s16;
	[sflag:s15] =	ssyncadd.s32 $0xFFFFF000  }
0x1c2: {  	[spmem:s3] =	stream.indirect.scatter.add.f32 [tilespmem:s12], [sflag:$0x4], $0x10, s16, s11, $0xb8;
	[tilespmem:$0x1AF80] =	vst v63  }
0x1c3: {  	_ =	swait.ge [sflag:s10], $0x1000  }
0x1c4: {  	s17 =	smov.u32 s20;
	s16 =	sshra.s32 s19, $0x2;
	[sflag:s10] =	ssyncset.done $0x0  }
0x1c5: {  	s17 =	sadd.s32 $0x5000, s16;
	[sflag:s10] =	ssyncadd.s32 $0xFFFFF000  }
0x1c6: {  	[tilespmem:s12], [sflag:$0x2] =	stream.indirect.gather [spmem:s5], $0x10, s17, s11, $0xb8;
	[tilespmem:$0x1AF80] =	vst v63  }
0x1c7: {  	_ =	swait.ge [sflag:s14], $0x1000  }
0x1c8: {  	[sflag:s14] =	ssyncset.done $0x0  }
0x1c9: {  	s18 =	sadd.s32 $0x9F00, s16;
	[sflag:s14] =	ssyncadd.s32 $0xFFFFF000  }
0x1ca: {  	[spmem:s3] =	stream.indirect.scatter.add.f32 [tilespmem:s13], [sflag:$0x4], $0x10, s18, s11, $0xb8;
	[tilespmem:$0x1AF80] =	vst v63  }
0x1cb: {  	_ =	swait.ge [sflag:s10], $0x1000  }
0x1cc: {  	[sflag:s10] =	ssyncset.done $0x0  }
0x1cd: {  	s19 =	sadd.s32 $0x5100, s16;
	[sflag:s10] =	ssyncadd.s32 $0xFFFFF000  }
0x1ce: {  	[tilespmem:s13], [sflag:$0x1] =	stream.indirect.gather [spmem:s5], $0x10, s19, s11, $0xb8;
	[tilespmem:$0x1AF80] =	vst v63  }
0x1cf: {  	_ =	swait.ge [sflag:s15], $0x1000  }
0x1d0: {  	[sflag:s15] =	ssyncset.done $0x0  }
0x1d1: {  	s20 =	sadd.s32 $0xA000, s16;
	[sflag:s15] =	ssyncadd.s32 $0xFFFFF000  }
0x1d2: {  	[spmem:s3] =	stream.indirect.scatter.add.f32 [tilespmem:s12], [sflag:$0x4], $0x10, s20, s11, $0xb8;
	[tilespmem:$0x1AF80] =	vst v63  }
0x1d3: {  	_ =	swait.ge [sflag:s10], $0x1000  }
0x1d4: {  	s21 =	simm.s32 $0x100;
	s22 =	simm.s32 $0x9E00;
	[sflag:s10] =	ssyncset.done $0x0  }
0x1d5: {  	s23 =	simm.s32 $0xFF00;
	s24 =	simm.s32 $0x1;
	[sflag:s10] =	ssyncadd.s32 $0xFFFFF000  }
0x1d6: {  	[tilespmem:s23], [sflag:$0x2] =	stream.indirect.gather [spmem:s5], $0x10, s22, s21, $0xb8;
	[tilespmem:$0x1AF80] =	vst v63  }
0x1d7: {  	_ =	swait.ge [sflag:s24], $0x1000  }
0x1d8: {  	s25 =	simm.s32 $0xED00;
	[sflag:s24] =	ssyncset.done $0x0  }
0x1d9: {  	s26 =	simm.s32 $0xEF00;
	s28 =	simm.s32 $0x4;
	[sflag:s24] =	ssyncadd.s32 $0xFFFFF000  }
0x1da: {  	[spmem:s3] =	stream.indirect.scatter.add.f32 [tilespmem:s26], [sflag:$0x4], $0x10, s25, s21, $0xb8;
	[tilespmem:$0x1AF80] =	vst v63  }
0x1db: {  	_ =	swait.ge [sflag:s28], $0x1000  }
0x1dc: {  	[sflag:s28] =	ssyncset.done $0x0  }
0x1dd: {  	s29 =	simm.s32 $0x2;
	[sflag:s28] =	ssyncadd.s32 $0xFFFFF000  }
0x1de: {  	_ =	swait.ge [sflag:s29], $0x1000  }
0x1df: {  	[sflag:s29] =	ssyncset.done $0x0  }
0x1e0: {  	s30 =	simm.s32 $0xEE00;
	[sflag:s29] =	ssyncadd.s32 $0xFFFFF000  }
0x1e1: {  	[spmem:s3] =	stream.indirect.scatter.add.f32 [tilespmem:s23], [sflag:$0x4], $0x10, s30, s21, $0xb8;
	[tilespmem:$0x1AF80] =	vst v63  }
0x1e2: {  	_ =	swait.ge [sflag:s28], $0x1000  }
0x1e3: {  	[sflag:s28] =	ssyncset.done $0x0  }
0x1e4: {  	[sflag:s28] =	ssyncadd.s32 $0xFFFFF000  }
0x1e5: {  	s31 =	simm.s32 $0x10F00;
	[bflag:$0x0] =	sbarrier.arrive $0xFFFF  }
0x1e6: {  	[tilespmem:s31], [sflag:$0x4] =	stream.linear.gather [spmem:s6], $0x2780, $0x38;
	[tilespmem:$0x1AF80] =	vst v63  }
0x1e7: {  	_ =	swait.ge [sflag:s28], $0x2780  }
0x1e8: {  	[sflag:s28] =	ssyncset.done $0x0  }
0x1e9: {  	s10 =	simm.s32 $0x0;
	[sflag:s28] =	ssyncadd.s32 $0xFFFFD880  }
0x1ea: {  	v5 =	vld [tilespmem:s10+$0x15E00]  }
0x1eb: {  	v4 =	vld [tilespmem:s10+$0x15E10]  }
0x1ec: {  	v3 =	vld [tilespmem:s10+$0x10F00]  }
0x1ed: {  	v2 =	vld [tilespmem:s10+$0x10F10]  }
0x1ee: {  	v1 =	vld [tilespmem:s10+$0x10F20]  }
0x1ef: {  	v0 =	vld [tilespmem:s10+$0x10F30]  }
0x1f0: {  	v7 =	vld [tilespmem:s10+$0x13680]  }
0x1f1: {  	v8 =	vld [tilespmem:s10+$0x13690]  }
0x1f2: {  	s11 =	simm.s32 $0x100;
	v6 =	vld [tilespmem:s10+$0x136A0]  }
.LBB2_19:
0x1f3: {  	p0 =	sne.s32 s11, $0x9D00;
	v9 =	vld [tilespmem:s10+$0x136B0]  }
0x1f4: {  	v10 =	vld [tilespmem:s10+$0x15E20]  }
0x1f5: {  	s12 =	sshra.s32 s11, $0x2;
	v3 =	vadd.f32 v7, v3;
	v7 =	vld [tilespmem:s10+$0x15E30]  }
0x1f6: {  	v11 =	vld [tilespmem:s12+$0x15E00];
	v2 =	vadd.f32 v8, v2  }
0x1f7: {  	v8 =	vld [tilespmem:s12+$0x15E10];
	v5 =	vmul.f32 v3, v5;
	v1 =	vadd.f32 v6, v1  }
0x1f8: {  	v3 =	vld [tilespmem:s12+$0x10F00];
	v4 =	vmul.f32 v2, v4;
	v0 =	vadd.f32 v9, v0  }
0x1f9: {  	v2 =	vld [tilespmem:s12+$0x10F10];
	[tilespmem:s10+$0x13680] =	vst v5;
	v6 =	vmul.f32 v1, v10  }
.Ltmp9:
0x1fa: {  	v1 =	vld [tilespmem:s12+$0x10F20];
	[tilespmem:s10+$0x13690] =	vst v4;
	v9 =	vmul.f32 v0, v7;
	(pc) =	sbr.rel @p0 .LBB2_19-.Ltmp9, $4  }
0x1fb: {  	v0 =	vld [tilespmem:s12+$0x10F30];
	[tilespmem:s10+$0x136A0] =	vst v6;
	v5 =	vmov v11  }
0x1fc: {  	v7 =	vld [tilespmem:s12+$0x13680];
	[tilespmem:s10+$0x136B0] =	vst v9;
	v4 =	vmov v8;
	s10 =	smov.u32 s12  }
0x1fd: {  	v8 =	vld [tilespmem:s10+$0x13690]  }
0x1fe: {  	s11 =	sadd.s32 $0x100, s11;
	v6 =	vld [tilespmem:s10+$0x136A0]  }
0x1ff: {  	v9 =	vld [tilespmem:s10+$0x136B0]  }
0x200: {  	v10 =	vld [tilespmem:s10+$0x15E20]  }
0x201: {  	v63 =	vld [tilespmem:s10+$0x15E30];
	v3 =	vadd.f32 v7, v3  }
0x202: {  	v2 =	vadd.f32 v8, v2  }
0x203: {  	v3 =	vmul.f32 v3, v5;
	v1 =	vadd.f32 v6, v1  }
0x204: {  	v2 =	vmul.f32 v2, v4;
	v0 =	vadd.f32 v9, v0  }
0x205: {  	[tilespmem:s10+$0x13680] =	vst v3;
	v1 =	vmul.f32 v1, v10  }
0x206: {  	[tilespmem:s10+$0x13690] =	vst v2;
	v0 =	vmul.f32 v0, v63  }
0x207: {  	[tilespmem:s10+$0x136A0] =	vst v1  }
0x208: {  	s11 =	simm.s32 $0x13680;
	[tilespmem:s10+$0x136B0] =	vst v0;
	s10 =	simm.s32 $0x4  }
0x209: {  	[spmem:s8] =	stream.linear.scatter [tilespmem:s11], [sflag:$0x4], $0x2780, $0x38;
	[tilespmem:$0x1AF80] =	vst v63  }
0x20a: {  	_ =	swait.ge [sflag:s10], $0x2780  }
0x20b: {  	[sflag:s10] =	ssyncset.done $0x0  }
0x20c: {  	s9 =	sadd.s32 s9, s4;
	s12 =	simm.s32 $0x0;
	[sflag:s10] =	ssyncadd.s32 $0xFFFFD880  }
0x20d: {  	[hbm4b:s9+s12] =	stream.linear.scatter [tilespmem:s11], [sflag:$0x3], $0x2780, $0x38;
	[tilespmem:$0x1AF80] =	vst v63  }
0x20e: {  	s28 =	simm.s32 $0x18580  }
0x20f: {  	[spmem:s6] =	stream.linear.scatter [tilespmem:s28], [sflag:$0x4], $0x2780, $0x38;
	[tilespmem:$0x1AF80] =	vst v63  }
0x210: {  	_ =	swait.ge [sflag:s10], $0x2780  }
0x211: {  	[sflag:s10] =	ssyncset.done $0x0  }
0x212: {  	s29 =	simm.s32 $0x4F00;
	[sflag:s10] =	ssyncadd.s32 $0xFFFFD880  }
0x213: {  	s9 =	simm.s32 $0x100;
	s12 =	simm.s32 $0xEF00;
	[bflag:$0x0] =	sbarrier.arrive $0xFFFF  }
0x214: {  	[tilespmem:s12], [sflag:$0x1] =	stream.indirect.gather [spmem:s5], $0x10, s29, s9, $0xb8;
	[tilespmem:$0x1AF80] =	vst v63  }
0x215: {  	s13 =	simm.s32 $0x1;
	s14 =	simm.s32 $0x5000;
	s11 =	simm.s32 $0xFF00  }
0x216: {  	[tilespmem:s11], [sflag:$0x2] =	stream.indirect.gather [spmem:s5], $0x10, s14, s9, $0xb8;
	[tilespmem:$0x1AF80] =	vst v63  }
0x217: {  	_ =	swait.ge [sflag:s13], $0x1000  }
0x218: {  	[sflag:s13] =	ssyncset.done $0x0  }
0x219: {  	s30 =	simm.s32 $0x9F00;
	[sflag:s13] =	ssyncadd.s32 $0xFFFFF000  }
0x21a: {  	[spmem:s3] =	stream.indirect.scatter.add.f32 [tilespmem:s12], [sflag:$0x4], $0x10, s30, s9, $0xb8;
	[tilespmem:$0x1AF80] =	vst v63  }
0x21b: {  	_ =	swait.ge [sflag:s10], $0x1000  }
0x21c: {  	[sflag:s10] =	ssyncset.done $0x0  }
0x21d: {  	s15 =	simm.s32 $0x5100;
	s14 =	simm.s32 $0x2;
	[sflag:s10] =	ssyncadd.s32 $0xFFFFF000  }
0x21e: {  	[tilespmem:s12], [sflag:$0x1] =	stream.indirect.gather [spmem:s5], $0x10, s15, s9, $0xb8;
	[tilespmem:$0x1AF80] =	vst v63  }
0x21f: {  	_ =	swait.ge [sflag:s14], $0x1000  }
0x220: {  	[sflag:s14] =	ssyncset.done $0x0  }
0x221: {  	s31 =	simm.s32 $0xA000;
	[sflag:s14] =	ssyncadd.s32 $0xFFFFF000  }
0x222: {  	[spmem:s3] =	stream.indirect.scatter.add.f32 [tilespmem:s11], [sflag:$0x4], $0x10, s31, s9, $0xb8;
	[tilespmem:$0x1AF80] =	vst v63  }
0x223: {  	_ =	swait.ge [sflag:s10], $0x1000  }
0x224: {  	s16 =	simm.s32 $0x1000;
	s15 =	simm.s32 $0x200;
	[sflag:s10] =	ssyncset.done $0x0  }
.LBB2_21:
0x225: {  	s17 =	sadd.s32 $0x5000, s15  }
0x226: {  	[sflag:s10] =	ssyncadd.s32 $0xFFFFF000;
	s18 =	smov.u32 s16;
	s19 =	sadd.s32 $0x800, s16  }
0x227: {  	[tilespmem:s11], [sflag:$0x2] =	stream.indirect.gather [spmem:s5], $0x10, s17, s9, $0xb8;
	[tilespmem:$0x1AF80] =	vst v63  }
0x228: {  	p0 =	sne.s32 s16, $0x13000;
	_ =	swait.ge [sflag:s13], $0x1000  }
0x229: {  	[sflag:s13] =	ssyncset.done $0x0  }
0x22a: {  	s16 =	sadd.s32 $0x9F00, s15;
	[sflag:s13] =	ssyncadd.s32 $0xFFFFF000  }
0x22b: {  	[spmem:s3] =	stream.indirect.scatter.add.f32 [tilespmem:s12], [sflag:$0x4], $0x10, s16, s9, $0xb8;
	[tilespmem:$0x1AF80] =	vst v63  }
0x22c: {  	_ =	swait.ge [sflag:s10], $0x1000  }
0x22d: {  	[sflag:s10] =	ssyncset.done $0x0  }
0x22e: {  	s16 =	sadd.s32 $0x5100, s15;
	[sflag:s10] =	ssyncadd.s32 $0xFFFFF000  }
0x22f: {  	[tilespmem:s12], [sflag:$0x1] =	stream.indirect.gather [spmem:s5], $0x10, s16, s9, $0xb8;
	[tilespmem:$0x1AF80] =	vst v63  }
0x230: {  	_ =	swait.ge [sflag:s14], $0x1000  }
.Ltmp10:
0x231: {  	[sflag:s14] =	ssyncset.done $0x0;
	(pc) =	sbr.rel @p0 .LBB2_21-.Ltmp10, $4  }
0x232: {  	s15 =	sadd.s32 $0xA000, s15;
	[sflag:s14] =	ssyncadd.s32 $0xFFFFF000  }
0x233: {  	[spmem:s3] =	stream.indirect.scatter.add.f32 [tilespmem:s11], [sflag:$0x4], $0x10, s15, s9, $0xb8;
	[tilespmem:$0x1AF80] =	vst v63  }
0x234: {  	_ =	swait.ge [sflag:s10], $0x1000  }
0x235: {  	s16 =	smov.u32 s19;
	s15 =	sshra.s32 s18, $0x2;
	[sflag:s10] =	ssyncset.done $0x0  }
0x236: {  	s16 =	sadd.s32 $0x5000, s15;
	[sflag:s10] =	ssyncadd.s32 $0xFFFFF000  }
0x237: {  	[tilespmem:s11], [sflag:$0x2] =	stream.indirect.gather [spmem:s5], $0x10, s16, s9, $0xb8;
	[tilespmem:$0x1AF80] =	vst v63  }
0x238: {  	_ =	swait.ge [sflag:s13], $0x1000  }
0x239: {  	[sflag:s13] =	ssyncset.done $0x0  }
0x23a: {  	s17 =	sadd.s32 $0x9F00, s15;
	[sflag:s13] =	ssyncadd.s32 $0xFFFFF000  }
0x23b: {  	[spmem:s3] =	stream.indirect.scatter.add.f32 [tilespmem:s12], [sflag:$0x4], $0x10, s17, s9, $0xb8;
	[tilespmem:$0x1AF80] =	vst v63  }
0x23c: {  	_ =	swait.ge [sflag:s10], $0x1000  }
0x23d: {  	[sflag:s10] =	ssyncset.done $0x0  }
0x23e: {  	s18 =	sadd.s32 $0x5100, s15;
	[sflag:s10] =	ssyncadd.s32 $0xFFFFF000  }
0x23f: {  	[tilespmem:s12], [sflag:$0x1] =	stream.indirect.gather [spmem:s5], $0x10, s18, s9, $0xb8;
	[tilespmem:$0x1AF80] =	vst v63  }
0x240: {  	_ =	swait.ge [sflag:s14], $0x1000  }
0x241: {  	[sflag:s14] =	ssyncset.done $0x0  }
0x242: {  	s19 =	sadd.s32 $0xA000, s15;
	[sflag:s14] =	ssyncadd.s32 $0xFFFFF000  }
0x243: {  	[spmem:s3] =	stream.indirect.scatter.add.f32 [tilespmem:s11], [sflag:$0x4], $0x10, s19, s9, $0xb8;
	[tilespmem:$0x1AF80] =	vst v63  }
0x244: {  	_ =	swait.ge [sflag:s10], $0x1000  }
0x245: {  	s20 =	simm.s32 $0x100;
	s21 =	simm.s32 $0x9E00;
	[sflag:s10] =	ssyncset.done $0x0  }
0x246: {  	s22 =	simm.s32 $0xFF00;
	s23 =	simm.s32 $0x1;
	[sflag:s10] =	ssyncadd.s32 $0xFFFFF000  }
0x247: {  	[tilespmem:s22], [sflag:$0x2] =	stream.indirect.gather [spmem:s5], $0x10, s21, s20, $0xb8;
	[tilespmem:$0x1AF80] =	vst v63  }
0x248: {  	_ =	swait.ge [sflag:s23], $0x1000  }
0x249: {  	s24 =	simm.s32 $0xED00;
	[sflag:s23] =	ssyncset.done $0x0  }
0x24a: {  	s25 =	simm.s32 $0xEF00;
	s26 =	simm.s32 $0x4;
	[sflag:s23] =	ssyncadd.s32 $0xFFFFF000  }
0x24b: {  	[spmem:s3] =	stream.indirect.scatter.add.f32 [tilespmem:s25], [sflag:$0x4], $0x10, s24, s20, $0xb8;
	[tilespmem:$0x1AF80] =	vst v63  }
0x24c: {  	_ =	swait.ge [sflag:s26], $0x1000  }
0x24d: {  	[sflag:s26] =	ssyncset.done $0x0  }
0x24e: {  	s28 =	simm.s32 $0x2;
	[sflag:s26] =	ssyncadd.s32 $0xFFFFF000  }
0x24f: {  	_ =	swait.ge [sflag:s28], $0x1000  }
0x250: {  	[sflag:s28] =	ssyncset.done $0x0  }
0x251: {  	s29 =	simm.s32 $0xEE00;
	[sflag:s28] =	ssyncadd.s32 $0xFFFFF000  }
0x252: {  	[spmem:s3] =	stream.indirect.scatter.add.f32 [tilespmem:s22], [sflag:$0x4], $0x10, s29, s20, $0xb8;
	[tilespmem:$0x1AF80] =	vst v63  }
0x253: {  	_ =	swait.ge [sflag:s26], $0x1000  }
0x254: {  	[sflag:s26] =	ssyncset.done $0x0  }
0x255: {  	[sflag:s26] =	ssyncadd.s32 $0xFFFFF000  }
0x256: {  	s30 =	simm.s32 $0x10F00;
	[bflag:$0x0] =	sbarrier.arrive $0xFFFF  }
0x257: {  	[tilespmem:s30], [sflag:$0x4] =	stream.linear.gather [spmem:s6], $0x2780, $0x38;
	[tilespmem:$0x1AF80] =	vst v63  }
0x258: {  	_ =	swait.ge [sflag:s26], $0x2780  }
0x259: {  	[sflag:s26] =	ssyncset.done $0x0  }
0x25a: {  	s31 =	simm.s32 $0x3;
	[sflag:s26] =	ssyncadd.s32 $0xFFFFD880  }
0x25b: {  	_ =	swait.ge [sflag:s31], $0x2780  }
0x25c: {  	[sflag:s31] =	ssyncset.done $0x0  }
0x25d: {  	s9 =	simm.s32 $0x0;
	[sflag:s31] =	ssyncadd.s32 $0xFFFFD880  }
0x25e: {  	v5 =	vld [tilespmem:s9+$0x15E00]  }
0x25f: {  	v4 =	vld [tilespmem:s9+$0x15E10]  }
0x260: {  	v3 =	vld [tilespmem:s9+$0x10F00]  }
0x261: {  	v2 =	vld [tilespmem:s9+$0x10F10]  }
0x262: {  	v1 =	vld [tilespmem:s9+$0x10F20]  }
0x263: {  	v0 =	vld [tilespmem:s9+$0x10F30]  }
0x264: {  	v7 =	vld [tilespmem:s9+$0x13680]  }
0x265: {  	v8 =	vld [tilespmem:s9+$0x13690]  }
0x266: {  	s10 =	simm.s32 $0x100;
	v6 =	vld [tilespmem:s9+$0x136A0]  }
.LBB2_23:
0x267: {  	p0 =	sne.s32 s10, $0x9D00;
	v9 =	vld [tilespmem:s9+$0x136B0]  }
0x268: {  	v10 =	vld [tilespmem:s9+$0x15E20]  }
0x269: {  	s11 =	sshra.s32 s10, $0x2;
	v3 =	vadd.f32 v7, v3;
	v7 =	vld [tilespmem:s9+$0x15E30]  }
0x26a: {  	v11 =	vld [tilespmem:s11+$0x15E00];
	v2 =	vadd.f32 v8, v2  }
0x26b: {  	v8 =	vld [tilespmem:s11+$0x15E10];
	v5 =	vmul.f32 v3, v5;
	v1 =	vadd.f32 v6, v1  }
0x26c: {  	v3 =	vld [tilespmem:s11+$0x10F00];
	v4 =	vmul.f32 v2, v4;
	v0 =	vadd.f32 v9, v0  }
0x26d: {  	v2 =	vld [tilespmem:s11+$0x10F10];
	[tilespmem:s9+$0x13680] =	vst v5;
	v6 =	vmul.f32 v1, v10  }
.Ltmp11:
0x26e: {  	v1 =	vld [tilespmem:s11+$0x10F20];
	[tilespmem:s9+$0x13690] =	vst v4;
	v9 =	vmul.f32 v0, v7;
	(pc) =	sbr.rel @p0 .LBB2_23-.Ltmp11, $4  }
0x26f: {  	v0 =	vld [tilespmem:s11+$0x10F30];
	[tilespmem:s9+$0x136A0] =	vst v6;
	v5 =	vmov v11  }
0x270: {  	v7 =	vld [tilespmem:s11+$0x13680];
	[tilespmem:s9+$0x136B0] =	vst v9;
	v4 =	vmov v8;
	s9 =	smov.u32 s11  }
0x271: {  	v8 =	vld [tilespmem:s9+$0x13690]  }
0x272: {  	s10 =	sadd.s32 $0x100, s10;
	v6 =	vld [tilespmem:s9+$0x136A0]  }
0x273: {  	v9 =	vld [tilespmem:s9+$0x136B0]  }
0x274: {  	v10 =	vld [tilespmem:s9+$0x15E20]  }
0x275: {  	v63 =	vld [tilespmem:s9+$0x15E30];
	v3 =	vadd.f32 v7, v3  }
0x276: {  	v2 =	vadd.f32 v8, v2  }
0x277: {  	v3 =	vmul.f32 v3, v5;
	v1 =	vadd.f32 v6, v1  }
0x278: {  	v2 =	vmul.f32 v2, v4;
	v0 =	vadd.f32 v9, v0  }
0x279: {  	[tilespmem:s9+$0x13680] =	vst v3;
	v1 =	vmul.f32 v1, v10  }
0x27a: {  	[tilespmem:s9+$0x13690] =	vst v2;
	v0 =	vmul.f32 v0, v63  }
0x27b: {  	[tilespmem:s9+$0x136A0] =	vst v1  }
0x27c: {  	s29 =	simm.s32 $0x13680;
	[tilespmem:s9+$0x136B0] =	vst v0;
	s9 =	simm.s32 $0x4  }
0x27d: {  	[spmem:s8] =	stream.linear.scatter [tilespmem:s29], [sflag:$0x4], $0x2780, $0x38;
	[tilespmem:$0x1AF80] =	vst v63  }
0x27e: {  	_ =	swait.ge [sflag:s9], $0x2780  }
0x27f: {  	[sflag:s9] =	ssyncset.done $0x0  }
0x280: {  	s10 =	simm.s32 $0x18580;
	[sflag:s9] =	ssyncadd.s32 $0xFFFFD880  }
0x281: {  	[spmem:s6] =	stream.linear.scatter [tilespmem:s10], [sflag:$0x4], $0x2780, $0x38;
	[tilespmem:$0x1AF80] =	vst v63  }
0x282: {  	_ =	swait.ge [sflag:s9], $0x2780  }
0x283: {  	[sflag:s9] =	ssyncset.done $0x0  }
0x284: {  	s11 =	simm.s32 $0x4F00;
	[sflag:s9] =	ssyncadd.s32 $0xFFFFD880  }
0x285: {  	s12 =	simm.s32 $0xEF00;
	s10 =	simm.s32 $0x100;
	[bflag:$0x0] =	sbarrier.arrive $0xFFFF  }
0x286: {  	[tilespmem:s12], [sflag:$0x1] =	stream.indirect.gather [spmem:s5], $0x10, s11, s10, $0xb8;
	[tilespmem:$0x1AF80] =	vst v63  }
0x287: {  	s13 =	simm.s32 $0x1;
	s14 =	simm.s32 $0x5000;
	s11 =	simm.s32 $0xFF00  }
0x288: {  	[tilespmem:s11], [sflag:$0x2] =	stream.indirect.gather [spmem:s5], $0x10, s14, s10, $0xb8;
	[tilespmem:$0x1AF80] =	vst v63  }
0x289: {  	_ =	swait.ge [sflag:s13], $0x1000  }
0x28a: {  	[sflag:s13] =	ssyncset.done $0x0  }
0x28b: {  	s30 =	simm.s32 $0x9F00;
	[sflag:s13] =	ssyncadd.s32 $0xFFFFF000  }
0x28c: {  	[spmem:s3] =	stream.indirect.scatter.add.f32 [tilespmem:s12], [sflag:$0x4], $0x10, s30, s10, $0xb8;
	[tilespmem:$0x1AF80] =	vst v63  }
0x28d: {  	_ =	swait.ge [sflag:s9], $0x1000  }
0x28e: {  	[sflag:s9] =	ssyncset.done $0x0  }
0x28f: {  	s15 =	simm.s32 $0x5100;
	s14 =	simm.s32 $0x2;
	[sflag:s9] =	ssyncadd.s32 $0xFFFFF000  }
0x290: {  	[tilespmem:s12], [sflag:$0x1] =	stream.indirect.gather [spmem:s5], $0x10, s15, s10, $0xb8;
	[tilespmem:$0x1AF80] =	vst v63  }
0x291: {  	_ =	swait.ge [sflag:s14], $0x1000  }
0x292: {  	[sflag:s14] =	ssyncset.done $0x0  }
0x293: {  	s31 =	simm.s32 $0xA000;
	[sflag:s14] =	ssyncadd.s32 $0xFFFFF000  }
0x294: {  	[spmem:s3] =	stream.indirect.scatter.add.f32 [tilespmem:s11], [sflag:$0x4], $0x10, s31, s10, $0xb8;
	[tilespmem:$0x1AF80] =	vst v63  }
0x295: {  	_ =	swait.ge [sflag:s9], $0x1000  }
0x296: {  	s16 =	simm.s32 $0x1000;
	s15 =	simm.s32 $0x200;
	[sflag:s9] =	ssyncset.done $0x0  }
.LBB2_25:
0x297: {  	s17 =	sadd.s32 $0x5000, s15  }
0x298: {  	[sflag:s9] =	ssyncadd.s32 $0xFFFFF000;
	s18 =	smov.u32 s16;
	s19 =	sadd.s32 $0x800, s16  }
0x299: {  	[tilespmem:s11], [sflag:$0x2] =	stream.indirect.gather [spmem:s5], $0x10, s17, s10, $0xb8;
	[tilespmem:$0x1AF80] =	vst v63  }
0x29a: {  	p0 =	sne.s32 s16, $0x13000;
	_ =	swait.ge [sflag:s13], $0x1000  }
0x29b: {  	[sflag:s13] =	ssyncset.done $0x0  }
0x29c: {  	s16 =	sadd.s32 $0x9F00, s15;
	[sflag:s13] =	ssyncadd.s32 $0xFFFFF000  }
0x29d: {  	[spmem:s3] =	stream.indirect.scatter.add.f32 [tilespmem:s12], [sflag:$0x4], $0x10, s16, s10, $0xb8;
	[tilespmem:$0x1AF80] =	vst v63  }
0x29e: {  	_ =	swait.ge [sflag:s9], $0x1000  }
0x29f: {  	[sflag:s9] =	ssyncset.done $0x0  }
0x2a0: {  	s16 =	sadd.s32 $0x5100, s15;
	[sflag:s9] =	ssyncadd.s32 $0xFFFFF000  }
0x2a1: {  	[tilespmem:s12], [sflag:$0x1] =	stream.indirect.gather [spmem:s5], $0x10, s16, s10, $0xb8;
	[tilespmem:$0x1AF80] =	vst v63  }
0x2a2: {  	_ =	swait.ge [sflag:s14], $0x1000  }
.Ltmp12:
0x2a3: {  	[sflag:s14] =	ssyncset.done $0x0;
	(pc) =	sbr.rel @p0 .LBB2_25-.Ltmp12, $4  }
0x2a4: {  	s15 =	sadd.s32 $0xA000, s15;
	[sflag:s14] =	ssyncadd.s32 $0xFFFFF000  }
0x2a5: {  	[spmem:s3] =	stream.indirect.scatter.add.f32 [tilespmem:s11], [sflag:$0x4], $0x10, s15, s10, $0xb8;
	[tilespmem:$0x1AF80] =	vst v63  }
0x2a6: {  	_ =	swait.ge [sflag:s9], $0x1000  }
0x2a7: {  	s16 =	smov.u32 s19;
	s15 =	sshra.s32 s18, $0x2;
	[sflag:s9] =	ssyncset.done $0x0  }
0x2a8: {  	s16 =	sadd.s32 $0x5000, s15;
	[sflag:s9] =	ssyncadd.s32 $0xFFFFF000  }
0x2a9: {  	[tilespmem:s11], [sflag:$0x2] =	stream.indirect.gather [spmem:s5], $0x10, s16, s10, $0xb8;
	[tilespmem:$0x1AF80] =	vst v63  }
0x2aa: {  	_ =	swait.ge [sflag:s13], $0x1000  }
0x2ab: {  	[sflag:s13] =	ssyncset.done $0x0  }
0x2ac: {  	s18 =	sadd.s32 $0x9F00, s15;
	[sflag:s13] =	ssyncadd.s32 $0xFFFFF000  }
0x2ad: {  	[spmem:s3] =	stream.indirect.scatter.add.f32 [tilespmem:s12], [sflag:$0x4], $0x10, s18, s10, $0xb8;
	[tilespmem:$0x1AF80] =	vst v63  }
0x2ae: {  	_ =	swait.ge [sflag:s9], $0x1000  }
0x2af: {  	[sflag:s9] =	ssyncset.done $0x0  }
0x2b0: {  	s19 =	sadd.s32 $0x5100, s15;
	[sflag:s9] =	ssyncadd.s32 $0xFFFFF000  }
0x2b1: {  	[tilespmem:s12], [sflag:$0x1] =	stream.indirect.gather [spmem:s5], $0x10, s19, s10, $0xb8;
	[tilespmem:$0x1AF80] =	vst v63  }
0x2b2: {  	_ =	swait.ge [sflag:s14], $0x1000  }
0x2b3: {  	[sflag:s14] =	ssyncset.done $0x0  }
0x2b4: {  	s20 =	sadd.s32 $0xA000, s15;
	[sflag:s14] =	ssyncadd.s32 $0xFFFFF000  }
0x2b5: {  	[spmem:s3] =	stream.indirect.scatter.add.f32 [tilespmem:s11], [sflag:$0x4], $0x10, s20, s10, $0xb8;
	[tilespmem:$0x1AF80] =	vst v63  }
0x2b6: {  	_ =	swait.ge [sflag:s9], $0x1000  }
0x2b7: {  	s21 =	simm.s32 $0x100;
	s22 =	simm.s32 $0x9E00;
	[sflag:s9] =	ssyncset.done $0x0  }
0x2b8: {  	s23 =	simm.s32 $0xFF00;
	s24 =	simm.s32 $0x1;
	[sflag:s9] =	ssyncadd.s32 $0xFFFFF000  }
0x2b9: {  	[tilespmem:s23], [sflag:$0x2] =	stream.indirect.gather [spmem:s5], $0x10, s22, s21, $0xb8;
	[tilespmem:$0x1AF80] =	vst v63  }
0x2ba: {  	_ =	swait.ge [sflag:s24], $0x1000  }
0x2bb: {  	s25 =	simm.s32 $0xED00;
	[sflag:s24] =	ssyncset.done $0x0  }
0x2bc: {  	s26 =	simm.s32 $0xEF00;
	s28 =	simm.s32 $0x4;
	[sflag:s24] =	ssyncadd.s32 $0xFFFFF000  }
0x2bd: {  	[spmem:s3] =	stream.indirect.scatter.add.f32 [tilespmem:s26], [sflag:$0x4], $0x10, s25, s21, $0xb8;
	[tilespmem:$0x1AF80] =	vst v63  }
0x2be: {  	_ =	swait.ge [sflag:s28], $0x1000  }
0x2bf: {  	[sflag:s28] =	ssyncset.done $0x0  }
0x2c0: {  	s29 =	simm.s32 $0x2;
	[sflag:s28] =	ssyncadd.s32 $0xFFFFF000  }
0x2c1: {  	_ =	swait.ge [sflag:s29], $0x1000  }
0x2c2: {  	[sflag:s29] =	ssyncset.done $0x0  }
0x2c3: {  	s30 =	simm.s32 $0xEE00;
	[sflag:s29] =	ssyncadd.s32 $0xFFFFF000  }
0x2c4: {  	[spmem:s3] =	stream.indirect.scatter.add.f32 [tilespmem:s23], [sflag:$0x4], $0x10, s30, s21, $0xb8;
	[tilespmem:$0x1AF80] =	vst v63  }
0x2c5: {  	_ =	swait.ge [sflag:s28], $0x1000  }
0x2c6: {  	[sflag:s28] =	ssyncset.done $0x0  }
0x2c7: {  	[sflag:s28] =	ssyncadd.s32 $0xFFFFF000  }
0x2c8: {  	s31 =	simm.s32 $0x10F00;
	[bflag:$0x0] =	sbarrier.arrive $0xFFFF  }
0x2c9: {  	[tilespmem:s31], [sflag:$0x4] =	stream.linear.gather [spmem:s6], $0x2780, $0x38;
	[tilespmem:$0x1AF80] =	vst v63  }
0x2ca: {  	_ =	swait.ge [sflag:s28], $0x2780  }
0x2cb: {  	[sflag:s28] =	ssyncset.done $0x0  }
0x2cc: {  	s9 =	simm.s32 $0x0;
	[sflag:s28] =	ssyncadd.s32 $0xFFFFD880  }
0x2cd: {  	v5 =	vld [tilespmem:s9+$0x15E00]  }
0x2ce: {  	v4 =	vld [tilespmem:s9+$0x15E10]  }
0x2cf: {  	v3 =	vld [tilespmem:s9+$0x10F00]  }
0x2d0: {  	v2 =	vld [tilespmem:s9+$0x10F10]  }
0x2d1: {  	v1 =	vld [tilespmem:s9+$0x10F20]  }
0x2d2: {  	v0 =	vld [tilespmem:s9+$0x10F30]  }
0x2d3: {  	v7 =	vld [tilespmem:s9+$0x13680]  }
0x2d4: {  	v8 =	vld [tilespmem:s9+$0x13690]  }
0x2d5: {  	s10 =	simm.s32 $0x100;
	v6 =	vld [tilespmem:s9+$0x136A0]  }
.LBB2_27:
0x2d6: {  	p0 =	sne.s32 s10, $0x9D00;
	v9 =	vld [tilespmem:s9+$0x136B0]  }
0x2d7: {  	v10 =	vld [tilespmem:s9+$0x15E20]  }
0x2d8: {  	s11 =	sshra.s32 s10, $0x2;
	v3 =	vadd.f32 v7, v3;
	v7 =	vld [tilespmem:s9+$0x15E30]  }
0x2d9: {  	v11 =	vld [tilespmem:s11+$0x15E00];
	v2 =	vadd.f32 v8, v2  }
0x2da: {  	v8 =	vld [tilespmem:s11+$0x15E10];
	v5 =	vmul.f32 v3, v5;
	v1 =	vadd.f32 v6, v1  }
0x2db: {  	v3 =	vld [tilespmem:s11+$0x10F00];
	v4 =	vmul.f32 v2, v4;
	v0 =	vadd.f32 v9, v0  }
0x2dc: {  	v2 =	vld [tilespmem:s11+$0x10F10];
	[tilespmem:s9+$0x13680] =	vst v5;
	v6 =	vmul.f32 v1, v10  }
.Ltmp13:
0x2dd: {  	v1 =	vld [tilespmem:s11+$0x10F20];
	[tilespmem:s9+$0x13690] =	vst v4;
	v9 =	vmul.f32 v0, v7;
	(pc) =	sbr.rel @p0 .LBB2_27-.Ltmp13, $4  }
0x2de: {  	v0 =	vld [tilespmem:s11+$0x10F30];
	[tilespmem:s9+$0x136A0] =	vst v6;
	v5 =	vmov v11  }
0x2df: {  	v7 =	vld [tilespmem:s11+$0x13680];
	[tilespmem:s9+$0x136B0] =	vst v9;
	v4 =	vmov v8;
	s9 =	smov.u32 s11  }
0x2e0: {  	v8 =	vld [tilespmem:s9+$0x13690]  }
0x2e1: {  	s10 =	sadd.s32 $0x100, s10;
	v6 =	vld [tilespmem:s9+$0x136A0]  }
0x2e2: {  	v9 =	vld [tilespmem:s9+$0x136B0]  }
0x2e3: {  	v10 =	vld [tilespmem:s9+$0x15E20]  }
0x2e4: {  	v63 =	vld [tilespmem:s9+$0x15E30];
	v3 =	vadd.f32 v7, v3  }
0x2e5: {  	v2 =	vadd.f32 v8, v2  }
0x2e6: {  	v3 =	vmul.f32 v3, v5;
	v1 =	vadd.f32 v6, v1  }
0x2e7: {  	v2 =	vmul.f32 v2, v4;
	v0 =	vadd.f32 v9, v0  }
0x2e8: {  	[tilespmem:s9+$0x13680] =	vst v3;
	v1 =	vmul.f32 v1, v10  }
0x2e9: {  	[tilespmem:s9+$0x13690] =	vst v2;
	v0 =	vmul.f32 v0, v63  }
0x2ea: {  	[tilespmem:s9+$0x136A0] =	vst v1  }
0x2eb: {  	s10 =	simm.s32 $0x13680;
	[tilespmem:s9+$0x136B0] =	vst v0;
	s9 =	simm.s32 $0x4  }
0x2ec: {  	[spmem:s8] =	stream.linear.scatter [tilespmem:s10], [sflag:$0x4], $0x2780, $0x38;
	[tilespmem:$0x1AF80] =	vst v63  }
0x2ed: {  	_ =	swait.ge [sflag:s9], $0x2780  }
0x2ee: {  	[sflag:s9] =	ssyncset.done $0x0  }
0x2ef: {  	s7 =	sadd.s32 s7, s4;
	s11 =	simm.s32 $0x0;
	[sflag:s9] =	ssyncadd.s32 $0xFFFFD880  }
0x2f0: {  	[hbm4b:s7+s11] =	stream.linear.scatter [tilespmem:s10], [sflag:$0x3], $0x2780, $0x38;
	[tilespmem:$0x1AF80] =	vst v63  }
0x2f1: {  	s28 =	simm.s32 $0x18580  }
0x2f2: {  	[spmem:s6] =	stream.linear.scatter [tilespmem:s28], [sflag:$0x4], $0x2780, $0x38;
	[tilespmem:$0x1AF80] =	vst v63  }
0x2f3: {  	_ =	swait.ge [sflag:s9], $0x2780  }
0x2f4: {  	[sflag:s9] =	ssyncset.done $0x0  }
0x2f5: {  	s29 =	simm.s32 $0x4F00;
	[sflag:s9] =	ssyncadd.s32 $0xFFFFD880  }
0x2f6: {  	s7 =	simm.s32 $0x100;
	s11 =	simm.s32 $0xEF00;
	[bflag:$0x0] =	sbarrier.arrive $0xFFFF  }
0x2f7: {  	[tilespmem:s11], [sflag:$0x1] =	stream.indirect.gather [spmem:s5], $0x10, s29, s7, $0xb8;
	[tilespmem:$0x1AF80] =	vst v63  }
0x2f8: {  	s12 =	simm.s32 $0x1;
	s13 =	simm.s32 $0x5000;
	s10 =	simm.s32 $0xFF00  }
0x2f9: {  	[tilespmem:s10], [sflag:$0x2] =	stream.indirect.gather [spmem:s5], $0x10, s13, s7, $0xb8;
	[tilespmem:$0x1AF80] =	vst v63  }
0x2fa: {  	_ =	swait.ge [sflag:s12], $0x1000  }
0x2fb: {  	[sflag:s12] =	ssyncset.done $0x0  }
0x2fc: {  	s30 =	simm.s32 $0x9F00;
	[sflag:s12] =	ssyncadd.s32 $0xFFFFF000  }
0x2fd: {  	[spmem:s3] =	stream.indirect.scatter.add.f32 [tilespmem:s11], [sflag:$0x4], $0x10, s30, s7, $0xb8;
	[tilespmem:$0x1AF80] =	vst v63  }
0x2fe: {  	_ =	swait.ge [sflag:s9], $0x1000  }
0x2ff: {  	[sflag:s9] =	ssyncset.done $0x0  }
0x300: {  	s14 =	simm.s32 $0x5100;
	s13 =	simm.s32 $0x2;
	[sflag:s9] =	ssyncadd.s32 $0xFFFFF000  }
0x301: {  	[tilespmem:s11], [sflag:$0x1] =	stream.indirect.gather [spmem:s5], $0x10, s14, s7, $0xb8;
	[tilespmem:$0x1AF80] =	vst v63  }
0x302: {  	_ =	swait.ge [sflag:s13], $0x1000  }
0x303: {  	[sflag:s13] =	ssyncset.done $0x0  }
0x304: {  	s31 =	simm.s32 $0xA000;
	[sflag:s13] =	ssyncadd.s32 $0xFFFFF000  }
0x305: {  	[spmem:s3] =	stream.indirect.scatter.add.f32 [tilespmem:s10], [sflag:$0x4], $0x10, s31, s7, $0xb8;
	[tilespmem:$0x1AF80] =	vst v63  }
0x306: {  	_ =	swait.ge [sflag:s9], $0x1000  }
0x307: {  	s15 =	simm.s32 $0x1000;
	s14 =	simm.s32 $0x200;
	[sflag:s9] =	ssyncset.done $0x0  }
.LBB2_29:
0x308: {  	s16 =	sadd.s32 $0x5000, s14  }
0x309: {  	[sflag:s9] =	ssyncadd.s32 $0xFFFFF000;
	s17 =	smov.u32 s15;
	s18 =	sadd.s32 $0x800, s15  }
0x30a: {  	[tilespmem:s10], [sflag:$0x2] =	stream.indirect.gather [spmem:s5], $0x10, s16, s7, $0xb8;
	[tilespmem:$0x1AF80] =	vst v63  }
0x30b: {  	p0 =	sne.s32 s15, $0x13000;
	_ =	swait.ge [sflag:s12], $0x1000  }
0x30c: {  	[sflag:s12] =	ssyncset.done $0x0  }
0x30d: {  	s15 =	sadd.s32 $0x9F00, s14;
	[sflag:s12] =	ssyncadd.s32 $0xFFFFF000  }
0x30e: {  	[spmem:s3] =	stream.indirect.scatter.add.f32 [tilespmem:s11], [sflag:$0x4], $0x10, s15, s7, $0xb8;
	[tilespmem:$0x1AF80] =	vst v63  }
0x30f: {  	_ =	swait.ge [sflag:s9], $0x1000  }
0x310: {  	[sflag:s9] =	ssyncset.done $0x0  }
0x311: {  	s15 =	sadd.s32 $0x5100, s14;
	[sflag:s9] =	ssyncadd.s32 $0xFFFFF000  }
0x312: {  	[tilespmem:s11], [sflag:$0x1] =	stream.indirect.gather [spmem:s5], $0x10, s15, s7, $0xb8;
	[tilespmem:$0x1AF80] =	vst v63  }
0x313: {  	_ =	swait.ge [sflag:s13], $0x1000  }
.Ltmp14:
0x314: {  	[sflag:s13] =	ssyncset.done $0x0;
	(pc) =	sbr.rel @p0 .LBB2_29-.Ltmp14, $4  }
0x315: {  	s14 =	sadd.s32 $0xA000, s14;
	[sflag:s13] =	ssyncadd.s32 $0xFFFFF000  }
0x316: {  	[spmem:s3] =	stream.indirect.scatter.add.f32 [tilespmem:s10], [sflag:$0x4], $0x10, s14, s7, $0xb8;
	[tilespmem:$0x1AF80] =	vst v63  }
0x317: {  	_ =	swait.ge [sflag:s9], $0x1000  }
0x318: {  	s15 =	smov.u32 s18;
	s14 =	sshra.s32 s17, $0x2;
	[sflag:s9] =	ssyncset.done $0x0  }
0x319: {  	s15 =	sadd.s32 $0x5000, s14;
	[sflag:s9] =	ssyncadd.s32 $0xFFFFF000  }
0x31a: {  	[tilespmem:s10], [sflag:$0x2] =	stream.indirect.gather [spmem:s5], $0x10, s15, s7, $0xb8;
	[tilespmem:$0x1AF80] =	vst v63  }
0x31b: {  	_ =	swait.ge [sflag:s12], $0x1000  }
0x31c: {  	[sflag:s12] =	ssyncset.done $0x0  }
0x31d: {  	s17 =	sadd.s32 $0x9F00, s14;
	[sflag:s12] =	ssyncadd.s32 $0xFFFFF000  }
0x31e: {  	[spmem:s3] =	stream.indirect.scatter.add.f32 [tilespmem:s11], [sflag:$0x4], $0x10, s17, s7, $0xb8;
	[tilespmem:$0x1AF80] =	vst v63  }
0x31f: {  	_ =	swait.ge [sflag:s9], $0x1000  }
0x320: {  	[sflag:s9] =	ssyncset.done $0x0  }
0x321: {  	s18 =	sadd.s32 $0x5100, s14;
	[sflag:s9] =	ssyncadd.s32 $0xFFFFF000  }
0x322: {  	[tilespmem:s11], [sflag:$0x1] =	stream.indirect.gather [spmem:s5], $0x10, s18, s7, $0xb8;
	[tilespmem:$0x1AF80] =	vst v63  }
0x323: {  	_ =	swait.ge [sflag:s13], $0x1000  }
0x324: {  	[sflag:s13] =	ssyncset.done $0x0  }
0x325: {  	s19 =	sadd.s32 $0xA000, s14;
	[sflag:s13] =	ssyncadd.s32 $0xFFFFF000  }
0x326: {  	[spmem:s3] =	stream.indirect.scatter.add.f32 [tilespmem:s10], [sflag:$0x4], $0x10, s19, s7, $0xb8;
	[tilespmem:$0x1AF80] =	vst v63  }
0x327: {  	_ =	swait.ge [sflag:s9], $0x1000  }
0x328: {  	s20 =	simm.s32 $0x100;
	s21 =	simm.s32 $0x9E00;
	[sflag:s9] =	ssyncset.done $0x0  }
0x329: {  	s22 =	simm.s32 $0xFF00;
	s23 =	simm.s32 $0x1;
	[sflag:s9] =	ssyncadd.s32 $0xFFFFF000  }
0x32a: {  	[tilespmem:s22], [sflag:$0x2] =	stream.indirect.gather [spmem:s5], $0x10, s21, s20, $0xb8;
	[tilespmem:$0x1AF80] =	vst v63  }
0x32b: {  	_ =	swait.ge [sflag:s23], $0x1000  }
0x32c: {  	s24 =	simm.s32 $0xED00;
	[sflag:s23] =	ssyncset.done $0x0  }
0x32d: {  	s25 =	simm.s32 $0xEF00;
	s26 =	simm.s32 $0x4;
	[sflag:s23] =	ssyncadd.s32 $0xFFFFF000  }
0x32e: {  	[spmem:s3] =	stream.indirect.scatter.add.f32 [tilespmem:s25], [sflag:$0x4], $0x10, s24, s20, $0xb8;
	[tilespmem:$0x1AF80] =	vst v63  }
0x32f: {  	_ =	swait.ge [sflag:s26], $0x1000  }
0x330: {  	[sflag:s26] =	ssyncset.done $0x0  }
0x331: {  	s28 =	simm.s32 $0x2;
	[sflag:s26] =	ssyncadd.s32 $0xFFFFF000  }
0x332: {  	_ =	swait.ge [sflag:s28], $0x1000  }
0x333: {  	[sflag:s28] =	ssyncset.done $0x0  }
0x334: {  	s29 =	simm.s32 $0xEE00;
	[sflag:s28] =	ssyncadd.s32 $0xFFFFF000  }
0x335: {  	[spmem:s3] =	stream.indirect.scatter.add.f32 [tilespmem:s22], [sflag:$0x4], $0x10, s29, s20, $0xb8;
	[tilespmem:$0x1AF80] =	vst v63  }
0x336: {  	_ =	swait.ge [sflag:s26], $0x1000  }
0x337: {  	[sflag:s26] =	ssyncset.done $0x0  }
0x338: {  	[sflag:s26] =	ssyncadd.s32 $0xFFFFF000  }
0x339: {  	s30 =	simm.s32 $0x10F00;
	[bflag:$0x0] =	sbarrier.arrive $0xFFFF  }
0x33a: {  	[tilespmem:s30], [sflag:$0x4] =	stream.linear.gather [spmem:s6], $0x2780, $0x38;
	[tilespmem:$0x1AF80] =	vst v63  }
0x33b: {  	_ =	swait.ge [sflag:s26], $0x2780  }
0x33c: {  	[sflag:s26] =	ssyncset.done $0x0  }
0x33d: {  	s31 =	simm.s32 $0x3;
	[sflag:s26] =	ssyncadd.s32 $0xFFFFD880  }
0x33e: {  	_ =	swait.ge [sflag:s31], $0x2780  }
0x33f: {  	[sflag:s31] =	ssyncset.done $0x0  }
0x340: {  	s7 =	simm.s32 $0x0;
	[sflag:s31] =	ssyncadd.s32 $0xFFFFD880  }
0x341: {  	v5 =	vld [tilespmem:s7+$0x15E00]  }
0x342: {  	v4 =	vld [tilespmem:s7+$0x15E10]  }
0x343: {  	v3 =	vld [tilespmem:s7+$0x10F00]  }
0x344: {  	v2 =	vld [tilespmem:s7+$0x10F10]  }
0x345: {  	v1 =	vld [tilespmem:s7+$0x10F20]  }
0x346: {  	v0 =	vld [tilespmem:s7+$0x10F30]  }
0x347: {  	v7 =	vld [tilespmem:s7+$0x13680]  }
0x348: {  	v8 =	vld [tilespmem:s7+$0x13690]  }
0x349: {  	s9 =	simm.s32 $0x100;
	v6 =	vld [tilespmem:s7+$0x136A0]  }
.LBB2_31:
0x34a: {  	p0 =	sne.s32 s9, $0x9D00;
	v9 =	vld [tilespmem:s7+$0x136B0]  }
0x34b: {  	v10 =	vld [tilespmem:s7+$0x15E20]  }
0x34c: {  	s10 =	sshra.s32 s9, $0x2;
	v3 =	vadd.f32 v7, v3;
	v7 =	vld [tilespmem:s7+$0x15E30]  }
0x34d: {  	v11 =	vld [tilespmem:s10+$0x15E00];
	v2 =	vadd.f32 v8, v2  }
0x34e: {  	v8 =	vld [tilespmem:s10+$0x15E10];
	v5 =	vmul.f32 v3, v5;
	v1 =	vadd.f32 v6, v1  }
0x34f: {  	v3 =	vld [tilespmem:s10+$0x10F00];
	v4 =	vmul.f32 v2, v4;
	v0 =	vadd.f32 v9, v0  }
0x350: {  	v2 =	vld [tilespmem:s10+$0x10F10];
	[tilespmem:s7+$0x13680] =	vst v5;
	v6 =	vmul.f32 v1, v10  }
.Ltmp15:
0x351: {  	v1 =	vld [tilespmem:s10+$0x10F20];
	[tilespmem:s7+$0x13690] =	vst v4;
	v9 =	vmul.f32 v0, v7;
	(pc) =	sbr.rel @p0 .LBB2_31-.Ltmp15, $4  }
0x352: {  	v0 =	vld [tilespmem:s10+$0x10F30];
	[tilespmem:s7+$0x136A0] =	vst v6;
	v5 =	vmov v11  }
0x353: {  	v7 =	vld [tilespmem:s10+$0x13680];
	[tilespmem:s7+$0x136B0] =	vst v9;
	v4 =	vmov v8;
	s7 =	smov.u32 s10  }
0x354: {  	v8 =	vld [tilespmem:s7+$0x13690]  }
0x355: {  	s9 =	sadd.s32 $0x100, s9;
	v6 =	vld [tilespmem:s7+$0x136A0]  }
0x356: {  	v9 =	vld [tilespmem:s7+$0x136B0]  }
0x357: {  	v10 =	vld [tilespmem:s7+$0x15E20]  }
0x358: {  	v63 =	vld [tilespmem:s7+$0x15E30];
	v3 =	vadd.f32 v7, v3  }
0x359: {  	v2 =	vadd.f32 v8, v2  }
0x35a: {  	v3 =	vmul.f32 v3, v5;
	v1 =	vadd.f32 v6, v1  }
0x35b: {  	v2 =	vmul.f32 v2, v4;
	v0 =	vadd.f32 v9, v0  }
0x35c: {  	[tilespmem:s7+$0x13680] =	vst v3;
	v1 =	vmul.f32 v1, v10  }
0x35d: {  	[tilespmem:s7+$0x13690] =	vst v2;
	v0 =	vmul.f32 v0, v63  }
0x35e: {  	[tilespmem:s7+$0x136A0] =	vst v1  }
0x35f: {  	s29 =	simm.s32 $0x13680;
	[tilespmem:s7+$0x136B0] =	vst v0;
	s7 =	simm.s32 $0x4  }
0x360: {  	[spmem:s8] =	stream.linear.scatter [tilespmem:s29], [sflag:$0x4], $0x2780, $0x38;
	[tilespmem:$0x1AF80] =	vst v63  }
0x361: {  	_ =	swait.ge [sflag:s7], $0x2780  }
0x362: {  	[sflag:s7] =	ssyncset.done $0x0  }
0x363: {  	s9 =	simm.s32 $0x18580;
	[sflag:s7] =	ssyncadd.s32 $0xFFFFD880  }
0x364: {  	[spmem:s6] =	stream.linear.scatter [tilespmem:s9], [sflag:$0x4], $0x2780, $0x38;
	[tilespmem:$0x1AF80] =	vst v63  }
0x365: {  	_ =	swait.ge [sflag:s7], $0x2780  }
0x366: {  	[sflag:s7] =	ssyncset.done $0x0  }
0x367: {  	s10 =	simm.s32 $0x4F00;
	[sflag:s7] =	ssyncadd.s32 $0xFFFFD880  }
0x368: {  	s11 =	simm.s32 $0xEF00;
	s9 =	simm.s32 $0x100;
	[bflag:$0x0] =	sbarrier.arrive $0xFFFF  }
0x369: {  	[tilespmem:s11], [sflag:$0x1] =	stream.indirect.gather [spmem:s5], $0x10, s10, s9, $0xb8;
	[tilespmem:$0x1AF80] =	vst v63  }
0x36a: {  	s12 =	simm.s32 $0x1;
	s13 =	simm.s32 $0x5000;
	s10 =	simm.s32 $0xFF00  }
0x36b: {  	[tilespmem:s10], [sflag:$0x2] =	stream.indirect.gather [spmem:s5], $0x10, s13, s9, $0xb8;
	[tilespmem:$0x1AF80] =	vst v63  }
0x36c: {  	_ =	swait.ge [sflag:s12], $0x1000  }
0x36d: {  	[sflag:s12] =	ssyncset.done $0x0  }
0x36e: {  	s30 =	simm.s32 $0x9F00;
	[sflag:s12] =	ssyncadd.s32 $0xFFFFF000  }
0x36f: {  	[spmem:s3] =	stream.indirect.scatter.add.f32 [tilespmem:s11], [sflag:$0x4], $0x10, s30, s9, $0xb8;
	[tilespmem:$0x1AF80] =	vst v63  }
0x370: {  	_ =	swait.ge [sflag:s7], $0x1000  }
0x371: {  	[sflag:s7] =	ssyncset.done $0x0  }
0x372: {  	s14 =	simm.s32 $0x5100;
	s13 =	simm.s32 $0x2;
	[sflag:s7] =	ssyncadd.s32 $0xFFFFF000  }
0x373: {  	[tilespmem:s11], [sflag:$0x1] =	stream.indirect.gather [spmem:s5], $0x10, s14, s9, $0xb8;
	[tilespmem:$0x1AF80] =	vst v63  }
0x374: {  	_ =	swait.ge [sflag:s13], $0x1000  }
0x375: {  	[sflag:s13] =	ssyncset.done $0x0  }
0x376: {  	s31 =	simm.s32 $0xA000;
	[sflag:s13] =	ssyncadd.s32 $0xFFFFF000  }
0x377: {  	[spmem:s3] =	stream.indirect.scatter.add.f32 [tilespmem:s10], [sflag:$0x4], $0x10, s31, s9, $0xb8;
	[tilespmem:$0x1AF80] =	vst v63  }
0x378: {  	_ =	swait.ge [sflag:s7], $0x1000  }
0x379: {  	s15 =	simm.s32 $0x1000;
	s14 =	simm.s32 $0x200;
	[sflag:s7] =	ssyncset.done $0x0  }
.LBB2_33:
0x37a: {  	s16 =	sadd.s32 $0x5000, s14  }
0x37b: {  	[sflag:s7] =	ssyncadd.s32 $0xFFFFF000;
	s17 =	smov.u32 s15;
	s18 =	sadd.s32 $0x800, s15  }
0x37c: {  	[tilespmem:s10], [sflag:$0x2] =	stream.indirect.gather [spmem:s5], $0x10, s16, s9, $0xb8;
	[tilespmem:$0x1AF80] =	vst v63  }
0x37d: {  	p0 =	sne.s32 s15, $0x13000;
	_ =	swait.ge [sflag:s12], $0x1000  }
0x37e: {  	[sflag:s12] =	ssyncset.done $0x0  }
0x37f: {  	s15 =	sadd.s32 $0x9F00, s14;
	[sflag:s12] =	ssyncadd.s32 $0xFFFFF000  }
0x380: {  	[spmem:s3] =	stream.indirect.scatter.add.f32 [tilespmem:s11], [sflag:$0x4], $0x10, s15, s9, $0xb8;
	[tilespmem:$0x1AF80] =	vst v63  }
0x381: {  	_ =	swait.ge [sflag:s7], $0x1000  }
0x382: {  	[sflag:s7] =	ssyncset.done $0x0  }
0x383: {  	s15 =	sadd.s32 $0x5100, s14;
	[sflag:s7] =	ssyncadd.s32 $0xFFFFF000  }
0x384: {  	[tilespmem:s11], [sflag:$0x1] =	stream.indirect.gather [spmem:s5], $0x10, s15, s9, $0xb8;
	[tilespmem:$0x1AF80] =	vst v63  }
0x385: {  	_ =	swait.ge [sflag:s13], $0x1000  }
.Ltmp16:
0x386: {  	[sflag:s13] =	ssyncset.done $0x0;
	(pc) =	sbr.rel @p0 .LBB2_33-.Ltmp16, $4  }
0x387: {  	s14 =	sadd.s32 $0xA000, s14;
	[sflag:s13] =	ssyncadd.s32 $0xFFFFF000  }
0x388: {  	[spmem:s3] =	stream.indirect.scatter.add.f32 [tilespmem:s10], [sflag:$0x4], $0x10, s14, s9, $0xb8;
	[tilespmem:$0x1AF80] =	vst v63  }
0x389: {  	_ =	swait.ge [sflag:s7], $0x1000  }
0x38a: {  	s15 =	smov.u32 s18;
	s14 =	sshra.s32 s17, $0x2;
	[sflag:s7] =	ssyncset.done $0x0  }
0x38b: {  	s15 =	sadd.s32 $0x5000, s14;
	[sflag:s7] =	ssyncadd.s32 $0xFFFFF000  }
0x38c: {  	[tilespmem:s10], [sflag:$0x2] =	stream.indirect.gather [spmem:s5], $0x10, s15, s9, $0xb8;
	[tilespmem:$0x1AF80] =	vst v63  }
0x38d: {  	_ =	swait.ge [sflag:s12], $0x1000  }
0x38e: {  	[sflag:s12] =	ssyncset.done $0x0  }
0x38f: {  	s18 =	sadd.s32 $0x9F00, s14;
	[sflag:s12] =	ssyncadd.s32 $0xFFFFF000  }
0x390: {  	[spmem:s3] =	stream.indirect.scatter.add.f32 [tilespmem:s11], [sflag:$0x4], $0x10, s18, s9, $0xb8;
	[tilespmem:$0x1AF80] =	vst v63  }
0x391: {  	_ =	swait.ge [sflag:s7], $0x1000  }
0x392: {  	[sflag:s7] =	ssyncset.done $0x0  }
0x393: {  	s19 =	sadd.s32 $0x5100, s14;
	[sflag:s7] =	ssyncadd.s32 $0xFFFFF000  }
0x394: {  	[tilespmem:s11], [sflag:$0x1] =	stream.indirect.gather [spmem:s5], $0x10, s19, s9, $0xb8;
	[tilespmem:$0x1AF80] =	vst v63  }
0x395: {  	_ =	swait.ge [sflag:s13], $0x1000  }
0x396: {  	[sflag:s13] =	ssyncset.done $0x0  }
0x397: {  	s20 =	sadd.s32 $0xA000, s14;
	[sflag:s13] =	ssyncadd.s32 $0xFFFFF000  }
0x398: {  	[spmem:s3] =	stream.indirect.scatter.add.f32 [tilespmem:s10], [sflag:$0x4], $0x10, s20, s9, $0xb8;
	[tilespmem:$0x1AF80] =	vst v63  }
0x399: {  	_ =	swait.ge [sflag:s7], $0x1000  }
0x39a: {  	s21 =	simm.s32 $0x100;
	s22 =	simm.s32 $0x9E00;
	[sflag:s7] =	ssyncset.done $0x0  }
0x39b: {  	s23 =	simm.s32 $0xFF00;
	s24 =	simm.s32 $0x1;
	[sflag:s7] =	ssyncadd.s32 $0xFFFFF000  }
0x39c: {  	[tilespmem:s23], [sflag:$0x2] =	stream.indirect.gather [spmem:s5], $0x10, s22, s21, $0xb8;
	[tilespmem:$0x1AF80] =	vst v63  }
0x39d: {  	_ =	swait.ge [sflag:s24], $0x1000  }
0x39e: {  	s25 =	simm.s32 $0xED00;
	[sflag:s24] =	ssyncset.done $0x0  }
0x39f: {  	s26 =	simm.s32 $0xEF00;
	s28 =	simm.s32 $0x4;
	[sflag:s24] =	ssyncadd.s32 $0xFFFFF000  }
0x3a0: {  	[spmem:s3] =	stream.indirect.scatter.add.f32 [tilespmem:s26], [sflag:$0x4], $0x10, s25, s21, $0xb8;
	[tilespmem:$0x1AF80] =	vst v63  }
0x3a1: {  	_ =	swait.ge [sflag:s28], $0x1000  }
0x3a2: {  	[sflag:s28] =	ssyncset.done $0x0  }
0x3a3: {  	s29 =	simm.s32 $0x2;
	[sflag:s28] =	ssyncadd.s32 $0xFFFFF000  }
0x3a4: {  	_ =	swait.ge [sflag:s29], $0x1000  }
0x3a5: {  	[sflag:s29] =	ssyncset.done $0x0  }
0x3a6: {  	s30 =	simm.s32 $0xEE00;
	[sflag:s29] =	ssyncadd.s32 $0xFFFFF000  }
0x3a7: {  	[spmem:s3] =	stream.indirect.scatter.add.f32 [tilespmem:s23], [sflag:$0x4], $0x10, s30, s21, $0xb8;
	[tilespmem:$0x1AF80] =	vst v63  }
0x3a8: {  	_ =	swait.ge [sflag:s28], $0x1000  }
0x3a9: {  	[sflag:s28] =	ssyncset.done $0x0  }
0x3aa: {  	[sflag:s28] =	ssyncadd.s32 $0xFFFFF000  }
0x3ab: {  	s31 =	simm.s32 $0x10F00;
	[bflag:$0x0] =	sbarrier.arrive $0xFFFF  }
0x3ac: {  	[tilespmem:s31], [sflag:$0x4] =	stream.linear.gather [spmem:s6], $0x2780, $0x38;
	[tilespmem:$0x1AF80] =	vst v63  }
0x3ad: {  	_ =	swait.ge [sflag:s28], $0x2780  }
0x3ae: {  	[sflag:s28] =	ssyncset.done $0x0  }
0x3af: {  	s3 =	simm.s32 $0x0;
	[sflag:s28] =	ssyncadd.s32 $0xFFFFD880  }
0x3b0: {  	v5 =	vld [tilespmem:s3+$0x15E00]  }
0x3b1: {  	v4 =	vld [tilespmem:s3+$0x15E10]  }
0x3b2: {  	v3 =	vld [tilespmem:s3+$0x10F00]  }
0x3b3: {  	v2 =	vld [tilespmem:s3+$0x10F10]  }
0x3b4: {  	v1 =	vld [tilespmem:s3+$0x10F20]  }
0x3b5: {  	v0 =	vld [tilespmem:s3+$0x10F30]  }
0x3b6: {  	v7 =	vld [tilespmem:s3+$0x13680]  }
0x3b7: {  	v8 =	vld [tilespmem:s3+$0x13690]  }
0x3b8: {  	s5 =	simm.s32 $0x100;
	v6 =	vld [tilespmem:s3+$0x136A0]  }
.LBB2_35:
0x3b9: {  	p0 =	sne.s32 s5, $0x9D00;
	v9 =	vld [tilespmem:s3+$0x136B0]  }
0x3ba: {  	v10 =	vld [tilespmem:s3+$0x15E20]  }
0x3bb: {  	s6 =	sshra.s32 s5, $0x2;
	v3 =	vadd.f32 v7, v3;
	v7 =	vld [tilespmem:s3+$0x15E30]  }
0x3bc: {  	v11 =	vld [tilespmem:s6+$0x15E00];
	v2 =	vadd.f32 v8, v2  }
0x3bd: {  	v8 =	vld [tilespmem:s6+$0x15E10];
	v5 =	vmul.f32 v3, v5;
	v1 =	vadd.f32 v6, v1  }
0x3be: {  	v3 =	vld [tilespmem:s6+$0x10F00];
	v4 =	vmul.f32 v2, v4;
	v0 =	vadd.f32 v9, v0  }
0x3bf: {  	v2 =	vld [tilespmem:s6+$0x10F10];
	[tilespmem:s3+$0x13680] =	vst v5;
	v6 =	vmul.f32 v1, v10  }
.Ltmp17:
0x3c0: {  	v1 =	vld [tilespmem:s6+$0x10F20];
	[tilespmem:s3+$0x13690] =	vst v4;
	v9 =	vmul.f32 v0, v7;
	(pc) =	sbr.rel @p0 .LBB2_35-.Ltmp17, $4  }
0x3c1: {  	v0 =	vld [tilespmem:s6+$0x10F30];
	[tilespmem:s3+$0x136A0] =	vst v6;
	v5 =	vmov v11  }
0x3c2: {  	v7 =	vld [tilespmem:s6+$0x13680];
	[tilespmem:s3+$0x136B0] =	vst v9;
	v4 =	vmov v8;
	s3 =	smov.u32 s6  }
0x3c3: {  	v8 =	vld [tilespmem:s3+$0x13690]  }
0x3c4: {  	s5 =	sadd.s32 $0x100, s5;
	v6 =	vld [tilespmem:s3+$0x136A0]  }
0x3c5: {  	v9 =	vld [tilespmem:s3+$0x136B0]  }
0x3c6: {  	v10 =	vld [tilespmem:s3+$0x15E20]  }
0x3c7: {  	v63 =	vld [tilespmem:s3+$0x15E30];
	v3 =	vadd.f32 v7, v3  }
0x3c8: {  	v2 =	vadd.f32 v8, v2  }
0x3c9: {  	v3 =	vmul.f32 v3, v5;
	v1 =	vadd.f32 v6, v1  }
0x3ca: {  	v2 =	vmul.f32 v2, v4;
	v0 =	vadd.f32 v9, v0  }
0x3cb: {  	[tilespmem:s3+$0x13680] =	vst v3;
	v1 =	vmul.f32 v1, v10  }
0x3cc: {  	[tilespmem:s3+$0x13690] =	vst v2;
	v0 =	vmul.f32 v0, v63  }
0x3cd: {  	[tilespmem:s3+$0x136A0] =	vst v1  }
0x3ce: {  	s30 =	simm.s32 $0x13680;
	s5 =	simm.s32 $0x4;
	[tilespmem:s3+$0x136B0] =	vst v0  }
0x3cf: {  	[spmem:s8] =	stream.linear.scatter [tilespmem:s30], [sflag:$0x4], $0x2780, $0x38;
	[tilespmem:$0x1AF80] =	vst v63  }
0x3d0: {  	_ =	swait.ge [sflag:s5], $0x2780  }
0x3d1: {  	[sflag:s5] =	ssyncset.done $0x0  }
0x3d2: {  	s2 =	sadd.s32 s2, s4;
	s31 =	simm.s32 $0x0;
	[sflag:s5] =	ssyncadd.s32 $0xFFFFD880  }
0x3d3: {  	[hbm4b:s2+s31] =	stream.linear.scatter [tilespmem:s30], [sflag:$0x4], $0x2780, $0x38;
	[tilespmem:$0x1AF80] =	vst v63  }
0x3d4: {  	_ =	swait.ge [sflag:s5], $0x2780  }
0x3d5: {  	[sflag:s5] =	ssyncset.done $0x0  }
0x3d6: {  	[sflag:s5] =	ssyncadd.s32 $0xFFFFD880  }
0x3d7: {  	[bflag:$0x0] =	sbarrier.arrive $0xFFFF  }
0x3d8: {  	_ =	sfence.sel $0x180000  }
0x3d9: {  	[bflag:$0x0] =	sbarrier.arrive $0xFFFF  }
0x3da: {  	p0 =	sne.s32 s0, $0x0;
	_ =	strace $0x90000047  }
0x3db: {  	s0 =	sadd.s32 @!p0 $0x100000, s1;
	[bflag:$0x2] =	sbarrier.arrive $0xFFFF  }
0x3dc: {  	[sflag:s0] =	ssyncadd.tile.s32 @!p0 $0x1;
	_ =	shalt  }
.Lfunc_end2:
_tile_overlayer_lowered:
.L_overlay_start_2:
0x3dd: {  	(tag) =	ssettag $0x2  }
0x3de: {  	s0 =	rddreg [dreg:$0x0];
	s2 =	stileid.u32  }
0x3df: {  	s1 =	rddreg [dreg:$0x1];
	p0 =	sne.s32 s2, $0x0  }
0x3e0: {  	s3 =	rddreg [dreg:$0x2];
	[bflag:$0x3] =	sbarrier.arrive $0xFFFF;
	s2 =	simm.s32 @!p0 $0x1C04  }
0x3e1: {  	[timem:s3], [sflag:s2] =	dma.local @!p0 [hbm:s0], s1  }
0x3e2: {  	s0 =	simm.s32 @!p0 $0x4  }
0x3e3: {  	_ =	swait.ge @!p0 [sflag:s0], s1  }
0x3e4: {  	s1 =	ssub.s32 @!p0 $0x0, s1;
	[sflag:s0] =	ssyncset.done @!p0 $0x0  }
0x3e5: {  	[sflag:s0] =	ssyncadd.s32 @!p0 s1  }
0x3e6: {  	[bflag:$0x3] =	sbarrier.arrive $0xFFFF  }
0x3e7: {  	_ =	shalt  }

</sc_bundles>
